<compile_context>
chip_gen: v7x
topology: tpu7x:2x2x1
jax: 0.10.2.dev20260603
libtpu: 0.0.44.dev20260713+nightly
codegen_flags: <defaults>
</compile_context>

<pallas_src>
import jax
import jax.numpy as jnp
from jax import lax
from jax.experimental import pallas as pl
from jax.experimental.pallas import tpu as pltpu
from jax.experimental.pallas import tpu_sc as plsc

B, C, H, W = 4, 64, 128, 128
HW = H * W
SPHERE = 32768
V = 16
P = 8192

NW = 32
PTS_PER_W = (B * P) // NW
CHUNKS_PER_B = P // PTS_PER_W
BLK_PTS = 4
NBLK = PTS_PER_W // BLK_PTS
RB = BLK_PTS * V
RING = 4


def _sc_body(xT, inds, vm, out, pinds, vmraw, idx2, rows, outb,
             gsem, xs0, xs1, xs2, xs3):
    xsems = (xs0, xs1, xs2, xs3)
    nc = 2
    wid = lax.axis_index("s") * nc + lax.axis_index("c")
    b = wid // CHUNKS_PER_B
    chunk = wid % CHUNKS_PER_B
    base = chunk * PTS_PER_W

    pltpu.sync_copy(inds.at[b, pl.ds(base, PTS_PER_W)], pinds)

    lane = lax.iota(jnp.int32, 16)
    ev = lane * 2
    od = ev + 1
    boff = b * HW
    ch_rows = [lane + c4 * 16 for c4 in range(4)]

    descs = [
        pltpu.async_copy(
            vm.at[pinds.at[pl.ds(j * 128, 128)]],
            vmraw.at[pl.ds(j * 128, 128)], gsem)
        for j in range(PTS_PER_W // 128)
    ]
    for d_ in descs:
        d_.wait()

    def build_and_fire(blk, d):
        @pl.loop(0, BLK_PTS)
        def _bq(q):
            p = blk * BLK_PTS + q
            prow = jnp.full((16,), p, jnp.int32)
            fidx = plsc.load_gather(vmraw, [prow, ev])
            idx2[d, pl.ds(q * V, V)] = fidx.astype(jnp.int32) + boff

        pltpu.async_copy(xT.at[idx2.at[d]], rows.at[d], xsems[d])

    for d in range(RING):
        build_and_fire(d, d)

    @pl.loop(0, NBLK, step=RING)
    def _main(g):
        for d in range(RING):
            blk = g + d
            pltpu.make_async_copy(
                xT.at[idx2.at[d]], rows.at[d], xsems[d]).wait()

            @pl.loop(0, BLK_PTS)
            def _pt(q):
                p = blk * BLK_PTS + q
                prow = jnp.full((16,), p, jnp.int32)
                wrow = plsc.load_gather(vmraw, [prow, od])
                accA = [jnp.zeros((16,), jnp.float32) for _ in range(4)]
                accB = [jnp.zeros((16,), jnp.float32) for _ in range(4)]
                for v in range(V):
                    w = wrow[v]
                    r = q * V + v
                    acc = accA if v % 2 == 0 else accB
                    for c4 in range(4):
                        acc[c4] = acc[c4] + w * rows[d, r, pl.ds(c4 * 16, 16)]
                pcol = jnp.full((16,), p, jnp.int32)
                for c4 in range(4):
                    plsc.store_scatter(outb, [ch_rows[c4], pcol],
                                       accA[c4] + accB[c4])

            nxt = blk + RING

            @pl.when(nxt < NBLK)
            def _():
                build_and_fire(nxt, d)

    pltpu.sync_copy(outb.at[:, pl.ds(0, PTS_PER_W)],
                    out.at[b, :, pl.ds(base, PTS_PER_W)])


def kernel(x, inds, vote_mapping):
    xT = jnp.transpose(x, (0, 2, 3, 1)).reshape(B * HW, C)
    vm = vote_mapping.reshape(SPHERE, 2 * V)
    mesh = plsc.VectorSubcoreMesh(core_axis_name="c", subcore_axis_name="s")
    f = pl.kernel(
        _sc_body,
        out_type=jax.ShapeDtypeStruct((B, C, P), jnp.float32),
        mesh=mesh,
        scratch_types=[
            pltpu.VMEM((PTS_PER_W,), jnp.int32),
            pltpu.VMEM((PTS_PER_W, 2 * V), jnp.float32),
            pltpu.VMEM((RING, RB), jnp.int32),
            pltpu.VMEM((RING, RB, C), jnp.float32),
            pltpu.VMEM((C, PTS_PER_W + 1), jnp.float32),
            pltpu.SemaphoreType.DMA,
            pltpu.SemaphoreType.DMA,
            pltpu.SemaphoreType.DMA,
            pltpu.SemaphoreType.DMA,
            pltpu.SemaphoreType.DMA,
        ],
        compiler_params=pltpu.CompilerParams(
            needs_layout_passes=False, use_tc_tiling_on_sc=False),
    )
    return f(xT, inds, vm)

# --- scband reference (transcript-rebuilt; emitter-appended) ---
"""Pipeline reference for scband-sphere-cuda-41875931136706 (READ-ONLY COPY).

The authoritative reference and input builder live on the scoring server;
editing this copy changes nothing except your own understanding.
"""

import jax, jax.numpy as jnp
import numpy as np

# SPHERE_CUDA: HT2SPHERE weighted gather.
# vote_mapping: [sphere_size, num_votes, 2] where [...,0] = flat index into H*W HT grid,
# [...,1] = interpolation weight. forward selects mapping rows by inds, then
# out[b,c,p] = sum_v x[b,c].flatten()[idx[b,p,v]] * w[b,p,v]

B, C, H, W = 4, 64, 128, 128
SPHERE_SIZE = 32768
NUM_VOTES = 16
NUM_PTS = 8192


def setup_inputs(seed: int = 0) -> dict:
    key = jax.random.key(seed)
    k1, k2, k3, k4 = jax.random.split(key, 4)
    x = jax.random.normal(k1, (B, C, H, W), dtype=jnp.float32)
    inds = jax.random.randint(k2, (B, NUM_PTS), 0, SPHERE_SIZE, dtype=jnp.int32)
    # buffer: vote_mapping with flat HT indices (stored as float, as in the torch buffer) and weights
    idx = jax.random.randint(k3, (SPHERE_SIZE, NUM_VOTES), 0, H * W, dtype=jnp.int32).astype(jnp.float32)
    wts = jax.random.uniform(k4, (SPHERE_SIZE, NUM_VOTES), dtype=jnp.float32)
    vote_mapping = jnp.stack([idx, wts], axis=-1)  # [SPHERE_SIZE, NUM_VOTES, 2]
    return {"x": x, "inds": inds, "vote_mapping": vote_mapping}


def reference(x, inds, vote_mapping):
    Bb, Cc, Hh, Ww = x.shape
    num_pts = inds.shape[1]
    num_votes = vote_mapping.shape[1]
    # mapping = index_select(vote_mapping, 0, inds.flatten()).view(B, num_pts, num_votes, 2)
    mapping = jnp.take(vote_mapping, inds.reshape(-1), axis=0)
    mapping = mapping.reshape(Bb, num_pts, num_votes, 2)
    flat_idx = mapping[..., 0].astype(jnp.int32)   # [B, P, V]
    weights = mapping[..., 1]                       # [B, P, V]
    xf = x.reshape(Bb, Cc, Hh * Ww)                 # [B, C, HW]
    # gather per batch: xf[b, :, flat_idx[b]] -> [B, C, P, V]
    gathered = jax.vmap(lambda xb, ib: jnp.take(xb, ib, axis=1))(
        xf, flat_idx.reshape(Bb, num_pts * num_votes)
    ).reshape(Bb, Cc, num_pts, num_votes)
    out = jnp.sum(gathered * weights[:, None, :, :], axis=-1)  # [B, C, P]
    return out

if __name__ == "__main__":
    import jax
    _d = setup_inputs()
    print(jax.jit(kernel)(*tuple(_d.values())))

</pallas_src>

<mosaic_0001>
#map = affine_map<(d0, d1) -> (0, 0)>
#map1 = affine_map<(d0, d1) -> (0, 0, 0)>
module attributes {stable_mosaic.version = 14 : i64} {
  func.func @_sc_body(%arg0: i32, %arg1: i32, %arg2: memref<65536x64xf32, #tpu.memory_space<hbm>>, %arg3: memref<4x8192xi32, #tpu.memory_space<hbm>>, %arg4: memref<32768x32xf32, #tpu.memory_space<hbm>>, %arg5: memref<4x64x8192xf32, #tpu.memory_space<hbm>>, %arg6: memref<1024xi32, #tpu.memory_space<vmem>>, %arg7: memref<1024x32xf32, #tpu.memory_space<vmem>>, %arg8: memref<4x64xi32, #tpu.memory_space<vmem>>, %arg9: memref<4x64x64xf32, #tpu.memory_space<vmem>>, %arg10: memref<64x1025xf32, #tpu.memory_space<vmem>>, %arg11: memref<!tpu.dma_semaphore, #tpu.memory_space<semaphore_mem>>, %arg12: memref<!tpu.dma_semaphore, #tpu.memory_space<semaphore_mem>>, %arg13: memref<!tpu.dma_semaphore, #tpu.memory_space<semaphore_mem>>, %arg14: memref<!tpu.dma_semaphore, #tpu.memory_space<semaphore_mem>>, %arg15: memref<!tpu.dma_semaphore, #tpu.memory_space<semaphore_mem>>) attributes {dimension_semantics = [#tpu.dimension_semantics<core_parallel>, #tpu.dimension_semantics<subcore_parallel>], iteration_bounds = array<i64: 2, 16>, scalar_prefetch = 0 : i64, scratch_operands = 10 : i64, tpu.core_type = #tpu.core_type<sc_vector_subcore>, window_params = [{transform_indices = #map}, {transform_indices = #map}, {transform_indices = #map}, {transform_indices = #map1}]} {
    %mul3A = arith.constant 2 : i32
    %mul3A_0 = arith.muli %arg1, %mul3A : i32
    %add3A = arith.addi %mul3A_0, %arg0 : i32
    %jit3A = arith.constant 8 : i32
    %div3A = arith.divsi %add3A, %jit3A : i32
    %sign3A = arith.constant 0 : i32
    %sign3A_1 = arith.cmpi sgt, %add3A, %sign3A : i32
    %sign3A_2 = arith.extui %sign3A_1 : i1 to i32
    %sign3A_3 = arith.constant 0 : i32
    %sign3A_4 = arith.cmpi slt, %add3A, %sign3A_3 : i32
    %sign3A_5 = arith.extui %sign3A_4 : i1 to i32
    %sign3A_6 = arith.subi %sign3A_2, %sign3A_5 : i32
    %sign3A_7 = arith.constant 0 : i32
    %sign3A_8 = arith.cmpi sgt, %jit3A, %sign3A_7 : i32
    %sign3A_9 = arith.extui %sign3A_8 : i1 to i32
    %sign3A_10 = arith.constant 0 : i32
    %sign3A_11 = arith.cmpi slt, %jit3A, %sign3A_10 : i32
    %sign3A_12 = arith.extui %sign3A_11 : i1 to i32
    %sign3A_13 = arith.subi %sign3A_9, %sign3A_12 : i32
    %ne3A = arith.cmpi ne, %sign3A_6, %sign3A_13 : i32
    %rem3A = arith.remsi %add3A, %jit3A : i32
    %ne3A_14 = arith.constant 0 : i32
    %ne3A_15 = arith.cmpi ne, %rem3A, %ne3A_14 : i32
    %and3A = arith.andi %ne3A, %ne3A_15 : i1
    %sub3A = arith.constant 1 : i32
    %sub3A_16 = arith.subi %div3A, %sub3A : i32
    %select_n3A = arith.select %and3A, %sub3A_16, %div3A : i32
    %jit3A_17 = arith.constant 8 : i32
    %eq3A = arith.constant 0 : i32
    %eq3A_18 = arith.cmpi eq, %jit3A_17, %eq3A : i32
    %jit3A_19 = arith.constant 1 : i32
    %select_n3A_20 = arith.select %eq3A_18, %jit3A_19, %jit3A_17 : i32
    %rem3A_21 = arith.remsi %add3A, %select_n3A_20 : i32
    %ne3A_22 = arith.constant 0 : i32
    %ne3A_23 = arith.cmpi ne, %rem3A_21, %ne3A_22 : i32
    %lt3A = arith.constant 0 : i32
    %lt3A_24 = arith.cmpi slt, %rem3A_21, %lt3A : i32
    %lt3A_25 = arith.constant 0 : i32
    %lt3A_26 = arith.cmpi slt, %select_n3A_20, %lt3A_25 : i32
    %ne3A_27 = arith.xori %lt3A_24, %lt3A_26 : i1
    %and3A_28 = arith.andi %ne3A_27, %ne3A_23 : i1
    %add3A_29 = arith.addi %rem3A_21, %select_n3A_20 : i32
    %select_n3A_30 = arith.select %and3A_28, %add3A_29, %rem3A_21 : i32
    %mul3A_31 = arith.constant 1024 : i32
    %mul3A_32 = arith.muli %select_n3A_30, %mul3A_31 : i32
    "tpu.region"() ({
      %run_scoped3A = tpu.sem_alloc : memref<!tpu.dma_semaphore, #tpu.memory_space<semaphore_mem>>
      %dma_start3A_251 = tpu.memref_slice %arg3[%select_n3A, %mul3A_32] : memref<4x8192xi32, #tpu.memory_space<hbm>> -> memref<1x1024xi32, #tpu.memory_space<hbm>>
      %dma_start3A_252 = tpu.memref_squeeze %dma_start3A_251 : memref<1x1024xi32, #tpu.memory_space<hbm>> -> memref<1024xi32, #tpu.memory_space<hbm>>
      %dma_start3A_253 = tpu.memref_slice %arg3[%select_n3A, %mul3A_32] : memref<4x8192xi32, #tpu.memory_space<hbm>> -> memref<1x1024xi32, #tpu.memory_space<hbm>>
      %dma_start3A_254 = tpu.memref_squeeze %dma_start3A_253 : memref<1x1024xi32, #tpu.memory_space<hbm>> -> memref<1024xi32, #tpu.memory_space<hbm>>
      tpu.enqueue_dma source(%dma_start3A_254 : memref<1024xi32, #tpu.memory_space<hbm>>) target(%arg6 : memref<1024xi32, #tpu.memory_space<vmem>>) target_semaphore(%run_scoped3A : memref<!tpu.dma_semaphore, #tpu.memory_space<semaphore_mem>>)
      %dma_wait3A_255 = tpu.memref_slice %arg3[%select_n3A, %mul3A_32] : memref<4x8192xi32, #tpu.memory_space<hbm>> -> memref<1x1024xi32, #tpu.memory_space<hbm>>
      %dma_wait3A_256 = tpu.memref_squeeze %dma_wait3A_255 : memref<1x1024xi32, #tpu.memory_space<hbm>> -> memref<1024xi32, #tpu.memory_space<hbm>>
      %dma_wait3A_257 = tpu.memref_slice %arg3[%select_n3A, %mul3A_32] : memref<4x8192xi32, #tpu.memory_space<hbm>> -> memref<1x1024xi32, #tpu.memory_space<hbm>>
      %dma_wait3A_258 = tpu.memref_squeeze %dma_wait3A_257 : memref<1x1024xi32, #tpu.memory_space<hbm>> -> memref<1024xi32, #tpu.memory_space<hbm>>
      tpu.wait_dma2 semaphore(%run_scoped3A : memref<!tpu.dma_semaphore, #tpu.memory_space<semaphore_mem>>) src(%dma_wait3A_258 : memref<1024xi32, #tpu.memory_space<hbm>>) dst(%arg6 : memref<1024xi32, #tpu.memory_space<vmem>>)
      tpu.yield
    }) : () -> ()
    %iota3A = tpu.iota {dimensions = array<i32: 0>} : vector<16xi32>
    %mul3A_33 = arith.constant 2 : i32
    %mul3A_34 = vector.broadcast %mul3A_33 : i32 to vector<16xi32>
    %mul3A_35 = arith.muli %iota3A, %mul3A_34 : vector<16xi32>
    %add3A_36 = arith.constant 1 : i32
    %add3A_37 = vector.broadcast %add3A_36 : i32 to vector<16xi32>
    %add3A_38 = arith.addi %mul3A_35, %add3A_37 : vector<16xi32>
    %mul3A_39 = arith.constant 16384 : i32
    %mul3A_40 = arith.muli %select_n3A, %mul3A_39 : i32
    %add3A_41 = arith.constant 0 : i32
    %add3A_42 = vector.broadcast %add3A_41 : i32 to vector<16xi32>
    %add3A_43 = arith.addi %iota3A, %add3A_42 : vector<16xi32>
    %add3A_44 = arith.constant 16 : i32
    %add3A_45 = vector.broadcast %add3A_44 : i32 to vector<16xi32>
    %add3A_46 = arith.addi %iota3A, %add3A_45 : vector<16xi32>
    %add3A_47 = arith.constant 32 : i32
    %add3A_48 = vector.broadcast %add3A_47 : i32 to vector<16xi32>
    %add3A_49 = arith.addi %iota3A, %add3A_48 : vector<16xi32>
    %add3A_50 = arith.constant 48 : i32
    %add3A_51 = vector.broadcast %add3A_50 : i32 to vector<16xi32>
    %add3A_52 = arith.addi %iota3A, %add3A_51 : vector<16xi32>
    %dma_start3A = arith.constant 0 : i32
    %dma_start3A_53 = arith.constant 0 : i32
    %dma_start3A_54 = tpu.memref_slice %arg7[%dma_start3A, %dma_start3A_53] : memref<1024x32xf32, #tpu.memory_space<vmem>> -> memref<128x32xf32, #tpu.memory_space<vmem>>
    %dma_start3A_55 = arith.constant 0 : i32
    %dma_start3A_56 = tpu.memref_slice %arg6[%dma_start3A_55] : memref<1024xi32, #tpu.memory_space<vmem>> -> memref<128xi32, #tpu.memory_space<vmem>>
    %dma_start3A_57 = arith.constant 0 : i32
    %dma_start3A_58 = arith.constant 0 : i32
    %dma_start3A_59 = tpu.memref_slice %arg4[%dma_start3A_57, %dma_start3A_58] : memref<32768x32xf32, #tpu.memory_space<hbm>> -> memref<32768x32xf32, #tpu.memory_space<hbm>>
    tpu.enqueue_indirect_dma source(%dma_start3A_59 : memref<32768x32xf32, #tpu.memory_space<hbm>>) target(%dma_start3A_54 : memref<128x32xf32, #tpu.memory_space<vmem>>) offsets(%dma_start3A_56 : memref<128xi32, #tpu.memory_space<vmem>>) semaphore(%arg11 : memref<!tpu.dma_semaphore, #tpu.memory_space<semaphore_mem>>)
    %dma_start3A_60 = arith.constant 128 : i32
    %dma_start3A_61 = arith.constant 0 : i32
    %dma_start3A_62 = tpu.memref_slice %arg7[%dma_start3A_60, %dma_start3A_61] : memref<1024x32xf32, #tpu.memory_space<vmem>> -> memref<128x32xf32, #tpu.memory_space<vmem>>
    %dma_start3A_63 = arith.constant 128 : i32
    %dma_start3A_64 = tpu.memref_slice %arg6[%dma_start3A_63] : memref<1024xi32, #tpu.memory_space<vmem>> -> memref<128xi32, #tpu.memory_space<vmem>>
    %dma_start3A_65 = arith.constant 0 : i32
    %dma_start3A_66 = arith.constant 0 : i32
    %dma_start3A_67 = tpu.memref_slice %arg4[%dma_start3A_65, %dma_start3A_66] : memref<32768x32xf32, #tpu.memory_space<hbm>> -> memref<32768x32xf32, #tpu.memory_space<hbm>>
    tpu.enqueue_indirect_dma source(%dma_start3A_67 : memref<32768x32xf32, #tpu.memory_space<hbm>>) target(%dma_start3A_62 : memref<128x32xf32, #tpu.memory_space<vmem>>) offsets(%dma_start3A_64 : memref<128xi32, #tpu.memory_space<vmem>>) semaphore(%arg11 : memref<!tpu.dma_semaphore, #tpu.memory_space<semaphore_mem>>)
    %dma_start3A_68 = arith.constant 256 : i32
    %dma_start3A_69 = arith.constant 0 : i32
    %dma_start3A_70 = tpu.memref_slice %arg7[%dma_start3A_68, %dma_start3A_69] : memref<1024x32xf32, #tpu.memory_space<vmem>> -> memref<128x32xf32, #tpu.memory_space<vmem>>
    %dma_start3A_71 = arith.constant 256 : i32
    %dma_start3A_72 = tpu.memref_slice %arg6[%dma_start3A_71] : memref<1024xi32, #tpu.memory_space<vmem>> -> memref<128xi32, #tpu.memory_space<vmem>>
    %dma_start3A_73 = arith.constant 0 : i32
    %dma_start3A_74 = arith.constant 0 : i32
    %dma_start3A_75 = tpu.memref_slice %arg4[%dma_start3A_73, %dma_start3A_74] : memref<32768x32xf32, #tpu.memory_space<hbm>> -> memref<32768x32xf32, #tpu.memory_space<hbm>>
    tpu.enqueue_indirect_dma source(%dma_start3A_75 : memref<32768x32xf32, #tpu.memory_space<hbm>>) target(%dma_start3A_70 : memref<128x32xf32, #tpu.memory_space<vmem>>) offsets(%dma_start3A_72 : memref<128xi32, #tpu.memory_space<vmem>>) semaphore(%arg11 : memref<!tpu.dma_semaphore, #tpu.memory_space<semaphore_mem>>)
    %dma_start3A_76 = arith.constant 384 : i32
    %dma_start3A_77 = arith.constant 0 : i32
    %dma_start3A_78 = tpu.memref_slice %arg7[%dma_start3A_76, %dma_start3A_77] : memref<1024x32xf32, #tpu.memory_space<vmem>> -> memref<128x32xf32, #tpu.memory_space<vmem>>
    %dma_start3A_79 = arith.constant 384 : i32
    %dma_start3A_80 = tpu.memref_slice %arg6[%dma_start3A_79] : memref<1024xi32, #tpu.memory_space<vmem>> -> memref<128xi32, #tpu.memory_space<vmem>>
    %dma_start3A_81 = arith.constant 0 : i32
    %dma_start3A_82 = arith.constant 0 : i32
    %dma_start3A_83 = tpu.memref_slice %arg4[%dma_start3A_81, %dma_start3A_82] : memref<32768x32xf32, #tpu.memory_space<hbm>> -> memref<32768x32xf32, #tpu.memory_space<hbm>>
    tpu.enqueue_indirect_dma source(%dma_start3A_83 : memref<32768x32xf32, #tpu.memory_space<hbm>>) target(%dma_start3A_78 : memref<128x32xf32, #tpu.memory_space<vmem>>) offsets(%dma_start3A_80 : memref<128xi32, #tpu.memory_space<vmem>>) semaphore(%arg11 : memref<!tpu.dma_semaphore, #tpu.memory_space<semaphore_mem>>)
    %dma_start3A_84 = arith.constant 512 : i32
    %dma_start3A_85 = arith.constant 0 : i32
    %dma_start3A_86 = tpu.memref_slice %arg7[%dma_start3A_84, %dma_start3A_85] : memref<1024x32xf32, #tpu.memory_space<vmem>> -> memref<128x32xf32, #tpu.memory_space<vmem>>
    %dma_start3A_87 = arith.constant 512 : i32
    %dma_start3A_88 = tpu.memref_slice %arg6[%dma_start3A_87] : memref<1024xi32, #tpu.memory_space<vmem>> -> memref<128xi32, #tpu.memory_space<vmem>>
    %dma_start3A_89 = arith.constant 0 : i32
    %dma_start3A_90 = arith.constant 0 : i32
    %dma_start3A_91 = tpu.memref_slice %arg4[%dma_start3A_89, %dma_start3A_90] : memref<32768x32xf32, #tpu.memory_space<hbm>> -> memref<32768x32xf32, #tpu.memory_space<hbm>>
    tpu.enqueue_indirect_dma source(%dma_start3A_91 : memref<32768x32xf32, #tpu.memory_space<hbm>>) target(%dma_start3A_86 : memref<128x32xf32, #tpu.memory_space<vmem>>) offsets(%dma_start3A_88 : memref<128xi32, #tpu.memory_space<vmem>>) semaphore(%arg11 : memref<!tpu.dma_semaphore, #tpu.memory_space<semaphore_mem>>)
    %dma_start3A_92 = arith.constant 640 : i32
    %dma_start3A_93 = arith.constant 0 : i32
    %dma_start3A_94 = tpu.memref_slice %arg7[%dma_start3A_92, %dma_start3A_93] : memref<1024x32xf32, #tpu.memory_space<vmem>> -> memref<128x32xf32, #tpu.memory_space<vmem>>
    %dma_start3A_95 = arith.constant 640 : i32
    %dma_start3A_96 = tpu.memref_slice %arg6[%dma_start3A_95] : memref<1024xi32, #tpu.memory_space<vmem>> -> memref<128xi32, #tpu.memory_space<vmem>>
    %dma_start3A_97 = arith.constant 0 : i32
    %dma_start3A_98 = arith.constant 0 : i32
    %dma_start3A_99 = tpu.memref_slice %arg4[%dma_start3A_97, %dma_start3A_98] : memref<32768x32xf32, #tpu.memory_space<hbm>> -> memref<32768x32xf32, #tpu.memory_space<hbm>>
    tpu.enqueue_indirect_dma source(%dma_start3A_99 : memref<32768x32xf32, #tpu.memory_space<hbm>>) target(%dma_start3A_94 : memref<128x32xf32, #tpu.memory_space<vmem>>) offsets(%dma_start3A_96 : memref<128xi32, #tpu.memory_space<vmem>>) semaphore(%arg11 : memref<!tpu.dma_semaphore, #tpu.memory_space<semaphore_mem>>)
    %dma_start3A_100 = arith.constant 768 : i32
    %dma_start3A_101 = arith.constant 0 : i32
    %dma_start3A_102 = tpu.memref_slice %arg7[%dma_start3A_100, %dma_start3A_101] : memref<1024x32xf32, #tpu.memory_space<vmem>> -> memref<128x32xf32, #tpu.memory_space<vmem>>
    %dma_start3A_103 = arith.constant 768 : i32
    %dma_start3A_104 = tpu.memref_slice %arg6[%dma_start3A_103] : memref<1024xi32, #tpu.memory_space<vmem>> -> memref<128xi32, #tpu.memory_space<vmem>>
    %dma_start3A_105 = arith.constant 0 : i32
    %dma_start3A_106 = arith.constant 0 : i32
    %dma_start3A_107 = tpu.memref_slice %arg4[%dma_start3A_105, %dma_start3A_106] : memref<32768x32xf32, #tpu.memory_space<hbm>> -> memref<32768x32xf32, #tpu.memory_space<hbm>>
    tpu.enqueue_indirect_dma source(%dma_start3A_107 : memref<32768x32xf32, #tpu.memory_space<hbm>>) target(%dma_start3A_102 : memref<128x32xf32, #tpu.memory_space<vmem>>) offsets(%dma_start3A_104 : memref<128xi32, #tpu.memory_space<vmem>>) semaphore(%arg11 : memref<!tpu.dma_semaphore, #tpu.memory_space<semaphore_mem>>)
    %dma_start3A_108 = arith.constant 896 : i32
    %dma_start3A_109 = arith.constant 0 : i32
    %dma_start3A_110 = tpu.memref_slice %arg7[%dma_start3A_108, %dma_start3A_109] : memref<1024x32xf32, #tpu.memory_space<vmem>> -> memref<128x32xf32, #tpu.memory_space<vmem>>
    %dma_start3A_111 = arith.constant 896 : i32
    %dma_start3A_112 = tpu.memref_slice %arg6[%dma_start3A_111] : memref<1024xi32, #tpu.memory_space<vmem>> -> memref<128xi32, #tpu.memory_space<vmem>>
    %dma_start3A_113 = arith.constant 0 : i32
    %dma_start3A_114 = arith.constant 0 : i32
    %dma_start3A_115 = tpu.memref_slice %arg4[%dma_start3A_113, %dma_start3A_114] : memref<32768x32xf32, #tpu.memory_space<hbm>> -> memref<32768x32xf32, #tpu.memory_space<hbm>>
    tpu.enqueue_indirect_dma source(%dma_start3A_115 : memref<32768x32xf32, #tpu.memory_space<hbm>>) target(%dma_start3A_110 : memref<128x32xf32, #tpu.memory_space<vmem>>) offsets(%dma_start3A_112 : memref<128xi32, #tpu.memory_space<vmem>>) semaphore(%arg11 : memref<!tpu.dma_semaphore, #tpu.memory_space<semaphore_mem>>)
    %dma_wait3A = arith.constant 0 : i32
    %dma_wait3A_116 = arith.constant 0 : i32
    %dma_wait3A_117 = tpu.memref_slice %arg7[%dma_wait3A, %dma_wait3A_116] : memref<1024x32xf32, #tpu.memory_space<vmem>> -> memref<128x32xf32, #tpu.memory_space<vmem>>
    %dma_wait3A_118 = arith.constant 0 : i32
    %dma_wait3A_119 = tpu.memref_slice %arg6[%dma_wait3A_118] : memref<1024xi32, #tpu.memory_space<vmem>> -> memref<128xi32, #tpu.memory_space<vmem>>
    %dma_wait3A_120 = arith.constant 0 : i32
    %dma_wait3A_121 = arith.constant 0 : i32
    %dma_wait3A_122 = tpu.memref_slice %arg4[%dma_wait3A_120, %dma_wait3A_121] : memref<32768x32xf32, #tpu.memory_space<hbm>> -> memref<32768x32xf32, #tpu.memory_space<hbm>>
    tpu.wait_indirect_dma semaphore(%arg11 : memref<!tpu.dma_semaphore, #tpu.memory_space<semaphore_mem>>) src(%dma_wait3A_122 : memref<32768x32xf32, #tpu.memory_space<hbm>>) dst(%dma_wait3A_117 : memref<128x32xf32, #tpu.memory_space<vmem>>)
    %dma_wait3A_123 = arith.constant 128 : i32
    %dma_wait3A_124 = arith.constant 0 : i32
    %dma_wait3A_125 = tpu.memref_slice %arg7[%dma_wait3A_123, %dma_wait3A_124] : memref<1024x32xf32, #tpu.memory_space<vmem>> -> memref<128x32xf32, #tpu.memory_space<vmem>>
    %dma_wait3A_126 = arith.constant 128 : i32
    %dma_wait3A_127 = tpu.memref_slice %arg6[%dma_wait3A_126] : memref<1024xi32, #tpu.memory_space<vmem>> -> memref<128xi32, #tpu.memory_space<vmem>>
    %dma_wait3A_128 = arith.constant 0 : i32
    %dma_wait3A_129 = arith.constant 0 : i32
    %dma_wait3A_130 = tpu.memref_slice %arg4[%dma_wait3A_128, %dma_wait3A_129] : memref<32768x32xf32, #tpu.memory_space<hbm>> -> memref<32768x32xf32, #tpu.memory_space<hbm>>
    tpu.wait_indirect_dma semaphore(%arg11 : memref<!tpu.dma_semaphore, #tpu.memory_space<semaphore_mem>>) src(%dma_wait3A_130 : memref<32768x32xf32, #tpu.memory_space<hbm>>) dst(%dma_wait3A_125 : memref<128x32xf32, #tpu.memory_space<vmem>>)
    %dma_wait3A_131 = arith.constant 256 : i32
    %dma_wait3A_132 = arith.constant 0 : i32
    %dma_wait3A_133 = tpu.memref_slice %arg7[%dma_wait3A_131, %dma_wait3A_132] : memref<1024x32xf32, #tpu.memory_space<vmem>> -> memref<128x32xf32, #tpu.memory_space<vmem>>
    %dma_wait3A_134 = arith.constant 256 : i32
    %dma_wait3A_135 = tpu.memref_slice %arg6[%dma_wait3A_134] : memref<1024xi32, #tpu.memory_space<vmem>> -> memref<128xi32, #tpu.memory_space<vmem>>
    %dma_wait3A_136 = arith.constant 0 : i32
    %dma_wait3A_137 = arith.constant 0 : i32
    %dma_wait3A_138 = tpu.memref_slice %arg4[%dma_wait3A_136, %dma_wait3A_137] : memref<32768x32xf32, #tpu.memory_space<hbm>> -> memref<32768x32xf32, #tpu.memory_space<hbm>>
    tpu.wait_indirect_dma semaphore(%arg11 : memref<!tpu.dma_semaphore, #tpu.memory_space<semaphore_mem>>) src(%dma_wait3A_138 : memref<32768x32xf32, #tpu.memory_space<hbm>>) dst(%dma_wait3A_133 : memref<128x32xf32, #tpu.memory_space<vmem>>)
    %dma_wait3A_139 = arith.constant 384 : i32
    %dma_wait3A_140 = arith.constant 0 : i32
    %dma_wait3A_141 = tpu.memref_slice %arg7[%dma_wait3A_139, %dma_wait3A_140] : memref<1024x32xf32, #tpu.memory_space<vmem>> -> memref<128x32xf32, #tpu.memory_space<vmem>>
    %dma_wait3A_142 = arith.constant 384 : i32
    %dma_wait3A_143 = tpu.memref_slice %arg6[%dma_wait3A_142] : memref<1024xi32, #tpu.memory_space<vmem>> -> memref<128xi32, #tpu.memory_space<vmem>>
    %dma_wait3A_144 = arith.constant 0 : i32
    %dma_wait3A_145 = arith.constant 0 : i32
    %dma_wait3A_146 = tpu.memref_slice %arg4[%dma_wait3A_144, %dma_wait3A_145] : memref<32768x32xf32, #tpu.memory_space<hbm>> -> memref<32768x32xf32, #tpu.memory_space<hbm>>
    tpu.wait_indirect_dma semaphore(%arg11 : memref<!tpu.dma_semaphore, #tpu.memory_space<semaphore_mem>>) src(%dma_wait3A_146 : memref<32768x32xf32, #tpu.memory_space<hbm>>) dst(%dma_wait3A_141 : memref<128x32xf32, #tpu.memory_space<vmem>>)
    %dma_wait3A_147 = arith.constant 512 : i32
    %dma_wait3A_148 = arith.constant 0 : i32
    %dma_wait3A_149 = tpu.memref_slice %arg7[%dma_wait3A_147, %dma_wait3A_148] : memref<1024x32xf32, #tpu.memory_space<vmem>> -> memref<128x32xf32, #tpu.memory_space<vmem>>
    %dma_wait3A_150 = arith.constant 512 : i32
    %dma_wait3A_151 = tpu.memref_slice %arg6[%dma_wait3A_150] : memref<1024xi32, #tpu.memory_space<vmem>> -> memref<128xi32, #tpu.memory_space<vmem>>
    %dma_wait3A_152 = arith.constant 0 : i32
    %dma_wait3A_153 = arith.constant 0 : i32
    %dma_wait3A_154 = tpu.memref_slice %arg4[%dma_wait3A_152, %dma_wait3A_153] : memref<32768x32xf32, #tpu.memory_space<hbm>> -> memref<32768x32xf32, #tpu.memory_space<hbm>>
    tpu.wait_indirect_dma semaphore(%arg11 : memref<!tpu.dma_semaphore, #tpu.memory_space<semaphore_mem>>) src(%dma_wait3A_154 : memref<32768x32xf32, #tpu.memory_space<hbm>>) dst(%dma_wait3A_149 : memref<128x32xf32, #tpu.memory_space<vmem>>)
    %dma_wait3A_155 = arith.constant 640 : i32
    %dma_wait3A_156 = arith.constant 0 : i32
    %dma_wait3A_157 = tpu.memref_slice %arg7[%dma_wait3A_155, %dma_wait3A_156] : memref<1024x32xf32, #tpu.memory_space<vmem>> -> memref<128x32xf32, #tpu.memory_space<vmem>>
    %dma_wait3A_158 = arith.constant 640 : i32
    %dma_wait3A_159 = tpu.memref_slice %arg6[%dma_wait3A_158] : memref<1024xi32, #tpu.memory_space<vmem>> -> memref<128xi32, #tpu.memory_space<vmem>>
    %dma_wait3A_160 = arith.constant 0 : i32
    %dma_wait3A_161 = arith.constant 0 : i32
    %dma_wait3A_162 = tpu.memref_slice %arg4[%dma_wait3A_160, %dma_wait3A_161] : memref<32768x32xf32, #tpu.memory_space<hbm>> -> memref<32768x32xf32, #tpu.memory_space<hbm>>
    tpu.wait_indirect_dma semaphore(%arg11 : memref<!tpu.dma_semaphore, #tpu.memory_space<semaphore_mem>>) src(%dma_wait3A_162 : memref<32768x32xf32, #tpu.memory_space<hbm>>) dst(%dma_wait3A_157 : memref<128x32xf32, #tpu.memory_space<vmem>>)
    %dma_wait3A_163 = arith.constant 768 : i32
    %dma_wait3A_164 = arith.constant 0 : i32
    %dma_wait3A_165 = tpu.memref_slice %arg7[%dma_wait3A_163, %dma_wait3A_164] : memref<1024x32xf32, #tpu.memory_space<vmem>> -> memref<128x32xf32, #tpu.memory_space<vmem>>
    %dma_wait3A_166 = arith.constant 768 : i32
    %dma_wait3A_167 = tpu.memref_slice %arg6[%dma_wait3A_166] : memref<1024xi32, #tpu.memory_space<vmem>> -> memref<128xi32, #tpu.memory_space<vmem>>
    %dma_wait3A_168 = arith.constant 0 : i32
    %dma_wait3A_169 = arith.constant 0 : i32
    %dma_wait3A_170 = tpu.memref_slice %arg4[%dma_wait3A_168, %dma_wait3A_169] : memref<32768x32xf32, #tpu.memory_space<hbm>> -> memref<32768x32xf32, #tpu.memory_space<hbm>>
    tpu.wait_indirect_dma semaphore(%arg11 : memref<!tpu.dma_semaphore, #tpu.memory_space<semaphore_mem>>) src(%dma_wait3A_170 : memref<32768x32xf32, #tpu.memory_space<hbm>>) dst(%dma_wait3A_165 : memref<128x32xf32, #tpu.memory_space<vmem>>)
    %dma_wait3A_171 = arith.constant 896 : i32
    %dma_wait3A_172 = arith.constant 0 : i32
    %dma_wait3A_173 = tpu.memref_slice %arg7[%dma_wait3A_171, %dma_wait3A_172] : memref<1024x32xf32, #tpu.memory_space<vmem>> -> memref<128x32xf32, #tpu.memory_space<vmem>>
    %dma_wait3A_174 = arith.constant 896 : i32
    %dma_wait3A_175 = tpu.memref_slice %arg6[%dma_wait3A_174] : memref<1024xi32, #tpu.memory_space<vmem>> -> memref<128xi32, #tpu.memory_space<vmem>>
    %dma_wait3A_176 = arith.constant 0 : i32
    %dma_wait3A_177 = arith.constant 0 : i32
    %dma_wait3A_178 = tpu.memref_slice %arg4[%dma_wait3A_176, %dma_wait3A_177] : memref<32768x32xf32, #tpu.memory_space<hbm>> -> memref<32768x32xf32, #tpu.memory_space<hbm>>
    tpu.wait_indirect_dma semaphore(%arg11 : memref<!tpu.dma_semaphore, #tpu.memory_space<semaphore_mem>>) src(%dma_wait3A_178 : memref<32768x32xf32, #tpu.memory_space<hbm>>) dst(%dma_wait3A_173 : memref<128x32xf32, #tpu.memory_space<vmem>>)
    %scan3A = arith.constant 0 : i32
    %scan3A_179 = arith.constant 4 : i32
    %scan3A_180 = arith.addi %scan3A, %scan3A_179 : i32
    %scan3A_181 = arith.constant 1 : i32
    scf.for %scan3A_251 = %scan3A to %scan3A_180 step %scan3A_181  : i32 {
      %mul3A_252 = arith.constant 1 : i32
      %mul3A_253 = arith.muli %scan3A_251, %mul3A_252 : i32
      %add3A_254 = arith.constant 0 : i32
      %add3A_255 = arith.addi %add3A_254, %mul3A_253 : i32
      %add3A_256 = arith.constant 0 : i32
      %add3A_257 = arith.addi %add3A_256, %add3A_255 : i32
      %broadcast_in_dim3A = vector.broadcast %add3A_257 : i32 to vector<16xi32>
      %gather3A = tpu.vector_load_idx %arg7[%broadcast_in_dim3A, %mul3A_35] : memref<1024x32xf32, #tpu.memory_space<vmem>>[vector<16xi32>, vector<16xi32>], vector<16xf32>,
      %convert_element_type3A = arith.fptosi %gather3A : vector<16xf32> to vector<16xi32>
      %add3A_258 = vector.broadcast %mul3A_40 : i32 to vector<16xi32>
      %add3A_259 = arith.addi %convert_element_type3A, %add3A_258 : vector<16xi32>
      %mul3A_260 = arith.constant 16 : i32
      %mul3A_261 = arith.muli %add3A_255, %mul3A_260 : i32
      %swap3A = arith.constant 0 : i32
      %swap3A_262 = arith.index_cast %swap3A : i32 to index
      %swap3A_263 = arith.index_cast %mul3A_261 : i32 to index
      %swap3A_264 = tpu.vector_load %arg8[%swap3A_262, %swap3A_263] {strides = array<i32>} : memref<4x64xi32, #tpu.memory_space<vmem>>, vector<16xi32>,
      tpu.vector_store %arg8[%swap3A_262, %swap3A_263], %add3A_259 {strides = array<i32>} : memref<4x64xi32, #tpu.memory_space<vmem>>, vector<16xi32>,
    }
    %scan3A_182 = arith.constant 4 : i32
    %dma_start3A_183 = arith.constant 0 : i32
    %dma_start3A_184 = arith.constant 0 : i32
    %dma_start3A_185 = arith.constant 0 : i32
    %dma_start3A_186 = arith.constant 0 : i32
    %dma_start3A_187 = tpu.memref_slice %arg9[%dma_start3A_184, %dma_start3A_185, %dma_start3A_186] : memref<4x64x64xf32, #tpu.memory_space<vmem>> -> memref<1x64x64xf32, #tpu.memory_space<vmem>>
    %dma_start3A_188 = tpu.memref_squeeze %dma_start3A_187 : memref<1x64x64xf32, #tpu.memory_space<vmem>> -> memref<64x64xf32, #tpu.memory_space<vmem>>
    %dma_start3A_189 = arith.constant 0 : i32
    %dma_start3A_190 = tpu.memref_slice %arg8[%dma_start3A_183, %dma_start3A_189] : memref<4x64xi32, #tpu.memory_space<vmem>> -> memref<1x64xi32, #tpu.memory_space<vmem>>
    %dma_start3A_191 = tpu.memref_squeeze %dma_start3A_190 : memref<1x64xi32, #tpu.memory_space<vmem>> -> memref<64xi32, #tpu.memory_space<vmem>>
    %dma_start3A_192 = arith.constant 0 : i32
    %dma_start3A_193 = arith.constant 0 : i32
    %dma_start3A_194 = tpu.memref_slice %arg2[%dma_start3A_192, %dma_start3A_193] : memref<65536x64xf32, #tpu.memory_space<hbm>> -> memref<65536x64xf32, #tpu.memory_space<hbm>>
    tpu.enqueue_indirect_dma source(%dma_start3A_194 : memref<65536x64xf32, #tpu.memory_space<hbm>>) target(%dma_start3A_188 : memref<64x64xf32, #tpu.memory_space<vmem>>) offsets(%dma_start3A_191 : memref<64xi32, #tpu.memory_space<vmem>>) semaphore(%arg12 : memref<!tpu.dma_semaphore, #tpu.memory_space<semaphore_mem>>)
    %scan3A_195 = arith.constant 0 : i32
    %scan3A_196 = arith.constant 4 : i32
    %scan3A_197 = arith.addi %scan3A_195, %scan3A_196 : i32
    %scan3A_198 = arith.constant 1 : i32
    scf.for %scan3A_251 = %scan3A_195 to %scan3A_197 step %scan3A_198  : i32 {
      %mul3A_252 = arith.constant 1 : i32
      %mul3A_253 = arith.muli %scan3A_251, %mul3A_252 : i32
      %add3A_254 = arith.constant 0 : i32
      %add3A_255 = arith.addi %add3A_254, %mul3A_253 : i32
      %add3A_256 = arith.constant 4 : i32
      %add3A_257 = arith.addi %add3A_256, %add3A_255 : i32
      %broadcast_in_dim3A = vector.broadcast %add3A_257 : i32 to vector<16xi32>
      %gather3A = tpu.vector_load_idx %arg7[%broadcast_in_dim3A, %mul3A_35] : memref<1024x32xf32, #tpu.memory_space<vmem>>[vector<16xi32>, vector<16xi32>], vector<16xf32>,
      %convert_element_type3A = arith.fptosi %gather3A : vector<16xf32> to vector<16xi32>
      %add3A_258 = vector.broadcast %mul3A_40 : i32 to vector<16xi32>
      %add3A_259 = arith.addi %convert_element_type3A, %add3A_258 : vector<16xi32>
      %mul3A_260 = arith.constant 16 : i32
      %mul3A_261 = arith.muli %add3A_255, %mul3A_260 : i32
      %swap3A = arith.constant 1 : i32
      %swap3A_262 = arith.index_cast %swap3A : i32 to index
      %swap3A_263 = arith.index_cast %mul3A_261 : i32 to index
      %swap3A_264 = tpu.vector_load %arg8[%swap3A_262, %swap3A_263] {strides = array<i32>} : memref<4x64xi32, #tpu.memory_space<vmem>>, vector<16xi32>,
      tpu.vector_store %arg8[%swap3A_262, %swap3A_263], %add3A_259 {strides = array<i32>} : memref<4x64xi32, #tpu.memory_space<vmem>>, vector<16xi32>,
    }
    %scan3A_199 = arith.constant 4 : i32
    %dma_start3A_200 = arith.constant 1 : i32
    %dma_start3A_201 = arith.constant 1 : i32
    %dma_start3A_202 = arith.constant 0 : i32
    %dma_start3A_203 = arith.constant 0 : i32
    %dma_start3A_204 = tpu.memref_slice %arg9[%dma_start3A_201, %dma_start3A_202, %dma_start3A_203] : memref<4x64x64xf32, #tpu.memory_space<vmem>> -> memref<1x64x64xf32, #tpu.memory_space<vmem>>
    %dma_start3A_205 = tpu.memref_squeeze %dma_start3A_204 : memref<1x64x64xf32, #tpu.memory_space<vmem>> -> memref<64x64xf32, #tpu.memory_space<vmem>>
    %dma_start3A_206 = arith.constant 0 : i32
    %dma_start3A_207 = tpu.memref_slice %arg8[%dma_start3A_200, %dma_start3A_206] : memref<4x64xi32, #tpu.memory_space<vmem>> -> memref<1x64xi32, #tpu.memory_space<vmem>>
    %dma_start3A_208 = tpu.memref_squeeze %dma_start3A_207 : memref<1x64xi32, #tpu.memory_space<vmem>> -> memref<64xi32, #tpu.memory_space<vmem>>
    %dma_start3A_209 = arith.constant 0 : i32
    %dma_start3A_210 = arith.constant 0 : i32
    %dma_start3A_211 = tpu.memref_slice %arg2[%dma_start3A_209, %dma_start3A_210] : memref<65536x64xf32, #tpu.memory_space<hbm>> -> memref<65536x64xf32, #tpu.memory_space<hbm>>
    tpu.enqueue_indirect_dma source(%dma_start3A_211 : memref<65536x64xf32, #tpu.memory_space<hbm>>) target(%dma_start3A_205 : memref<64x64xf32, #tpu.memory_space<vmem>>) offsets(%dma_start3A_208 : memref<64xi32, #tpu.memory_space<vmem>>) semaphore(%arg13 : memref<!tpu.dma_semaphore, #tpu.memory_space<semaphore_mem>>)
    %scan3A_212 = arith.constant 0 : i32
    %scan3A_213 = arith.constant 4 : i32
    %scan3A_214 = arith.addi %scan3A_212, %scan3A_213 : i32
    %scan3A_215 = arith.constant 1 : i32
    scf.for %scan3A_251 = %scan3A_212 to %scan3A_214 step %scan3A_215  : i32 {
      %mul3A_252 = arith.constant 1 : i32
      %mul3A_253 = arith.muli %scan3A_251, %mul3A_252 : i32
      %add3A_254 = arith.constant 0 : i32
      %add3A_255 = arith.addi %add3A_254, %mul3A_253 : i32
      %add3A_256 = arith.constant 8 : i32
      %add3A_257 = arith.addi %add3A_256, %add3A_255 : i32
      %broadcast_in_dim3A = vector.broadcast %add3A_257 : i32 to vector<16xi32>
      %gather3A = tpu.vector_load_idx %arg7[%broadcast_in_dim3A, %mul3A_35] : memref<1024x32xf32, #tpu.memory_space<vmem>>[vector<16xi32>, vector<16xi32>], vector<16xf32>,
      %convert_element_type3A = arith.fptosi %gather3A : vector<16xf32> to vector<16xi32>
      %add3A_258 = vector.broadcast %mul3A_40 : i32 to vector<16xi32>
      %add3A_259 = arith.addi %convert_element_type3A, %add3A_258 : vector<16xi32>
      %mul3A_260 = arith.constant 16 : i32
      %mul3A_261 = arith.muli %add3A_255, %mul3A_260 : i32
      %swap3A = arith.constant 2 : i32
      %swap3A_262 = arith.index_cast %swap3A : i32 to index
      %swap3A_263 = arith.index_cast %mul3A_261 : i32 to index
      %swap3A_264 = tpu.vector_load %arg8[%swap3A_262, %swap3A_263] {strides = array<i32>} : memref<4x64xi32, #tpu.memory_space<vmem>>, vector<16xi32>,
      tpu.vector_store %arg8[%swap3A_262, %swap3A_263], %add3A_259 {strides = array<i32>} : memref<4x64xi32, #tpu.memory_space<vmem>>, vector<16xi32>,
    }
    %scan3A_216 = arith.constant 4 : i32
    %dma_start3A_217 = arith.constant 2 : i32
    %dma_start3A_218 = arith.constant 2 : i32
    %dma_start3A_219 = arith.constant 0 : i32
    %dma_start3A_220 = arith.constant 0 : i32
    %dma_start3A_221 = tpu.memref_slice %arg9[%dma_start3A_218, %dma_start3A_219, %dma_start3A_220] : memref<4x64x64xf32, #tpu.memory_space<vmem>> -> memref<1x64x64xf32, #tpu.memory_space<vmem>>
    %dma_start3A_222 = tpu.memref_squeeze %dma_start3A_221 : memref<1x64x64xf32, #tpu.memory_space<vmem>> -> memref<64x64xf32, #tpu.memory_space<vmem>>
    %dma_start3A_223 = arith.constant 0 : i32
    %dma_start3A_224 = tpu.memref_slice %arg8[%dma_start3A_217, %dma_start3A_223] : memref<4x64xi32, #tpu.memory_space<vmem>> -> memref<1x64xi32, #tpu.memory_space<vmem>>
    %dma_start3A_225 = tpu.memref_squeeze %dma_start3A_224 : memref<1x64xi32, #tpu.memory_space<vmem>> -> memref<64xi32, #tpu.memory_space<vmem>>
    %dma_start3A_226 = arith.constant 0 : i32
    %dma_start3A_227 = arith.constant 0 : i32
    %dma_start3A_228 = tpu.memref_slice %arg2[%dma_start3A_226, %dma_start3A_227] : memref<65536x64xf32, #tpu.memory_space<hbm>> -> memref<65536x64xf32, #tpu.memory_space<hbm>>
    tpu.enqueue_indirect_dma source(%dma_start3A_228 : memref<65536x64xf32, #tpu.memory_space<hbm>>) target(%dma_start3A_222 : memref<64x64xf32, #tpu.memory_space<vmem>>) offsets(%dma_start3A_225 : memref<64xi32, #tpu.memory_space<vmem>>) semaphore(%arg14 : memref<!tpu.dma_semaphore, #tpu.memory_space<semaphore_mem>>)
    %scan3A_229 = arith.constant 0 : i32
    %scan3A_230 = arith.constant 4 : i32
    %scan3A_231 = arith.addi %scan3A_229, %scan3A_230 : i32
    %scan3A_232 = arith.constant 1 : i32
    scf.for %scan3A_251 = %scan3A_229 to %scan3A_231 step %scan3A_232  : i32 {
      %mul3A_252 = arith.constant 1 : i32
      %mul3A_253 = arith.muli %scan3A_251, %mul3A_252 : i32
      %add3A_254 = arith.constant 0 : i32
      %add3A_255 = arith.addi %add3A_254, %mul3A_253 : i32
      %add3A_256 = arith.constant 12 : i32
      %add3A_257 = arith.addi %add3A_256, %add3A_255 : i32
      %broadcast_in_dim3A = vector.broadcast %add3A_257 : i32 to vector<16xi32>
      %gather3A = tpu.vector_load_idx %arg7[%broadcast_in_dim3A, %mul3A_35] : memref<1024x32xf32, #tpu.memory_space<vmem>>[vector<16xi32>, vector<16xi32>], vector<16xf32>,
      %convert_element_type3A = arith.fptosi %gather3A : vector<16xf32> to vector<16xi32>
      %add3A_258 = vector.broadcast %mul3A_40 : i32 to vector<16xi32>
      %add3A_259 = arith.addi %convert_element_type3A, %add3A_258 : vector<16xi32>
      %mul3A_260 = arith.constant 16 : i32
      %mul3A_261 = arith.muli %add3A_255, %mul3A_260 : i32
      %swap3A = arith.constant 3 : i32
      %swap3A_262 = arith.index_cast %swap3A : i32 to index
      %swap3A_263 = arith.index_cast %mul3A_261 : i32 to index
      %swap3A_264 = tpu.vector_load %arg8[%swap3A_262, %swap3A_263] {strides = array<i32>} : memref<4x64xi32, #tpu.memory_space<vmem>>, vector<16xi32>,
      tpu.vector_store %arg8[%swap3A_262, %swap3A_263], %add3A_259 {strides = array<i32>} : memref<4x64xi32, #tpu.memory_space<vmem>>, vector<16xi32>,
    }
    %scan3A_233 = arith.constant 4 : i32
    %dma_start3A_234 = arith.constant 3 : i32
    %dma_start3A_235 = arith.constant 3 : i32
    %dma_start3A_236 = arith.constant 0 : i32
    %dma_start3A_237 = arith.constant 0 : i32
    %dma_start3A_238 = tpu.memref_slice %arg9[%dma_start3A_235, %dma_start3A_236, %dma_start3A_237] : memref<4x64x64xf32, #tpu.memory_space<vmem>> -> memref<1x64x64xf32, #tpu.memory_space<vmem>>
    %dma_start3A_239 = tpu.memref_squeeze %dma_start3A_238 : memref<1x64x64xf32, #tpu.memory_space<vmem>> -> memref<64x64xf32, #tpu.memory_space<vmem>>
    %dma_start3A_240 = arith.constant 0 : i32
    %dma_start3A_241 = tpu.memref_slice %arg8[%dma_start3A_234, %dma_start3A_240] : memref<4x64xi32, #tpu.memory_space<vmem>> -> memref<1x64xi32, #tpu.memory_space<vmem>>
    %dma_start3A_242 = tpu.memref_squeeze %dma_start3A_241 : memref<1x64xi32, #tpu.memory_space<vmem>> -> memref<64xi32, #tpu.memory_space<vmem>>
    %dma_start3A_243 = arith.constant 0 : i32
    %dma_start3A_244 = arith.constant 0 : i32
    %dma_start3A_245 = tpu.memref_slice %arg2[%dma_start3A_243, %dma_start3A_244] : memref<65536x64xf32, #tpu.memory_space<hbm>> -> memref<65536x64xf32, #tpu.memory_space<hbm>>
    tpu.enqueue_indirect_dma source(%dma_start3A_245 : memref<65536x64xf32, #tpu.memory_space<hbm>>) target(%dma_start3A_239 : memref<64x64xf32, #tpu.memory_space<vmem>>) offsets(%dma_start3A_242 : memref<64xi32, #tpu.memory_space<vmem>>) semaphore(%arg15 : memref<!tpu.dma_semaphore, #tpu.memory_space<semaphore_mem>>)
    %scan3A_246 = arith.constant 0 : i32
    %scan3A_247 = arith.constant 64 : i32
    %scan3A_248 = arith.addi %scan3A_246, %scan3A_247 : i32
    %scan3A_249 = arith.constant 1 : i32
    scf.for %scan3A_251 = %scan3A_246 to %scan3A_248 step %scan3A_249  : i32 {
      %mul3A_252 = arith.constant 4 : i32
      %mul3A_253 = arith.muli %scan3A_251, %mul3A_252 : i32
      %add3A_254 = arith.constant 0 : i32
      %add3A_255 = arith.addi %add3A_254, %mul3A_253 : i32
      %add3A_256 = arith.constant 0 : i32
      %add3A_257 = arith.addi %add3A_255, %add3A_256 : i32
      %dma_wait3A_258 = arith.constant 0 : i32
      %dma_wait3A_259 = arith.constant 0 : i32
      %dma_wait3A_260 = arith.constant 0 : i32
      %dma_wait3A_261 = arith.constant 0 : i32
      %dma_wait3A_262 = tpu.memref_slice %arg9[%dma_wait3A_259, %dma_wait3A_260, %dma_wait3A_261] : memref<4x64x64xf32, #tpu.memory_space<vmem>> -> memref<1x64x64xf32, #tpu.memory_space<vmem>>
      %dma_wait3A_263 = tpu.memref_squeeze %dma_wait3A_262 : memref<1x64x64xf32, #tpu.memory_space<vmem>> -> memref<64x64xf32, #tpu.memory_space<vmem>>
      %dma_wait3A_264 = arith.constant 0 : i32
      %dma_wait3A_265 = tpu.memref_slice %arg8[%dma_wait3A_258, %dma_wait3A_264] : memref<4x64xi32, #tpu.memory_space<vmem>> -> memref<1x64xi32, #tpu.memory_space<vmem>>
      %dma_wait3A_266 = tpu.memref_squeeze %dma_wait3A_265 : memref<1x64xi32, #tpu.memory_space<vmem>> -> memref<64xi32, #tpu.memory_space<vmem>>
      %dma_wait3A_267 = arith.constant 0 : i32
      %dma_wait3A_268 = arith.constant 0 : i32
      %dma_wait3A_269 = tpu.memref_slice %arg2[%dma_wait3A_267, %dma_wait3A_268] : memref<65536x64xf32, #tpu.memory_space<hbm>> -> memref<65536x64xf32, #tpu.memory_space<hbm>>
      tpu.wait_indirect_dma semaphore(%arg12 : memref<!tpu.dma_semaphore, #tpu.memory_space<semaphore_mem>>) src(%dma_wait3A_269 : memref<65536x64xf32, #tpu.memory_space<hbm>>) dst(%dma_wait3A_263 : memref<64x64xf32, #tpu.memory_space<vmem>>)
      %scan3A_270 = arith.constant 0 : i32
      %scan3A_271 = arith.constant 4 : i32
      %scan3A_272 = arith.addi %scan3A_270, %scan3A_271 : i32
      %scan3A_273 = arith.constant 1 : i32
      scf.for %scan3A_358 = %scan3A_270 to %scan3A_272 step %scan3A_273  : i32 {
        %mul3A_359 = arith.constant 1 : i32
        %mul3A_360 = arith.muli %scan3A_358, %mul3A_359 : i32
        %add3A_361 = arith.constant 0 : i32
        %add3A_362 = arith.addi %add3A_361, %mul3A_360 : i32
        %mul3A_363 = arith.constant 4 : i32
        %mul3A_364 = arith.muli %add3A_257, %mul3A_363 : i32
        %add3A_365 = arith.addi %mul3A_364, %add3A_362 : i32
        %broadcast_in_dim3A = vector.broadcast %add3A_365 : i32 to vector<16xi32>
        %gather3A = tpu.vector_load_idx %arg7[%broadcast_in_dim3A, %add3A_38] : memref<1024x32xf32, #tpu.memory_space<vmem>>[vector<16xi32>, vector<16xi32>], vector<16xf32>,
        %broadcast_in_dim3A_366 = arith.constant 0.000000e+00 : f32
        %broadcast_in_dim3A_367 = vector.broadcast %broadcast_in_dim3A_366 : f32 to vector<16xf32>
        %broadcast_in_dim3A_368 = arith.constant 0.000000e+00 : f32
        %broadcast_in_dim3A_369 = vector.broadcast %broadcast_in_dim3A_368 : f32 to vector<16xf32>
        %broadcast_in_dim3A_370 = arith.constant 0.000000e+00 : f32
        %broadcast_in_dim3A_371 = vector.broadcast %broadcast_in_dim3A_370 : f32 to vector<16xf32>
        %broadcast_in_dim3A_372 = arith.constant 0.000000e+00 : f32
        %broadcast_in_dim3A_373 = vector.broadcast %broadcast_in_dim3A_372 : f32 to vector<16xf32>
        %broadcast_in_dim3A_374 = arith.constant 0.000000e+00 : f32
        %broadcast_in_dim3A_375 = vector.broadcast %broadcast_in_dim3A_374 : f32 to vector<16xf32>
        %broadcast_in_dim3A_376 = arith.constant 0.000000e+00 : f32
        %broadcast_in_dim3A_377 = vector.broadcast %broadcast_in_dim3A_376 : f32 to vector<16xf32>
        %broadcast_in_dim3A_378 = arith.constant 0.000000e+00 : f32
        %broadcast_in_dim3A_379 = vector.broadcast %broadcast_in_dim3A_378 : f32 to vector<16xf32>
        %broadcast_in_dim3A_380 = arith.constant 0.000000e+00 : f32
        %broadcast_in_dim3A_381 = vector.broadcast %broadcast_in_dim3A_380 : f32 to vector<16xf32>
        %slice3A = vector.extract_strided_slice %gather3A {offsets = [0], sizes = [1], strides = [1]} : vector<16xf32> to vector<1xf32>
        %squeeze3A = vector.extract %slice3A[0] : f32 from vector<1xf32>
        %mul3A_382 = arith.constant 16 : i32
        %mul3A_383 = arith.muli %add3A_362, %mul3A_382 : i32
        %add3A_384 = arith.constant 0 : i32
        %add3A_385 = arith.addi %mul3A_383, %add3A_384 : i32
        %get3A = arith.constant 0 : i32
        %get3A_386 = arith.index_cast %get3A : i32 to index
        %get3A_387 = arith.index_cast %add3A_385 : i32 to index
        %get3A_388 = arith.constant 0 : index
        %get3A_389 = tpu.vector_load %arg9[%get3A_386, %get3A_387, %get3A_388] {strides = array<i32>} : memref<4x64x64xf32, #tpu.memory_space<vmem>>, vector<16xf32>,
        %mul3A_390 = vector.broadcast %squeeze3A : f32 to vector<16xf32>
        %mul3A_391 = arith.mulf %mul3A_390, %get3A_389 : vector<16xf32>
        %add3A_392 = arith.addf %broadcast_in_dim3A_367, %mul3A_391 : vector<16xf32>
        %get3A_393 = arith.constant 0 : i32
        %get3A_394 = arith.index_cast %get3A_393 : i32 to index
        %get3A_395 = arith.index_cast %add3A_385 : i32 to index
        %get3A_396 = arith.constant 16 : index
        %get3A_397 = tpu.vector_load %arg9[%get3A_394, %get3A_395, %get3A_396] {strides = array<i32>} : memref<4x64x64xf32, #tpu.memory_space<vmem>>, vector<16xf32>,
        %mul3A_398 = vector.broadcast %squeeze3A : f32 to vector<16xf32>
        %mul3A_399 = arith.mulf %mul3A_398, %get3A_397 : vector<16xf32>
        %add3A_400 = arith.addf %broadcast_in_dim3A_369, %mul3A_399 : vector<16xf32>
        %get3A_401 = arith.constant 0 : i32
        %get3A_402 = arith.index_cast %get3A_401 : i32 to index
        %get3A_403 = arith.index_cast %add3A_385 : i32 to index
        %get3A_404 = arith.constant 32 : index
        %get3A_405 = tpu.vector_load %arg9[%get3A_402, %get3A_403, %get3A_404] {strides = array<i32>} : memref<4x64x64xf32, #tpu.memory_space<vmem>>, vector<16xf32>,
        %mul3A_406 = vector.broadcast %squeeze3A : f32 to vector<16xf32>
        %mul3A_407 = arith.mulf %mul3A_406, %get3A_405 : vector<16xf32>
        %add3A_408 = arith.addf %broadcast_in_dim3A_371, %mul3A_407 : vector<16xf32>
        %get3A_409 = arith.constant 0 : i32
        %get3A_410 = arith.index_cast %get3A_409 : i32 to index
        %get3A_411 = arith.index_cast %add3A_385 : i32 to index
        %get3A_412 = arith.constant 48 : index
        %get3A_413 = tpu.vector_load %arg9[%get3A_410, %get3A_411, %get3A_412] {strides = array<i32>} : memref<4x64x64xf32, #tpu.memory_space<vmem>>, vector<16xf32>,
        %mul3A_414 = vector.broadcast %squeeze3A : f32 to vector<16xf32>
        %mul3A_415 = arith.mulf %mul3A_414, %get3A_413 : vector<16xf32>
        %add3A_416 = arith.addf %broadcast_in_dim3A_373, %mul3A_415 : vector<16xf32>
        %slice3A_417 = vector.extract_strided_slice %gather3A {offsets = [1], sizes = [1], strides = [1]} : vector<16xf32> to vector<1xf32>
        %squeeze3A_418 = vector.extract %slice3A_417[0] : f32 from vector<1xf32>
        %mul3A_419 = arith.constant 16 : i32
        %mul3A_420 = arith.muli %add3A_362, %mul3A_419 : i32
        %add3A_421 = arith.constant 1 : i32
        %add3A_422 = arith.addi %mul3A_420, %add3A_421 : i32
        %get3A_423 = arith.constant 0 : i32
        %get3A_424 = arith.index_cast %get3A_423 : i32 to index
        %get3A_425 = arith.index_cast %add3A_422 : i32 to index
        %get3A_426 = arith.constant 0 : index
        %get3A_427 = tpu.vector_load %arg9[%get3A_424, %get3A_425, %get3A_426] {strides = array<i32>} : memref<4x64x64xf32, #tpu.memory_space<vmem>>, vector<16xf32>,
        %mul3A_428 = vector.broadcast %squeeze3A_418 : f32 to vector<16xf32>
        %mul3A_429 = arith.mulf %mul3A_428, %get3A_427 : vector<16xf32>
        %add3A_430 = arith.addf %broadcast_in_dim3A_375, %mul3A_429 : vector<16xf32>
        %get3A_431 = arith.constant 0 : i32
        %get3A_432 = arith.index_cast %get3A_431 : i32 to index
        %get3A_433 = arith.index_cast %add3A_422 : i32 to index
        %get3A_434 = arith.constant 16 : index
        %get3A_435 = tpu.vector_load %arg9[%get3A_432, %get3A_433, %get3A_434] {strides = array<i32>} : memref<4x64x64xf32, #tpu.memory_space<vmem>>, vector<16xf32>,
        %mul3A_436 = vector.broadcast %squeeze3A_418 : f32 to vector<16xf32>
        %mul3A_437 = arith.mulf %mul3A_436, %get3A_435 : vector<16xf32>
        %add3A_438 = arith.addf %broadcast_in_dim3A_377, %mul3A_437 : vector<16xf32>
        %get3A_439 = arith.constant 0 : i32
        %get3A_440 = arith.index_cast %get3A_439 : i32 to index
        %get3A_441 = arith.index_cast %add3A_422 : i32 to index
        %get3A_442 = arith.constant 32 : index
        %get3A_443 = tpu.vector_load %arg9[%get3A_440, %get3A_441, %get3A_442] {strides = array<i32>} : memref<4x64x64xf32, #tpu.memory_space<vmem>>, vector<16xf32>,
        %mul3A_444 = vector.broadcast %squeeze3A_418 : f32 to vector<16xf32>
        %mul3A_445 = arith.mulf %mul3A_444, %get3A_443 : vector<16xf32>
        %add3A_446 = arith.addf %broadcast_in_dim3A_379, %mul3A_445 : vector<16xf32>
        %get3A_447 = arith.constant 0 : i32
        %get3A_448 = arith.index_cast %get3A_447 : i32 to index
        %get3A_449 = arith.index_cast %add3A_422 : i32 to index
        %get3A_450 = arith.constant 48 : index
        %get3A_451 = tpu.vector_load %arg9[%get3A_448, %get3A_449, %get3A_450] {strides = array<i32>} : memref<4x64x64xf32, #tpu.memory_space<vmem>>, vector<16xf32>,
        %mul3A_452 = vector.broadcast %squeeze3A_418 : f32 to vector<16xf32>
        %mul3A_453 = arith.mulf %mul3A_452, %get3A_451 : vector<16xf32>
        %add3A_454 = arith.addf %broadcast_in_dim3A_381, %mul3A_453 : vector<16xf32>
        %slice3A_455 = vector.extract_strided_slice %gather3A {offsets = [2], sizes = [1], strides = [1]} : vector<16xf32> to vector<1xf32>
        %squeeze3A_456 = vector.extract %slice3A_455[0] : f32 from vector<1xf32>
        %mul3A_457 = arith.constant 16 : i32
        %mul3A_458 = arith.muli %add3A_362, %mul3A_457 : i32
        %add3A_459 = arith.constant 2 : i32
        %add3A_460 = arith.addi %mul3A_458, %add3A_459 : i32
        %get3A_461 = arith.constant 0 : i32
        %get3A_462 = arith.index_cast %get3A_461 : i32 to index
        %get3A_463 = arith.index_cast %add3A_460 : i32 to index
        %get3A_464 = arith.constant 0 : index
        %get3A_465 = tpu.vector_load %arg9[%get3A_462, %get3A_463, %get3A_464] {strides = array<i32>} : memref<4x64x64xf32, #tpu.memory_space<vmem>>, vector<16xf32>,
        %mul3A_466 = vector.broadcast %squeeze3A_456 : f32 to vector<16xf32>
        %mul3A_467 = arith.mulf %mul3A_466, %get3A_465 : vector<16xf32>
        %add3A_468 = arith.addf %add3A_392, %mul3A_467 : vector<16xf32>
        %get3A_469 = arith.constant 0 : i32
        %get3A_470 = arith.index_cast %get3A_469 : i32 to index
        %get3A_471 = arith.index_cast %add3A_460 : i32 to index
        %get3A_472 = arith.constant 16 : index
        %get3A_473 = tpu.vector_load %arg9[%get3A_470, %get3A_471, %get3A_472] {strides = array<i32>} : memref<4x64x64xf32, #tpu.memory_space<vmem>>, vector<16xf32>,
        %mul3A_474 = vector.broadcast %squeeze3A_456 : f32 to vector<16xf32>
        %mul3A_475 = arith.mulf %mul3A_474, %get3A_473 : vector<16xf32>
        %add3A_476 = arith.addf %add3A_400, %mul3A_475 : vector<16xf32>
        %get3A_477 = arith.constant 0 : i32
        %get3A_478 = arith.index_cast %get3A_477 : i32 to index
        %get3A_479 = arith.index_cast %add3A_460 : i32 to index
        %get3A_480 = arith.constant 32 : index
        %get3A_481 = tpu.vector_load %arg9[%get3A_478, %get3A_479, %get3A_480] {strides = array<i32>} : memref<4x64x64xf32, #tpu.memory_space<vmem>>, vector<16xf32>,
        %mul3A_482 = vector.broadcast %squeeze3A_456 : f32 to vector<16xf32>
        %mul3A_483 = arith.mulf %mul3A_482, %get3A_481 : vector<16xf32>
        %add3A_484 = arith.addf %add3A_408, %mul3A_483 : vector<16xf32>
        %get3A_485 = arith.constant 0 : i32
        %get3A_486 = arith.index_cast %get3A_485 : i32 to index
        %get3A_487 = arith.index_cast %add3A_460 : i32 to index
        %get3A_488 = arith.constant 48 : index
        %get3A_489 = tpu.vector_load %arg9[%get3A_486, %get3A_487, %get3A_488] {strides = array<i32>} : memref<4x64x64xf32, #tpu.memory_space<vmem>>, vector<16xf32>,
        %mul3A_490 = vector.broadcast %squeeze3A_456 : f32 to vector<16xf32>
        %mul3A_491 = arith.mulf %mul3A_490, %get3A_489 : vector<16xf32>
        %add3A_492 = arith.addf %add3A_416, %mul3A_491 : vector<16xf32>
        %slice3A_493 = vector.extract_strided_slice %gather3A {offsets = [3], sizes = [1], strides = [1]} : vector<16xf32> to vector<1xf32>
        %squeeze3A_494 = vector.extract %slice3A_493[0] : f32 from vector<1xf32>
        %mul3A_495 = arith.constant 16 : i32
        %mul3A_496 = arith.muli %add3A_362, %mul3A_495 : i32
        %add3A_497 = arith.constant 3 : i32
        %add3A_498 = arith.addi %mul3A_496, %add3A_497 : i32
        %get3A_499 = arith.constant 0 : i32
        %get3A_500 = arith.index_cast %get3A_499 : i32 to index
        %get3A_501 = arith.index_cast %add3A_498 : i32 to index
        %get3A_502 = arith.constant 0 : index
        %get3A_503 = tpu.vector_load %arg9[%get3A_500, %get3A_501, %get3A_502] {strides = array<i32>} : memref<4x64x64xf32, #tpu.memory_space<vmem>>, vector<16xf32>,
        %mul3A_504 = vector.broadcast %squeeze3A_494 : f32 to vector<16xf32>
        %mul3A_505 = arith.mulf %mul3A_504, %get3A_503 : vector<16xf32>
        %add3A_506 = arith.addf %add3A_430, %mul3A_505 : vector<16xf32>
        %get3A_507 = arith.constant 0 : i32
        %get3A_508 = arith.index_cast %get3A_507 : i32 to index
        %get3A_509 = arith.index_cast %add3A_498 : i32 to index
        %get3A_510 = arith.constant 16 : index
        %get3A_511 = tpu.vector_load %arg9[%get3A_508, %get3A_509, %get3A_510] {strides = array<i32>} : memref<4x64x64xf32, #tpu.memory_space<vmem>>, vector<16xf32>,
        %mul3A_512 = vector.broadcast %squeeze3A_494 : f32 to vector<16xf32>
        %mul3A_513 = arith.mulf %mul3A_512, %get3A_511 : vector<16xf32>
        %add3A_514 = arith.addf %add3A_438, %mul3A_513 : vector<16xf32>
        %get3A_515 = arith.constant 0 : i32
        %get3A_516 = arith.index_cast %get3A_515 : i32 to index
        %get3A_517 = arith.index_cast %add3A_498 : i32 to index
        %get3A_518 = arith.constant 32 : index
        %get3A_519 = tpu.vector_load %arg9[%get3A_516, %get3A_517, %get3A_518] {strides = array<i32>} : memref<4x64x64xf32, #tpu.memory_space<vmem>>, vector<16xf32>,
        %mul3A_520 = vector.broadcast %squeeze3A_494 : f32 to vector<16xf32>
        %mul3A_521 = arith.mulf %mul3A_520, %get3A_519 : vector<16xf32>
        %add3A_522 = arith.addf %add3A_446, %mul3A_521 : vector<16xf32>
        %get3A_523 = arith.constant 0 : i32
        %get3A_524 = arith.index_cast %get3A_523 : i32 to index
        %get3A_525 = arith.index_cast %add3A_498 : i32 to index
        %get3A_526 = arith.constant 48 : index
        %get3A_527 = tpu.vector_load %arg9[%get3A_524, %get3A_525, %get3A_526] {strides = array<i32>} : memref<4x64x64xf32, #tpu.memory_space<vmem>>, vector<16xf32>,
        %mul3A_528 = vector.broadcast %squeeze3A_494 : f32 to vector<16xf32>
        %mul3A_529 = arith.mulf %mul3A_528, %get3A_527 : vector<16xf32>
        %add3A_530 = arith.addf %add3A_454, %mul3A_529 : vector<16xf32>
        %slice3A_531 = vector.extract_strided_slice %gather3A {offsets = [4], sizes = [1], strides = [1]} : vector<16xf32> to vector<1xf32>
        %squeeze3A_532 = vector.extract %slice3A_531[0] : f32 from vector<1xf32>
        %mul3A_533 = arith.constant 16 : i32
        %mul3A_534 = arith.muli %add3A_362, %mul3A_533 : i32
        %add3A_535 = arith.constant 4 : i32
        %add3A_536 = arith.addi %mul3A_534, %add3A_535 : i32
        %get3A_537 = arith.constant 0 : i32
        %get3A_538 = arith.index_cast %get3A_537 : i32 to index
        %get3A_539 = arith.index_cast %add3A_536 : i32 to index
        %get3A_540 = arith.constant 0 : index
        %get3A_541 = tpu.vector_load %arg9[%get3A_538, %get3A_539, %get3A_540] {strides = array<i32>} : memref<4x64x64xf32, #tpu.memory_space<vmem>>, vector<16xf32>,
        %mul3A_542 = vector.broadcast %squeeze3A_532 : f32 to vector<16xf32>
        %mul3A_543 = arith.mulf %mul3A_542, %get3A_541 : vector<16xf32>
        %add3A_544 = arith.addf %add3A_468, %mul3A_543 : vector<16xf32>
        %get3A_545 = arith.constant 0 : i32
        %get3A_546 = arith.index_cast %get3A_545 : i32 to index
        %get3A_547 = arith.index_cast %add3A_536 : i32 to index
        %get3A_548 = arith.constant 16 : index
        %get3A_549 = tpu.vector_load %arg9[%get3A_546, %get3A_547, %get3A_548] {strides = array<i32>} : memref<4x64x64xf32, #tpu.memory_space<vmem>>, vector<16xf32>,
        %mul3A_550 = vector.broadcast %squeeze3A_532 : f32 to vector<16xf32>
        %mul3A_551 = arith.mulf %mul3A_550, %get3A_549 : vector<16xf32>
        %add3A_552 = arith.addf %add3A_476, %mul3A_551 : vector<16xf32>
        %get3A_553 = arith.constant 0 : i32
        %get3A_554 = arith.index_cast %get3A_553 : i32 to index
        %get3A_555 = arith.index_cast %add3A_536 : i32 to index
        %get3A_556 = arith.constant 32 : index
        %get3A_557 = tpu.vector_load %arg9[%get3A_554, %get3A_555, %get3A_556] {strides = array<i32>} : memref<4x64x64xf32, #tpu.memory_space<vmem>>, vector<16xf32>,
        %mul3A_558 = vector.broadcast %squeeze3A_532 : f32 to vector<16xf32>
        %mul3A_559 = arith.mulf %mul3A_558, %get3A_557 : vector<16xf32>
        %add3A_560 = arith.addf %add3A_484, %mul3A_559 : vector<16xf32>
        %get3A_561 = arith.constant 0 : i32
        %get3A_562 = arith.index_cast %get3A_561 : i32 to index
        %get3A_563 = arith.index_cast %add3A_536 : i32 to index
        %get3A_564 = arith.constant 48 : index
        %get3A_565 = tpu.vector_load %arg9[%get3A_562, %get3A_563, %get3A_564] {strides = array<i32>} : memref<4x64x64xf32, #tpu.memory_space<vmem>>, vector<16xf32>,
        %mul3A_566 = vector.broadcast %squeeze3A_532 : f32 to vector<16xf32>
        %mul3A_567 = arith.mulf %mul3A_566, %get3A_565 : vector<16xf32>
        %add3A_568 = arith.addf %add3A_492, %mul3A_567 : vector<16xf32>
        %slice3A_569 = vector.extract_strided_slice %gather3A {offsets = [5], sizes = [1], strides = [1]} : vector<16xf32> to vector<1xf32>
        %squeeze3A_570 = vector.extract %slice3A_569[0] : f32 from vector<1xf32>
        %mul3A_571 = arith.constant 16 : i32
        %mul3A_572 = arith.muli %add3A_362, %mul3A_571 : i32
        %add3A_573 = arith.constant 5 : i32
        %add3A_574 = arith.addi %mul3A_572, %add3A_573 : i32
        %get3A_575 = arith.constant 0 : i32
        %get3A_576 = arith.index_cast %get3A_575 : i32 to index
        %get3A_577 = arith.index_cast %add3A_574 : i32 to index
        %get3A_578 = arith.constant 0 : index
        %get3A_579 = tpu.vector_load %arg9[%get3A_576, %get3A_577, %get3A_578] {strides = array<i32>} : memref<4x64x64xf32, #tpu.memory_space<vmem>>, vector<16xf32>,
        %mul3A_580 = vector.broadcast %squeeze3A_570 : f32 to vector<16xf32>
        %mul3A_581 = arith.mulf %mul3A_580, %get3A_579 : vector<16xf32>
        %add3A_582 = arith.addf %add3A_506, %mul3A_581 : vector<16xf32>
        %get3A_583 = arith.constant 0 : i32
        %get3A_584 = arith.index_cast %get3A_583 : i32 to index
        %get3A_585 = arith.index_cast %add3A_574 : i32 to index
        %get3A_586 = arith.constant 16 : index
        %get3A_587 = tpu.vector_load %arg9[%get3A_584, %get3A_585, %get3A_586] {strides = array<i32>} : memref<4x64x64xf32, #tpu.memory_space<vmem>>, vector<16xf32>,
        %mul3A_588 = vector.broadcast %squeeze3A_570 : f32 to vector<16xf32>
        %mul3A_589 = arith.mulf %mul3A_588, %get3A_587 : vector<16xf32>
        %add3A_590 = arith.addf %add3A_514, %mul3A_589 : vector<16xf32>
        %get3A_591 = arith.constant 0 : i32
        %get3A_592 = arith.index_cast %get3A_591 : i32 to index
        %get3A_593 = arith.index_cast %add3A_574 : i32 to index
        %get3A_594 = arith.constant 32 : index
        %get3A_595 = tpu.vector_load %arg9[%get3A_592, %get3A_593, %get3A_594] {strides = array<i32>} : memref<4x64x64xf32, #tpu.memory_space<vmem>>, vector<16xf32>,
        %mul3A_596 = vector.broadcast %squeeze3A_570 : f32 to vector<16xf32>
        %mul3A_597 = arith.mulf %mul3A_596, %get3A_595 : vector<16xf32>
        %add3A_598 = arith.addf %add3A_522, %mul3A_597 : vector<16xf32>
        %get3A_599 = arith.constant 0 : i32
        %get3A_600 = arith.index_cast %get3A_599 : i32 to index
        %get3A_601 = arith.index_cast %add3A_574 : i32 to index
        %get3A_602 = arith.constant 48 : index
        %get3A_603 = tpu.vector_load %arg9[%get3A_600, %get3A_601, %get3A_602] {strides = array<i32>} : memref<4x64x64xf32, #tpu.memory_space<vmem>>, vector<16xf32>,
        %mul3A_604 = vector.broadcast %squeeze3A_570 : f32 to vector<16xf32>
        %mul3A_605 = arith.mulf %mul3A_604, %get3A_603 : vector<16xf32>
        %add3A_606 = arith.addf %add3A_530, %mul3A_605 : vector<16xf32>
        %slice3A_607 = vector.extract_strided_slice %gather3A {offsets = [6], sizes = [1], strides = [1]} : vector<16xf32> to vector<1xf32>
        %squeeze3A_608 = vector.extract %slice3A_607[0] : f32 from vector<1xf32>
        %mul3A_609 = arith.constant 16 : i32
        %mul3A_610 = arith.muli %add3A_362, %mul3A_609 : i32
        %add3A_611 = arith.constant 6 : i32
        %add3A_612 = arith.addi %mul3A_610, %add3A_611 : i32
        %get3A_613 = arith.constant 0 : i32
        %get3A_614 = arith.index_cast %get3A_613 : i32 to index
        %get3A_615 = arith.index_cast %add3A_612 : i32 to index
        %get3A_616 = arith.constant 0 : index
        %get3A_617 = tpu.vector_load %arg9[%get3A_614, %get3A_615, %get3A_616] {strides = array<i32>} : memref<4x64x64xf32, #tpu.memory_space<vmem>>, vector<16xf32>,
        %mul3A_618 = vector.broadcast %squeeze3A_608 : f32 to vector<16xf32>
        %mul3A_619 = arith.mulf %mul3A_618, %get3A_617 : vector<16xf32>
        %add3A_620 = arith.addf %add3A_544, %mul3A_619 : vector<16xf32>
        %get3A_621 = arith.constant 0 : i32
        %get3A_622 = arith.index_cast %get3A_621 : i32 to index
        %get3A_623 = arith.index_cast %add3A_612 : i32 to index
        %get3A_624 = arith.constant 16 : index
        %get3A_625 = tpu.vector_load %arg9[%get3A_622, %get3A_623, %get3A_624] {strides = array<i32>} : memref<4x64x64xf32, #tpu.memory_space<vmem>>, vector<16xf32>,
        %mul3A_626 = vector.broadcast %squeeze3A_608 : f32 to vector<16xf32>
        %mul3A_627 = arith.mulf %mul3A_626, %get3A_625 : vector<16xf32>
        %add3A_628 = arith.addf %add3A_552, %mul3A_627 : vector<16xf32>
        %get3A_629 = arith.constant 0 : i32
        %get3A_630 = arith.index_cast %get3A_629 : i32 to index
        %get3A_631 = arith.index_cast %add3A_612 : i32 to index
        %get3A_632 = arith.constant 32 : index
        %get3A_633 = tpu.vector_load %arg9[%get3A_630, %get3A_631, %get3A_632] {strides = array<i32>} : memref<4x64x64xf32, #tpu.memory_space<vmem>>, vector<16xf32>,
        %mul3A_634 = vector.broadcast %squeeze3A_608 : f32 to vector<16xf32>
        %mul3A_635 = arith.mulf %mul3A_634, %get3A_633 : vector<16xf32>
        %add3A_636 = arith.addf %add3A_560, %mul3A_635 : vector<16xf32>
        %get3A_637 = arith.constant 0 : i32
        %get3A_638 = arith.index_cast %get3A_637 : i32 to index
        %get3A_639 = arith.index_cast %add3A_612 : i32 to index
        %get3A_640 = arith.constant 48 : index
        %get3A_641 = tpu.vector_load %arg9[%get3A_638, %get3A_639, %get3A_640] {strides = array<i32>} : memref<4x64x64xf32, #tpu.memory_space<vmem>>, vector<16xf32>,
        %mul3A_642 = vector.broadcast %squeeze3A_608 : f32 to vector<16xf32>
        %mul3A_643 = arith.mulf %mul3A_642, %get3A_641 : vector<16xf32>
        %add3A_644 = arith.addf %add3A_568, %mul3A_643 : vector<16xf32>
        %slice3A_645 = vector.extract_strided_slice %gather3A {offsets = [7], sizes = [1], strides = [1]} : vector<16xf32> to vector<1xf32>
        %squeeze3A_646 = vector.extract %slice3A_645[0] : f32 from vector<1xf32>
        %mul3A_647 = arith.constant 16 : i32
        %mul3A_648 = arith.muli %add3A_362, %mul3A_647 : i32
        %add3A_649 = arith.constant 7 : i32
        %add3A_650 = arith.addi %mul3A_648, %add3A_649 : i32
        %get3A_651 = arith.constant 0 : i32
        %get3A_652 = arith.index_cast %get3A_651 : i32 to index
        %get3A_653 = arith.index_cast %add3A_650 : i32 to index
        %get3A_654 = arith.constant 0 : index
        %get3A_655 = tpu.vector_load %arg9[%get3A_652, %get3A_653, %get3A_654] {strides = array<i32>} : memref<4x64x64xf32, #tpu.memory_space<vmem>>, vector<16xf32>,
        %mul3A_656 = vector.broadcast %squeeze3A_646 : f32 to vector<16xf32>
        %mul3A_657 = arith.mulf %mul3A_656, %get3A_655 : vector<16xf32>
        %add3A_658 = arith.addf %add3A_582, %mul3A_657 : vector<16xf32>
        %get3A_659 = arith.constant 0 : i32
        %get3A_660 = arith.index_cast %get3A_659 : i32 to index
        %get3A_661 = arith.index_cast %add3A_650 : i32 to index
        %get3A_662 = arith.constant 16 : index
        %get3A_663 = tpu.vector_load %arg9[%get3A_660, %get3A_661, %get3A_662] {strides = array<i32>} : memref<4x64x64xf32, #tpu.memory_space<vmem>>, vector<16xf32>,
        %mul3A_664 = vector.broadcast %squeeze3A_646 : f32 to vector<16xf32>
        %mul3A_665 = arith.mulf %mul3A_664, %get3A_663 : vector<16xf32>
        %add3A_666 = arith.addf %add3A_590, %mul3A_665 : vector<16xf32>
        %get3A_667 = arith.constant 0 : i32
        %get3A_668 = arith.index_cast %get3A_667 : i32 to index
        %get3A_669 = arith.index_cast %add3A_650 : i32 to index
        %get3A_670 = arith.constant 32 : index
        %get3A_671 = tpu.vector_load %arg9[%get3A_668, %get3A_669, %get3A_670] {strides = array<i32>} : memref<4x64x64xf32, #tpu.memory_space<vmem>>, vector<16xf32>,
        %mul3A_672 = vector.broadcast %squeeze3A_646 : f32 to vector<16xf32>
        %mul3A_673 = arith.mulf %mul3A_672, %get3A_671 : vector<16xf32>
        %add3A_674 = arith.addf %add3A_598, %mul3A_673 : vector<16xf32>
        %get3A_675 = arith.constant 0 : i32
        %get3A_676 = arith.index_cast %get3A_675 : i32 to index
        %get3A_677 = arith.index_cast %add3A_650 : i32 to index
        %get3A_678 = arith.constant 48 : index
        %get3A_679 = tpu.vector_load %arg9[%get3A_676, %get3A_677, %get3A_678] {strides = array<i32>} : memref<4x64x64xf32, #tpu.memory_space<vmem>>, vector<16xf32>,
        %mul3A_680 = vector.broadcast %squeeze3A_646 : f32 to vector<16xf32>
        %mul3A_681 = arith.mulf %mul3A_680, %get3A_679 : vector<16xf32>
        %add3A_682 = arith.addf %add3A_606, %mul3A_681 : vector<16xf32>
        %slice3A_683 = vector.extract_strided_slice %gather3A {offsets = [8], sizes = [1], strides = [1]} : vector<16xf32> to vector<1xf32>
        %squeeze3A_684 = vector.extract %slice3A_683[0] : f32 from vector<1xf32>
        %mul3A_685 = arith.constant 16 : i32
        %mul3A_686 = arith.muli %add3A_362, %mul3A_685 : i32
        %add3A_687 = arith.constant 8 : i32
        %add3A_688 = arith.addi %mul3A_686, %add3A_687 : i32
        %get3A_689 = arith.constant 0 : i32
        %get3A_690 = arith.index_cast %get3A_689 : i32 to index
        %get3A_691 = arith.index_cast %add3A_688 : i32 to index
        %get3A_692 = arith.constant 0 : index
        %get3A_693 = tpu.vector_load %arg9[%get3A_690, %get3A_691, %get3A_692] {strides = array<i32>} : memref<4x64x64xf32, #tpu.memory_space<vmem>>, vector<16xf32>,
        %mul3A_694 = vector.broadcast %squeeze3A_684 : f32 to vector<16xf32>
        %mul3A_695 = arith.mulf %mul3A_694, %get3A_693 : vector<16xf32>
        %add3A_696 = arith.addf %add3A_620, %mul3A_695 : vector<16xf32>
        %get3A_697 = arith.constant 0 : i32
        %get3A_698 = arith.index_cast %get3A_697 : i32 to index
        %get3A_699 = arith.index_cast %add3A_688 : i32 to index
        %get3A_700 = arith.constant 16 : index
        %get3A_701 = tpu.vector_load %arg9[%get3A_698, %get3A_699, %get3A_700] {strides = array<i32>} : memref<4x64x64xf32, #tpu.memory_space<vmem>>, vector<16xf32>,
        %mul3A_702 = vector.broadcast %squeeze3A_684 : f32 to vector<16xf32>
        %mul3A_703 = arith.mulf %mul3A_702, %get3A_701 : vector<16xf32>
        %add3A_704 = arith.addf %add3A_628, %mul3A_703 : vector<16xf32>
        %get3A_705 = arith.constant 0 : i32
        %get3A_706 = arith.index_cast %get3A_705 : i32 to index
        %get3A_707 = arith.index_cast %add3A_688 : i32 to index
        %get3A_708 = arith.constant 32 : index
        %get3A_709 = tpu.vector_load %arg9[%get3A_706, %get3A_707, %get3A_708] {strides = array<i32>} : memref<4x64x64xf32, #tpu.memory_space<vmem>>, vector<16xf32>,
        %mul3A_710 = vector.broadcast %squeeze3A_684 : f32 to vector<16xf32>
        %mul3A_711 = arith.mulf %mul3A_710, %get3A_709 : vector<16xf32>
        %add3A_712 = arith.addf %add3A_636, %mul3A_711 : vector<16xf32>
        %get3A_713 = arith.constant 0 : i32
        %get3A_714 = arith.index_cast %get3A_713 : i32 to index
        %get3A_715 = arith.index_cast %add3A_688 : i32 to index
        %get3A_716 = arith.constant 48 : index
        %get3A_717 = tpu.vector_load %arg9[%get3A_714, %get3A_715, %get3A_716] {strides = array<i32>} : memref<4x64x64xf32, #tpu.memory_space<vmem>>, vector<16xf32>,
        %mul3A_718 = vector.broadcast %squeeze3A_684 : f32 to vector<16xf32>
        %mul3A_719 = arith.mulf %mul3A_718, %get3A_717 : vector<16xf32>
        %add3A_720 = arith.addf %add3A_644, %mul3A_719 : vector<16xf32>
        %slice3A_721 = vector.extract_strided_slice %gather3A {offsets = [9], sizes = [1], strides = [1]} : vector<16xf32> to vector<1xf32>
        %squeeze3A_722 = vector.extract %slice3A_721[0] : f32 from vector<1xf32>
        %mul3A_723 = arith.constant 16 : i32
        %mul3A_724 = arith.muli %add3A_362, %mul3A_723 : i32
        %add3A_725 = arith.constant 9 : i32
        %add3A_726 = arith.addi %mul3A_724, %add3A_725 : i32
        %get3A_727 = arith.constant 0 : i32
        %get3A_728 = arith.index_cast %get3A_727 : i32 to index
        %get3A_729 = arith.index_cast %add3A_726 : i32 to index
        %get3A_730 = arith.constant 0 : index
        %get3A_731 = tpu.vector_load %arg9[%get3A_728, %get3A_729, %get3A_730] {strides = array<i32>} : memref<4x64x64xf32, #tpu.memory_space<vmem>>, vector<16xf32>,
        %mul3A_732 = vector.broadcast %squeeze3A_722 : f32 to vector<16xf32>
        %mul3A_733 = arith.mulf %mul3A_732, %get3A_731 : vector<16xf32>
        %add3A_734 = arith.addf %add3A_658, %mul3A_733 : vector<16xf32>
        %get3A_735 = arith.constant 0 : i32
        %get3A_736 = arith.index_cast %get3A_735 : i32 to index
        %get3A_737 = arith.index_cast %add3A_726 : i32 to index
        %get3A_738 = arith.constant 16 : index
        %get3A_739 = tpu.vector_load %arg9[%get3A_736, %get3A_737, %get3A_738] {strides = array<i32>} : memref<4x64x64xf32, #tpu.memory_space<vmem>>, vector<16xf32>,
        %mul3A_740 = vector.broadcast %squeeze3A_722 : f32 to vector<16xf32>
        %mul3A_741 = arith.mulf %mul3A_740, %get3A_739 : vector<16xf32>
        %add3A_742 = arith.addf %add3A_666, %mul3A_741 : vector<16xf32>
        %get3A_743 = arith.constant 0 : i32
        %get3A_744 = arith.index_cast %get3A_743 : i32 to index
        %get3A_745 = arith.index_cast %add3A_726 : i32 to index
        %get3A_746 = arith.constant 32 : index
        %get3A_747 = tpu.vector_load %arg9[%get3A_744, %get3A_745, %get3A_746] {strides = array<i32>} : memref<4x64x64xf32, #tpu.memory_space<vmem>>, vector<16xf32>,
        %mul3A_748 = vector.broadcast %squeeze3A_722 : f32 to vector<16xf32>
        %mul3A_749 = arith.mulf %mul3A_748, %get3A_747 : vector<16xf32>
        %add3A_750 = arith.addf %add3A_674, %mul3A_749 : vector<16xf32>
        %get3A_751 = arith.constant 0 : i32
        %get3A_752 = arith.index_cast %get3A_751 : i32 to index
        %get3A_753 = arith.index_cast %add3A_726 : i32 to index
        %get3A_754 = arith.constant 48 : index
        %get3A_755 = tpu.vector_load %arg9[%get3A_752, %get3A_753, %get3A_754] {strides = array<i32>} : memref<4x64x64xf32, #tpu.memory_space<vmem>>, vector<16xf32>,
        %mul3A_756 = vector.broadcast %squeeze3A_722 : f32 to vector<16xf32>
        %mul3A_757 = arith.mulf %mul3A_756, %get3A_755 : vector<16xf32>
        %add3A_758 = arith.addf %add3A_682, %mul3A_757 : vector<16xf32>
        %slice3A_759 = vector.extract_strided_slice %gather3A {offsets = [10], sizes = [1], strides = [1]} : vector<16xf32> to vector<1xf32>
        %squeeze3A_760 = vector.extract %slice3A_759[0] : f32 from vector<1xf32>
        %mul3A_761 = arith.constant 16 : i32
        %mul3A_762 = arith.muli %add3A_362, %mul3A_761 : i32
        %add3A_763 = arith.constant 10 : i32
        %add3A_764 = arith.addi %mul3A_762, %add3A_763 : i32
        %get3A_765 = arith.constant 0 : i32
        %get3A_766 = arith.index_cast %get3A_765 : i32 to index
        %get3A_767 = arith.index_cast %add3A_764 : i32 to index
        %get3A_768 = arith.constant 0 : index
        %get3A_769 = tpu.vector_load %arg9[%get3A_766, %get3A_767, %get3A_768] {strides = array<i32>} : memref<4x64x64xf32, #tpu.memory_space<vmem>>, vector<16xf32>,
        %mul3A_770 = vector.broadcast %squeeze3A_760 : f32 to vector<16xf32>
        %mul3A_771 = arith.mulf %mul3A_770, %get3A_769 : vector<16xf32>
        %add3A_772 = arith.addf %add3A_696, %mul3A_771 : vector<16xf32>
        %get3A_773 = arith.constant 0 : i32
        %get3A_774 = arith.index_cast %get3A_773 : i32 to index
        %get3A_775 = arith.index_cast %add3A_764 : i32 to index
        %get3A_776 = arith.constant 16 : index
        %get3A_777 = tpu.vector_load %arg9[%get3A_774, %get3A_775, %get3A_776] {strides = array<i32>} : memref<4x64x64xf32, #tpu.memory_space<vmem>>, vector<16xf32>,
        %mul3A_778 = vector.broadcast %squeeze3A_760 : f32 to vector<16xf32>
        %mul3A_779 = arith.mulf %mul3A_778, %get3A_777 : vector<16xf32>
        %add3A_780 = arith.addf %add3A_704, %mul3A_779 : vector<16xf32>
        %get3A_781 = arith.constant 0 : i32
        %get3A_782 = arith.index_cast %get3A_781 : i32 to index
        %get3A_783 = arith.index_cast %add3A_764 : i32 to index
        %get3A_784 = arith.constant 32 : index
        %get3A_785 = tpu.vector_load %arg9[%get3A_782, %get3A_783, %get3A_784] {strides = array<i32>} : memref<4x64x64xf32, #tpu.memory_space<vmem>>, vector<16xf32>,
        %mul3A_786 = vector.broadcast %squeeze3A_760 : f32 to vector<16xf32>
        %mul3A_787 = arith.mulf %mul3A_786, %get3A_785 : vector<16xf32>
        %add3A_788 = arith.addf %add3A_712, %mul3A_787 : vector<16xf32>
        %get3A_789 = arith.constant 0 : i32
        %get3A_790 = arith.index_cast %get3A_789 : i32 to index
        %get3A_791 = arith.index_cast %add3A_764 : i32 to index
        %get3A_792 = arith.constant 48 : index
        %get3A_793 = tpu.vector_load %arg9[%get3A_790, %get3A_791, %get3A_792] {strides = array<i32>} : memref<4x64x64xf32, #tpu.memory_space<vmem>>, vector<16xf32>,
        %mul3A_794 = vector.broadcast %squeeze3A_760 : f32 to vector<16xf32>
        %mul3A_795 = arith.mulf %mul3A_794, %get3A_793 : vector<16xf32>
        %add3A_796 = arith.addf %add3A_720, %mul3A_795 : vector<16xf32>
        %slice3A_797 = vector.extract_strided_slice %gather3A {offsets = [11], sizes = [1], strides = [1]} : vector<16xf32> to vector<1xf32>
        %squeeze3A_798 = vector.extract %slice3A_797[0] : f32 from vector<1xf32>
        %mul3A_799 = arith.constant 16 : i32
        %mul3A_800 = arith.muli %add3A_362, %mul3A_799 : i32
        %add3A_801 = arith.constant 11 : i32
        %add3A_802 = arith.addi %mul3A_800, %add3A_801 : i32
        %get3A_803 = arith.constant 0 : i32
        %get3A_804 = arith.index_cast %get3A_803 : i32 to index
        %get3A_805 = arith.index_cast %add3A_802 : i32 to index
        %get3A_806 = arith.constant 0 : index
        %get3A_807 = tpu.vector_load %arg9[%get3A_804, %get3A_805, %get3A_806] {strides = array<i32>} : memref<4x64x64xf32, #tpu.memory_space<vmem>>, vector<16xf32>,
        %mul3A_808 = vector.broadcast %squeeze3A_798 : f32 to vector<16xf32>
        %mul3A_809 = arith.mulf %mul3A_808, %get3A_807 : vector<16xf32>
        %add3A_810 = arith.addf %add3A_734, %mul3A_809 : vector<16xf32>
        %get3A_811 = arith.constant 0 : i32
        %get3A_812 = arith.index_cast %get3A_811 : i32 to index
        %get3A_813 = arith.index_cast %add3A_802 : i32 to index
        %get3A_814 = arith.constant 16 : index
        %get3A_815 = tpu.vector_load %arg9[%get3A_812, %get3A_813, %get3A_814] {strides = array<i32>} : memref<4x64x64xf32, #tpu.memory_space<vmem>>, vector<16xf32>,
        %mul3A_816 = vector.broadcast %squeeze3A_798 : f32 to vector<16xf32>
        %mul3A_817 = arith.mulf %mul3A_816, %get3A_815 : vector<16xf32>
        %add3A_818 = arith.addf %add3A_742, %mul3A_817 : vector<16xf32>
        %get3A_819 = arith.constant 0 : i32
        %get3A_820 = arith.index_cast %get3A_819 : i32 to index
        %get3A_821 = arith.index_cast %add3A_802 : i32 to index
        %get3A_822 = arith.constant 32 : index
        %get3A_823 = tpu.vector_load %arg9[%get3A_820, %get3A_821, %get3A_822] {strides = array<i32>} : memref<4x64x64xf32, #tpu.memory_space<vmem>>, vector<16xf32>,
        %mul3A_824 = vector.broadcast %squeeze3A_798 : f32 to vector<16xf32>
        %mul3A_825 = arith.mulf %mul3A_824, %get3A_823 : vector<16xf32>
        %add3A_826 = arith.addf %add3A_750, %mul3A_825 : vector<16xf32>
        %get3A_827 = arith.constant 0 : i32
        %get3A_828 = arith.index_cast %get3A_827 : i32 to index
        %get3A_829 = arith.index_cast %add3A_802 : i32 to index
        %get3A_830 = arith.constant 48 : index
        %get3A_831 = tpu.vector_load %arg9[%get3A_828, %get3A_829, %get3A_830] {strides = array<i32>} : memref<4x64x64xf32, #tpu.memory_space<vmem>>, vector<16xf32>,
        %mul3A_832 = vector.broadcast %squeeze3A_798 : f32 to vector<16xf32>
        %mul3A_833 = arith.mulf %mul3A_832, %get3A_831 : vector<16xf32>
        %add3A_834 = arith.addf %add3A_758, %mul3A_833 : vector<16xf32>
        %slice3A_835 = vector.extract_strided_slice %gather3A {offsets = [12], sizes = [1], strides = [1]} : vector<16xf32> to vector<1xf32>
        %squeeze3A_836 = vector.extract %slice3A_835[0] : f32 from vector<1xf32>
        %mul3A_837 = arith.constant 16 : i32
        %mul3A_838 = arith.muli %add3A_362, %mul3A_837 : i32
        %add3A_839 = arith.constant 12 : i32
        %add3A_840 = arith.addi %mul3A_838, %add3A_839 : i32
        %get3A_841 = arith.constant 0 : i32
        %get3A_842 = arith.index_cast %get3A_841 : i32 to index
        %get3A_843 = arith.index_cast %add3A_840 : i32 to index
        %get3A_844 = arith.constant 0 : index
        %get3A_845 = tpu.vector_load %arg9[%get3A_842, %get3A_843, %get3A_844] {strides = array<i32>} : memref<4x64x64xf32, #tpu.memory_space<vmem>>, vector<16xf32>,
        %mul3A_846 = vector.broadcast %squeeze3A_836 : f32 to vector<16xf32>
        %mul3A_847 = arith.mulf %mul3A_846, %get3A_845 : vector<16xf32>
        %add3A_848 = arith.addf %add3A_772, %mul3A_847 : vector<16xf32>
        %get3A_849 = arith.constant 0 : i32
        %get3A_850 = arith.index_cast %get3A_849 : i32 to index
        %get3A_851 = arith.index_cast %add3A_840 : i32 to index
        %get3A_852 = arith.constant 16 : index
        %get3A_853 = tpu.vector_load %arg9[%get3A_850, %get3A_851, %get3A_852] {strides = array<i32>} : memref<4x64x64xf32, #tpu.memory_space<vmem>>, vector<16xf32>,
        %mul3A_854 = vector.broadcast %squeeze3A_836 : f32 to vector<16xf32>
        %mul3A_855 = arith.mulf %mul3A_854, %get3A_853 : vector<16xf32>
        %add3A_856 = arith.addf %add3A_780, %mul3A_855 : vector<16xf32>
        %get3A_857 = arith.constant 0 : i32
        %get3A_858 = arith.index_cast %get3A_857 : i32 to index
        %get3A_859 = arith.index_cast %add3A_840 : i32 to index
        %get3A_860 = arith.constant 32 : index
        %get3A_861 = tpu.vector_load %arg9[%get3A_858, %get3A_859, %get3A_860] {strides = array<i32>} : memref<4x64x64xf32, #tpu.memory_space<vmem>>, vector<16xf32>,
        %mul3A_862 = vector.broadcast %squeeze3A_836 : f32 to vector<16xf32>
        %mul3A_863 = arith.mulf %mul3A_862, %get3A_861 : vector<16xf32>
        %add3A_864 = arith.addf %add3A_788, %mul3A_863 : vector<16xf32>
        %get3A_865 = arith.constant 0 : i32
        %get3A_866 = arith.index_cast %get3A_865 : i32 to index
        %get3A_867 = arith.index_cast %add3A_840 : i32 to index
        %get3A_868 = arith.constant 48 : index
        %get3A_869 = tpu.vector_load %arg9[%get3A_866, %get3A_867, %get3A_868] {strides = array<i32>} : memref<4x64x64xf32, #tpu.memory_space<vmem>>, vector<16xf32>,
        %mul3A_870 = vector.broadcast %squeeze3A_836 : f32 to vector<16xf32>
        %mul3A_871 = arith.mulf %mul3A_870, %get3A_869 : vector<16xf32>
        %add3A_872 = arith.addf %add3A_796, %mul3A_871 : vector<16xf32>
        %slice3A_873 = vector.extract_strided_slice %gather3A {offsets = [13], sizes = [1], strides = [1]} : vector<16xf32> to vector<1xf32>
        %squeeze3A_874 = vector.extract %slice3A_873[0] : f32 from vector<1xf32>
        %mul3A_875 = arith.constant 16 : i32
        %mul3A_876 = arith.muli %add3A_362, %mul3A_875 : i32
        %add3A_877 = arith.constant 13 : i32
        %add3A_878 = arith.addi %mul3A_876, %add3A_877 : i32
        %get3A_879 = arith.constant 0 : i32
        %get3A_880 = arith.index_cast %get3A_879 : i32 to index
        %get3A_881 = arith.index_cast %add3A_878 : i32 to index
        %get3A_882 = arith.constant 0 : index
        %get3A_883 = tpu.vector_load %arg9[%get3A_880, %get3A_881, %get3A_882] {strides = array<i32>} : memref<4x64x64xf32, #tpu.memory_space<vmem>>, vector<16xf32>,
        %mul3A_884 = vector.broadcast %squeeze3A_874 : f32 to vector<16xf32>
        %mul3A_885 = arith.mulf %mul3A_884, %get3A_883 : vector<16xf32>
        %add3A_886 = arith.addf %add3A_810, %mul3A_885 : vector<16xf32>
        %get3A_887 = arith.constant 0 : i32
        %get3A_888 = arith.index_cast %get3A_887 : i32 to index
        %get3A_889 = arith.index_cast %add3A_878 : i32 to index
        %get3A_890 = arith.constant 16 : index
        %get3A_891 = tpu.vector_load %arg9[%get3A_888, %get3A_889, %get3A_890] {strides = array<i32>} : memref<4x64x64xf32, #tpu.memory_space<vmem>>, vector<16xf32>,
        %mul3A_892 = vector.broadcast %squeeze3A_874 : f32 to vector<16xf32>
        %mul3A_893 = arith.mulf %mul3A_892, %get3A_891 : vector<16xf32>
        %add3A_894 = arith.addf %add3A_818, %mul3A_893 : vector<16xf32>
        %get3A_895 = arith.constant 0 : i32
        %get3A_896 = arith.index_cast %get3A_895 : i32 to index
        %get3A_897 = arith.index_cast %add3A_878 : i32 to index
        %get3A_898 = arith.constant 32 : index
        %get3A_899 = tpu.vector_load %arg9[%get3A_896, %get3A_897, %get3A_898] {strides = array<i32>} : memref<4x64x64xf32, #tpu.memory_space<vmem>>, vector<16xf32>,
        %mul3A_900 = vector.broadcast %squeeze3A_874 : f32 to vector<16xf32>
        %mul3A_901 = arith.mulf %mul3A_900, %get3A_899 : vector<16xf32>
        %add3A_902 = arith.addf %add3A_826, %mul3A_901 : vector<16xf32>
        %get3A_903 = arith.constant 0 : i32
        %get3A_904 = arith.index_cast %get3A_903 : i32 to index
        %get3A_905 = arith.index_cast %add3A_878 : i32 to index
        %get3A_906 = arith.constant 48 : index
        %get3A_907 = tpu.vector_load %arg9[%get3A_904, %get3A_905, %get3A_906] {strides = array<i32>} : memref<4x64x64xf32, #tpu.memory_space<vmem>>, vector<16xf32>,
        %mul3A_908 = vector.broadcast %squeeze3A_874 : f32 to vector<16xf32>
        %mul3A_909 = arith.mulf %mul3A_908, %get3A_907 : vector<16xf32>
        %add3A_910 = arith.addf %add3A_834, %mul3A_909 : vector<16xf32>
        %slice3A_911 = vector.extract_strided_slice %gather3A {offsets = [14], sizes = [1], strides = [1]} : vector<16xf32> to vector<1xf32>
        %squeeze3A_912 = vector.extract %slice3A_911[0] : f32 from vector<1xf32>
        %mul3A_913 = arith.constant 16 : i32
        %mul3A_914 = arith.muli %add3A_362, %mul3A_913 : i32
        %add3A_915 = arith.constant 14 : i32
        %add3A_916 = arith.addi %mul3A_914, %add3A_915 : i32
        %get3A_917 = arith.constant 0 : i32
        %get3A_918 = arith.index_cast %get3A_917 : i32 to index
        %get3A_919 = arith.index_cast %add3A_916 : i32 to index
        %get3A_920 = arith.constant 0 : index
        %get3A_921 = tpu.vector_load %arg9[%get3A_918, %get3A_919, %get3A_920] {strides = array<i32>} : memref<4x64x64xf32, #tpu.memory_space<vmem>>, vector<16xf32>,
        %mul3A_922 = vector.broadcast %squeeze3A_912 : f32 to vector<16xf32>
        %mul3A_923 = arith.mulf %mul3A_922, %get3A_921 : vector<16xf32>
        %add3A_924 = arith.addf %add3A_848, %mul3A_923 : vector<16xf32>
        %get3A_925 = arith.constant 0 : i32
        %get3A_926 = arith.index_cast %get3A_925 : i32 to index
        %get3A_927 = arith.index_cast %add3A_916 : i32 to index
        %get3A_928 = arith.constant 16 : index
        %get3A_929 = tpu.vector_load %arg9[%get3A_926, %get3A_927, %get3A_928] {strides = array<i32>} : memref<4x64x64xf32, #tpu.memory_space<vmem>>, vector<16xf32>,
        %mul3A_930 = vector.broadcast %squeeze3A_912 : f32 to vector<16xf32>
        %mul3A_931 = arith.mulf %mul3A_930, %get3A_929 : vector<16xf32>
        %add3A_932 = arith.addf %add3A_856, %mul3A_931 : vector<16xf32>
        %get3A_933 = arith.constant 0 : i32
        %get3A_934 = arith.index_cast %get3A_933 : i32 to index
        %get3A_935 = arith.index_cast %add3A_916 : i32 to index
        %get3A_936 = arith.constant 32 : index
        %get3A_937 = tpu.vector_load %arg9[%get3A_934, %get3A_935, %get3A_936] {strides = array<i32>} : memref<4x64x64xf32, #tpu.memory_space<vmem>>, vector<16xf32>,
        %mul3A_938 = vector.broadcast %squeeze3A_912 : f32 to vector<16xf32>
        %mul3A_939 = arith.mulf %mul3A_938, %get3A_937 : vector<16xf32>
        %add3A_940 = arith.addf %add3A_864, %mul3A_939 : vector<16xf32>
        %get3A_941 = arith.constant 0 : i32
        %get3A_942 = arith.index_cast %get3A_941 : i32 to index
        %get3A_943 = arith.index_cast %add3A_916 : i32 to index
        %get3A_944 = arith.constant 48 : index
        %get3A_945 = tpu.vector_load %arg9[%get3A_942, %get3A_943, %get3A_944] {strides = array<i32>} : memref<4x64x64xf32, #tpu.memory_space<vmem>>, vector<16xf32>,
        %mul3A_946 = vector.broadcast %squeeze3A_912 : f32 to vector<16xf32>
        %mul3A_947 = arith.mulf %mul3A_946, %get3A_945 : vector<16xf32>
        %add3A_948 = arith.addf %add3A_872, %mul3A_947 : vector<16xf32>
        %slice3A_949 = vector.extract_strided_slice %gather3A {offsets = [15], sizes = [1], strides = [1]} : vector<16xf32> to vector<1xf32>
        %squeeze3A_950 = vector.extract %slice3A_949[0] : f32 from vector<1xf32>
        %mul3A_951 = arith.constant 16 : i32
        %mul3A_952 = arith.muli %add3A_362, %mul3A_951 : i32
        %add3A_953 = arith.constant 15 : i32
        %add3A_954 = arith.addi %mul3A_952, %add3A_953 : i32
        %get3A_955 = arith.constant 0 : i32
        %get3A_956 = arith.index_cast %get3A_955 : i32 to index
        %get3A_957 = arith.index_cast %add3A_954 : i32 to index
        %get3A_958 = arith.constant 0 : index
        %get3A_959 = tpu.vector_load %arg9[%get3A_956, %get3A_957, %get3A_958] {strides = array<i32>} : memref<4x64x64xf32, #tpu.memory_space<vmem>>, vector<16xf32>,
        %mul3A_960 = vector.broadcast %squeeze3A_950 : f32 to vector<16xf32>
        %mul3A_961 = arith.mulf %mul3A_960, %get3A_959 : vector<16xf32>
        %add3A_962 = arith.addf %add3A_886, %mul3A_961 : vector<16xf32>
        %get3A_963 = arith.constant 0 : i32
        %get3A_964 = arith.index_cast %get3A_963 : i32 to index
        %get3A_965 = arith.index_cast %add3A_954 : i32 to index
        %get3A_966 = arith.constant 16 : index
        %get3A_967 = tpu.vector_load %arg9[%get3A_964, %get3A_965, %get3A_966] {strides = array<i32>} : memref<4x64x64xf32, #tpu.memory_space<vmem>>, vector<16xf32>,
        %mul3A_968 = vector.broadcast %squeeze3A_950 : f32 to vector<16xf32>
        %mul3A_969 = arith.mulf %mul3A_968, %get3A_967 : vector<16xf32>
        %add3A_970 = arith.addf %add3A_894, %mul3A_969 : vector<16xf32>
        %get3A_971 = arith.constant 0 : i32
        %get3A_972 = arith.index_cast %get3A_971 : i32 to index
        %get3A_973 = arith.index_cast %add3A_954 : i32 to index
        %get3A_974 = arith.constant 32 : index
        %get3A_975 = tpu.vector_load %arg9[%get3A_972, %get3A_973, %get3A_974] {strides = array<i32>} : memref<4x64x64xf32, #tpu.memory_space<vmem>>, vector<16xf32>,
        %mul3A_976 = vector.broadcast %squeeze3A_950 : f32 to vector<16xf32>
        %mul3A_977 = arith.mulf %mul3A_976, %get3A_975 : vector<16xf32>
        %add3A_978 = arith.addf %add3A_902, %mul3A_977 : vector<16xf32>
        %get3A_979 = arith.constant 0 : i32
        %get3A_980 = arith.index_cast %get3A_979 : i32 to index
        %get3A_981 = arith.index_cast %add3A_954 : i32 to index
        %get3A_982 = arith.constant 48 : index
        %get3A_983 = tpu.vector_load %arg9[%get3A_980, %get3A_981, %get3A_982] {strides = array<i32>} : memref<4x64x64xf32, #tpu.memory_space<vmem>>, vector<16xf32>,
        %mul3A_984 = vector.broadcast %squeeze3A_950 : f32 to vector<16xf32>
        %mul3A_985 = arith.mulf %mul3A_984, %get3A_983 : vector<16xf32>
        %add3A_986 = arith.addf %add3A_910, %mul3A_985 : vector<16xf32>
        %broadcast_in_dim3A_987 = vector.broadcast %add3A_365 : i32 to vector<16xi32>
        %add3A_988 = arith.addf %add3A_924, %add3A_962 : vector<16xf32>
        tpu.vector_store_idx %arg10[%add3A_43, %broadcast_in_dim3A_987], %add3A_988 : memref<64x1025xf32, #tpu.memory_space<vmem>>[vector<16xi32>, vector<16xi32>], vector<16xf32>,
        %add3A_989 = arith.addf %add3A_932, %add3A_970 : vector<16xf32>
        tpu.vector_store_idx %arg10[%add3A_46, %broadcast_in_dim3A_987], %add3A_989 : memref<64x1025xf32, #tpu.memory_space<vmem>>[vector<16xi32>, vector<16xi32>], vector<16xf32>,
        %add3A_990 = arith.addf %add3A_940, %add3A_978 : vector<16xf32>
        tpu.vector_store_idx %arg10[%add3A_49, %broadcast_in_dim3A_987], %add3A_990 : memref<64x1025xf32, #tpu.memory_space<vmem>>[vector<16xi32>, vector<16xi32>], vector<16xf32>,
        %add3A_991 = arith.addf %add3A_948, %add3A_986 : vector<16xf32>
        tpu.vector_store_idx %arg10[%add3A_52, %broadcast_in_dim3A_987], %add3A_991 : memref<64x1025xf32, #tpu.memory_space<vmem>>[vector<16xi32>, vector<16xi32>], vector<16xf32>,
      }
      %scan3A_274 = arith.constant 4 : i32
      %add3A_275 = arith.constant 4 : i32
      %add3A_276 = arith.addi %add3A_257, %add3A_275 : i32
      %lt3A_277 = arith.constant 256 : i32
      %lt3A_278 = arith.cmpi slt, %add3A_276, %lt3A_277 : i32
      %convert_element_type3A = arith.extui %lt3A_278 : i1 to i32
      %cond3A = arith.constant 0 : i32
      %cond3A_279 = arith.cmpi ne, %convert_element_type3A, %cond3A : i32
      scf.if %cond3A_279 {
        %scan3A_358 = arith.constant 0 : i32
        %scan3A_359 = arith.constant 4 : i32
        %scan3A_360 = arith.addi %scan3A_358, %scan3A_359 : i32
        %scan3A_361 = arith.constant 1 : i32
        scf.for %scan3A_375 = %scan3A_358 to %scan3A_360 step %scan3A_361  : i32 {
          %mul3A_376 = arith.constant 1 : i32
          %mul3A_377 = arith.muli %scan3A_375, %mul3A_376 : i32
          %add3A_378 = arith.constant 0 : i32
          %add3A_379 = arith.addi %add3A_378, %mul3A_377 : i32
          %mul3A_380 = arith.constant 4 : i32
          %mul3A_381 = arith.muli %add3A_276, %mul3A_380 : i32
          %add3A_382 = arith.addi %mul3A_381, %add3A_379 : i32
          %broadcast_in_dim3A = vector.broadcast %add3A_382 : i32 to vector<16xi32>
          %gather3A = tpu.vector_load_idx %arg7[%broadcast_in_dim3A, %mul3A_35] : memref<1024x32xf32, #tpu.memory_space<vmem>>[vector<16xi32>, vector<16xi32>], vector<16xf32>,
          %convert_element_type3A_383 = arith.fptosi %gather3A : vector<16xf32> to vector<16xi32>
          %add3A_384 = vector.broadcast %mul3A_40 : i32 to vector<16xi32>
          %add3A_385 = arith.addi %convert_element_type3A_383, %add3A_384 : vector<16xi32>
          %mul3A_386 = arith.constant 16 : i32
          %mul3A_387 = arith.muli %add3A_379, %mul3A_386 : i32
          %swap3A = arith.constant 0 : i32
          %swap3A_388 = arith.index_cast %swap3A : i32 to index
          %swap3A_389 = arith.index_cast %mul3A_387 : i32 to index
          %swap3A_390 = tpu.vector_load %arg8[%swap3A_388, %swap3A_389] {strides = array<i32>} : memref<4x64xi32, #tpu.memory_space<vmem>>, vector<16xi32>,
          tpu.vector_store %arg8[%swap3A_388, %swap3A_389], %add3A_385 {strides = array<i32>} : memref<4x64xi32, #tpu.memory_space<vmem>>, vector<16xi32>,
        }
        %scan3A_362 = arith.constant 4 : i32
        %dma_start3A_363 = arith.constant 0 : i32
        %dma_start3A_364 = arith.constant 0 : i32
        %dma_start3A_365 = arith.constant 0 : i32
        %dma_start3A_366 = arith.constant 0 : i32
        %dma_start3A_367 = tpu.memref_slice %arg9[%dma_start3A_364, %dma_start3A_365, %dma_start3A_366] : memref<4x64x64xf32, #tpu.memory_space<vmem>> -> memref<1x64x64xf32, #tpu.memory_space<vmem>>
        %dma_start3A_368 = tpu.memref_squeeze %dma_start3A_367 : memref<1x64x64xf32, #tpu.memory_space<vmem>> -> memref<64x64xf32, #tpu.memory_space<vmem>>
        %dma_start3A_369 = arith.constant 0 : i32
        %dma_start3A_370 = tpu.memref_slice %arg8[%dma_start3A_363, %dma_start3A_369] : memref<4x64xi32, #tpu.memory_space<vmem>> -> memref<1x64xi32, #tpu.memory_space<vmem>>
        %dma_start3A_371 = tpu.memref_squeeze %dma_start3A_370 : memref<1x64xi32, #tpu.memory_space<vmem>> -> memref<64xi32, #tpu.memory_space<vmem>>
        %dma_start3A_372 = arith.constant 0 : i32
        %dma_start3A_373 = arith.constant 0 : i32
        %dma_start3A_374 = tpu.memref_slice %arg2[%dma_start3A_372, %dma_start3A_373] : memref<65536x64xf32, #tpu.memory_space<hbm>> -> memref<65536x64xf32, #tpu.memory_space<hbm>>
        tpu.enqueue_indirect_dma source(%dma_start3A_374 : memref<65536x64xf32, #tpu.memory_space<hbm>>) target(%dma_start3A_368 : memref<64x64xf32, #tpu.memory_space<vmem>>) offsets(%dma_start3A_371 : memref<64xi32, #tpu.memory_space<vmem>>) semaphore(%arg12 : memref<!tpu.dma_semaphore, #tpu.memory_space<semaphore_mem>>)
      } else {
      }
      %add3A_280 = arith.constant 1 : i32
      %add3A_281 = arith.addi %add3A_255, %add3A_280 : i32
      %dma_wait3A_282 = arith.constant 1 : i32
      %dma_wait3A_283 = arith.constant 1 : i32
      %dma_wait3A_284 = arith.constant 0 : i32
      %dma_wait3A_285 = arith.constant 0 : i32
      %dma_wait3A_286 = tpu.memref_slice %arg9[%dma_wait3A_283, %dma_wait3A_284, %dma_wait3A_285] : memref<4x64x64xf32, #tpu.memory_space<vmem>> -> memref<1x64x64xf32, #tpu.memory_space<vmem>>
      %dma_wait3A_287 = tpu.memref_squeeze %dma_wait3A_286 : memref<1x64x64xf32, #tpu.memory_space<vmem>> -> memref<64x64xf32, #tpu.memory_space<vmem>>
      %dma_wait3A_288 = arith.constant 0 : i32
      %dma_wait3A_289 = tpu.memref_slice %arg8[%dma_wait3A_282, %dma_wait3A_288] : memref<4x64xi32, #tpu.memory_space<vmem>> -> memref<1x64xi32, #tpu.memory_space<vmem>>
      %dma_wait3A_290 = tpu.memref_squeeze %dma_wait3A_289 : memref<1x64xi32, #tpu.memory_space<vmem>> -> memref<64xi32, #tpu.memory_space<vmem>>
      %dma_wait3A_291 = arith.constant 0 : i32
      %dma_wait3A_292 = arith.constant 0 : i32
      %dma_wait3A_293 = tpu.memref_slice %arg2[%dma_wait3A_291, %dma_wait3A_292] : memref<65536x64xf32, #tpu.memory_space<hbm>> -> memref<65536x64xf32, #tpu.memory_space<hbm>>
      tpu.wait_indirect_dma semaphore(%arg13 : memref<!tpu.dma_semaphore, #tpu.memory_space<semaphore_mem>>) src(%dma_wait3A_293 : memref<65536x64xf32, #tpu.memory_space<hbm>>) dst(%dma_wait3A_287 : memref<64x64xf32, #tpu.memory_space<vmem>>)
      %scan3A_294 = arith.constant 0 : i32
      %scan3A_295 = arith.constant 4 : i32
      %scan3A_296 = arith.addi %scan3A_294, %scan3A_295 : i32
      %scan3A_297 = arith.constant 1 : i32
      scf.for %scan3A_358 = %scan3A_294 to %scan3A_296 step %scan3A_297  : i32 {
        %mul3A_359 = arith.constant 1 : i32
        %mul3A_360 = arith.muli %scan3A_358, %mul3A_359 : i32
        %add3A_361 = arith.constant 0 : i32
        %add3A_362 = arith.addi %add3A_361, %mul3A_360 : i32
        %mul3A_363 = arith.constant 4 : i32
        %mul3A_364 = arith.muli %add3A_281, %mul3A_363 : i32
        %add3A_365 = arith.addi %mul3A_364, %add3A_362 : i32
        %broadcast_in_dim3A = vector.broadcast %add3A_365 : i32 to vector<16xi32>
        %gather3A = tpu.vector_load_idx %arg7[%broadcast_in_dim3A, %add3A_38] : memref<1024x32xf32, #tpu.memory_space<vmem>>[vector<16xi32>, vector<16xi32>], vector<16xf32>,
        %broadcast_in_dim3A_366 = arith.constant 0.000000e+00 : f32
        %broadcast_in_dim3A_367 = vector.broadcast %broadcast_in_dim3A_366 : f32 to vector<16xf32>
        %broadcast_in_dim3A_368 = arith.constant 0.000000e+00 : f32
        %broadcast_in_dim3A_369 = vector.broadcast %broadcast_in_dim3A_368 : f32 to vector<16xf32>
        %broadcast_in_dim3A_370 = arith.constant 0.000000e+00 : f32
        %broadcast_in_dim3A_371 = vector.broadcast %broadcast_in_dim3A_370 : f32 to vector<16xf32>
        %broadcast_in_dim3A_372 = arith.constant 0.000000e+00 : f32
        %broadcast_in_dim3A_373 = vector.broadcast %broadcast_in_dim3A_372 : f32 to vector<16xf32>
        %broadcast_in_dim3A_374 = arith.constant 0.000000e+00 : f32
        %broadcast_in_dim3A_375 = vector.broadcast %broadcast_in_dim3A_374 : f32 to vector<16xf32>
        %broadcast_in_dim3A_376 = arith.constant 0.000000e+00 : f32
        %broadcast_in_dim3A_377 = vector.broadcast %broadcast_in_dim3A_376 : f32 to vector<16xf32>
        %broadcast_in_dim3A_378 = arith.constant 0.000000e+00 : f32
        %broadcast_in_dim3A_379 = vector.broadcast %broadcast_in_dim3A_378 : f32 to vector<16xf32>
        %broadcast_in_dim3A_380 = arith.constant 0.000000e+00 : f32
        %broadcast_in_dim3A_381 = vector.broadcast %broadcast_in_dim3A_380 : f32 to vector<16xf32>
        %slice3A = vector.extract_strided_slice %gather3A {offsets = [0], sizes = [1], strides = [1]} : vector<16xf32> to vector<1xf32>
        %squeeze3A = vector.extract %slice3A[0] : f32 from vector<1xf32>
        %mul3A_382 = arith.constant 16 : i32
        %mul3A_383 = arith.muli %add3A_362, %mul3A_382 : i32
        %add3A_384 = arith.constant 0 : i32
        %add3A_385 = arith.addi %mul3A_383, %add3A_384 : i32
        %get3A = arith.constant 1 : i32
        %get3A_386 = arith.index_cast %get3A : i32 to index
        %get3A_387 = arith.index_cast %add3A_385 : i32 to index
        %get3A_388 = arith.constant 0 : index
        %get3A_389 = tpu.vector_load %arg9[%get3A_386, %get3A_387, %get3A_388] {strides = array<i32>} : memref<4x64x64xf32, #tpu.memory_space<vmem>>, vector<16xf32>,
        %mul3A_390 = vector.broadcast %squeeze3A : f32 to vector<16xf32>
        %mul3A_391 = arith.mulf %mul3A_390, %get3A_389 : vector<16xf32>
        %add3A_392 = arith.addf %broadcast_in_dim3A_367, %mul3A_391 : vector<16xf32>
        %get3A_393 = arith.constant 1 : i32
        %get3A_394 = arith.index_cast %get3A_393 : i32 to index
        %get3A_395 = arith.index_cast %add3A_385 : i32 to index
        %get3A_396 = arith.constant 16 : index
        %get3A_397 = tpu.vector_load %arg9[%get3A_394, %get3A_395, %get3A_396] {strides = array<i32>} : memref<4x64x64xf32, #tpu.memory_space<vmem>>, vector<16xf32>,
        %mul3A_398 = vector.broadcast %squeeze3A : f32 to vector<16xf32>
        %mul3A_399 = arith.mulf %mul3A_398, %get3A_397 : vector<16xf32>
        %add3A_400 = arith.addf %broadcast_in_dim3A_369, %mul3A_399 : vector<16xf32>
        %get3A_401 = arith.constant 1 : i32
        %get3A_402 = arith.index_cast %get3A_401 : i32 to index
        %get3A_403 = arith.index_cast %add3A_385 : i32 to index
        %get3A_404 = arith.constant 32 : index
        %get3A_405 = tpu.vector_load %arg9[%get3A_402, %get3A_403, %get3A_404] {strides = array<i32>} : memref<4x64x64xf32, #tpu.memory_space<vmem>>, vector<16xf32>,
        %mul3A_406 = vector.broadcast %squeeze3A : f32 to vector<16xf32>
        %mul3A_407 = arith.mulf %mul3A_406, %get3A_405 : vector<16xf32>
        %add3A_408 = arith.addf %broadcast_in_dim3A_371, %mul3A_407 : vector<16xf32>
        %get3A_409 = arith.constant 1 : i32
        %get3A_410 = arith.index_cast %get3A_409 : i32 to index
        %get3A_411 = arith.index_cast %add3A_385 : i32 to index
        %get3A_412 = arith.constant 48 : index
        %get3A_413 = tpu.vector_load %arg9[%get3A_410, %get3A_411, %get3A_412] {strides = array<i32>} : memref<4x64x64xf32, #tpu.memory_space<vmem>>, vector<16xf32>,
        %mul3A_414 = vector.broadcast %squeeze3A : f32 to vector<16xf32>
        %mul3A_415 = arith.mulf %mul3A_414, %get3A_413 : vector<16xf32>
        %add3A_416 = arith.addf %broadcast_in_dim3A_373, %mul3A_415 : vector<16xf32>
        %slice3A_417 = vector.extract_strided_slice %gather3A {offsets = [1], sizes = [1], strides = [1]} : vector<16xf32> to vector<1xf32>
        %squeeze3A_418 = vector.extract %slice3A_417[0] : f32 from vector<1xf32>
        %mul3A_419 = arith.constant 16 : i32
        %mul3A_420 = arith.muli %add3A_362, %mul3A_419 : i32
        %add3A_421 = arith.constant 1 : i32
        %add3A_422 = arith.addi %mul3A_420, %add3A_421 : i32
        %get3A_423 = arith.constant 1 : i32
        %get3A_424 = arith.index_cast %get3A_423 : i32 to index
        %get3A_425 = arith.index_cast %add3A_422 : i32 to index
        %get3A_426 = arith.constant 0 : index
        %get3A_427 = tpu.vector_load %arg9[%get3A_424, %get3A_425, %get3A_426] {strides = array<i32>} : memref<4x64x64xf32, #tpu.memory_space<vmem>>, vector<16xf32>,
        %mul3A_428 = vector.broadcast %squeeze3A_418 : f32 to vector<16xf32>
        %mul3A_429 = arith.mulf %mul3A_428, %get3A_427 : vector<16xf32>
        %add3A_430 = arith.addf %broadcast_in_dim3A_375, %mul3A_429 : vector<16xf32>
        %get3A_431 = arith.constant 1 : i32
        %get3A_432 = arith.index_cast %get3A_431 : i32 to index
        %get3A_433 = arith.index_cast %add3A_422 : i32 to index
        %get3A_434 = arith.constant 16 : index
        %get3A_435 = tpu.vector_load %arg9[%get3A_432, %get3A_433, %get3A_434] {strides = array<i32>} : memref<4x64x64xf32, #tpu.memory_space<vmem>>, vector<16xf32>,
        %mul3A_436 = vector.broadcast %squeeze3A_418 : f32 to vector<16xf32>
        %mul3A_437 = arith.mulf %mul3A_436, %get3A_435 : vector<16xf32>
        %add3A_438 = arith.addf %broadcast_in_dim3A_377, %mul3A_437 : vector<16xf32>
        %get3A_439 = arith.constant 1 : i32
        %get3A_440 = arith.index_cast %get3A_439 : i32 to index
        %get3A_441 = arith.index_cast %add3A_422 : i32 to index
        %get3A_442 = arith.constant 32 : index
        %get3A_443 = tpu.vector_load %arg9[%get3A_440, %get3A_441, %get3A_442] {strides = array<i32>} : memref<4x64x64xf32, #tpu.memory_space<vmem>>, vector<16xf32>,
        %mul3A_444 = vector.broadcast %squeeze3A_418 : f32 to vector<16xf32>
        %mul3A_445 = arith.mulf %mul3A_444, %get3A_443 : vector<16xf32>
        %add3A_446 = arith.addf %broadcast_in_dim3A_379, %mul3A_445 : vector<16xf32>
        %get3A_447 = arith.constant 1 : i32
        %get3A_448 = arith.index_cast %get3A_447 : i32 to index
        %get3A_449 = arith.index_cast %add3A_422 : i32 to index
        %get3A_450 = arith.constant 48 : index
        %get3A_451 = tpu.vector_load %arg9[%get3A_448, %get3A_449, %get3A_450] {strides = array<i32>} : memref<4x64x64xf32, #tpu.memory_space<vmem>>, vector<16xf32>,
        %mul3A_452 = vector.broadcast %squeeze3A_418 : f32 to vector<16xf32>
        %mul3A_453 = arith.mulf %mul3A_452, %get3A_451 : vector<16xf32>
        %add3A_454 = arith.addf %broadcast_in_dim3A_381, %mul3A_453 : vector<16xf32>
        %slice3A_455 = vector.extract_strided_slice %gather3A {offsets = [2], sizes = [1], strides = [1]} : vector<16xf32> to vector<1xf32>
        %squeeze3A_456 = vector.extract %slice3A_455[0] : f32 from vector<1xf32>
        %mul3A_457 = arith.constant 16 : i32
        %mul3A_458 = arith.muli %add3A_362, %mul3A_457 : i32
        %add3A_459 = arith.constant 2 : i32
        %add3A_460 = arith.addi %mul3A_458, %add3A_459 : i32
        %get3A_461 = arith.constant 1 : i32
        %get3A_462 = arith.index_cast %get3A_461 : i32 to index
        %get3A_463 = arith.index_cast %add3A_460 : i32 to index
        %get3A_464 = arith.constant 0 : index
        %get3A_465 = tpu.vector_load %arg9[%get3A_462, %get3A_463, %get3A_464] {strides = array<i32>} : memref<4x64x64xf32, #tpu.memory_space<vmem>>, vector<16xf32>,
        %mul3A_466 = vector.broadcast %squeeze3A_456 : f32 to vector<16xf32>
        %mul3A_467 = arith.mulf %mul3A_466, %get3A_465 : vector<16xf32>
        %add3A_468 = arith.addf %add3A_392, %mul3A_467 : vector<16xf32>
        %get3A_469 = arith.constant 1 : i32
        %get3A_470 = arith.index_cast %get3A_469 : i32 to index
        %get3A_471 = arith.index_cast %add3A_460 : i32 to index
        %get3A_472 = arith.constant 16 : index
        %get3A_473 = tpu.vector_load %arg9[%get3A_470, %get3A_471, %get3A_472] {strides = array<i32>} : memref<4x64x64xf32, #tpu.memory_space<vmem>>, vector<16xf32>,
        %mul3A_474 = vector.broadcast %squeeze3A_456 : f32 to vector<16xf32>
        %mul3A_475 = arith.mulf %mul3A_474, %get3A_473 : vector<16xf32>
        %add3A_476 = arith.addf %add3A_400, %mul3A_475 : vector<16xf32>
        %get3A_477 = arith.constant 1 : i32
        %get3A_478 = arith.index_cast %get3A_477 : i32 to index
        %get3A_479 = arith.index_cast %add3A_460 : i32 to index
        %get3A_480 = arith.constant 32 : index
        %get3A_481 = tpu.vector_load %arg9[%get3A_478, %get3A_479, %get3A_480] {strides = array<i32>} : memref<4x64x64xf32, #tpu.memory_space<vmem>>, vector<16xf32>,
        %mul3A_482 = vector.broadcast %squeeze3A_456 : f32 to vector<16xf32>
        %mul3A_483 = arith.mulf %mul3A_482, %get3A_481 : vector<16xf32>
        %add3A_484 = arith.addf %add3A_408, %mul3A_483 : vector<16xf32>
        %get3A_485 = arith.constant 1 : i32
        %get3A_486 = arith.index_cast %get3A_485 : i32 to index
        %get3A_487 = arith.index_cast %add3A_460 : i32 to index
        %get3A_488 = arith.constant 48 : index
        %get3A_489 = tpu.vector_load %arg9[%get3A_486, %get3A_487, %get3A_488] {strides = array<i32>} : memref<4x64x64xf32, #tpu.memory_space<vmem>>, vector<16xf32>,
        %mul3A_490 = vector.broadcast %squeeze3A_456 : f32 to vector<16xf32>
        %mul3A_491 = arith.mulf %mul3A_490, %get3A_489 : vector<16xf32>
        %add3A_492 = arith.addf %add3A_416, %mul3A_491 : vector<16xf32>
        %slice3A_493 = vector.extract_strided_slice %gather3A {offsets = [3], sizes = [1], strides = [1]} : vector<16xf32> to vector<1xf32>
        %squeeze3A_494 = vector.extract %slice3A_493[0] : f32 from vector<1xf32>
        %mul3A_495 = arith.constant 16 : i32
        %mul3A_496 = arith.muli %add3A_362, %mul3A_495 : i32
        %add3A_497 = arith.constant 3 : i32
        %add3A_498 = arith.addi %mul3A_496, %add3A_497 : i32
        %get3A_499 = arith.constant 1 : i32
        %get3A_500 = arith.index_cast %get3A_499 : i32 to index
        %get3A_501 = arith.index_cast %add3A_498 : i32 to index
        %get3A_502 = arith.constant 0 : index
        %get3A_503 = tpu.vector_load %arg9[%get3A_500, %get3A_501, %get3A_502] {strides = array<i32>} : memref<4x64x64xf32, #tpu.memory_space<vmem>>, vector<16xf32>,
        %mul3A_504 = vector.broadcast %squeeze3A_494 : f32 to vector<16xf32>
        %mul3A_505 = arith.mulf %mul3A_504, %get3A_503 : vector<16xf32>
        %add3A_506 = arith.addf %add3A_430, %mul3A_505 : vector<16xf32>
        %get3A_507 = arith.constant 1 : i32
        %get3A_508 = arith.index_cast %get3A_507 : i32 to index
        %get3A_509 = arith.index_cast %add3A_498 : i32 to index
        %get3A_510 = arith.constant 16 : index
        %get3A_511 = tpu.vector_load %arg9[%get3A_508, %get3A_509, %get3A_510] {strides = array<i32>} : memref<4x64x64xf32, #tpu.memory_space<vmem>>, vector<16xf32>,
        %mul3A_512 = vector.broadcast %squeeze3A_494 : f32 to vector<16xf32>
        %mul3A_513 = arith.mulf %mul3A_512, %get3A_511 : vector<16xf32>
        %add3A_514 = arith.addf %add3A_438, %mul3A_513 : vector<16xf32>
        %get3A_515 = arith.constant 1 : i32
        %get3A_516 = arith.index_cast %get3A_515 : i32 to index
        %get3A_517 = arith.index_cast %add3A_498 : i32 to index
        %get3A_518 = arith.constant 32 : index
        %get3A_519 = tpu.vector_load %arg9[%get3A_516, %get3A_517, %get3A_518] {strides = array<i32>} : memref<4x64x64xf32, #tpu.memory_space<vmem>>, vector<16xf32>,
        %mul3A_520 = vector.broadcast %squeeze3A_494 : f32 to vector<16xf32>
        %mul3A_521 = arith.mulf %mul3A_520, %get3A_519 : vector<16xf32>
        %add3A_522 = arith.addf %add3A_446, %mul3A_521 : vector<16xf32>
        %get3A_523 = arith.constant 1 : i32
        %get3A_524 = arith.index_cast %get3A_523 : i32 to index
        %get3A_525 = arith.index_cast %add3A_498 : i32 to index
        %get3A_526 = arith.constant 48 : index
        %get3A_527 = tpu.vector_load %arg9[%get3A_524, %get3A_525, %get3A_526] {strides = array<i32>} : memref<4x64x64xf32, #tpu.memory_space<vmem>>, vector<16xf32>,
        %mul3A_528 = vector.broadcast %squeeze3A_494 : f32 to vector<16xf32>
        %mul3A_529 = arith.mulf %mul3A_528, %get3A_527 : vector<16xf32>
        %add3A_530 = arith.addf %add3A_454, %mul3A_529 : vector<16xf32>
        %slice3A_531 = vector.extract_strided_slice %gather3A {offsets = [4], sizes = [1], strides = [1]} : vector<16xf32> to vector<1xf32>
        %squeeze3A_532 = vector.extract %slice3A_531[0] : f32 from vector<1xf32>
        %mul3A_533 = arith.constant 16 : i32
        %mul3A_534 = arith.muli %add3A_362, %mul3A_533 : i32
        %add3A_535 = arith.constant 4 : i32
        %add3A_536 = arith.addi %mul3A_534, %add3A_535 : i32
        %get3A_537 = arith.constant 1 : i32
        %get3A_538 = arith.index_cast %get3A_537 : i32 to index
        %get3A_539 = arith.index_cast %add3A_536 : i32 to index
        %get3A_540 = arith.constant 0 : index
        %get3A_541 = tpu.vector_load %arg9[%get3A_538, %get3A_539, %get3A_540] {strides = array<i32>} : memref<4x64x64xf32, #tpu.memory_space<vmem>>, vector<16xf32>,
        %mul3A_542 = vector.broadcast %squeeze3A_532 : f32 to vector<16xf32>
        %mul3A_543 = arith.mulf %mul3A_542, %get3A_541 : vector<16xf32>
        %add3A_544 = arith.addf %add3A_468, %mul3A_543 : vector<16xf32>
        %get3A_545 = arith.constant 1 : i32
        %get3A_546 = arith.index_cast %get3A_545 : i32 to index
        %get3A_547 = arith.index_cast %add3A_536 : i32 to index
        %get3A_548 = arith.constant 16 : index
        %get3A_549 = tpu.vector_load %arg9[%get3A_546, %get3A_547, %get3A_548] {strides = array<i32>} : memref<4x64x64xf32, #tpu.memory_space<vmem>>, vector<16xf32>,
        %mul3A_550 = vector.broadcast %squeeze3A_532 : f32 to vector<16xf32>
        %mul3A_551 = arith.mulf %mul3A_550, %get3A_549 : vector<16xf32>
        %add3A_552 = arith.addf %add3A_476, %mul3A_551 : vector<16xf32>
        %get3A_553 = arith.constant 1 : i32
        %get3A_554 = arith.index_cast %get3A_553 : i32 to index
        %get3A_555 = arith.index_cast %add3A_536 : i32 to index
        %get3A_556 = arith.constant 32 : index
        %get3A_557 = tpu.vector_load %arg9[%get3A_554, %get3A_555, %get3A_556] {strides = array<i32>} : memref<4x64x64xf32, #tpu.memory_space<vmem>>, vector<16xf32>,
        %mul3A_558 = vector.broadcast %squeeze3A_532 : f32 to vector<16xf32>
        %mul3A_559 = arith.mulf %mul3A_558, %get3A_557 : vector<16xf32>
        %add3A_560 = arith.addf %add3A_484, %mul3A_559 : vector<16xf32>
        %get3A_561 = arith.constant 1 : i32
        %get3A_562 = arith.index_cast %get3A_561 : i32 to index
        %get3A_563 = arith.index_cast %add3A_536 : i32 to index
        %get3A_564 = arith.constant 48 : index
        %get3A_565 = tpu.vector_load %arg9[%get3A_562, %get3A_563, %get3A_564] {strides = array<i32>} : memref<4x64x64xf32, #tpu.memory_space<vmem>>, vector<16xf32>,
        %mul3A_566 = vector.broadcast %squeeze3A_532 : f32 to vector<16xf32>
        %mul3A_567 = arith.mulf %mul3A_566, %get3A_565 : vector<16xf32>
        %add3A_568 = arith.addf %add3A_492, %mul3A_567 : vector<16xf32>
        %slice3A_569 = vector.extract_strided_slice %gather3A {offsets = [5], sizes = [1], strides = [1]} : vector<16xf32> to vector<1xf32>
        %squeeze3A_570 = vector.extract %slice3A_569[0] : f32 from vector<1xf32>
        %mul3A_571 = arith.constant 16 : i32
        %mul3A_572 = arith.muli %add3A_362, %mul3A_571 : i32
        %add3A_573 = arith.constant 5 : i32
        %add3A_574 = arith.addi %mul3A_572, %add3A_573 : i32
        %get3A_575 = arith.constant 1 : i32
        %get3A_576 = arith.index_cast %get3A_575 : i32 to index
        %get3A_577 = arith.index_cast %add3A_574 : i32 to index
        %get3A_578 = arith.constant 0 : index
        %get3A_579 = tpu.vector_load %arg9[%get3A_576, %get3A_577, %get3A_578] {strides = array<i32>} : memref<4x64x64xf32, #tpu.memory_space<vmem>>, vector<16xf32>,
        %mul3A_580 = vector.broadcast %squeeze3A_570 : f32 to vector<16xf32>
        %mul3A_581 = arith.mulf %mul3A_580, %get3A_579 : vector<16xf32>
        %add3A_582 = arith.addf %add3A_506, %mul3A_581 : vector<16xf32>
        %get3A_583 = arith.constant 1 : i32
        %get3A_584 = arith.index_cast %get3A_583 : i32 to index
        %get3A_585 = arith.index_cast %add3A_574 : i32 to index
        %get3A_586 = arith.constant 16 : index
        %get3A_587 = tpu.vector_load %arg9[%get3A_584, %get3A_585, %get3A_586] {strides = array<i32>} : memref<4x64x64xf32, #tpu.memory_space<vmem>>, vector<16xf32>,
        %mul3A_588 = vector.broadcast %squeeze3A_570 : f32 to vector<16xf32>
        %mul3A_589 = arith.mulf %mul3A_588, %get3A_587 : vector<16xf32>
        %add3A_590 = arith.addf %add3A_514, %mul3A_589 : vector<16xf32>
        %get3A_591 = arith.constant 1 : i32
        %get3A_592 = arith.index_cast %get3A_591 : i32 to index
        %get3A_593 = arith.index_cast %add3A_574 : i32 to index
        %get3A_594 = arith.constant 32 : index
        %get3A_595 = tpu.vector_load %arg9[%get3A_592, %get3A_593, %get3A_594] {strides = array<i32>} : memref<4x64x64xf32, #tpu.memory_space<vmem>>, vector<16xf32>,
        %mul3A_596 = vector.broadcast %squeeze3A_570 : f32 to vector<16xf32>
        %mul3A_597 = arith.mulf %mul3A_596, %get3A_595 : vector<16xf32>
        %add3A_598 = arith.addf %add3A_522, %mul3A_597 : vector<16xf32>
        %get3A_599 = arith.constant 1 : i32
        %get3A_600 = arith.index_cast %get3A_599 : i32 to index
        %get3A_601 = arith.index_cast %add3A_574 : i32 to index
        %get3A_602 = arith.constant 48 : index
        %get3A_603 = tpu.vector_load %arg9[%get3A_600, %get3A_601, %get3A_602] {strides = array<i32>} : memref<4x64x64xf32, #tpu.memory_space<vmem>>, vector<16xf32>,
        %mul3A_604 = vector.broadcast %squeeze3A_570 : f32 to vector<16xf32>
        %mul3A_605 = arith.mulf %mul3A_604, %get3A_603 : vector<16xf32>
        %add3A_606 = arith.addf %add3A_530, %mul3A_605 : vector<16xf32>
        %slice3A_607 = vector.extract_strided_slice %gather3A {offsets = [6], sizes = [1], strides = [1]} : vector<16xf32> to vector<1xf32>
        %squeeze3A_608 = vector.extract %slice3A_607[0] : f32 from vector<1xf32>
        %mul3A_609 = arith.constant 16 : i32
        %mul3A_610 = arith.muli %add3A_362, %mul3A_609 : i32
        %add3A_611 = arith.constant 6 : i32
        %add3A_612 = arith.addi %mul3A_610, %add3A_611 : i32
        %get3A_613 = arith.constant 1 : i32
        %get3A_614 = arith.index_cast %get3A_613 : i32 to index
        %get3A_615 = arith.index_cast %add3A_612 : i32 to index
        %get3A_616 = arith.constant 0 : index
        %get3A_617 = tpu.vector_load %arg9[%get3A_614, %get3A_615, %get3A_616] {strides = array<i32>} : memref<4x64x64xf32, #tpu.memory_space<vmem>>, vector<16xf32>,
        %mul3A_618 = vector.broadcast %squeeze3A_608 : f32 to vector<16xf32>
        %mul3A_619 = arith.mulf %mul3A_618, %get3A_617 : vector<16xf32>
        %add3A_620 = arith.addf %add3A_544, %mul3A_619 : vector<16xf32>
        %get3A_621 = arith.constant 1 : i32
        %get3A_622 = arith.index_cast %get3A_621 : i32 to index
        %get3A_623 = arith.index_cast %add3A_612 : i32 to index
        %get3A_624 = arith.constant 16 : index
        %get3A_625 = tpu.vector_load %arg9[%get3A_622, %get3A_623, %get3A_624] {strides = array<i32>} : memref<4x64x64xf32, #tpu.memory_space<vmem>>, vector<16xf32>,
        %mul3A_626 = vector.broadcast %squeeze3A_608 : f32 to vector<16xf32>
        %mul3A_627 = arith.mulf %mul3A_626, %get3A_625 : vector<16xf32>
        %add3A_628 = arith.addf %add3A_552, %mul3A_627 : vector<16xf32>
        %get3A_629 = arith.constant 1 : i32
        %get3A_630 = arith.index_cast %get3A_629 : i32 to index
        %get3A_631 = arith.index_cast %add3A_612 : i32 to index
        %get3A_632 = arith.constant 32 : index
        %get3A_633 = tpu.vector_load %arg9[%get3A_630, %get3A_631, %get3A_632] {strides = array<i32>} : memref<4x64x64xf32, #tpu.memory_space<vmem>>, vector<16xf32>,
        %mul3A_634 = vector.broadcast %squeeze3A_608 : f32 to vector<16xf32>
        %mul3A_635 = arith.mulf %mul3A_634, %get3A_633 : vector<16xf32>
        %add3A_636 = arith.addf %add3A_560, %mul3A_635 : vector<16xf32>
        %get3A_637 = arith.constant 1 : i32
        %get3A_638 = arith.index_cast %get3A_637 : i32 to index
        %get3A_639 = arith.index_cast %add3A_612 : i32 to index
        %get3A_640 = arith.constant 48 : index
        %get3A_641 = tpu.vector_load %arg9[%get3A_638, %get3A_639, %get3A_640] {strides = array<i32>} : memref<4x64x64xf32, #tpu.memory_space<vmem>>, vector<16xf32>,
        %mul3A_642 = vector.broadcast %squeeze3A_608 : f32 to vector<16xf32>
        %mul3A_643 = arith.mulf %mul3A_642, %get3A_641 : vector<16xf32>
        %add3A_644 = arith.addf %add3A_568, %mul3A_643 : vector<16xf32>
        %slice3A_645 = vector.extract_strided_slice %gather3A {offsets = [7], sizes = [1], strides = [1]} : vector<16xf32> to vector<1xf32>
        %squeeze3A_646 = vector.extract %slice3A_645[0] : f32 from vector<1xf32>
        %mul3A_647 = arith.constant 16 : i32
        %mul3A_648 = arith.muli %add3A_362, %mul3A_647 : i32
        %add3A_649 = arith.constant 7 : i32
        %add3A_650 = arith.addi %mul3A_648, %add3A_649 : i32
        %get3A_651 = arith.constant 1 : i32
        %get3A_652 = arith.index_cast %get3A_651 : i32 to index
        %get3A_653 = arith.index_cast %add3A_650 : i32 to index
        %get3A_654 = arith.constant 0 : index
        %get3A_655 = tpu.vector_load %arg9[%get3A_652, %get3A_653, %get3A_654] {strides = array<i32>} : memref<4x64x64xf32, #tpu.memory_space<vmem>>, vector<16xf32>,
        %mul3A_656 = vector.broadcast %squeeze3A_646 : f32 to vector<16xf32>
        %mul3A_657 = arith.mulf %mul3A_656, %get3A_655 : vector<16xf32>
        %add3A_658 = arith.addf %add3A_582, %mul3A_657 : vector<16xf32>
        %get3A_659 = arith.constant 1 : i32
        %get3A_660 = arith.index_cast %get3A_659 : i32 to index
        %get3A_661 = arith.index_cast %add3A_650 : i32 to index
        %get3A_662 = arith.constant 16 : index
        %get3A_663 = tpu.vector_load %arg9[%get3A_660, %get3A_661, %get3A_662] {strides = array<i32>} : memref<4x64x64xf32, #tpu.memory_space<vmem>>, vector<16xf32>,
        %mul3A_664 = vector.broadcast %squeeze3A_646 : f32 to vector<16xf32>
        %mul3A_665 = arith.mulf %mul3A_664, %get3A_663 : vector<16xf32>
        %add3A_666 = arith.addf %add3A_590, %mul3A_665 : vector<16xf32>
        %get3A_667 = arith.constant 1 : i32
        %get3A_668 = arith.index_cast %get3A_667 : i32 to index
        %get3A_669 = arith.index_cast %add3A_650 : i32 to index
        %get3A_670 = arith.constant 32 : index
        %get3A_671 = tpu.vector_load %arg9[%get3A_668, %get3A_669, %get3A_670] {strides = array<i32>} : memref<4x64x64xf32, #tpu.memory_space<vmem>>, vector<16xf32>,
        %mul3A_672 = vector.broadcast %squeeze3A_646 : f32 to vector<16xf32>
        %mul3A_673 = arith.mulf %mul3A_672, %get3A_671 : vector<16xf32>
        %add3A_674 = arith.addf %add3A_598, %mul3A_673 : vector<16xf32>
        %get3A_675 = arith.constant 1 : i32
        %get3A_676 = arith.index_cast %get3A_675 : i32 to index
        %get3A_677 = arith.index_cast %add3A_650 : i32 to index
        %get3A_678 = arith.constant 48 : index
        %get3A_679 = tpu.vector_load %arg9[%get3A_676, %get3A_677, %get3A_678] {strides = array<i32>} : memref<4x64x64xf32, #tpu.memory_space<vmem>>, vector<16xf32>,
        %mul3A_680 = vector.broadcast %squeeze3A_646 : f32 to vector<16xf32>
        %mul3A_681 = arith.mulf %mul3A_680, %get3A_679 : vector<16xf32>
        %add3A_682 = arith.addf %add3A_606, %mul3A_681 : vector<16xf32>
        %slice3A_683 = vector.extract_strided_slice %gather3A {offsets = [8], sizes = [1], strides = [1]} : vector<16xf32> to vector<1xf32>
        %squeeze3A_684 = vector.extract %slice3A_683[0] : f32 from vector<1xf32>
        %mul3A_685 = arith.constant 16 : i32
        %mul3A_686 = arith.muli %add3A_362, %mul3A_685 : i32
        %add3A_687 = arith.constant 8 : i32
        %add3A_688 = arith.addi %mul3A_686, %add3A_687 : i32
        %get3A_689 = arith.constant 1 : i32
        %get3A_690 = arith.index_cast %get3A_689 : i32 to index
        %get3A_691 = arith.index_cast %add3A_688 : i32 to index
        %get3A_692 = arith.constant 0 : index
        %get3A_693 = tpu.vector_load %arg9[%get3A_690, %get3A_691, %get3A_692] {strides = array<i32>} : memref<4x64x64xf32, #tpu.memory_space<vmem>>, vector<16xf32>,
        %mul3A_694 = vector.broadcast %squeeze3A_684 : f32 to vector<16xf32>
        %mul3A_695 = arith.mulf %mul3A_694, %get3A_693 : vector<16xf32>
        %add3A_696 = arith.addf %add3A_620, %mul3A_695 : vector<16xf32>
        %get3A_697 = arith.constant 1 : i32
        %get3A_698 = arith.index_cast %get3A_697 : i32 to index
        %get3A_699 = arith.index_cast %add3A_688 : i32 to index
        %get3A_700 = arith.constant 16 : index
        %get3A_701 = tpu.vector_load %arg9[%get3A_698, %get3A_699, %get3A_700] {strides = array<i32>} : memref<4x64x64xf32, #tpu.memory_space<vmem>>, vector<16xf32>,
        %mul3A_702 = vector.broadcast %squeeze3A_684 : f32 to vector<16xf32>
        %mul3A_703 = arith.mulf %mul3A_702, %get3A_701 : vector<16xf32>
        %add3A_704 = arith.addf %add3A_628, %mul3A_703 : vector<16xf32>
        %get3A_705 = arith.constant 1 : i32
        %get3A_706 = arith.index_cast %get3A_705 : i32 to index
        %get3A_707 = arith.index_cast %add3A_688 : i32 to index
        %get3A_708 = arith.constant 32 : index
        %get3A_709 = tpu.vector_load %arg9[%get3A_706, %get3A_707, %get3A_708] {strides = array<i32>} : memref<4x64x64xf32, #tpu.memory_space<vmem>>, vector<16xf32>,
        %mul3A_710 = vector.broadcast %squeeze3A_684 : f32 to vector<16xf32>
        %mul3A_711 = arith.mulf %mul3A_710, %get3A_709 : vector<16xf32>
        %add3A_712 = arith.addf %add3A_636, %mul3A_711 : vector<16xf32>
        %get3A_713 = arith.constant 1 : i32
        %get3A_714 = arith.index_cast %get3A_713 : i32 to index
        %get3A_715 = arith.index_cast %add3A_688 : i32 to index
        %get3A_716 = arith.constant 48 : index
        %get3A_717 = tpu.vector_load %arg9[%get3A_714, %get3A_715, %get3A_716] {strides = array<i32>} : memref<4x64x64xf32, #tpu.memory_space<vmem>>, vector<16xf32>,
        %mul3A_718 = vector.broadcast %squeeze3A_684 : f32 to vector<16xf32>
        %mul3A_719 = arith.mulf %mul3A_718, %get3A_717 : vector<16xf32>
        %add3A_720 = arith.addf %add3A_644, %mul3A_719 : vector<16xf32>
        %slice3A_721 = vector.extract_strided_slice %gather3A {offsets = [9], sizes = [1], strides = [1]} : vector<16xf32> to vector<1xf32>
        %squeeze3A_722 = vector.extract %slice3A_721[0] : f32 from vector<1xf32>
        %mul3A_723 = arith.constant 16 : i32
        %mul3A_724 = arith.muli %add3A_362, %mul3A_723 : i32
        %add3A_725 = arith.constant 9 : i32
        %add3A_726 = arith.addi %mul3A_724, %add3A_725 : i32
        %get3A_727 = arith.constant 1 : i32
        %get3A_728 = arith.index_cast %get3A_727 : i32 to index
        %get3A_729 = arith.index_cast %add3A_726 : i32 to index
        %get3A_730 = arith.constant 0 : index
        %get3A_731 = tpu.vector_load %arg9[%get3A_728, %get3A_729, %get3A_730] {strides = array<i32>} : memref<4x64x64xf32, #tpu.memory_space<vmem>>, vector<16xf32>,
        %mul3A_732 = vector.broadcast %squeeze3A_722 : f32 to vector<16xf32>
        %mul3A_733 = arith.mulf %mul3A_732, %get3A_731 : vector<16xf32>
        %add3A_734 = arith.addf %add3A_658, %mul3A_733 : vector<16xf32>
        %get3A_735 = arith.constant 1 : i32
        %get3A_736 = arith.index_cast %get3A_735 : i32 to index
        %get3A_737 = arith.index_cast %add3A_726 : i32 to index
        %get3A_738 = arith.constant 16 : index
        %get3A_739 = tpu.vector_load %arg9[%get3A_736, %get3A_737, %get3A_738] {strides = array<i32>} : memref<4x64x64xf32, #tpu.memory_space<vmem>>, vector<16xf32>,
        %mul3A_740 = vector.broadcast %squeeze3A_722 : f32 to vector<16xf32>
        %mul3A_741 = arith.mulf %mul3A_740, %get3A_739 : vector<16xf32>
        %add3A_742 = arith.addf %add3A_666, %mul3A_741 : vector<16xf32>
        %get3A_743 = arith.constant 1 : i32
        %get3A_744 = arith.index_cast %get3A_743 : i32 to index
        %get3A_745 = arith.index_cast %add3A_726 : i32 to index
        %get3A_746 = arith.constant 32 : index
        %get3A_747 = tpu.vector_load %arg9[%get3A_744, %get3A_745, %get3A_746] {strides = array<i32>} : memref<4x64x64xf32, #tpu.memory_space<vmem>>, vector<16xf32>,
        %mul3A_748 = vector.broadcast %squeeze3A_722 : f32 to vector<16xf32>
        %mul3A_749 = arith.mulf %mul3A_748, %get3A_747 : vector<16xf32>
        %add3A_750 = arith.addf %add3A_674, %mul3A_749 : vector<16xf32>
        %get3A_751 = arith.constant 1 : i32
        %get3A_752 = arith.index_cast %get3A_751 : i32 to index
        %get3A_753 = arith.index_cast %add3A_726 : i32 to index
        %get3A_754 = arith.constant 48 : index
        %get3A_755 = tpu.vector_load %arg9[%get3A_752, %get3A_753, %get3A_754] {strides = array<i32>} : memref<4x64x64xf32, #tpu.memory_space<vmem>>, vector<16xf32>,
        %mul3A_756 = vector.broadcast %squeeze3A_722 : f32 to vector<16xf32>
        %mul3A_757 = arith.mulf %mul3A_756, %get3A_755 : vector<16xf32>
        %add3A_758 = arith.addf %add3A_682, %mul3A_757 : vector<16xf32>
        %slice3A_759 = vector.extract_strided_slice %gather3A {offsets = [10], sizes = [1], strides = [1]} : vector<16xf32> to vector<1xf32>
        %squeeze3A_760 = vector.extract %slice3A_759[0] : f32 from vector<1xf32>
        %mul3A_761 = arith.constant 16 : i32
        %mul3A_762 = arith.muli %add3A_362, %mul3A_761 : i32
        %add3A_763 = arith.constant 10 : i32
        %add3A_764 = arith.addi %mul3A_762, %add3A_763 : i32
        %get3A_765 = arith.constant 1 : i32
        %get3A_766 = arith.index_cast %get3A_765 : i32 to index
        %get3A_767 = arith.index_cast %add3A_764 : i32 to index
        %get3A_768 = arith.constant 0 : index
        %get3A_769 = tpu.vector_load %arg9[%get3A_766, %get3A_767, %get3A_768] {strides = array<i32>} : memref<4x64x64xf32, #tpu.memory_space<vmem>>, vector<16xf32>,
        %mul3A_770 = vector.broadcast %squeeze3A_760 : f32 to vector<16xf32>
        %mul3A_771 = arith.mulf %mul3A_770, %get3A_769 : vector<16xf32>
        %add3A_772 = arith.addf %add3A_696, %mul3A_771 : vector<16xf32>
        %get3A_773 = arith.constant 1 : i32
        %get3A_774 = arith.index_cast %get3A_773 : i32 to index
        %get3A_775 = arith.index_cast %add3A_764 : i32 to index
        %get3A_776 = arith.constant 16 : index
        %get3A_777 = tpu.vector_load %arg9[%get3A_774, %get3A_775, %get3A_776] {strides = array<i32>} : memref<4x64x64xf32, #tpu.memory_space<vmem>>, vector<16xf32>,
        %mul3A_778 = vector.broadcast %squeeze3A_760 : f32 to vector<16xf32>
        %mul3A_779 = arith.mulf %mul3A_778, %get3A_777 : vector<16xf32>
        %add3A_780 = arith.addf %add3A_704, %mul3A_779 : vector<16xf32>
        %get3A_781 = arith.constant 1 : i32
        %get3A_782 = arith.index_cast %get3A_781 : i32 to index
        %get3A_783 = arith.index_cast %add3A_764 : i32 to index
        %get3A_784 = arith.constant 32 : index
        %get3A_785 = tpu.vector_load %arg9[%get3A_782, %get3A_783, %get3A_784] {strides = array<i32>} : memref<4x64x64xf32, #tpu.memory_space<vmem>>, vector<16xf32>,
        %mul3A_786 = vector.broadcast %squeeze3A_760 : f32 to vector<16xf32>
        %mul3A_787 = arith.mulf %mul3A_786, %get3A_785 : vector<16xf32>
        %add3A_788 = arith.addf %add3A_712, %mul3A_787 : vector<16xf32>
        %get3A_789 = arith.constant 1 : i32
        %get3A_790 = arith.index_cast %get3A_789 : i32 to index
        %get3A_791 = arith.index_cast %add3A_764 : i32 to index
        %get3A_792 = arith.constant 48 : index
        %get3A_793 = tpu.vector_load %arg9[%get3A_790, %get3A_791, %get3A_792] {strides = array<i32>} : memref<4x64x64xf32, #tpu.memory_space<vmem>>, vector<16xf32>,
        %mul3A_794 = vector.broadcast %squeeze3A_760 : f32 to vector<16xf32>
        %mul3A_795 = arith.mulf %mul3A_794, %get3A_793 : vector<16xf32>
        %add3A_796 = arith.addf %add3A_720, %mul3A_795 : vector<16xf32>
        %slice3A_797 = vector.extract_strided_slice %gather3A {offsets = [11], sizes = [1], strides = [1]} : vector<16xf32> to vector<1xf32>
        %squeeze3A_798 = vector.extract %slice3A_797[0] : f32 from vector<1xf32>
        %mul3A_799 = arith.constant 16 : i32
        %mul3A_800 = arith.muli %add3A_362, %mul3A_799 : i32
        %add3A_801 = arith.constant 11 : i32
        %add3A_802 = arith.addi %mul3A_800, %add3A_801 : i32
        %get3A_803 = arith.constant 1 : i32
        %get3A_804 = arith.index_cast %get3A_803 : i32 to index
        %get3A_805 = arith.index_cast %add3A_802 : i32 to index
        %get3A_806 = arith.constant 0 : index
        %get3A_807 = tpu.vector_load %arg9[%get3A_804, %get3A_805, %get3A_806] {strides = array<i32>} : memref<4x64x64xf32, #tpu.memory_space<vmem>>, vector<16xf32>,
        %mul3A_808 = vector.broadcast %squeeze3A_798 : f32 to vector<16xf32>
        %mul3A_809 = arith.mulf %mul3A_808, %get3A_807 : vector<16xf32>
        %add3A_810 = arith.addf %add3A_734, %mul3A_809 : vector<16xf32>
        %get3A_811 = arith.constant 1 : i32
        %get3A_812 = arith.index_cast %get3A_811 : i32 to index
        %get3A_813 = arith.index_cast %add3A_802 : i32 to index
        %get3A_814 = arith.constant 16 : index
        %get3A_815 = tpu.vector_load %arg9[%get3A_812, %get3A_813, %get3A_814] {strides = array<i32>} : memref<4x64x64xf32, #tpu.memory_space<vmem>>, vector<16xf32>,
        %mul3A_816 = vector.broadcast %squeeze3A_798 : f32 to vector<16xf32>
        %mul3A_817 = arith.mulf %mul3A_816, %get3A_815 : vector<16xf32>
        %add3A_818 = arith.addf %add3A_742, %mul3A_817 : vector<16xf32>
        %get3A_819 = arith.constant 1 : i32
        %get3A_820 = arith.index_cast %get3A_819 : i32 to index
        %get3A_821 = arith.index_cast %add3A_802 : i32 to index
        %get3A_822 = arith.constant 32 : index
        %get3A_823 = tpu.vector_load %arg9[%get3A_820, %get3A_821, %get3A_822] {strides = array<i32>} : memref<4x64x64xf32, #tpu.memory_space<vmem>>, vector<16xf32>,
        %mul3A_824 = vector.broadcast %squeeze3A_798 : f32 to vector<16xf32>
        %mul3A_825 = arith.mulf %mul3A_824, %get3A_823 : vector<16xf32>
        %add3A_826 = arith.addf %add3A_750, %mul3A_825 : vector<16xf32>
        %get3A_827 = arith.constant 1 : i32
        %get3A_828 = arith.index_cast %get3A_827 : i32 to index
        %get3A_829 = arith.index_cast %add3A_802 : i32 to index
        %get3A_830 = arith.constant 48 : index
        %get3A_831 = tpu.vector_load %arg9[%get3A_828, %get3A_829, %get3A_830] {strides = array<i32>} : memref<4x64x64xf32, #tpu.memory_space<vmem>>, vector<16xf32>,
        %mul3A_832 = vector.broadcast %squeeze3A_798 : f32 to vector<16xf32>
        %mul3A_833 = arith.mulf %mul3A_832, %get3A_831 : vector<16xf32>
        %add3A_834 = arith.addf %add3A_758, %mul3A_833 : vector<16xf32>
        %slice3A_835 = vector.extract_strided_slice %gather3A {offsets = [12], sizes = [1], strides = [1]} : vector<16xf32> to vector<1xf32>
        %squeeze3A_836 = vector.extract %slice3A_835[0] : f32 from vector<1xf32>
        %mul3A_837 = arith.constant 16 : i32
        %mul3A_838 = arith.muli %add3A_362, %mul3A_837 : i32
        %add3A_839 = arith.constant 12 : i32
        %add3A_840 = arith.addi %mul3A_838, %add3A_839 : i32
        %get3A_841 = arith.constant 1 : i32
        %get3A_842 = arith.index_cast %get3A_841 : i32 to index
        %get3A_843 = arith.index_cast %add3A_840 : i32 to index
        %get3A_844 = arith.constant 0 : index
        %get3A_845 = tpu.vector_load %arg9[%get3A_842, %get3A_843, %get3A_844] {strides = array<i32>} : memref<4x64x64xf32, #tpu.memory_space<vmem>>, vector<16xf32>,
        %mul3A_846 = vector.broadcast %squeeze3A_836 : f32 to vector<16xf32>
        %mul3A_847 = arith.mulf %mul3A_846, %get3A_845 : vector<16xf32>
        %add3A_848 = arith.addf %add3A_772, %mul3A_847 : vector<16xf32>
        %get3A_849 = arith.constant 1 : i32
        %get3A_850 = arith.index_cast %get3A_849 : i32 to index
        %get3A_851 = arith.index_cast %add3A_840 : i32 to index
        %get3A_852 = arith.constant 16 : index
        %get3A_853 = tpu.vector_load %arg9[%get3A_850, %get3A_851, %get3A_852] {strides = array<i32>} : memref<4x64x64xf32, #tpu.memory_space<vmem>>, vector<16xf32>,
        %mul3A_854 = vector.broadcast %squeeze3A_836 : f32 to vector<16xf32>
        %mul3A_855 = arith.mulf %mul3A_854, %get3A_853 : vector<16xf32>
        %add3A_856 = arith.addf %add3A_780, %mul3A_855 : vector<16xf32>
        %get3A_857 = arith.constant 1 : i32
        %get3A_858 = arith.index_cast %get3A_857 : i32 to index
        %get3A_859 = arith.index_cast %add3A_840 : i32 to index
        %get3A_860 = arith.constant 32 : index
        %get3A_861 = tpu.vector_load %arg9[%get3A_858, %get3A_859, %get3A_860] {strides = array<i32>} : memref<4x64x64xf32, #tpu.memory_space<vmem>>, vector<16xf32>,
        %mul3A_862 = vector.broadcast %squeeze3A_836 : f32 to vector<16xf32>
        %mul3A_863 = arith.mulf %mul3A_862, %get3A_861 : vector<16xf32>
        %add3A_864 = arith.addf %add3A_788, %mul3A_863 : vector<16xf32>
        %get3A_865 = arith.constant 1 : i32
        %get3A_866 = arith.index_cast %get3A_865 : i32 to index
        %get3A_867 = arith.index_cast %add3A_840 : i32 to index
        %get3A_868 = arith.constant 48 : index
        %get3A_869 = tpu.vector_load %arg9[%get3A_866, %get3A_867, %get3A_868] {strides = array<i32>} : memref<4x64x64xf32, #tpu.memory_space<vmem>>, vector<16xf32>,
        %mul3A_870 = vector.broadcast %squeeze3A_836 : f32 to vector<16xf32>
        %mul3A_871 = arith.mulf %mul3A_870, %get3A_869 : vector<16xf32>
        %add3A_872 = arith.addf %add3A_796, %mul3A_871 : vector<16xf32>
        %slice3A_873 = vector.extract_strided_slice %gather3A {offsets = [13], sizes = [1], strides = [1]} : vector<16xf32> to vector<1xf32>
        %squeeze3A_874 = vector.extract %slice3A_873[0] : f32 from vector<1xf32>
        %mul3A_875 = arith.constant 16 : i32
        %mul3A_876 = arith.muli %add3A_362, %mul3A_875 : i32
        %add3A_877 = arith.constant 13 : i32
        %add3A_878 = arith.addi %mul3A_876, %add3A_877 : i32
        %get3A_879 = arith.constant 1 : i32
        %get3A_880 = arith.index_cast %get3A_879 : i32 to index
        %get3A_881 = arith.index_cast %add3A_878 : i32 to index
        %get3A_882 = arith.constant 0 : index
        %get3A_883 = tpu.vector_load %arg9[%get3A_880, %get3A_881, %get3A_882] {strides = array<i32>} : memref<4x64x64xf32, #tpu.memory_space<vmem>>, vector<16xf32>,
        %mul3A_884 = vector.broadcast %squeeze3A_874 : f32 to vector<16xf32>
        %mul3A_885 = arith.mulf %mul3A_884, %get3A_883 : vector<16xf32>
        %add3A_886 = arith.addf %add3A_810, %mul3A_885 : vector<16xf32>
        %get3A_887 = arith.constant 1 : i32
        %get3A_888 = arith.index_cast %get3A_887 : i32 to index
        %get3A_889 = arith.index_cast %add3A_878 : i32 to index
        %get3A_890 = arith.constant 16 : index
        %get3A_891 = tpu.vector_load %arg9[%get3A_888, %get3A_889, %get3A_890] {strides = array<i32>} : memref<4x64x64xf32, #tpu.memory_space<vmem>>, vector<16xf32>,
        %mul3A_892 = vector.broadcast %squeeze3A_874 : f32 to vector<16xf32>
        %mul3A_893 = arith.mulf %mul3A_892, %get3A_891 : vector<16xf32>
        %add3A_894 = arith.addf %add3A_818, %mul3A_893 : vector<16xf32>
        %get3A_895 = arith.constant 1 : i32
        %get3A_896 = arith.index_cast %get3A_895 : i32 to index
        %get3A_897 = arith.index_cast %add3A_878 : i32 to index
        %get3A_898 = arith.constant 32 : index
        %get3A_899 = tpu.vector_load %arg9[%get3A_896, %get3A_897, %get3A_898] {strides = array<i32>} : memref<4x64x64xf32, #tpu.memory_space<vmem>>, vector<16xf32>,
        %mul3A_900 = vector.broadcast %squeeze3A_874 : f32 to vector<16xf32>
        %mul3A_901 = arith.mulf %mul3A_900, %get3A_899 : vector<16xf32>
        %add3A_902 = arith.addf %add3A_826, %mul3A_901 : vector<16xf32>
        %get3A_903 = arith.constant 1 : i32
        %get3A_904 = arith.index_cast %get3A_903 : i32 to index
        %get3A_905 = arith.index_cast %add3A_878 : i32 to index
        %get3A_906 = arith.constant 48 : index
        %get3A_907 = tpu.vector_load %arg9[%get3A_904, %get3A_905, %get3A_906] {strides = array<i32>} : memref<4x64x64xf32, #tpu.memory_space<vmem>>, vector<16xf32>,
        %mul3A_908 = vector.broadcast %squeeze3A_874 : f32 to vector<16xf32>
        %mul3A_909 = arith.mulf %mul3A_908, %get3A_907 : vector<16xf32>
        %add3A_910 = arith.addf %add3A_834, %mul3A_909 : vector<16xf32>
        %slice3A_911 = vector.extract_strided_slice %gather3A {offsets = [14], sizes = [1], strides = [1]} : vector<16xf32> to vector<1xf32>
        %squeeze3A_912 = vector.extract %slice3A_911[0] : f32 from vector<1xf32>
        %mul3A_913 = arith.constant 16 : i32
        %mul3A_914 = arith.muli %add3A_362, %mul3A_913 : i32
        %add3A_915 = arith.constant 14 : i32
        %add3A_916 = arith.addi %mul3A_914, %add3A_915 : i32
        %get3A_917 = arith.constant 1 : i32
        %get3A_918 = arith.index_cast %get3A_917 : i32 to index
        %get3A_919 = arith.index_cast %add3A_916 : i32 to index
        %get3A_920 = arith.constant 0 : index
        %get3A_921 = tpu.vector_load %arg9[%get3A_918, %get3A_919, %get3A_920] {strides = array<i32>} : memref<4x64x64xf32, #tpu.memory_space<vmem>>, vector<16xf32>,
        %mul3A_922 = vector.broadcast %squeeze3A_912 : f32 to vector<16xf32>
        %mul3A_923 = arith.mulf %mul3A_922, %get3A_921 : vector<16xf32>
        %add3A_924 = arith.addf %add3A_848, %mul3A_923 : vector<16xf32>
        %get3A_925 = arith.constant 1 : i32
        %get3A_926 = arith.index_cast %get3A_925 : i32 to index
        %get3A_927 = arith.index_cast %add3A_916 : i32 to index
        %get3A_928 = arith.constant 16 : index
        %get3A_929 = tpu.vector_load %arg9[%get3A_926, %get3A_927, %get3A_928] {strides = array<i32>} : memref<4x64x64xf32, #tpu.memory_space<vmem>>, vector<16xf32>,
        %mul3A_930 = vector.broadcast %squeeze3A_912 : f32 to vector<16xf32>
        %mul3A_931 = arith.mulf %mul3A_930, %get3A_929 : vector<16xf32>
        %add3A_932 = arith.addf %add3A_856, %mul3A_931 : vector<16xf32>
        %get3A_933 = arith.constant 1 : i32
        %get3A_934 = arith.index_cast %get3A_933 : i32 to index
        %get3A_935 = arith.index_cast %add3A_916 : i32 to index
        %get3A_936 = arith.constant 32 : index
        %get3A_937 = tpu.vector_load %arg9[%get3A_934, %get3A_935, %get3A_936] {strides = array<i32>} : memref<4x64x64xf32, #tpu.memory_space<vmem>>, vector<16xf32>,
        %mul3A_938 = vector.broadcast %squeeze3A_912 : f32 to vector<16xf32>
        %mul3A_939 = arith.mulf %mul3A_938, %get3A_937 : vector<16xf32>
        %add3A_940 = arith.addf %add3A_864, %mul3A_939 : vector<16xf32>
        %get3A_941 = arith.constant 1 : i32
        %get3A_942 = arith.index_cast %get3A_941 : i32 to index
        %get3A_943 = arith.index_cast %add3A_916 : i32 to index
        %get3A_944 = arith.constant 48 : index
        %get3A_945 = tpu.vector_load %arg9[%get3A_942, %get3A_943, %get3A_944] {strides = array<i32>} : memref<4x64x64xf32, #tpu.memory_space<vmem>>, vector<16xf32>,
        %mul3A_946 = vector.broadcast %squeeze3A_912 : f32 to vector<16xf32>
        %mul3A_947 = arith.mulf %mul3A_946, %get3A_945 : vector<16xf32>
        %add3A_948 = arith.addf %add3A_872, %mul3A_947 : vector<16xf32>
        %slice3A_949 = vector.extract_strided_slice %gather3A {offsets = [15], sizes = [1], strides = [1]} : vector<16xf32> to vector<1xf32>
        %squeeze3A_950 = vector.extract %slice3A_949[0] : f32 from vector<1xf32>
        %mul3A_951 = arith.constant 16 : i32
        %mul3A_952 = arith.muli %add3A_362, %mul3A_951 : i32
        %add3A_953 = arith.constant 15 : i32
        %add3A_954 = arith.addi %mul3A_952, %add3A_953 : i32
        %get3A_955 = arith.constant 1 : i32
        %get3A_956 = arith.index_cast %get3A_955 : i32 to index
        %get3A_957 = arith.index_cast %add3A_954 : i32 to index
        %get3A_958 = arith.constant 0 : index
        %get3A_959 = tpu.vector_load %arg9[%get3A_956, %get3A_957, %get3A_958] {strides = array<i32>} : memref<4x64x64xf32, #tpu.memory_space<vmem>>, vector<16xf32>,
        %mul3A_960 = vector.broadcast %squeeze3A_950 : f32 to vector<16xf32>
        %mul3A_961 = arith.mulf %mul3A_960, %get3A_959 : vector<16xf32>
        %add3A_962 = arith.addf %add3A_886, %mul3A_961 : vector<16xf32>
        %get3A_963 = arith.constant 1 : i32
        %get3A_964 = arith.index_cast %get3A_963 : i32 to index
        %get3A_965 = arith.index_cast %add3A_954 : i32 to index
        %get3A_966 = arith.constant 16 : index
        %get3A_967 = tpu.vector_load %arg9[%get3A_964, %get3A_965, %get3A_966] {strides = array<i32>} : memref<4x64x64xf32, #tpu.memory_space<vmem>>, vector<16xf32>,
        %mul3A_968 = vector.broadcast %squeeze3A_950 : f32 to vector<16xf32>
        %mul3A_969 = arith.mulf %mul3A_968, %get3A_967 : vector<16xf32>
        %add3A_970 = arith.addf %add3A_894, %mul3A_969 : vector<16xf32>
        %get3A_971 = arith.constant 1 : i32
        %get3A_972 = arith.index_cast %get3A_971 : i32 to index
        %get3A_973 = arith.index_cast %add3A_954 : i32 to index
        %get3A_974 = arith.constant 32 : index
        %get3A_975 = tpu.vector_load %arg9[%get3A_972, %get3A_973, %get3A_974] {strides = array<i32>} : memref<4x64x64xf32, #tpu.memory_space<vmem>>, vector<16xf32>,
        %mul3A_976 = vector.broadcast %squeeze3A_950 : f32 to vector<16xf32>
        %mul3A_977 = arith.mulf %mul3A_976, %get3A_975 : vector<16xf32>
        %add3A_978 = arith.addf %add3A_902, %mul3A_977 : vector<16xf32>
        %get3A_979 = arith.constant 1 : i32
        %get3A_980 = arith.index_cast %get3A_979 : i32 to index
        %get3A_981 = arith.index_cast %add3A_954 : i32 to index
        %get3A_982 = arith.constant 48 : index
        %get3A_983 = tpu.vector_load %arg9[%get3A_980, %get3A_981, %get3A_982] {strides = array<i32>} : memref<4x64x64xf32, #tpu.memory_space<vmem>>, vector<16xf32>,
        %mul3A_984 = vector.broadcast %squeeze3A_950 : f32 to vector<16xf32>
        %mul3A_985 = arith.mulf %mul3A_984, %get3A_983 : vector<16xf32>
        %add3A_986 = arith.addf %add3A_910, %mul3A_985 : vector<16xf32>
        %broadcast_in_dim3A_987 = vector.broadcast %add3A_365 : i32 to vector<16xi32>
        %add3A_988 = arith.addf %add3A_924, %add3A_962 : vector<16xf32>
        tpu.vector_store_idx %arg10[%add3A_43, %broadcast_in_dim3A_987], %add3A_988 : memref<64x1025xf32, #tpu.memory_space<vmem>>[vector<16xi32>, vector<16xi32>], vector<16xf32>,
        %add3A_989 = arith.addf %add3A_932, %add3A_970 : vector<16xf32>
        tpu.vector_store_idx %arg10[%add3A_46, %broadcast_in_dim3A_987], %add3A_989 : memref<64x1025xf32, #tpu.memory_space<vmem>>[vector<16xi32>, vector<16xi32>], vector<16xf32>,
        %add3A_990 = arith.addf %add3A_940, %add3A_978 : vector<16xf32>
        tpu.vector_store_idx %arg10[%add3A_49, %broadcast_in_dim3A_987], %add3A_990 : memref<64x1025xf32, #tpu.memory_space<vmem>>[vector<16xi32>, vector<16xi32>], vector<16xf32>,
        %add3A_991 = arith.addf %add3A_948, %add3A_986 : vector<16xf32>
        tpu.vector_store_idx %arg10[%add3A_52, %broadcast_in_dim3A_987], %add3A_991 : memref<64x1025xf32, #tpu.memory_space<vmem>>[vector<16xi32>, vector<16xi32>], vector<16xf32>,
      }
      %scan3A_298 = arith.constant 4 : i32
      %add3A_299 = arith.constant 4 : i32
      %add3A_300 = arith.addi %add3A_281, %add3A_299 : i32
      %lt3A_301 = arith.constant 256 : i32
      %lt3A_302 = arith.cmpi slt, %add3A_300, %lt3A_301 : i32
      %convert_element_type3A_303 = arith.extui %lt3A_302 : i1 to i32
      %cond3A_304 = arith.constant 0 : i32
      %cond3A_305 = arith.cmpi ne, %convert_element_type3A_303, %cond3A_304 : i32
      scf.if %cond3A_305 {
        %scan3A_358 = arith.constant 0 : i32
        %scan3A_359 = arith.constant 4 : i32
        %scan3A_360 = arith.addi %scan3A_358, %scan3A_359 : i32
        %scan3A_361 = arith.constant 1 : i32
        scf.for %scan3A_375 = %scan3A_358 to %scan3A_360 step %scan3A_361  : i32 {
          %mul3A_376 = arith.constant 1 : i32
          %mul3A_377 = arith.muli %scan3A_375, %mul3A_376 : i32
          %add3A_378 = arith.constant 0 : i32
          %add3A_379 = arith.addi %add3A_378, %mul3A_377 : i32
          %mul3A_380 = arith.constant 4 : i32
          %mul3A_381 = arith.muli %add3A_300, %mul3A_380 : i32
          %add3A_382 = arith.addi %mul3A_381, %add3A_379 : i32
          %broadcast_in_dim3A = vector.broadcast %add3A_382 : i32 to vector<16xi32>
          %gather3A = tpu.vector_load_idx %arg7[%broadcast_in_dim3A, %mul3A_35] : memref<1024x32xf32, #tpu.memory_space<vmem>>[vector<16xi32>, vector<16xi32>], vector<16xf32>,
          %convert_element_type3A_383 = arith.fptosi %gather3A : vector<16xf32> to vector<16xi32>
          %add3A_384 = vector.broadcast %mul3A_40 : i32 to vector<16xi32>
          %add3A_385 = arith.addi %convert_element_type3A_383, %add3A_384 : vector<16xi32>
          %mul3A_386 = arith.constant 16 : i32
          %mul3A_387 = arith.muli %add3A_379, %mul3A_386 : i32
          %swap3A = arith.constant 1 : i32
          %swap3A_388 = arith.index_cast %swap3A : i32 to index
          %swap3A_389 = arith.index_cast %mul3A_387 : i32 to index
          %swap3A_390 = tpu.vector_load %arg8[%swap3A_388, %swap3A_389] {strides = array<i32>} : memref<4x64xi32, #tpu.memory_space<vmem>>, vector<16xi32>,
          tpu.vector_store %arg8[%swap3A_388, %swap3A_389], %add3A_385 {strides = array<i32>} : memref<4x64xi32, #tpu.memory_space<vmem>>, vector<16xi32>,
        }
        %scan3A_362 = arith.constant 4 : i32
        %dma_start3A_363 = arith.constant 1 : i32
        %dma_start3A_364 = arith.constant 1 : i32
        %dma_start3A_365 = arith.constant 0 : i32
        %dma_start3A_366 = arith.constant 0 : i32
        %dma_start3A_367 = tpu.memref_slice %arg9[%dma_start3A_364, %dma_start3A_365, %dma_start3A_366] : memref<4x64x64xf32, #tpu.memory_space<vmem>> -> memref<1x64x64xf32, #tpu.memory_space<vmem>>
        %dma_start3A_368 = tpu.memref_squeeze %dma_start3A_367 : memref<1x64x64xf32, #tpu.memory_space<vmem>> -> memref<64x64xf32, #tpu.memory_space<vmem>>
        %dma_start3A_369 = arith.constant 0 : i32
        %dma_start3A_370 = tpu.memref_slice %arg8[%dma_start3A_363, %dma_start3A_369] : memref<4x64xi32, #tpu.memory_space<vmem>> -> memref<1x64xi32, #tpu.memory_space<vmem>>
        %dma_start3A_371 = tpu.memref_squeeze %dma_start3A_370 : memref<1x64xi32, #tpu.memory_space<vmem>> -> memref<64xi32, #tpu.memory_space<vmem>>
        %dma_start3A_372 = arith.constant 0 : i32
        %dma_start3A_373 = arith.constant 0 : i32
        %dma_start3A_374 = tpu.memref_slice %arg2[%dma_start3A_372, %dma_start3A_373] : memref<65536x64xf32, #tpu.memory_space<hbm>> -> memref<65536x64xf32, #tpu.memory_space<hbm>>
        tpu.enqueue_indirect_dma source(%dma_start3A_374 : memref<65536x64xf32, #tpu.memory_space<hbm>>) target(%dma_start3A_368 : memref<64x64xf32, #tpu.memory_space<vmem>>) offsets(%dma_start3A_371 : memref<64xi32, #tpu.memory_space<vmem>>) semaphore(%arg13 : memref<!tpu.dma_semaphore, #tpu.memory_space<semaphore_mem>>)
      } else {
      }
      %add3A_306 = arith.constant 2 : i32
      %add3A_307 = arith.addi %add3A_255, %add3A_306 : i32
      %dma_wait3A_308 = arith.constant 2 : i32
      %dma_wait3A_309 = arith.constant 2 : i32
      %dma_wait3A_310 = arith.constant 0 : i32
      %dma_wait3A_311 = arith.constant 0 : i32
      %dma_wait3A_312 = tpu.memref_slice %arg9[%dma_wait3A_309, %dma_wait3A_310, %dma_wait3A_311] : memref<4x64x64xf32, #tpu.memory_space<vmem>> -> memref<1x64x64xf32, #tpu.memory_space<vmem>>
      %dma_wait3A_313 = tpu.memref_squeeze %dma_wait3A_312 : memref<1x64x64xf32, #tpu.memory_space<vmem>> -> memref<64x64xf32, #tpu.memory_space<vmem>>
      %dma_wait3A_314 = arith.constant 0 : i32
      %dma_wait3A_315 = tpu.memref_slice %arg8[%dma_wait3A_308, %dma_wait3A_314] : memref<4x64xi32, #tpu.memory_space<vmem>> -> memref<1x64xi32, #tpu.memory_space<vmem>>
      %dma_wait3A_316 = tpu.memref_squeeze %dma_wait3A_315 : memref<1x64xi32, #tpu.memory_space<vmem>> -> memref<64xi32, #tpu.memory_space<vmem>>
      %dma_wait3A_317 = arith.constant 0 : i32
      %dma_wait3A_318 = arith.constant 0 : i32
      %dma_wait3A_319 = tpu.memref_slice %arg2[%dma_wait3A_317, %dma_wait3A_318] : memref<65536x64xf32, #tpu.memory_space<hbm>> -> memref<65536x64xf32, #tpu.memory_space<hbm>>
      tpu.wait_indirect_dma semaphore(%arg14 : memref<!tpu.dma_semaphore, #tpu.memory_space<semaphore_mem>>) src(%dma_wait3A_319 : memref<65536x64xf32, #tpu.memory_space<hbm>>) dst(%dma_wait3A_313 : memref<64x64xf32, #tpu.memory_space<vmem>>)
      %scan3A_320 = arith.constant 0 : i32
      %scan3A_321 = arith.constant 4 : i32
      %scan3A_322 = arith.addi %scan3A_320, %scan3A_321 : i32
      %scan3A_323 = arith.constant 1 : i32
      scf.for %scan3A_358 = %scan3A_320 to %scan3A_322 step %scan3A_323  : i32 {
        %mul3A_359 = arith.constant 1 : i32
        %mul3A_360 = arith.muli %scan3A_358, %mul3A_359 : i32
        %add3A_361 = arith.constant 0 : i32
        %add3A_362 = arith.addi %add3A_361, %mul3A_360 : i32
        %mul3A_363 = arith.constant 4 : i32
        %mul3A_364 = arith.muli %add3A_307, %mul3A_363 : i32
        %add3A_365 = arith.addi %mul3A_364, %add3A_362 : i32
        %broadcast_in_dim3A = vector.broadcast %add3A_365 : i32 to vector<16xi32>
        %gather3A = tpu.vector_load_idx %arg7[%broadcast_in_dim3A, %add3A_38] : memref<1024x32xf32, #tpu.memory_space<vmem>>[vector<16xi32>, vector<16xi32>], vector<16xf32>,
        %broadcast_in_dim3A_366 = arith.constant 0.000000e+00 : f32
        %broadcast_in_dim3A_367 = vector.broadcast %broadcast_in_dim3A_366 : f32 to vector<16xf32>
        %broadcast_in_dim3A_368 = arith.constant 0.000000e+00 : f32
        %broadcast_in_dim3A_369 = vector.broadcast %broadcast_in_dim3A_368 : f32 to vector<16xf32>
        %broadcast_in_dim3A_370 = arith.constant 0.000000e+00 : f32
        %broadcast_in_dim3A_371 = vector.broadcast %broadcast_in_dim3A_370 : f32 to vector<16xf32>
        %broadcast_in_dim3A_372 = arith.constant 0.000000e+00 : f32
        %broadcast_in_dim3A_373 = vector.broadcast %broadcast_in_dim3A_372 : f32 to vector<16xf32>
        %broadcast_in_dim3A_374 = arith.constant 0.000000e+00 : f32
        %broadcast_in_dim3A_375 = vector.broadcast %broadcast_in_dim3A_374 : f32 to vector<16xf32>
        %broadcast_in_dim3A_376 = arith.constant 0.000000e+00 : f32
        %broadcast_in_dim3A_377 = vector.broadcast %broadcast_in_dim3A_376 : f32 to vector<16xf32>
        %broadcast_in_dim3A_378 = arith.constant 0.000000e+00 : f32
        %broadcast_in_dim3A_379 = vector.broadcast %broadcast_in_dim3A_378 : f32 to vector<16xf32>
        %broadcast_in_dim3A_380 = arith.constant 0.000000e+00 : f32
        %broadcast_in_dim3A_381 = vector.broadcast %broadcast_in_dim3A_380 : f32 to vector<16xf32>
        %slice3A = vector.extract_strided_slice %gather3A {offsets = [0], sizes = [1], strides = [1]} : vector<16xf32> to vector<1xf32>
        %squeeze3A = vector.extract %slice3A[0] : f32 from vector<1xf32>
        %mul3A_382 = arith.constant 16 : i32
        %mul3A_383 = arith.muli %add3A_362, %mul3A_382 : i32
        %add3A_384 = arith.constant 0 : i32
        %add3A_385 = arith.addi %mul3A_383, %add3A_384 : i32
        %get3A = arith.constant 2 : i32
        %get3A_386 = arith.index_cast %get3A : i32 to index
        %get3A_387 = arith.index_cast %add3A_385 : i32 to index
        %get3A_388 = arith.constant 0 : index
        %get3A_389 = tpu.vector_load %arg9[%get3A_386, %get3A_387, %get3A_388] {strides = array<i32>} : memref<4x64x64xf32, #tpu.memory_space<vmem>>, vector<16xf32>,
        %mul3A_390 = vector.broadcast %squeeze3A : f32 to vector<16xf32>
        %mul3A_391 = arith.mulf %mul3A_390, %get3A_389 : vector<16xf32>
        %add3A_392 = arith.addf %broadcast_in_dim3A_367, %mul3A_391 : vector<16xf32>
        %get3A_393 = arith.constant 2 : i32
        %get3A_394 = arith.index_cast %get3A_393 : i32 to index
        %get3A_395 = arith.index_cast %add3A_385 : i32 to index
        %get3A_396 = arith.constant 16 : index
        %get3A_397 = tpu.vector_load %arg9[%get3A_394, %get3A_395, %get3A_396] {strides = array<i32>} : memref<4x64x64xf32, #tpu.memory_space<vmem>>, vector<16xf32>,
        %mul3A_398 = vector.broadcast %squeeze3A : f32 to vector<16xf32>
        %mul3A_399 = arith.mulf %mul3A_398, %get3A_397 : vector<16xf32>
        %add3A_400 = arith.addf %broadcast_in_dim3A_369, %mul3A_399 : vector<16xf32>
        %get3A_401 = arith.constant 2 : i32
        %get3A_402 = arith.index_cast %get3A_401 : i32 to index
        %get3A_403 = arith.index_cast %add3A_385 : i32 to index
        %get3A_404 = arith.constant 32 : index
        %get3A_405 = tpu.vector_load %arg9[%get3A_402, %get3A_403, %get3A_404] {strides = array<i32>} : memref<4x64x64xf32, #tpu.memory_space<vmem>>, vector<16xf32>,
        %mul3A_406 = vector.broadcast %squeeze3A : f32 to vector<16xf32>
        %mul3A_407 = arith.mulf %mul3A_406, %get3A_405 : vector<16xf32>
        %add3A_408 = arith.addf %broadcast_in_dim3A_371, %mul3A_407 : vector<16xf32>
        %get3A_409 = arith.constant 2 : i32
        %get3A_410 = arith.index_cast %get3A_409 : i32 to index
        %get3A_411 = arith.index_cast %add3A_385 : i32 to index
        %get3A_412 = arith.constant 48 : index
        %get3A_413 = tpu.vector_load %arg9[%get3A_410, %get3A_411, %get3A_412] {strides = array<i32>} : memref<4x64x64xf32, #tpu.memory_space<vmem>>, vector<16xf32>,
        %mul3A_414 = vector.broadcast %squeeze3A : f32 to vector<16xf32>
        %mul3A_415 = arith.mulf %mul3A_414, %get3A_413 : vector<16xf32>
        %add3A_416 = arith.addf %broadcast_in_dim3A_373, %mul3A_415 : vector<16xf32>
        %slice3A_417 = vector.extract_strided_slice %gather3A {offsets = [1], sizes = [1], strides = [1]} : vector<16xf32> to vector<1xf32>
        %squeeze3A_418 = vector.extract %slice3A_417[0] : f32 from vector<1xf32>
        %mul3A_419 = arith.constant 16 : i32
        %mul3A_420 = arith.muli %add3A_362, %mul3A_419 : i32
        %add3A_421 = arith.constant 1 : i32
        %add3A_422 = arith.addi %mul3A_420, %add3A_421 : i32
        %get3A_423 = arith.constant 2 : i32
        %get3A_424 = arith.index_cast %get3A_423 : i32 to index
        %get3A_425 = arith.index_cast %add3A_422 : i32 to index
        %get3A_426 = arith.constant 0 : index
        %get3A_427 = tpu.vector_load %arg9[%get3A_424, %get3A_425, %get3A_426] {strides = array<i32>} : memref<4x64x64xf32, #tpu.memory_space<vmem>>, vector<16xf32>,
        %mul3A_428 = vector.broadcast %squeeze3A_418 : f32 to vector<16xf32>
        %mul3A_429 = arith.mulf %mul3A_428, %get3A_427 : vector<16xf32>
        %add3A_430 = arith.addf %broadcast_in_dim3A_375, %mul3A_429 : vector<16xf32>
        %get3A_431 = arith.constant 2 : i32
        %get3A_432 = arith.index_cast %get3A_431 : i32 to index
        %get3A_433 = arith.index_cast %add3A_422 : i32 to index
        %get3A_434 = arith.constant 16 : index
        %get3A_435 = tpu.vector_load %arg9[%get3A_432, %get3A_433, %get3A_434] {strides = array<i32>} : memref<4x64x64xf32, #tpu.memory_space<vmem>>, vector<16xf32>,
        %mul3A_436 = vector.broadcast %squeeze3A_418 : f32 to vector<16xf32>
        %mul3A_437 = arith.mulf %mul3A_436, %get3A_435 : vector<16xf32>
        %add3A_438 = arith.addf %broadcast_in_dim3A_377, %mul3A_437 : vector<16xf32>
        %get3A_439 = arith.constant 2 : i32
        %get3A_440 = arith.index_cast %get3A_439 : i32 to index
        %get3A_441 = arith.index_cast %add3A_422 : i32 to index
        %get3A_442 = arith.constant 32 : index
        %get3A_443 = tpu.vector_load %arg9[%get3A_440, %get3A_441, %get3A_442] {strides = array<i32>} : memref<4x64x64xf32, #tpu.memory_space<vmem>>, vector<16xf32>,
        %mul3A_444 = vector.broadcast %squeeze3A_418 : f32 to vector<16xf32>
        %mul3A_445 = arith.mulf %mul3A_444, %get3A_443 : vector<16xf32>
        %add3A_446 = arith.addf %broadcast_in_dim3A_379, %mul3A_445 : vector<16xf32>
        %get3A_447 = arith.constant 2 : i32
        %get3A_448 = arith.index_cast %get3A_447 : i32 to index
        %get3A_449 = arith.index_cast %add3A_422 : i32 to index
        %get3A_450 = arith.constant 48 : index
        %get3A_451 = tpu.vector_load %arg9[%get3A_448, %get3A_449, %get3A_450] {strides = array<i32>} : memref<4x64x64xf32, #tpu.memory_space<vmem>>, vector<16xf32>,
        %mul3A_452 = vector.broadcast %squeeze3A_418 : f32 to vector<16xf32>
        %mul3A_453 = arith.mulf %mul3A_452, %get3A_451 : vector<16xf32>
        %add3A_454 = arith.addf %broadcast_in_dim3A_381, %mul3A_453 : vector<16xf32>
        %slice3A_455 = vector.extract_strided_slice %gather3A {offsets = [2], sizes = [1], strides = [1]} : vector<16xf32> to vector<1xf32>
        %squeeze3A_456 = vector.extract %slice3A_455[0] : f32 from vector<1xf32>
        %mul3A_457 = arith.constant 16 : i32
        %mul3A_458 = arith.muli %add3A_362, %mul3A_457 : i32
        %add3A_459 = arith.constant 2 : i32
        %add3A_460 = arith.addi %mul3A_458, %add3A_459 : i32
        %get3A_461 = arith.constant 2 : i32
        %get3A_462 = arith.index_cast %get3A_461 : i32 to index
        %get3A_463 = arith.index_cast %add3A_460 : i32 to index
        %get3A_464 = arith.constant 0 : index
        %get3A_465 = tpu.vector_load %arg9[%get3A_462, %get3A_463, %get3A_464] {strides = array<i32>} : memref<4x64x64xf32, #tpu.memory_space<vmem>>, vector<16xf32>,
        %mul3A_466 = vector.broadcast %squeeze3A_456 : f32 to vector<16xf32>
        %mul3A_467 = arith.mulf %mul3A_466, %get3A_465 : vector<16xf32>
        %add3A_468 = arith.addf %add3A_392, %mul3A_467 : vector<16xf32>
        %get3A_469 = arith.constant 2 : i32
        %get3A_470 = arith.index_cast %get3A_469 : i32 to index
        %get3A_471 = arith.index_cast %add3A_460 : i32 to index
        %get3A_472 = arith.constant 16 : index
        %get3A_473 = tpu.vector_load %arg9[%get3A_470, %get3A_471, %get3A_472] {strides = array<i32>} : memref<4x64x64xf32, #tpu.memory_space<vmem>>, vector<16xf32>,
        %mul3A_474 = vector.broadcast %squeeze3A_456 : f32 to vector<16xf32>
        %mul3A_475 = arith.mulf %mul3A_474, %get3A_473 : vector<16xf32>
        %add3A_476 = arith.addf %add3A_400, %mul3A_475 : vector<16xf32>
        %get3A_477 = arith.constant 2 : i32
        %get3A_478 = arith.index_cast %get3A_477 : i32 to index
        %get3A_479 = arith.index_cast %add3A_460 : i32 to index
        %get3A_480 = arith.constant 32 : index
        %get3A_481 = tpu.vector_load %arg9[%get3A_478, %get3A_479, %get3A_480] {strides = array<i32>} : memref<4x64x64xf32, #tpu.memory_space<vmem>>, vector<16xf32>,
        %mul3A_482 = vector.broadcast %squeeze3A_456 : f32 to vector<16xf32>
        %mul3A_483 = arith.mulf %mul3A_482, %get3A_481 : vector<16xf32>
        %add3A_484 = arith.addf %add3A_408, %mul3A_483 : vector<16xf32>
        %get3A_485 = arith.constant 2 : i32
        %get3A_486 = arith.index_cast %get3A_485 : i32 to index
        %get3A_487 = arith.index_cast %add3A_460 : i32 to index
        %get3A_488 = arith.constant 48 : index
        %get3A_489 = tpu.vector_load %arg9[%get3A_486, %get3A_487, %get3A_488] {strides = array<i32>} : memref<4x64x64xf32, #tpu.memory_space<vmem>>, vector<16xf32>,
        %mul3A_490 = vector.broadcast %squeeze3A_456 : f32 to vector<16xf32>
        %mul3A_491 = arith.mulf %mul3A_490, %get3A_489 : vector<16xf32>
        %add3A_492 = arith.addf %add3A_416, %mul3A_491 : vector<16xf32>
        %slice3A_493 = vector.extract_strided_slice %gather3A {offsets = [3], sizes = [1], strides = [1]} : vector<16xf32> to vector<1xf32>
        %squeeze3A_494 = vector.extract %slice3A_493[0] : f32 from vector<1xf32>
        %mul3A_495 = arith.constant 16 : i32
        %mul3A_496 = arith.muli %add3A_362, %mul3A_495 : i32
        %add3A_497 = arith.constant 3 : i32
        %add3A_498 = arith.addi %mul3A_496, %add3A_497 : i32
        %get3A_499 = arith.constant 2 : i32
        %get3A_500 = arith.index_cast %get3A_499 : i32 to index
        %get3A_501 = arith.index_cast %add3A_498 : i32 to index
        %get3A_502 = arith.constant 0 : index
        %get3A_503 = tpu.vector_load %arg9[%get3A_500, %get3A_501, %get3A_502] {strides = array<i32>} : memref<4x64x64xf32, #tpu.memory_space<vmem>>, vector<16xf32>,
        %mul3A_504 = vector.broadcast %squeeze3A_494 : f32 to vector<16xf32>
        %mul3A_505 = arith.mulf %mul3A_504, %get3A_503 : vector<16xf32>
        %add3A_506 = arith.addf %add3A_430, %mul3A_505 : vector<16xf32>
        %get3A_507 = arith.constant 2 : i32
        %get3A_508 = arith.index_cast %get3A_507 : i32 to index
        %get3A_509 = arith.index_cast %add3A_498 : i32 to index
        %get3A_510 = arith.constant 16 : index
        %get3A_511 = tpu.vector_load %arg9[%get3A_508, %get3A_509, %get3A_510] {strides = array<i32>} : memref<4x64x64xf32, #tpu.memory_space<vmem>>, vector<16xf32>,
        %mul3A_512 = vector.broadcast %squeeze3A_494 : f32 to vector<16xf32>
        %mul3A_513 = arith.mulf %mul3A_512, %get3A_511 : vector<16xf32>
        %add3A_514 = arith.addf %add3A_438, %mul3A_513 : vector<16xf32>
        %get3A_515 = arith.constant 2 : i32
        %get3A_516 = arith.index_cast %get3A_515 : i32 to index
        %get3A_517 = arith.index_cast %add3A_498 : i32 to index
        %get3A_518 = arith.constant 32 : index
        %get3A_519 = tpu.vector_load %arg9[%get3A_516, %get3A_517, %get3A_518] {strides = array<i32>} : memref<4x64x64xf32, #tpu.memory_space<vmem>>, vector<16xf32>,
        %mul3A_520 = vector.broadcast %squeeze3A_494 : f32 to vector<16xf32>
        %mul3A_521 = arith.mulf %mul3A_520, %get3A_519 : vector<16xf32>
        %add3A_522 = arith.addf %add3A_446, %mul3A_521 : vector<16xf32>
        %get3A_523 = arith.constant 2 : i32
        %get3A_524 = arith.index_cast %get3A_523 : i32 to index
        %get3A_525 = arith.index_cast %add3A_498 : i32 to index
        %get3A_526 = arith.constant 48 : index
        %get3A_527 = tpu.vector_load %arg9[%get3A_524, %get3A_525, %get3A_526] {strides = array<i32>} : memref<4x64x64xf32, #tpu.memory_space<vmem>>, vector<16xf32>,
        %mul3A_528 = vector.broadcast %squeeze3A_494 : f32 to vector<16xf32>
        %mul3A_529 = arith.mulf %mul3A_528, %get3A_527 : vector<16xf32>
        %add3A_530 = arith.addf %add3A_454, %mul3A_529 : vector<16xf32>
        %slice3A_531 = vector.extract_strided_slice %gather3A {offsets = [4], sizes = [1], strides = [1]} : vector<16xf32> to vector<1xf32>
        %squeeze3A_532 = vector.extract %slice3A_531[0] : f32 from vector<1xf32>
        %mul3A_533 = arith.constant 16 : i32
        %mul3A_534 = arith.muli %add3A_362, %mul3A_533 : i32
        %add3A_535 = arith.constant 4 : i32
        %add3A_536 = arith.addi %mul3A_534, %add3A_535 : i32
        %get3A_537 = arith.constant 2 : i32
        %get3A_538 = arith.index_cast %get3A_537 : i32 to index
        %get3A_539 = arith.index_cast %add3A_536 : i32 to index
        %get3A_540 = arith.constant 0 : index
        %get3A_541 = tpu.vector_load %arg9[%get3A_538, %get3A_539, %get3A_540] {strides = array<i32>} : memref<4x64x64xf32, #tpu.memory_space<vmem>>, vector<16xf32>,
        %mul3A_542 = vector.broadcast %squeeze3A_532 : f32 to vector<16xf32>
        %mul3A_543 = arith.mulf %mul3A_542, %get3A_541 : vector<16xf32>
        %add3A_544 = arith.addf %add3A_468, %mul3A_543 : vector<16xf32>
        %get3A_545 = arith.constant 2 : i32
        %get3A_546 = arith.index_cast %get3A_545 : i32 to index
        %get3A_547 = arith.index_cast %add3A_536 : i32 to index
        %get3A_548 = arith.constant 16 : index
        %get3A_549 = tpu.vector_load %arg9[%get3A_546, %get3A_547, %get3A_548] {strides = array<i32>} : memref<4x64x64xf32, #tpu.memory_space<vmem>>, vector<16xf32>,
        %mul3A_550 = vector.broadcast %squeeze3A_532 : f32 to vector<16xf32>
        %mul3A_551 = arith.mulf %mul3A_550, %get3A_549 : vector<16xf32>
        %add3A_552 = arith.addf %add3A_476, %mul3A_551 : vector<16xf32>
        %get3A_553 = arith.constant 2 : i32
        %get3A_554 = arith.index_cast %get3A_553 : i32 to index
        %get3A_555 = arith.index_cast %add3A_536 : i32 to index
        %get3A_556 = arith.constant 32 : index
        %get3A_557 = tpu.vector_load %arg9[%get3A_554, %get3A_555, %get3A_556] {strides = array<i32>} : memref<4x64x64xf32, #tpu.memory_space<vmem>>, vector<16xf32>,
        %mul3A_558 = vector.broadcast %squeeze3A_532 : f32 to vector<16xf32>
        %mul3A_559 = arith.mulf %mul3A_558, %get3A_557 : vector<16xf32>
        %add3A_560 = arith.addf %add3A_484, %mul3A_559 : vector<16xf32>
        %get3A_561 = arith.constant 2 : i32
        %get3A_562 = arith.index_cast %get3A_561 : i32 to index
        %get3A_563 = arith.index_cast %add3A_536 : i32 to index
        %get3A_564 = arith.constant 48 : index
        %get3A_565 = tpu.vector_load %arg9[%get3A_562, %get3A_563, %get3A_564] {strides = array<i32>} : memref<4x64x64xf32, #tpu.memory_space<vmem>>, vector<16xf32>,
        %mul3A_566 = vector.broadcast %squeeze3A_532 : f32 to vector<16xf32>
        %mul3A_567 = arith.mulf %mul3A_566, %get3A_565 : vector<16xf32>
        %add3A_568 = arith.addf %add3A_492, %mul3A_567 : vector<16xf32>
        %slice3A_569 = vector.extract_strided_slice %gather3A {offsets = [5], sizes = [1], strides = [1]} : vector<16xf32> to vector<1xf32>
        %squeeze3A_570 = vector.extract %slice3A_569[0] : f32 from vector<1xf32>
        %mul3A_571 = arith.constant 16 : i32
        %mul3A_572 = arith.muli %add3A_362, %mul3A_571 : i32
        %add3A_573 = arith.constant 5 : i32
        %add3A_574 = arith.addi %mul3A_572, %add3A_573 : i32
        %get3A_575 = arith.constant 2 : i32
        %get3A_576 = arith.index_cast %get3A_575 : i32 to index
        %get3A_577 = arith.index_cast %add3A_574 : i32 to index
        %get3A_578 = arith.constant 0 : index
        %get3A_579 = tpu.vector_load %arg9[%get3A_576, %get3A_577, %get3A_578] {strides = array<i32>} : memref<4x64x64xf32, #tpu.memory_space<vmem>>, vector<16xf32>,
        %mul3A_580 = vector.broadcast %squeeze3A_570 : f32 to vector<16xf32>
        %mul3A_581 = arith.mulf %mul3A_580, %get3A_579 : vector<16xf32>
        %add3A_582 = arith.addf %add3A_506, %mul3A_581 : vector<16xf32>
        %get3A_583 = arith.constant 2 : i32
        %get3A_584 = arith.index_cast %get3A_583 : i32 to index
        %get3A_585 = arith.index_cast %add3A_574 : i32 to index
        %get3A_586 = arith.constant 16 : index
        %get3A_587 = tpu.vector_load %arg9[%get3A_584, %get3A_585, %get3A_586] {strides = array<i32>} : memref<4x64x64xf32, #tpu.memory_space<vmem>>, vector<16xf32>,
        %mul3A_588 = vector.broadcast %squeeze3A_570 : f32 to vector<16xf32>
        %mul3A_589 = arith.mulf %mul3A_588, %get3A_587 : vector<16xf32>
        %add3A_590 = arith.addf %add3A_514, %mul3A_589 : vector<16xf32>
        %get3A_591 = arith.constant 2 : i32
        %get3A_592 = arith.index_cast %get3A_591 : i32 to index
        %get3A_593 = arith.index_cast %add3A_574 : i32 to index
        %get3A_594 = arith.constant 32 : index
        %get3A_595 = tpu.vector_load %arg9[%get3A_592, %get3A_593, %get3A_594] {strides = array<i32>} : memref<4x64x64xf32, #tpu.memory_space<vmem>>, vector<16xf32>,
        %mul3A_596 = vector.broadcast %squeeze3A_570 : f32 to vector<16xf32>
        %mul3A_597 = arith.mulf %mul3A_596, %get3A_595 : vector<16xf32>
        %add3A_598 = arith.addf %add3A_522, %mul3A_597 : vector<16xf32>
        %get3A_599 = arith.constant 2 : i32
        %get3A_600 = arith.index_cast %get3A_599 : i32 to index
        %get3A_601 = arith.index_cast %add3A_574 : i32 to index
        %get3A_602 = arith.constant 48 : index
        %get3A_603 = tpu.vector_load %arg9[%get3A_600, %get3A_601, %get3A_602] {strides = array<i32>} : memref<4x64x64xf32, #tpu.memory_space<vmem>>, vector<16xf32>,
        %mul3A_604 = vector.broadcast %squeeze3A_570 : f32 to vector<16xf32>
        %mul3A_605 = arith.mulf %mul3A_604, %get3A_603 : vector<16xf32>
        %add3A_606 = arith.addf %add3A_530, %mul3A_605 : vector<16xf32>
        %slice3A_607 = vector.extract_strided_slice %gather3A {offsets = [6], sizes = [1], strides = [1]} : vector<16xf32> to vector<1xf32>
        %squeeze3A_608 = vector.extract %slice3A_607[0] : f32 from vector<1xf32>
        %mul3A_609 = arith.constant 16 : i32
        %mul3A_610 = arith.muli %add3A_362, %mul3A_609 : i32
        %add3A_611 = arith.constant 6 : i32
        %add3A_612 = arith.addi %mul3A_610, %add3A_611 : i32
        %get3A_613 = arith.constant 2 : i32
        %get3A_614 = arith.index_cast %get3A_613 : i32 to index
        %get3A_615 = arith.index_cast %add3A_612 : i32 to index
        %get3A_616 = arith.constant 0 : index
        %get3A_617 = tpu.vector_load %arg9[%get3A_614, %get3A_615, %get3A_616] {strides = array<i32>} : memref<4x64x64xf32, #tpu.memory_space<vmem>>, vector<16xf32>,
        %mul3A_618 = vector.broadcast %squeeze3A_608 : f32 to vector<16xf32>
        %mul3A_619 = arith.mulf %mul3A_618, %get3A_617 : vector<16xf32>
        %add3A_620 = arith.addf %add3A_544, %mul3A_619 : vector<16xf32>
        %get3A_621 = arith.constant 2 : i32
        %get3A_622 = arith.index_cast %get3A_621 : i32 to index
        %get3A_623 = arith.index_cast %add3A_612 : i32 to index
        %get3A_624 = arith.constant 16 : index
        %get3A_625 = tpu.vector_load %arg9[%get3A_622, %get3A_623, %get3A_624] {strides = array<i32>} : memref<4x64x64xf32, #tpu.memory_space<vmem>>, vector<16xf32>,
        %mul3A_626 = vector.broadcast %squeeze3A_608 : f32 to vector<16xf32>
        %mul3A_627 = arith.mulf %mul3A_626, %get3A_625 : vector<16xf32>
        %add3A_628 = arith.addf %add3A_552, %mul3A_627 : vector<16xf32>
        %get3A_629 = arith.constant 2 : i32
        %get3A_630 = arith.index_cast %get3A_629 : i32 to index
        %get3A_631 = arith.index_cast %add3A_612 : i32 to index
        %get3A_632 = arith.constant 32 : index
        %get3A_633 = tpu.vector_load %arg9[%get3A_630, %get3A_631, %get3A_632] {strides = array<i32>} : memref<4x64x64xf32, #tpu.memory_space<vmem>>, vector<16xf32>,
        %mul3A_634 = vector.broadcast %squeeze3A_608 : f32 to vector<16xf32>
        %mul3A_635 = arith.mulf %mul3A_634, %get3A_633 : vector<16xf32>
        %add3A_636 = arith.addf %add3A_560, %mul3A_635 : vector<16xf32>
        %get3A_637 = arith.constant 2 : i32
        %get3A_638 = arith.index_cast %get3A_637 : i32 to index
        %get3A_639 = arith.index_cast %add3A_612 : i32 to index
        %get3A_640 = arith.constant 48 : index
        %get3A_641 = tpu.vector_load %arg9[%get3A_638, %get3A_639, %get3A_640] {strides = array<i32>} : memref<4x64x64xf32, #tpu.memory_space<vmem>>, vector<16xf32>,
        %mul3A_642 = vector.broadcast %squeeze3A_608 : f32 to vector<16xf32>
        %mul3A_643 = arith.mulf %mul3A_642, %get3A_641 : vector<16xf32>
        %add3A_644 = arith.addf %add3A_568, %mul3A_643 : vector<16xf32>
        %slice3A_645 = vector.extract_strided_slice %gather3A {offsets = [7], sizes = [1], strides = [1]} : vector<16xf32> to vector<1xf32>
        %squeeze3A_646 = vector.extract %slice3A_645[0] : f32 from vector<1xf32>
        %mul3A_647 = arith.constant 16 : i32
        %mul3A_648 = arith.muli %add3A_362, %mul3A_647 : i32
        %add3A_649 = arith.constant 7 : i32
        %add3A_650 = arith.addi %mul3A_648, %add3A_649 : i32
        %get3A_651 = arith.constant 2 : i32
        %get3A_652 = arith.index_cast %get3A_651 : i32 to index
        %get3A_653 = arith.index_cast %add3A_650 : i32 to index
        %get3A_654 = arith.constant 0 : index
        %get3A_655 = tpu.vector_load %arg9[%get3A_652, %get3A_653, %get3A_654] {strides = array<i32>} : memref<4x64x64xf32, #tpu.memory_space<vmem>>, vector<16xf32>,
        %mul3A_656 = vector.broadcast %squeeze3A_646 : f32 to vector<16xf32>
        %mul3A_657 = arith.mulf %mul3A_656, %get3A_655 : vector<16xf32>
        %add3A_658 = arith.addf %add3A_582, %mul3A_657 : vector<16xf32>
        %get3A_659 = arith.constant 2 : i32
        %get3A_660 = arith.index_cast %get3A_659 : i32 to index
        %get3A_661 = arith.index_cast %add3A_650 : i32 to index
        %get3A_662 = arith.constant 16 : index
        %get3A_663 = tpu.vector_load %arg9[%get3A_660, %get3A_661, %get3A_662] {strides = array<i32>} : memref<4x64x64xf32, #tpu.memory_space<vmem>>, vector<16xf32>,
        %mul3A_664 = vector.broadcast %squeeze3A_646 : f32 to vector<16xf32>
        %mul3A_665 = arith.mulf %mul3A_664, %get3A_663 : vector<16xf32>
        %add3A_666 = arith.addf %add3A_590, %mul3A_665 : vector<16xf32>
        %get3A_667 = arith.constant 2 : i32
        %get3A_668 = arith.index_cast %get3A_667 : i32 to index
        %get3A_669 = arith.index_cast %add3A_650 : i32 to index
        %get3A_670 = arith.constant 32 : index
        %get3A_671 = tpu.vector_load %arg9[%get3A_668, %get3A_669, %get3A_670] {strides = array<i32>} : memref<4x64x64xf32, #tpu.memory_space<vmem>>, vector<16xf32>,
        %mul3A_672 = vector.broadcast %squeeze3A_646 : f32 to vector<16xf32>
        %mul3A_673 = arith.mulf %mul3A_672, %get3A_671 : vector<16xf32>
        %add3A_674 = arith.addf %add3A_598, %mul3A_673 : vector<16xf32>
        %get3A_675 = arith.constant 2 : i32
        %get3A_676 = arith.index_cast %get3A_675 : i32 to index
        %get3A_677 = arith.index_cast %add3A_650 : i32 to index
        %get3A_678 = arith.constant 48 : index
        %get3A_679 = tpu.vector_load %arg9[%get3A_676, %get3A_677, %get3A_678] {strides = array<i32>} : memref<4x64x64xf32, #tpu.memory_space<vmem>>, vector<16xf32>,
        %mul3A_680 = vector.broadcast %squeeze3A_646 : f32 to vector<16xf32>
        %mul3A_681 = arith.mulf %mul3A_680, %get3A_679 : vector<16xf32>
        %add3A_682 = arith.addf %add3A_606, %mul3A_681 : vector<16xf32>
        %slice3A_683 = vector.extract_strided_slice %gather3A {offsets = [8], sizes = [1], strides = [1]} : vector<16xf32> to vector<1xf32>
        %squeeze3A_684 = vector.extract %slice3A_683[0] : f32 from vector<1xf32>
        %mul3A_685 = arith.constant 16 : i32
        %mul3A_686 = arith.muli %add3A_362, %mul3A_685 : i32
        %add3A_687 = arith.constant 8 : i32
        %add3A_688 = arith.addi %mul3A_686, %add3A_687 : i32
        %get3A_689 = arith.constant 2 : i32
        %get3A_690 = arith.index_cast %get3A_689 : i32 to index
        %get3A_691 = arith.index_cast %add3A_688 : i32 to index
        %get3A_692 = arith.constant 0 : index
        %get3A_693 = tpu.vector_load %arg9[%get3A_690, %get3A_691, %get3A_692] {strides = array<i32>} : memref<4x64x64xf32, #tpu.memory_space<vmem>>, vector<16xf32>,
        %mul3A_694 = vector.broadcast %squeeze3A_684 : f32 to vector<16xf32>
        %mul3A_695 = arith.mulf %mul3A_694, %get3A_693 : vector<16xf32>
        %add3A_696 = arith.addf %add3A_620, %mul3A_695 : vector<16xf32>
        %get3A_697 = arith.constant 2 : i32
        %get3A_698 = arith.index_cast %get3A_697 : i32 to index
        %get3A_699 = arith.index_cast %add3A_688 : i32 to index
        %get3A_700 = arith.constant 16 : index
        %get3A_701 = tpu.vector_load %arg9[%get3A_698, %get3A_699, %get3A_700] {strides = array<i32>} : memref<4x64x64xf32, #tpu.memory_space<vmem>>, vector<16xf32>,
        %mul3A_702 = vector.broadcast %squeeze3A_684 : f32 to vector<16xf32>
        %mul3A_703 = arith.mulf %mul3A_702, %get3A_701 : vector<16xf32>
        %add3A_704 = arith.addf %add3A_628, %mul3A_703 : vector<16xf32>
        %get3A_705 = arith.constant 2 : i32
        %get3A_706 = arith.index_cast %get3A_705 : i32 to index
        %get3A_707 = arith.index_cast %add3A_688 : i32 to index
        %get3A_708 = arith.constant 32 : index
        %get3A_709 = tpu.vector_load %arg9[%get3A_706, %get3A_707, %get3A_708] {strides = array<i32>} : memref<4x64x64xf32, #tpu.memory_space<vmem>>, vector<16xf32>,
        %mul3A_710 = vector.broadcast %squeeze3A_684 : f32 to vector<16xf32>
        %mul3A_711 = arith.mulf %mul3A_710, %get3A_709 : vector<16xf32>
        %add3A_712 = arith.addf %add3A_636, %mul3A_711 : vector<16xf32>
        %get3A_713 = arith.constant 2 : i32
        %get3A_714 = arith.index_cast %get3A_713 : i32 to index
        %get3A_715 = arith.index_cast %add3A_688 : i32 to index
        %get3A_716 = arith.constant 48 : index
        %get3A_717 = tpu.vector_load %arg9[%get3A_714, %get3A_715, %get3A_716] {strides = array<i32>} : memref<4x64x64xf32, #tpu.memory_space<vmem>>, vector<16xf32>,
        %mul3A_718 = vector.broadcast %squeeze3A_684 : f32 to vector<16xf32>
        %mul3A_719 = arith.mulf %mul3A_718, %get3A_717 : vector<16xf32>
        %add3A_720 = arith.addf %add3A_644, %mul3A_719 : vector<16xf32>
        %slice3A_721 = vector.extract_strided_slice %gather3A {offsets = [9], sizes = [1], strides = [1]} : vector<16xf32> to vector<1xf32>
        %squeeze3A_722 = vector.extract %slice3A_721[0] : f32 from vector<1xf32>
        %mul3A_723 = arith.constant 16 : i32
        %mul3A_724 = arith.muli %add3A_362, %mul3A_723 : i32
        %add3A_725 = arith.constant 9 : i32
        %add3A_726 = arith.addi %mul3A_724, %add3A_725 : i32
        %get3A_727 = arith.constant 2 : i32
        %get3A_728 = arith.index_cast %get3A_727 : i32 to index
        %get3A_729 = arith.index_cast %add3A_726 : i32 to index
        %get3A_730 = arith.constant 0 : index
        %get3A_731 = tpu.vector_load %arg9[%get3A_728, %get3A_729, %get3A_730] {strides = array<i32>} : memref<4x64x64xf32, #tpu.memory_space<vmem>>, vector<16xf32>,
        %mul3A_732 = vector.broadcast %squeeze3A_722 : f32 to vector<16xf32>
        %mul3A_733 = arith.mulf %mul3A_732, %get3A_731 : vector<16xf32>
        %add3A_734 = arith.addf %add3A_658, %mul3A_733 : vector<16xf32>
        %get3A_735 = arith.constant 2 : i32
        %get3A_736 = arith.index_cast %get3A_735 : i32 to index
        %get3A_737 = arith.index_cast %add3A_726 : i32 to index
        %get3A_738 = arith.constant 16 : index
        %get3A_739 = tpu.vector_load %arg9[%get3A_736, %get3A_737, %get3A_738] {strides = array<i32>} : memref<4x64x64xf32, #tpu.memory_space<vmem>>, vector<16xf32>,
        %mul3A_740 = vector.broadcast %squeeze3A_722 : f32 to vector<16xf32>
        %mul3A_741 = arith.mulf %mul3A_740, %get3A_739 : vector<16xf32>
        %add3A_742 = arith.addf %add3A_666, %mul3A_741 : vector<16xf32>
        %get3A_743 = arith.constant 2 : i32
        %get3A_744 = arith.index_cast %get3A_743 : i32 to index
        %get3A_745 = arith.index_cast %add3A_726 : i32 to index
        %get3A_746 = arith.constant 32 : index
        %get3A_747 = tpu.vector_load %arg9[%get3A_744, %get3A_745, %get3A_746] {strides = array<i32>} : memref<4x64x64xf32, #tpu.memory_space<vmem>>, vector<16xf32>,
        %mul3A_748 = vector.broadcast %squeeze3A_722 : f32 to vector<16xf32>
        %mul3A_749 = arith.mulf %mul3A_748, %get3A_747 : vector<16xf32>
        %add3A_750 = arith.addf %add3A_674, %mul3A_749 : vector<16xf32>
        %get3A_751 = arith.constant 2 : i32
        %get3A_752 = arith.index_cast %get3A_751 : i32 to index
        %get3A_753 = arith.index_cast %add3A_726 : i32 to index
        %get3A_754 = arith.constant 48 : index
        %get3A_755 = tpu.vector_load %arg9[%get3A_752, %get3A_753, %get3A_754] {strides = array<i32>} : memref<4x64x64xf32, #tpu.memory_space<vmem>>, vector<16xf32>,
        %mul3A_756 = vector.broadcast %squeeze3A_722 : f32 to vector<16xf32>
        %mul3A_757 = arith.mulf %mul3A_756, %get3A_755 : vector<16xf32>
        %add3A_758 = arith.addf %add3A_682, %mul3A_757 : vector<16xf32>
        %slice3A_759 = vector.extract_strided_slice %gather3A {offsets = [10], sizes = [1], strides = [1]} : vector<16xf32> to vector<1xf32>
        %squeeze3A_760 = vector.extract %slice3A_759[0] : f32 from vector<1xf32>
        %mul3A_761 = arith.constant 16 : i32
        %mul3A_762 = arith.muli %add3A_362, %mul3A_761 : i32
        %add3A_763 = arith.constant 10 : i32
        %add3A_764 = arith.addi %mul3A_762, %add3A_763 : i32
        %get3A_765 = arith.constant 2 : i32
        %get3A_766 = arith.index_cast %get3A_765 : i32 to index
        %get3A_767 = arith.index_cast %add3A_764 : i32 to index
        %get3A_768 = arith.constant 0 : index
        %get3A_769 = tpu.vector_load %arg9[%get3A_766, %get3A_767, %get3A_768] {strides = array<i32>} : memref<4x64x64xf32, #tpu.memory_space<vmem>>, vector<16xf32>,
        %mul3A_770 = vector.broadcast %squeeze3A_760 : f32 to vector<16xf32>
        %mul3A_771 = arith.mulf %mul3A_770, %get3A_769 : vector<16xf32>
        %add3A_772 = arith.addf %add3A_696, %mul3A_771 : vector<16xf32>
        %get3A_773 = arith.constant 2 : i32
        %get3A_774 = arith.index_cast %get3A_773 : i32 to index
        %get3A_775 = arith.index_cast %add3A_764 : i32 to index
        %get3A_776 = arith.constant 16 : index
        %get3A_777 = tpu.vector_load %arg9[%get3A_774, %get3A_775, %get3A_776] {strides = array<i32>} : memref<4x64x64xf32, #tpu.memory_space<vmem>>, vector<16xf32>,
        %mul3A_778 = vector.broadcast %squeeze3A_760 : f32 to vector<16xf32>
        %mul3A_779 = arith.mulf %mul3A_778, %get3A_777 : vector<16xf32>
        %add3A_780 = arith.addf %add3A_704, %mul3A_779 : vector<16xf32>
        %get3A_781 = arith.constant 2 : i32
        %get3A_782 = arith.index_cast %get3A_781 : i32 to index
        %get3A_783 = arith.index_cast %add3A_764 : i32 to index
        %get3A_784 = arith.constant 32 : index
        %get3A_785 = tpu.vector_load %arg9[%get3A_782, %get3A_783, %get3A_784] {strides = array<i32>} : memref<4x64x64xf32, #tpu.memory_space<vmem>>, vector<16xf32>,
        %mul3A_786 = vector.broadcast %squeeze3A_760 : f32 to vector<16xf32>
        %mul3A_787 = arith.mulf %mul3A_786, %get3A_785 : vector<16xf32>
        %add3A_788 = arith.addf %add3A_712, %mul3A_787 : vector<16xf32>
        %get3A_789 = arith.constant 2 : i32
        %get3A_790 = arith.index_cast %get3A_789 : i32 to index
        %get3A_791 = arith.index_cast %add3A_764 : i32 to index
        %get3A_792 = arith.constant 48 : index
        %get3A_793 = tpu.vector_load %arg9[%get3A_790, %get3A_791, %get3A_792] {strides = array<i32>} : memref<4x64x64xf32, #tpu.memory_space<vmem>>, vector<16xf32>,
        %mul3A_794 = vector.broadcast %squeeze3A_760 : f32 to vector<16xf32>
        %mul3A_795 = arith.mulf %mul3A_794, %get3A_793 : vector<16xf32>
        %add3A_796 = arith.addf %add3A_720, %mul3A_795 : vector<16xf32>
        %slice3A_797 = vector.extract_strided_slice %gather3A {offsets = [11], sizes = [1], strides = [1]} : vector<16xf32> to vector<1xf32>
        %squeeze3A_798 = vector.extract %slice3A_797[0] : f32 from vector<1xf32>
        %mul3A_799 = arith.constant 16 : i32
        %mul3A_800 = arith.muli %add3A_362, %mul3A_799 : i32
        %add3A_801 = arith.constant 11 : i32
        %add3A_802 = arith.addi %mul3A_800, %add3A_801 : i32
        %get3A_803 = arith.constant 2 : i32
        %get3A_804 = arith.index_cast %get3A_803 : i32 to index
        %get3A_805 = arith.index_cast %add3A_802 : i32 to index
        %get3A_806 = arith.constant 0 : index
        %get3A_807 = tpu.vector_load %arg9[%get3A_804, %get3A_805, %get3A_806] {strides = array<i32>} : memref<4x64x64xf32, #tpu.memory_space<vmem>>, vector<16xf32>,
        %mul3A_808 = vector.broadcast %squeeze3A_798 : f32 to vector<16xf32>
        %mul3A_809 = arith.mulf %mul3A_808, %get3A_807 : vector<16xf32>
        %add3A_810 = arith.addf %add3A_734, %mul3A_809 : vector<16xf32>
        %get3A_811 = arith.constant 2 : i32
        %get3A_812 = arith.index_cast %get3A_811 : i32 to index
        %get3A_813 = arith.index_cast %add3A_802 : i32 to index
        %get3A_814 = arith.constant 16 : index
        %get3A_815 = tpu.vector_load %arg9[%get3A_812, %get3A_813, %get3A_814] {strides = array<i32>} : memref<4x64x64xf32, #tpu.memory_space<vmem>>, vector<16xf32>,
        %mul3A_816 = vector.broadcast %squeeze3A_798 : f32 to vector<16xf32>
        %mul3A_817 = arith.mulf %mul3A_816, %get3A_815 : vector<16xf32>
        %add3A_818 = arith.addf %add3A_742, %mul3A_817 : vector<16xf32>
        %get3A_819 = arith.constant 2 : i32
        %get3A_820 = arith.index_cast %get3A_819 : i32 to index
        %get3A_821 = arith.index_cast %add3A_802 : i32 to index
        %get3A_822 = arith.constant 32 : index
        %get3A_823 = tpu.vector_load %arg9[%get3A_820, %get3A_821, %get3A_822] {strides = array<i32>} : memref<4x64x64xf32, #tpu.memory_space<vmem>>, vector<16xf32>,
        %mul3A_824 = vector.broadcast %squeeze3A_798 : f32 to vector<16xf32>
        %mul3A_825 = arith.mulf %mul3A_824, %get3A_823 : vector<16xf32>
        %add3A_826 = arith.addf %add3A_750, %mul3A_825 : vector<16xf32>
        %get3A_827 = arith.constant 2 : i32
        %get3A_828 = arith.index_cast %get3A_827 : i32 to index
        %get3A_829 = arith.index_cast %add3A_802 : i32 to index
        %get3A_830 = arith.constant 48 : index
        %get3A_831 = tpu.vector_load %arg9[%get3A_828, %get3A_829, %get3A_830] {strides = array<i32>} : memref<4x64x64xf32, #tpu.memory_space<vmem>>, vector<16xf32>,
        %mul3A_832 = vector.broadcast %squeeze3A_798 : f32 to vector<16xf32>
        %mul3A_833 = arith.mulf %mul3A_832, %get3A_831 : vector<16xf32>
        %add3A_834 = arith.addf %add3A_758, %mul3A_833 : vector<16xf32>
        %slice3A_835 = vector.extract_strided_slice %gather3A {offsets = [12], sizes = [1], strides = [1]} : vector<16xf32> to vector<1xf32>
        %squeeze3A_836 = vector.extract %slice3A_835[0] : f32 from vector<1xf32>
        %mul3A_837 = arith.constant 16 : i32
        %mul3A_838 = arith.muli %add3A_362, %mul3A_837 : i32
        %add3A_839 = arith.constant 12 : i32
        %add3A_840 = arith.addi %mul3A_838, %add3A_839 : i32
        %get3A_841 = arith.constant 2 : i32
        %get3A_842 = arith.index_cast %get3A_841 : i32 to index
        %get3A_843 = arith.index_cast %add3A_840 : i32 to index
        %get3A_844 = arith.constant 0 : index
        %get3A_845 = tpu.vector_load %arg9[%get3A_842, %get3A_843, %get3A_844] {strides = array<i32>} : memref<4x64x64xf32, #tpu.memory_space<vmem>>, vector<16xf32>,
        %mul3A_846 = vector.broadcast %squeeze3A_836 : f32 to vector<16xf32>
        %mul3A_847 = arith.mulf %mul3A_846, %get3A_845 : vector<16xf32>
        %add3A_848 = arith.addf %add3A_772, %mul3A_847 : vector<16xf32>
        %get3A_849 = arith.constant 2 : i32
        %get3A_850 = arith.index_cast %get3A_849 : i32 to index
        %get3A_851 = arith.index_cast %add3A_840 : i32 to index
        %get3A_852 = arith.constant 16 : index
        %get3A_853 = tpu.vector_load %arg9[%get3A_850, %get3A_851, %get3A_852] {strides = array<i32>} : memref<4x64x64xf32, #tpu.memory_space<vmem>>, vector<16xf32>,
        %mul3A_854 = vector.broadcast %squeeze3A_836 : f32 to vector<16xf32>
        %mul3A_855 = arith.mulf %mul3A_854, %get3A_853 : vector<16xf32>
        %add3A_856 = arith.addf %add3A_780, %mul3A_855 : vector<16xf32>
        %get3A_857 = arith.constant 2 : i32
        %get3A_858 = arith.index_cast %get3A_857 : i32 to index
        %get3A_859 = arith.index_cast %add3A_840 : i32 to index
        %get3A_860 = arith.constant 32 : index
        %get3A_861 = tpu.vector_load %arg9[%get3A_858, %get3A_859, %get3A_860] {strides = array<i32>} : memref<4x64x64xf32, #tpu.memory_space<vmem>>, vector<16xf32>,
        %mul3A_862 = vector.broadcast %squeeze3A_836 : f32 to vector<16xf32>
        %mul3A_863 = arith.mulf %mul3A_862, %get3A_861 : vector<16xf32>
        %add3A_864 = arith.addf %add3A_788, %mul3A_863 : vector<16xf32>
        %get3A_865 = arith.constant 2 : i32
        %get3A_866 = arith.index_cast %get3A_865 : i32 to index
        %get3A_867 = arith.index_cast %add3A_840 : i32 to index
        %get3A_868 = arith.constant 48 : index
        %get3A_869 = tpu.vector_load %arg9[%get3A_866, %get3A_867, %get3A_868] {strides = array<i32>} : memref<4x64x64xf32, #tpu.memory_space<vmem>>, vector<16xf32>,
        %mul3A_870 = vector.broadcast %squeeze3A_836 : f32 to vector<16xf32>
        %mul3A_871 = arith.mulf %mul3A_870, %get3A_869 : vector<16xf32>
        %add3A_872 = arith.addf %add3A_796, %mul3A_871 : vector<16xf32>
        %slice3A_873 = vector.extract_strided_slice %gather3A {offsets = [13], sizes = [1], strides = [1]} : vector<16xf32> to vector<1xf32>
        %squeeze3A_874 = vector.extract %slice3A_873[0] : f32 from vector<1xf32>
        %mul3A_875 = arith.constant 16 : i32
        %mul3A_876 = arith.muli %add3A_362, %mul3A_875 : i32
        %add3A_877 = arith.constant 13 : i32
        %add3A_878 = arith.addi %mul3A_876, %add3A_877 : i32
        %get3A_879 = arith.constant 2 : i32
        %get3A_880 = arith.index_cast %get3A_879 : i32 to index
        %get3A_881 = arith.index_cast %add3A_878 : i32 to index
        %get3A_882 = arith.constant 0 : index
        %get3A_883 = tpu.vector_load %arg9[%get3A_880, %get3A_881, %get3A_882] {strides = array<i32>} : memref<4x64x64xf32, #tpu.memory_space<vmem>>, vector<16xf32>,
        %mul3A_884 = vector.broadcast %squeeze3A_874 : f32 to vector<16xf32>
        %mul3A_885 = arith.mulf %mul3A_884, %get3A_883 : vector<16xf32>
        %add3A_886 = arith.addf %add3A_810, %mul3A_885 : vector<16xf32>
        %get3A_887 = arith.constant 2 : i32
        %get3A_888 = arith.index_cast %get3A_887 : i32 to index
        %get3A_889 = arith.index_cast %add3A_878 : i32 to index
        %get3A_890 = arith.constant 16 : index
        %get3A_891 = tpu.vector_load %arg9[%get3A_888, %get3A_889, %get3A_890] {strides = array<i32>} : memref<4x64x64xf32, #tpu.memory_space<vmem>>, vector<16xf32>,
        %mul3A_892 = vector.broadcast %squeeze3A_874 : f32 to vector<16xf32>
        %mul3A_893 = arith.mulf %mul3A_892, %get3A_891 : vector<16xf32>
        %add3A_894 = arith.addf %add3A_818, %mul3A_893 : vector<16xf32>
        %get3A_895 = arith.constant 2 : i32
        %get3A_896 = arith.index_cast %get3A_895 : i32 to index
        %get3A_897 = arith.index_cast %add3A_878 : i32 to index
        %get3A_898 = arith.constant 32 : index
        %get3A_899 = tpu.vector_load %arg9[%get3A_896, %get3A_897, %get3A_898] {strides = array<i32>} : memref<4x64x64xf32, #tpu.memory_space<vmem>>, vector<16xf32>,
        %mul3A_900 = vector.broadcast %squeeze3A_874 : f32 to vector<16xf32>
        %mul3A_901 = arith.mulf %mul3A_900, %get3A_899 : vector<16xf32>
        %add3A_902 = arith.addf %add3A_826, %mul3A_901 : vector<16xf32>
        %get3A_903 = arith.constant 2 : i32
        %get3A_904 = arith.index_cast %get3A_903 : i32 to index
        %get3A_905 = arith.index_cast %add3A_878 : i32 to index
        %get3A_906 = arith.constant 48 : index
        %get3A_907 = tpu.vector_load %arg9[%get3A_904, %get3A_905, %get3A_906] {strides = array<i32>} : memref<4x64x64xf32, #tpu.memory_space<vmem>>, vector<16xf32>,
        %mul3A_908 = vector.broadcast %squeeze3A_874 : f32 to vector<16xf32>
        %mul3A_909 = arith.mulf %mul3A_908, %get3A_907 : vector<16xf32>
        %add3A_910 = arith.addf %add3A_834, %mul3A_909 : vector<16xf32>
        %slice3A_911 = vector.extract_strided_slice %gather3A {offsets = [14], sizes = [1], strides = [1]} : vector<16xf32> to vector<1xf32>
        %squeeze3A_912 = vector.extract %slice3A_911[0] : f32 from vector<1xf32>
        %mul3A_913 = arith.constant 16 : i32
        %mul3A_914 = arith.muli %add3A_362, %mul3A_913 : i32
        %add3A_915 = arith.constant 14 : i32
        %add3A_916 = arith.addi %mul3A_914, %add3A_915 : i32
        %get3A_917 = arith.constant 2 : i32
        %get3A_918 = arith.index_cast %get3A_917 : i32 to index
        %get3A_919 = arith.index_cast %add3A_916 : i32 to index
        %get3A_920 = arith.constant 0 : index
        %get3A_921 = tpu.vector_load %arg9[%get3A_918, %get3A_919, %get3A_920] {strides = array<i32>} : memref<4x64x64xf32, #tpu.memory_space<vmem>>, vector<16xf32>,
        %mul3A_922 = vector.broadcast %squeeze3A_912 : f32 to vector<16xf32>
        %mul3A_923 = arith.mulf %mul3A_922, %get3A_921 : vector<16xf32>
        %add3A_924 = arith.addf %add3A_848, %mul3A_923 : vector<16xf32>
        %get3A_925 = arith.constant 2 : i32
        %get3A_926 = arith.index_cast %get3A_925 : i32 to index
        %get3A_927 = arith.index_cast %add3A_916 : i32 to index
        %get3A_928 = arith.constant 16 : index
        %get3A_929 = tpu.vector_load %arg9[%get3A_926, %get3A_927, %get3A_928] {strides = array<i32>} : memref<4x64x64xf32, #tpu.memory_space<vmem>>, vector<16xf32>,
        %mul3A_930 = vector.broadcast %squeeze3A_912 : f32 to vector<16xf32>
        %mul3A_931 = arith.mulf %mul3A_930, %get3A_929 : vector<16xf32>
        %add3A_932 = arith.addf %add3A_856, %mul3A_931 : vector<16xf32>
        %get3A_933 = arith.constant 2 : i32
        %get3A_934 = arith.index_cast %get3A_933 : i32 to index
        %get3A_935 = arith.index_cast %add3A_916 : i32 to index
        %get3A_936 = arith.constant 32 : index
        %get3A_937 = tpu.vector_load %arg9[%get3A_934, %get3A_935, %get3A_936] {strides = array<i32>} : memref<4x64x64xf32, #tpu.memory_space<vmem>>, vector<16xf32>,
        %mul3A_938 = vector.broadcast %squeeze3A_912 : f32 to vector<16xf32>
        %mul3A_939 = arith.mulf %mul3A_938, %get3A_937 : vector<16xf32>
        %add3A_940 = arith.addf %add3A_864, %mul3A_939 : vector<16xf32>
        %get3A_941 = arith.constant 2 : i32
        %get3A_942 = arith.index_cast %get3A_941 : i32 to index
        %get3A_943 = arith.index_cast %add3A_916 : i32 to index
        %get3A_944 = arith.constant 48 : index
        %get3A_945 = tpu.vector_load %arg9[%get3A_942, %get3A_943, %get3A_944] {strides = array<i32>} : memref<4x64x64xf32, #tpu.memory_space<vmem>>, vector<16xf32>,
        %mul3A_946 = vector.broadcast %squeeze3A_912 : f32 to vector<16xf32>
        %mul3A_947 = arith.mulf %mul3A_946, %get3A_945 : vector<16xf32>
        %add3A_948 = arith.addf %add3A_872, %mul3A_947 : vector<16xf32>
        %slice3A_949 = vector.extract_strided_slice %gather3A {offsets = [15], sizes = [1], strides = [1]} : vector<16xf32> to vector<1xf32>
        %squeeze3A_950 = vector.extract %slice3A_949[0] : f32 from vector<1xf32>
        %mul3A_951 = arith.constant 16 : i32
        %mul3A_952 = arith.muli %add3A_362, %mul3A_951 : i32
        %add3A_953 = arith.constant 15 : i32
        %add3A_954 = arith.addi %mul3A_952, %add3A_953 : i32
        %get3A_955 = arith.constant 2 : i32
        %get3A_956 = arith.index_cast %get3A_955 : i32 to index
        %get3A_957 = arith.index_cast %add3A_954 : i32 to index
        %get3A_958 = arith.constant 0 : index
        %get3A_959 = tpu.vector_load %arg9[%get3A_956, %get3A_957, %get3A_958] {strides = array<i32>} : memref<4x64x64xf32, #tpu.memory_space<vmem>>, vector<16xf32>,
        %mul3A_960 = vector.broadcast %squeeze3A_950 : f32 to vector<16xf32>
        %mul3A_961 = arith.mulf %mul3A_960, %get3A_959 : vector<16xf32>
        %add3A_962 = arith.addf %add3A_886, %mul3A_961 : vector<16xf32>
        %get3A_963 = arith.constant 2 : i32
        %get3A_964 = arith.index_cast %get3A_963 : i32 to index
        %get3A_965 = arith.index_cast %add3A_954 : i32 to index
        %get3A_966 = arith.constant 16 : index
        %get3A_967 = tpu.vector_load %arg9[%get3A_964, %get3A_965, %get3A_966] {strides = array<i32>} : memref<4x64x64xf32, #tpu.memory_space<vmem>>, vector<16xf32>,
        %mul3A_968 = vector.broadcast %squeeze3A_950 : f32 to vector<16xf32>
        %mul3A_969 = arith.mulf %mul3A_968, %get3A_967 : vector<16xf32>
        %add3A_970 = arith.addf %add3A_894, %mul3A_969 : vector<16xf32>
        %get3A_971 = arith.constant 2 : i32
        %get3A_972 = arith.index_cast %get3A_971 : i32 to index
        %get3A_973 = arith.index_cast %add3A_954 : i32 to index
        %get3A_974 = arith.constant 32 : index
        %get3A_975 = tpu.vector_load %arg9[%get3A_972, %get3A_973, %get3A_974] {strides = array<i32>} : memref<4x64x64xf32, #tpu.memory_space<vmem>>, vector<16xf32>,
        %mul3A_976 = vector.broadcast %squeeze3A_950 : f32 to vector<16xf32>
        %mul3A_977 = arith.mulf %mul3A_976, %get3A_975 : vector<16xf32>
        %add3A_978 = arith.addf %add3A_902, %mul3A_977 : vector<16xf32>
        %get3A_979 = arith.constant 2 : i32
        %get3A_980 = arith.index_cast %get3A_979 : i32 to index
        %get3A_981 = arith.index_cast %add3A_954 : i32 to index
        %get3A_982 = arith.constant 48 : index
        %get3A_983 = tpu.vector_load %arg9[%get3A_980, %get3A_981, %get3A_982] {strides = array<i32>} : memref<4x64x64xf32, #tpu.memory_space<vmem>>, vector<16xf32>,
        %mul3A_984 = vector.broadcast %squeeze3A_950 : f32 to vector<16xf32>
        %mul3A_985 = arith.mulf %mul3A_984, %get3A_983 : vector<16xf32>
        %add3A_986 = arith.addf %add3A_910, %mul3A_985 : vector<16xf32>
        %broadcast_in_dim3A_987 = vector.broadcast %add3A_365 : i32 to vector<16xi32>
        %add3A_988 = arith.addf %add3A_924, %add3A_962 : vector<16xf32>
        tpu.vector_store_idx %arg10[%add3A_43, %broadcast_in_dim3A_987], %add3A_988 : memref<64x1025xf32, #tpu.memory_space<vmem>>[vector<16xi32>, vector<16xi32>], vector<16xf32>,
        %add3A_989 = arith.addf %add3A_932, %add3A_970 : vector<16xf32>
        tpu.vector_store_idx %arg10[%add3A_46, %broadcast_in_dim3A_987], %add3A_989 : memref<64x1025xf32, #tpu.memory_space<vmem>>[vector<16xi32>, vector<16xi32>], vector<16xf32>,
        %add3A_990 = arith.addf %add3A_940, %add3A_978 : vector<16xf32>
        tpu.vector_store_idx %arg10[%add3A_49, %broadcast_in_dim3A_987], %add3A_990 : memref<64x1025xf32, #tpu.memory_space<vmem>>[vector<16xi32>, vector<16xi32>], vector<16xf32>,
        %add3A_991 = arith.addf %add3A_948, %add3A_986 : vector<16xf32>
        tpu.vector_store_idx %arg10[%add3A_52, %broadcast_in_dim3A_987], %add3A_991 : memref<64x1025xf32, #tpu.memory_space<vmem>>[vector<16xi32>, vector<16xi32>], vector<16xf32>,
      }
      %scan3A_324 = arith.constant 4 : i32
      %add3A_325 = arith.constant 4 : i32
      %add3A_326 = arith.addi %add3A_307, %add3A_325 : i32
      %lt3A_327 = arith.constant 256 : i32
      %lt3A_328 = arith.cmpi slt, %add3A_326, %lt3A_327 : i32
      %convert_element_type3A_329 = arith.extui %lt3A_328 : i1 to i32
      %cond3A_330 = arith.constant 0 : i32
      %cond3A_331 = arith.cmpi ne, %convert_element_type3A_329, %cond3A_330 : i32
      scf.if %cond3A_331 {
        %scan3A_358 = arith.constant 0 : i32
        %scan3A_359 = arith.constant 4 : i32
        %scan3A_360 = arith.addi %scan3A_358, %scan3A_359 : i32
        %scan3A_361 = arith.constant 1 : i32
        scf.for %scan3A_375 = %scan3A_358 to %scan3A_360 step %scan3A_361  : i32 {
          %mul3A_376 = arith.constant 1 : i32
          %mul3A_377 = arith.muli %scan3A_375, %mul3A_376 : i32
          %add3A_378 = arith.constant 0 : i32
          %add3A_379 = arith.addi %add3A_378, %mul3A_377 : i32
          %mul3A_380 = arith.constant 4 : i32
          %mul3A_381 = arith.muli %add3A_326, %mul3A_380 : i32
          %add3A_382 = arith.addi %mul3A_381, %add3A_379 : i32
          %broadcast_in_dim3A = vector.broadcast %add3A_382 : i32 to vector<16xi32>
          %gather3A = tpu.vector_load_idx %arg7[%broadcast_in_dim3A, %mul3A_35] : memref<1024x32xf32, #tpu.memory_space<vmem>>[vector<16xi32>, vector<16xi32>], vector<16xf32>,
          %convert_element_type3A_383 = arith.fptosi %gather3A : vector<16xf32> to vector<16xi32>
          %add3A_384 = vector.broadcast %mul3A_40 : i32 to vector<16xi32>
          %add3A_385 = arith.addi %convert_element_type3A_383, %add3A_384 : vector<16xi32>
          %mul3A_386 = arith.constant 16 : i32
          %mul3A_387 = arith.muli %add3A_379, %mul3A_386 : i32
          %swap3A = arith.constant 2 : i32
          %swap3A_388 = arith.index_cast %swap3A : i32 to index
          %swap3A_389 = arith.index_cast %mul3A_387 : i32 to index
          %swap3A_390 = tpu.vector_load %arg8[%swap3A_388, %swap3A_389] {strides = array<i32>} : memref<4x64xi32, #tpu.memory_space<vmem>>, vector<16xi32>,
          tpu.vector_store %arg8[%swap3A_388, %swap3A_389], %add3A_385 {strides = array<i32>} : memref<4x64xi32, #tpu.memory_space<vmem>>, vector<16xi32>,
        }
        %scan3A_362 = arith.constant 4 : i32
        %dma_start3A_363 = arith.constant 2 : i32
        %dma_start3A_364 = arith.constant 2 : i32
        %dma_start3A_365 = arith.constant 0 : i32
        %dma_start3A_366 = arith.constant 0 : i32
        %dma_start3A_367 = tpu.memref_slice %arg9[%dma_start3A_364, %dma_start3A_365, %dma_start3A_366] : memref<4x64x64xf32, #tpu.memory_space<vmem>> -> memref<1x64x64xf32, #tpu.memory_space<vmem>>
        %dma_start3A_368 = tpu.memref_squeeze %dma_start3A_367 : memref<1x64x64xf32, #tpu.memory_space<vmem>> -> memref<64x64xf32, #tpu.memory_space<vmem>>
        %dma_start3A_369 = arith.constant 0 : i32
        %dma_start3A_370 = tpu.memref_slice %arg8[%dma_start3A_363, %dma_start3A_369] : memref<4x64xi32, #tpu.memory_space<vmem>> -> memref<1x64xi32, #tpu.memory_space<vmem>>
        %dma_start3A_371 = tpu.memref_squeeze %dma_start3A_370 : memref<1x64xi32, #tpu.memory_space<vmem>> -> memref<64xi32, #tpu.memory_space<vmem>>
        %dma_start3A_372 = arith.constant 0 : i32
        %dma_start3A_373 = arith.constant 0 : i32
        %dma_start3A_374 = tpu.memref_slice %arg2[%dma_start3A_372, %dma_start3A_373] : memref<65536x64xf32, #tpu.memory_space<hbm>> -> memref<65536x64xf32, #tpu.memory_space<hbm>>
        tpu.enqueue_indirect_dma source(%dma_start3A_374 : memref<65536x64xf32, #tpu.memory_space<hbm>>) target(%dma_start3A_368 : memref<64x64xf32, #tpu.memory_space<vmem>>) offsets(%dma_start3A_371 : memref<64xi32, #tpu.memory_space<vmem>>) semaphore(%arg14 : memref<!tpu.dma_semaphore, #tpu.memory_space<semaphore_mem>>)
      } else {
      }
      %add3A_332 = arith.constant 3 : i32
      %add3A_333 = arith.addi %add3A_255, %add3A_332 : i32
      %dma_wait3A_334 = arith.constant 3 : i32
      %dma_wait3A_335 = arith.constant 3 : i32
      %dma_wait3A_336 = arith.constant 0 : i32
      %dma_wait3A_337 = arith.constant 0 : i32
      %dma_wait3A_338 = tpu.memref_slice %arg9[%dma_wait3A_335, %dma_wait3A_336, %dma_wait3A_337] : memref<4x64x64xf32, #tpu.memory_space<vmem>> -> memref<1x64x64xf32, #tpu.memory_space<vmem>>
      %dma_wait3A_339 = tpu.memref_squeeze %dma_wait3A_338 : memref<1x64x64xf32, #tpu.memory_space<vmem>> -> memref<64x64xf32, #tpu.memory_space<vmem>>
      %dma_wait3A_340 = arith.constant 0 : i32
      %dma_wait3A_341 = tpu.memref_slice %arg8[%dma_wait3A_334, %dma_wait3A_340] : memref<4x64xi32, #tpu.memory_space<vmem>> -> memref<1x64xi32, #tpu.memory_space<vmem>>
      %dma_wait3A_342 = tpu.memref_squeeze %dma_wait3A_341 : memref<1x64xi32, #tpu.memory_space<vmem>> -> memref<64xi32, #tpu.memory_space<vmem>>
      %dma_wait3A_343 = arith.constant 0 : i32
      %dma_wait3A_344 = arith.constant 0 : i32
      %dma_wait3A_345 = tpu.memref_slice %arg2[%dma_wait3A_343, %dma_wait3A_344] : memref<65536x64xf32, #tpu.memory_space<hbm>> -> memref<65536x64xf32, #tpu.memory_space<hbm>>
      tpu.wait_indirect_dma semaphore(%arg15 : memref<!tpu.dma_semaphore, #tpu.memory_space<semaphore_mem>>) src(%dma_wait3A_345 : memref<65536x64xf32, #tpu.memory_space<hbm>>) dst(%dma_wait3A_339 : memref<64x64xf32, #tpu.memory_space<vmem>>)
      %scan3A_346 = arith.constant 0 : i32
      %scan3A_347 = arith.constant 4 : i32
      %scan3A_348 = arith.addi %scan3A_346, %scan3A_347 : i32
      %scan3A_349 = arith.constant 1 : i32
      scf.for %scan3A_358 = %scan3A_346 to %scan3A_348 step %scan3A_349  : i32 {
        %mul3A_359 = arith.constant 1 : i32
        %mul3A_360 = arith.muli %scan3A_358, %mul3A_359 : i32
        %add3A_361 = arith.constant 0 : i32
        %add3A_362 = arith.addi %add3A_361, %mul3A_360 : i32
        %mul3A_363 = arith.constant 4 : i32
        %mul3A_364 = arith.muli %add3A_333, %mul3A_363 : i32
        %add3A_365 = arith.addi %mul3A_364, %add3A_362 : i32
        %broadcast_in_dim3A = vector.broadcast %add3A_365 : i32 to vector<16xi32>
        %gather3A = tpu.vector_load_idx %arg7[%broadcast_in_dim3A, %add3A_38] : memref<1024x32xf32, #tpu.memory_space<vmem>>[vector<16xi32>, vector<16xi32>], vector<16xf32>,
        %broadcast_in_dim3A_366 = arith.constant 0.000000e+00 : f32
        %broadcast_in_dim3A_367 = vector.broadcast %broadcast_in_dim3A_366 : f32 to vector<16xf32>
        %broadcast_in_dim3A_368 = arith.constant 0.000000e+00 : f32
        %broadcast_in_dim3A_369 = vector.broadcast %broadcast_in_dim3A_368 : f32 to vector<16xf32>
        %broadcast_in_dim3A_370 = arith.constant 0.000000e+00 : f32
        %broadcast_in_dim3A_371 = vector.broadcast %broadcast_in_dim3A_370 : f32 to vector<16xf32>
        %broadcast_in_dim3A_372 = arith.constant 0.000000e+00 : f32
        %broadcast_in_dim3A_373 = vector.broadcast %broadcast_in_dim3A_372 : f32 to vector<16xf32>
        %broadcast_in_dim3A_374 = arith.constant 0.000000e+00 : f32
        %broadcast_in_dim3A_375 = vector.broadcast %broadcast_in_dim3A_374 : f32 to vector<16xf32>
        %broadcast_in_dim3A_376 = arith.constant 0.000000e+00 : f32
        %broadcast_in_dim3A_377 = vector.broadcast %broadcast_in_dim3A_376 : f32 to vector<16xf32>
        %broadcast_in_dim3A_378 = arith.constant 0.000000e+00 : f32
        %broadcast_in_dim3A_379 = vector.broadcast %broadcast_in_dim3A_378 : f32 to vector<16xf32>
        %broadcast_in_dim3A_380 = arith.constant 0.000000e+00 : f32
        %broadcast_in_dim3A_381 = vector.broadcast %broadcast_in_dim3A_380 : f32 to vector<16xf32>
        %slice3A = vector.extract_strided_slice %gather3A {offsets = [0], sizes = [1], strides = [1]} : vector<16xf32> to vector<1xf32>
        %squeeze3A = vector.extract %slice3A[0] : f32 from vector<1xf32>
        %mul3A_382 = arith.constant 16 : i32
        %mul3A_383 = arith.muli %add3A_362, %mul3A_382 : i32
        %add3A_384 = arith.constant 0 : i32
        %add3A_385 = arith.addi %mul3A_383, %add3A_384 : i32
        %get3A = arith.constant 3 : i32
        %get3A_386 = arith.index_cast %get3A : i32 to index
        %get3A_387 = arith.index_cast %add3A_385 : i32 to index
        %get3A_388 = arith.constant 0 : index
        %get3A_389 = tpu.vector_load %arg9[%get3A_386, %get3A_387, %get3A_388] {strides = array<i32>} : memref<4x64x64xf32, #tpu.memory_space<vmem>>, vector<16xf32>,
        %mul3A_390 = vector.broadcast %squeeze3A : f32 to vector<16xf32>
        %mul3A_391 = arith.mulf %mul3A_390, %get3A_389 : vector<16xf32>
        %add3A_392 = arith.addf %broadcast_in_dim3A_367, %mul3A_391 : vector<16xf32>
        %get3A_393 = arith.constant 3 : i32
        %get3A_394 = arith.index_cast %get3A_393 : i32 to index
        %get3A_395 = arith.index_cast %add3A_385 : i32 to index
        %get3A_396 = arith.constant 16 : index
        %get3A_397 = tpu.vector_load %arg9[%get3A_394, %get3A_395, %get3A_396] {strides = array<i32>} : memref<4x64x64xf32, #tpu.memory_space<vmem>>, vector<16xf32>,
        %mul3A_398 = vector.broadcast %squeeze3A : f32 to vector<16xf32>
        %mul3A_399 = arith.mulf %mul3A_398, %get3A_397 : vector<16xf32>
        %add3A_400 = arith.addf %broadcast_in_dim3A_369, %mul3A_399 : vector<16xf32>
        %get3A_401 = arith.constant 3 : i32
        %get3A_402 = arith.index_cast %get3A_401 : i32 to index
        %get3A_403 = arith.index_cast %add3A_385 : i32 to index
        %get3A_404 = arith.constant 32 : index
        %get3A_405 = tpu.vector_load %arg9[%get3A_402, %get3A_403, %get3A_404] {strides = array<i32>} : memref<4x64x64xf32, #tpu.memory_space<vmem>>, vector<16xf32>,
        %mul3A_406 = vector.broadcast %squeeze3A : f32 to vector<16xf32>
        %mul3A_407 = arith.mulf %mul3A_406, %get3A_405 : vector<16xf32>
        %add3A_408 = arith.addf %broadcast_in_dim3A_371, %mul3A_407 : vector<16xf32>
        %get3A_409 = arith.constant 3 : i32
        %get3A_410 = arith.index_cast %get3A_409 : i32 to index
        %get3A_411 = arith.index_cast %add3A_385 : i32 to index
        %get3A_412 = arith.constant 48 : index
        %get3A_413 = tpu.vector_load %arg9[%get3A_410, %get3A_411, %get3A_412] {strides = array<i32>} : memref<4x64x64xf32, #tpu.memory_space<vmem>>, vector<16xf32>,
        %mul3A_414 = vector.broadcast %squeeze3A : f32 to vector<16xf32>
        %mul3A_415 = arith.mulf %mul3A_414, %get3A_413 : vector<16xf32>
        %add3A_416 = arith.addf %broadcast_in_dim3A_373, %mul3A_415 : vector<16xf32>
        %slice3A_417 = vector.extract_strided_slice %gather3A {offsets = [1], sizes = [1], strides = [1]} : vector<16xf32> to vector<1xf32>
        %squeeze3A_418 = vector.extract %slice3A_417[0] : f32 from vector<1xf32>
        %mul3A_419 = arith.constant 16 : i32
        %mul3A_420 = arith.muli %add3A_362, %mul3A_419 : i32
        %add3A_421 = arith.constant 1 : i32
        %add3A_422 = arith.addi %mul3A_420, %add3A_421 : i32
        %get3A_423 = arith.constant 3 : i32
        %get3A_424 = arith.index_cast %get3A_423 : i32 to index
        %get3A_425 = arith.index_cast %add3A_422 : i32 to index
        %get3A_426 = arith.constant 0 : index
        %get3A_427 = tpu.vector_load %arg9[%get3A_424, %get3A_425, %get3A_426] {strides = array<i32>} : memref<4x64x64xf32, #tpu.memory_space<vmem>>, vector<16xf32>,
        %mul3A_428 = vector.broadcast %squeeze3A_418 : f32 to vector<16xf32>
        %mul3A_429 = arith.mulf %mul3A_428, %get3A_427 : vector<16xf32>
        %add3A_430 = arith.addf %broadcast_in_dim3A_375, %mul3A_429 : vector<16xf32>
        %get3A_431 = arith.constant 3 : i32
        %get3A_432 = arith.index_cast %get3A_431 : i32 to index
        %get3A_433 = arith.index_cast %add3A_422 : i32 to index
        %get3A_434 = arith.constant 16 : index
        %get3A_435 = tpu.vector_load %arg9[%get3A_432, %get3A_433, %get3A_434] {strides = array<i32>} : memref<4x64x64xf32, #tpu.memory_space<vmem>>, vector<16xf32>,
        %mul3A_436 = vector.broadcast %squeeze3A_418 : f32 to vector<16xf32>
        %mul3A_437 = arith.mulf %mul3A_436, %get3A_435 : vector<16xf32>
        %add3A_438 = arith.addf %broadcast_in_dim3A_377, %mul3A_437 : vector<16xf32>
        %get3A_439 = arith.constant 3 : i32
        %get3A_440 = arith.index_cast %get3A_439 : i32 to index
        %get3A_441 = arith.index_cast %add3A_422 : i32 to index
        %get3A_442 = arith.constant 32 : index
        %get3A_443 = tpu.vector_load %arg9[%get3A_440, %get3A_441, %get3A_442] {strides = array<i32>} : memref<4x64x64xf32, #tpu.memory_space<vmem>>, vector<16xf32>,
        %mul3A_444 = vector.broadcast %squeeze3A_418 : f32 to vector<16xf32>
        %mul3A_445 = arith.mulf %mul3A_444, %get3A_443 : vector<16xf32>
        %add3A_446 = arith.addf %broadcast_in_dim3A_379, %mul3A_445 : vector<16xf32>
        %get3A_447 = arith.constant 3 : i32
        %get3A_448 = arith.index_cast %get3A_447 : i32 to index
        %get3A_449 = arith.index_cast %add3A_422 : i32 to index
        %get3A_450 = arith.constant 48 : index
        %get3A_451 = tpu.vector_load %arg9[%get3A_448, %get3A_449, %get3A_450] {strides = array<i32>} : memref<4x64x64xf32, #tpu.memory_space<vmem>>, vector<16xf32>,
        %mul3A_452 = vector.broadcast %squeeze3A_418 : f32 to vector<16xf32>
        %mul3A_453 = arith.mulf %mul3A_452, %get3A_451 : vector<16xf32>
        %add3A_454 = arith.addf %broadcast_in_dim3A_381, %mul3A_453 : vector<16xf32>
        %slice3A_455 = vector.extract_strided_slice %gather3A {offsets = [2], sizes = [1], strides = [1]} : vector<16xf32> to vector<1xf32>
        %squeeze3A_456 = vector.extract %slice3A_455[0] : f32 from vector<1xf32>
        %mul3A_457 = arith.constant 16 : i32
        %mul3A_458 = arith.muli %add3A_362, %mul3A_457 : i32
        %add3A_459 = arith.constant 2 : i32
        %add3A_460 = arith.addi %mul3A_458, %add3A_459 : i32
        %get3A_461 = arith.constant 3 : i32
        %get3A_462 = arith.index_cast %get3A_461 : i32 to index
        %get3A_463 = arith.index_cast %add3A_460 : i32 to index
        %get3A_464 = arith.constant 0 : index
        %get3A_465 = tpu.vector_load %arg9[%get3A_462, %get3A_463, %get3A_464] {strides = array<i32>} : memref<4x64x64xf32, #tpu.memory_space<vmem>>, vector<16xf32>,
        %mul3A_466 = vector.broadcast %squeeze3A_456 : f32 to vector<16xf32>
        %mul3A_467 = arith.mulf %mul3A_466, %get3A_465 : vector<16xf32>
        %add3A_468 = arith.addf %add3A_392, %mul3A_467 : vector<16xf32>
        %get3A_469 = arith.constant 3 : i32
        %get3A_470 = arith.index_cast %get3A_469 : i32 to index
        %get3A_471 = arith.index_cast %add3A_460 : i32 to index
        %get3A_472 = arith.constant 16 : index
        %get3A_473 = tpu.vector_load %arg9[%get3A_470, %get3A_471, %get3A_472] {strides = array<i32>} : memref<4x64x64xf32, #tpu.memory_space<vmem>>, vector<16xf32>,
        %mul3A_474 = vector.broadcast %squeeze3A_456 : f32 to vector<16xf32>
        %mul3A_475 = arith.mulf %mul3A_474, %get3A_473 : vector<16xf32>
        %add3A_476 = arith.addf %add3A_400, %mul3A_475 : vector<16xf32>
        %get3A_477 = arith.constant 3 : i32
        %get3A_478 = arith.index_cast %get3A_477 : i32 to index
        %get3A_479 = arith.index_cast %add3A_460 : i32 to index
        %get3A_480 = arith.constant 32 : index
        %get3A_481 = tpu.vector_load %arg9[%get3A_478, %get3A_479, %get3A_480] {strides = array<i32>} : memref<4x64x64xf32, #tpu.memory_space<vmem>>, vector<16xf32>,
        %mul3A_482 = vector.broadcast %squeeze3A_456 : f32 to vector<16xf32>
        %mul3A_483 = arith.mulf %mul3A_482, %get3A_481 : vector<16xf32>
        %add3A_484 = arith.addf %add3A_408, %mul3A_483 : vector<16xf32>
        %get3A_485 = arith.constant 3 : i32
        %get3A_486 = arith.index_cast %get3A_485 : i32 to index
        %get3A_487 = arith.index_cast %add3A_460 : i32 to index
        %get3A_488 = arith.constant 48 : index
        %get3A_489 = tpu.vector_load %arg9[%get3A_486, %get3A_487, %get3A_488] {strides = array<i32>} : memref<4x64x64xf32, #tpu.memory_space<vmem>>, vector<16xf32>,
        %mul3A_490 = vector.broadcast %squeeze3A_456 : f32 to vector<16xf32>
        %mul3A_491 = arith.mulf %mul3A_490, %get3A_489 : vector<16xf32>
        %add3A_492 = arith.addf %add3A_416, %mul3A_491 : vector<16xf32>
        %slice3A_493 = vector.extract_strided_slice %gather3A {offsets = [3], sizes = [1], strides = [1]} : vector<16xf32> to vector<1xf32>
        %squeeze3A_494 = vector.extract %slice3A_493[0] : f32 from vector<1xf32>
        %mul3A_495 = arith.constant 16 : i32
        %mul3A_496 = arith.muli %add3A_362, %mul3A_495 : i32
        %add3A_497 = arith.constant 3 : i32
        %add3A_498 = arith.addi %mul3A_496, %add3A_497 : i32
        %get3A_499 = arith.constant 3 : i32
        %get3A_500 = arith.index_cast %get3A_499 : i32 to index
        %get3A_501 = arith.index_cast %add3A_498 : i32 to index
        %get3A_502 = arith.constant 0 : index
        %get3A_503 = tpu.vector_load %arg9[%get3A_500, %get3A_501, %get3A_502] {strides = array<i32>} : memref<4x64x64xf32, #tpu.memory_space<vmem>>, vector<16xf32>,
        %mul3A_504 = vector.broadcast %squeeze3A_494 : f32 to vector<16xf32>
        %mul3A_505 = arith.mulf %mul3A_504, %get3A_503 : vector<16xf32>
        %add3A_506 = arith.addf %add3A_430, %mul3A_505 : vector<16xf32>
        %get3A_507 = arith.constant 3 : i32
        %get3A_508 = arith.index_cast %get3A_507 : i32 to index
        %get3A_509 = arith.index_cast %add3A_498 : i32 to index
        %get3A_510 = arith.constant 16 : index
        %get3A_511 = tpu.vector_load %arg9[%get3A_508, %get3A_509, %get3A_510] {strides = array<i32>} : memref<4x64x64xf32, #tpu.memory_space<vmem>>, vector<16xf32>,
        %mul3A_512 = vector.broadcast %squeeze3A_494 : f32 to vector<16xf32>
        %mul3A_513 = arith.mulf %mul3A_512, %get3A_511 : vector<16xf32>
        %add3A_514 = arith.addf %add3A_438, %mul3A_513 : vector<16xf32>
        %get3A_515 = arith.constant 3 : i32
        %get3A_516 = arith.index_cast %get3A_515 : i32 to index
        %get3A_517 = arith.index_cast %add3A_498 : i32 to index
        %get3A_518 = arith.constant 32 : index
        %get3A_519 = tpu.vector_load %arg9[%get3A_516, %get3A_517, %get3A_518] {strides = array<i32>} : memref<4x64x64xf32, #tpu.memory_space<vmem>>, vector<16xf32>,
        %mul3A_520 = vector.broadcast %squeeze3A_494 : f32 to vector<16xf32>
        %mul3A_521 = arith.mulf %mul3A_520, %get3A_519 : vector<16xf32>
        %add3A_522 = arith.addf %add3A_446, %mul3A_521 : vector<16xf32>
        %get3A_523 = arith.constant 3 : i32
        %get3A_524 = arith.index_cast %get3A_523 : i32 to index
        %get3A_525 = arith.index_cast %add3A_498 : i32 to index
        %get3A_526 = arith.constant 48 : index
        %get3A_527 = tpu.vector_load %arg9[%get3A_524, %get3A_525, %get3A_526] {strides = array<i32>} : memref<4x64x64xf32, #tpu.memory_space<vmem>>, vector<16xf32>,
        %mul3A_528 = vector.broadcast %squeeze3A_494 : f32 to vector<16xf32>
        %mul3A_529 = arith.mulf %mul3A_528, %get3A_527 : vector<16xf32>
        %add3A_530 = arith.addf %add3A_454, %mul3A_529 : vector<16xf32>
        %slice3A_531 = vector.extract_strided_slice %gather3A {offsets = [4], sizes = [1], strides = [1]} : vector<16xf32> to vector<1xf32>
        %squeeze3A_532 = vector.extract %slice3A_531[0] : f32 from vector<1xf32>
        %mul3A_533 = arith.constant 16 : i32
        %mul3A_534 = arith.muli %add3A_362, %mul3A_533 : i32
        %add3A_535 = arith.constant 4 : i32
        %add3A_536 = arith.addi %mul3A_534, %add3A_535 : i32
        %get3A_537 = arith.constant 3 : i32
        %get3A_538 = arith.index_cast %get3A_537 : i32 to index
        %get3A_539 = arith.index_cast %add3A_536 : i32 to index
        %get3A_540 = arith.constant 0 : index
        %get3A_541 = tpu.vector_load %arg9[%get3A_538, %get3A_539, %get3A_540] {strides = array<i32>} : memref<4x64x64xf32, #tpu.memory_space<vmem>>, vector<16xf32>,
        %mul3A_542 = vector.broadcast %squeeze3A_532 : f32 to vector<16xf32>
        %mul3A_543 = arith.mulf %mul3A_542, %get3A_541 : vector<16xf32>
        %add3A_544 = arith.addf %add3A_468, %mul3A_543 : vector<16xf32>
        %get3A_545 = arith.constant 3 : i32
        %get3A_546 = arith.index_cast %get3A_545 : i32 to index
        %get3A_547 = arith.index_cast %add3A_536 : i32 to index
        %get3A_548 = arith.constant 16 : index
        %get3A_549 = tpu.vector_load %arg9[%get3A_546, %get3A_547, %get3A_548] {strides = array<i32>} : memref<4x64x64xf32, #tpu.memory_space<vmem>>, vector<16xf32>,
        %mul3A_550 = vector.broadcast %squeeze3A_532 : f32 to vector<16xf32>
        %mul3A_551 = arith.mulf %mul3A_550, %get3A_549 : vector<16xf32>
        %add3A_552 = arith.addf %add3A_476, %mul3A_551 : vector<16xf32>
        %get3A_553 = arith.constant 3 : i32
        %get3A_554 = arith.index_cast %get3A_553 : i32 to index
        %get3A_555 = arith.index_cast %add3A_536 : i32 to index
        %get3A_556 = arith.constant 32 : index
        %get3A_557 = tpu.vector_load %arg9[%get3A_554, %get3A_555, %get3A_556] {strides = array<i32>} : memref<4x64x64xf32, #tpu.memory_space<vmem>>, vector<16xf32>,
        %mul3A_558 = vector.broadcast %squeeze3A_532 : f32 to vector<16xf32>
        %mul3A_559 = arith.mulf %mul3A_558, %get3A_557 : vector<16xf32>
        %add3A_560 = arith.addf %add3A_484, %mul3A_559 : vector<16xf32>
        %get3A_561 = arith.constant 3 : i32
        %get3A_562 = arith.index_cast %get3A_561 : i32 to index
        %get3A_563 = arith.index_cast %add3A_536 : i32 to index
        %get3A_564 = arith.constant 48 : index
        %get3A_565 = tpu.vector_load %arg9[%get3A_562, %get3A_563, %get3A_564] {strides = array<i32>} : memref<4x64x64xf32, #tpu.memory_space<vmem>>, vector<16xf32>,
        %mul3A_566 = vector.broadcast %squeeze3A_532 : f32 to vector<16xf32>
        %mul3A_567 = arith.mulf %mul3A_566, %get3A_565 : vector<16xf32>
        %add3A_568 = arith.addf %add3A_492, %mul3A_567 : vector<16xf32>
        %slice3A_569 = vector.extract_strided_slice %gather3A {offsets = [5], sizes = [1], strides = [1]} : vector<16xf32> to vector<1xf32>
        %squeeze3A_570 = vector.extract %slice3A_569[0] : f32 from vector<1xf32>
        %mul3A_571 = arith.constant 16 : i32
        %mul3A_572 = arith.muli %add3A_362, %mul3A_571 : i32
        %add3A_573 = arith.constant 5 : i32
        %add3A_574 = arith.addi %mul3A_572, %add3A_573 : i32
        %get3A_575 = arith.constant 3 : i32
        %get3A_576 = arith.index_cast %get3A_575 : i32 to index
        %get3A_577 = arith.index_cast %add3A_574 : i32 to index
        %get3A_578 = arith.constant 0 : index
        %get3A_579 = tpu.vector_load %arg9[%get3A_576, %get3A_577, %get3A_578] {strides = array<i32>} : memref<4x64x64xf32, #tpu.memory_space<vmem>>, vector<16xf32>,
        %mul3A_580 = vector.broadcast %squeeze3A_570 : f32 to vector<16xf32>
        %mul3A_581 = arith.mulf %mul3A_580, %get3A_579 : vector<16xf32>
        %add3A_582 = arith.addf %add3A_506, %mul3A_581 : vector<16xf32>
        %get3A_583 = arith.constant 3 : i32
        %get3A_584 = arith.index_cast %get3A_583 : i32 to index
        %get3A_585 = arith.index_cast %add3A_574 : i32 to index
        %get3A_586 = arith.constant 16 : index
        %get3A_587 = tpu.vector_load %arg9[%get3A_584, %get3A_585, %get3A_586] {strides = array<i32>} : memref<4x64x64xf32, #tpu.memory_space<vmem>>, vector<16xf32>,
        %mul3A_588 = vector.broadcast %squeeze3A_570 : f32 to vector<16xf32>
        %mul3A_589 = arith.mulf %mul3A_588, %get3A_587 : vector<16xf32>
        %add3A_590 = arith.addf %add3A_514, %mul3A_589 : vector<16xf32>
        %get3A_591 = arith.constant 3 : i32
        %get3A_592 = arith.index_cast %get3A_591 : i32 to index
        %get3A_593 = arith.index_cast %add3A_574 : i32 to index
        %get3A_594 = arith.constant 32 : index
        %get3A_595 = tpu.vector_load %arg9[%get3A_592, %get3A_593, %get3A_594] {strides = array<i32>} : memref<4x64x64xf32, #tpu.memory_space<vmem>>, vector<16xf32>,
        %mul3A_596 = vector.broadcast %squeeze3A_570 : f32 to vector<16xf32>
        %mul3A_597 = arith.mulf %mul3A_596, %get3A_595 : vector<16xf32>
        %add3A_598 = arith.addf %add3A_522, %mul3A_597 : vector<16xf32>
        %get3A_599 = arith.constant 3 : i32
        %get3A_600 = arith.index_cast %get3A_599 : i32 to index
        %get3A_601 = arith.index_cast %add3A_574 : i32 to index
        %get3A_602 = arith.constant 48 : index
        %get3A_603 = tpu.vector_load %arg9[%get3A_600, %get3A_601, %get3A_602] {strides = array<i32>} : memref<4x64x64xf32, #tpu.memory_space<vmem>>, vector<16xf32>,
        %mul3A_604 = vector.broadcast %squeeze3A_570 : f32 to vector<16xf32>
        %mul3A_605 = arith.mulf %mul3A_604, %get3A_603 : vector<16xf32>
        %add3A_606 = arith.addf %add3A_530, %mul3A_605 : vector<16xf32>
        %slice3A_607 = vector.extract_strided_slice %gather3A {offsets = [6], sizes = [1], strides = [1]} : vector<16xf32> to vector<1xf32>
        %squeeze3A_608 = vector.extract %slice3A_607[0] : f32 from vector<1xf32>
        %mul3A_609 = arith.constant 16 : i32
        %mul3A_610 = arith.muli %add3A_362, %mul3A_609 : i32
        %add3A_611 = arith.constant 6 : i32
        %add3A_612 = arith.addi %mul3A_610, %add3A_611 : i32
        %get3A_613 = arith.constant 3 : i32
        %get3A_614 = arith.index_cast %get3A_613 : i32 to index
        %get3A_615 = arith.index_cast %add3A_612 : i32 to index
        %get3A_616 = arith.constant 0 : index
        %get3A_617 = tpu.vector_load %arg9[%get3A_614, %get3A_615, %get3A_616] {strides = array<i32>} : memref<4x64x64xf32, #tpu.memory_space<vmem>>, vector<16xf32>,
        %mul3A_618 = vector.broadcast %squeeze3A_608 : f32 to vector<16xf32>
        %mul3A_619 = arith.mulf %mul3A_618, %get3A_617 : vector<16xf32>
        %add3A_620 = arith.addf %add3A_544, %mul3A_619 : vector<16xf32>
        %get3A_621 = arith.constant 3 : i32
        %get3A_622 = arith.index_cast %get3A_621 : i32 to index
        %get3A_623 = arith.index_cast %add3A_612 : i32 to index
        %get3A_624 = arith.constant 16 : index
        %get3A_625 = tpu.vector_load %arg9[%get3A_622, %get3A_623, %get3A_624] {strides = array<i32>} : memref<4x64x64xf32, #tpu.memory_space<vmem>>, vector<16xf32>,
        %mul3A_626 = vector.broadcast %squeeze3A_608 : f32 to vector<16xf32>
        %mul3A_627 = arith.mulf %mul3A_626, %get3A_625 : vector<16xf32>
        %add3A_628 = arith.addf %add3A_552, %mul3A_627 : vector<16xf32>
        %get3A_629 = arith.constant 3 : i32
        %get3A_630 = arith.index_cast %get3A_629 : i32 to index
        %get3A_631 = arith.index_cast %add3A_612 : i32 to index
        %get3A_632 = arith.constant 32 : index
        %get3A_633 = tpu.vector_load %arg9[%get3A_630, %get3A_631, %get3A_632] {strides = array<i32>} : memref<4x64x64xf32, #tpu.memory_space<vmem>>, vector<16xf32>,
        %mul3A_634 = vector.broadcast %squeeze3A_608 : f32 to vector<16xf32>
        %mul3A_635 = arith.mulf %mul3A_634, %get3A_633 : vector<16xf32>
        %add3A_636 = arith.addf %add3A_560, %mul3A_635 : vector<16xf32>
        %get3A_637 = arith.constant 3 : i32
        %get3A_638 = arith.index_cast %get3A_637 : i32 to index
        %get3A_639 = arith.index_cast %add3A_612 : i32 to index
        %get3A_640 = arith.constant 48 : index
        %get3A_641 = tpu.vector_load %arg9[%get3A_638, %get3A_639, %get3A_640] {strides = array<i32>} : memref<4x64x64xf32, #tpu.memory_space<vmem>>, vector<16xf32>,
        %mul3A_642 = vector.broadcast %squeeze3A_608 : f32 to vector<16xf32>
        %mul3A_643 = arith.mulf %mul3A_642, %get3A_641 : vector<16xf32>
        %add3A_644 = arith.addf %add3A_568, %mul3A_643 : vector<16xf32>
        %slice3A_645 = vector.extract_strided_slice %gather3A {offsets = [7], sizes = [1], strides = [1]} : vector<16xf32> to vector<1xf32>
        %squeeze3A_646 = vector.extract %slice3A_645[0] : f32 from vector<1xf32>
        %mul3A_647 = arith.constant 16 : i32
        %mul3A_648 = arith.muli %add3A_362, %mul3A_647 : i32
        %add3A_649 = arith.constant 7 : i32
        %add3A_650 = arith.addi %mul3A_648, %add3A_649 : i32
        %get3A_651 = arith.constant 3 : i32
        %get3A_652 = arith.index_cast %get3A_651 : i32 to index
        %get3A_653 = arith.index_cast %add3A_650 : i32 to index
        %get3A_654 = arith.constant 0 : index
        %get3A_655 = tpu.vector_load %arg9[%get3A_652, %get3A_653, %get3A_654] {strides = array<i32>} : memref<4x64x64xf32, #tpu.memory_space<vmem>>, vector<16xf32>,
        %mul3A_656 = vector.broadcast %squeeze3A_646 : f32 to vector<16xf32>
        %mul3A_657 = arith.mulf %mul3A_656, %get3A_655 : vector<16xf32>
        %add3A_658 = arith.addf %add3A_582, %mul3A_657 : vector<16xf32>
        %get3A_659 = arith.constant 3 : i32
        %get3A_660 = arith.index_cast %get3A_659 : i32 to index
        %get3A_661 = arith.index_cast %add3A_650 : i32 to index
        %get3A_662 = arith.constant 16 : index
        %get3A_663 = tpu.vector_load %arg9[%get3A_660, %get3A_661, %get3A_662] {strides = array<i32>} : memref<4x64x64xf32, #tpu.memory_space<vmem>>, vector<16xf32>,
        %mul3A_664 = vector.broadcast %squeeze3A_646 : f32 to vector<16xf32>
        %mul3A_665 = arith.mulf %mul3A_664, %get3A_663 : vector<16xf32>
        %add3A_666 = arith.addf %add3A_590, %mul3A_665 : vector<16xf32>
        %get3A_667 = arith.constant 3 : i32
        %get3A_668 = arith.index_cast %get3A_667 : i32 to index
        %get3A_669 = arith.index_cast %add3A_650 : i32 to index
        %get3A_670 = arith.constant 32 : index
        %get3A_671 = tpu.vector_load %arg9[%get3A_668, %get3A_669, %get3A_670] {strides = array<i32>} : memref<4x64x64xf32, #tpu.memory_space<vmem>>, vector<16xf32>,
        %mul3A_672 = vector.broadcast %squeeze3A_646 : f32 to vector<16xf32>
        %mul3A_673 = arith.mulf %mul3A_672, %get3A_671 : vector<16xf32>
        %add3A_674 = arith.addf %add3A_598, %mul3A_673 : vector<16xf32>
        %get3A_675 = arith.constant 3 : i32
        %get3A_676 = arith.index_cast %get3A_675 : i32 to index
        %get3A_677 = arith.index_cast %add3A_650 : i32 to index
        %get3A_678 = arith.constant 48 : index
        %get3A_679 = tpu.vector_load %arg9[%get3A_676, %get3A_677, %get3A_678] {strides = array<i32>} : memref<4x64x64xf32, #tpu.memory_space<vmem>>, vector<16xf32>,
        %mul3A_680 = vector.broadcast %squeeze3A_646 : f32 to vector<16xf32>
        %mul3A_681 = arith.mulf %mul3A_680, %get3A_679 : vector<16xf32>
        %add3A_682 = arith.addf %add3A_606, %mul3A_681 : vector<16xf32>
        %slice3A_683 = vector.extract_strided_slice %gather3A {offsets = [8], sizes = [1], strides = [1]} : vector<16xf32> to vector<1xf32>
        %squeeze3A_684 = vector.extract %slice3A_683[0] : f32 from vector<1xf32>
        %mul3A_685 = arith.constant 16 : i32
        %mul3A_686 = arith.muli %add3A_362, %mul3A_685 : i32
        %add3A_687 = arith.constant 8 : i32
        %add3A_688 = arith.addi %mul3A_686, %add3A_687 : i32
        %get3A_689 = arith.constant 3 : i32
        %get3A_690 = arith.index_cast %get3A_689 : i32 to index
        %get3A_691 = arith.index_cast %add3A_688 : i32 to index
        %get3A_692 = arith.constant 0 : index
        %get3A_693 = tpu.vector_load %arg9[%get3A_690, %get3A_691, %get3A_692] {strides = array<i32>} : memref<4x64x64xf32, #tpu.memory_space<vmem>>, vector<16xf32>,
        %mul3A_694 = vector.broadcast %squeeze3A_684 : f32 to vector<16xf32>
        %mul3A_695 = arith.mulf %mul3A_694, %get3A_693 : vector<16xf32>
        %add3A_696 = arith.addf %add3A_620, %mul3A_695 : vector<16xf32>
        %get3A_697 = arith.constant 3 : i32
        %get3A_698 = arith.index_cast %get3A_697 : i32 to index
        %get3A_699 = arith.index_cast %add3A_688 : i32 to index
        %get3A_700 = arith.constant 16 : index
        %get3A_701 = tpu.vector_load %arg9[%get3A_698, %get3A_699, %get3A_700] {strides = array<i32>} : memref<4x64x64xf32, #tpu.memory_space<vmem>>, vector<16xf32>,
        %mul3A_702 = vector.broadcast %squeeze3A_684 : f32 to vector<16xf32>
        %mul3A_703 = arith.mulf %mul3A_702, %get3A_701 : vector<16xf32>
        %add3A_704 = arith.addf %add3A_628, %mul3A_703 : vector<16xf32>
        %get3A_705 = arith.constant 3 : i32
        %get3A_706 = arith.index_cast %get3A_705 : i32 to index
        %get3A_707 = arith.index_cast %add3A_688 : i32 to index
        %get3A_708 = arith.constant 32 : index
        %get3A_709 = tpu.vector_load %arg9[%get3A_706, %get3A_707, %get3A_708] {strides = array<i32>} : memref<4x64x64xf32, #tpu.memory_space<vmem>>, vector<16xf32>,
        %mul3A_710 = vector.broadcast %squeeze3A_684 : f32 to vector<16xf32>
        %mul3A_711 = arith.mulf %mul3A_710, %get3A_709 : vector<16xf32>
        %add3A_712 = arith.addf %add3A_636, %mul3A_711 : vector<16xf32>
        %get3A_713 = arith.constant 3 : i32
        %get3A_714 = arith.index_cast %get3A_713 : i32 to index
        %get3A_715 = arith.index_cast %add3A_688 : i32 to index
        %get3A_716 = arith.constant 48 : index
        %get3A_717 = tpu.vector_load %arg9[%get3A_714, %get3A_715, %get3A_716] {strides = array<i32>} : memref<4x64x64xf32, #tpu.memory_space<vmem>>, vector<16xf32>,
        %mul3A_718 = vector.broadcast %squeeze3A_684 : f32 to vector<16xf32>
        %mul3A_719 = arith.mulf %mul3A_718, %get3A_717 : vector<16xf32>
        %add3A_720 = arith.addf %add3A_644, %mul3A_719 : vector<16xf32>
        %slice3A_721 = vector.extract_strided_slice %gather3A {offsets = [9], sizes = [1], strides = [1]} : vector<16xf32> to vector<1xf32>
        %squeeze3A_722 = vector.extract %slice3A_721[0] : f32 from vector<1xf32>
        %mul3A_723 = arith.constant 16 : i32
        %mul3A_724 = arith.muli %add3A_362, %mul3A_723 : i32
        %add3A_725 = arith.constant 9 : i32
        %add3A_726 = arith.addi %mul3A_724, %add3A_725 : i32
        %get3A_727 = arith.constant 3 : i32
        %get3A_728 = arith.index_cast %get3A_727 : i32 to index
        %get3A_729 = arith.index_cast %add3A_726 : i32 to index
        %get3A_730 = arith.constant 0 : index
        %get3A_731 = tpu.vector_load %arg9[%get3A_728, %get3A_729, %get3A_730] {strides = array<i32>} : memref<4x64x64xf32, #tpu.memory_space<vmem>>, vector<16xf32>,
        %mul3A_732 = vector.broadcast %squeeze3A_722 : f32 to vector<16xf32>
        %mul3A_733 = arith.mulf %mul3A_732, %get3A_731 : vector<16xf32>
        %add3A_734 = arith.addf %add3A_658, %mul3A_733 : vector<16xf32>
        %get3A_735 = arith.constant 3 : i32
        %get3A_736 = arith.index_cast %get3A_735 : i32 to index
        %get3A_737 = arith.index_cast %add3A_726 : i32 to index
        %get3A_738 = arith.constant 16 : index
        %get3A_739 = tpu.vector_load %arg9[%get3A_736, %get3A_737, %get3A_738] {strides = array<i32>} : memref<4x64x64xf32, #tpu.memory_space<vmem>>, vector<16xf32>,
        %mul3A_740 = vector.broadcast %squeeze3A_722 : f32 to vector<16xf32>
        %mul3A_741 = arith.mulf %mul3A_740, %get3A_739 : vector<16xf32>
        %add3A_742 = arith.addf %add3A_666, %mul3A_741 : vector<16xf32>
        %get3A_743 = arith.constant 3 : i32
        %get3A_744 = arith.index_cast %get3A_743 : i32 to index
        %get3A_745 = arith.index_cast %add3A_726 : i32 to index
        %get3A_746 = arith.constant 32 : index
        %get3A_747 = tpu.vector_load %arg9[%get3A_744, %get3A_745, %get3A_746] {strides = array<i32>} : memref<4x64x64xf32, #tpu.memory_space<vmem>>, vector<16xf32>,
        %mul3A_748 = vector.broadcast %squeeze3A_722 : f32 to vector<16xf32>
        %mul3A_749 = arith.mulf %mul3A_748, %get3A_747 : vector<16xf32>
        %add3A_750 = arith.addf %add3A_674, %mul3A_749 : vector<16xf32>
        %get3A_751 = arith.constant 3 : i32
        %get3A_752 = arith.index_cast %get3A_751 : i32 to index
        %get3A_753 = arith.index_cast %add3A_726 : i32 to index
        %get3A_754 = arith.constant 48 : index
        %get3A_755 = tpu.vector_load %arg9[%get3A_752, %get3A_753, %get3A_754] {strides = array<i32>} : memref<4x64x64xf32, #tpu.memory_space<vmem>>, vector<16xf32>,
        %mul3A_756 = vector.broadcast %squeeze3A_722 : f32 to vector<16xf32>
        %mul3A_757 = arith.mulf %mul3A_756, %get3A_755 : vector<16xf32>
        %add3A_758 = arith.addf %add3A_682, %mul3A_757 : vector<16xf32>
        %slice3A_759 = vector.extract_strided_slice %gather3A {offsets = [10], sizes = [1], strides = [1]} : vector<16xf32> to vector<1xf32>
        %squeeze3A_760 = vector.extract %slice3A_759[0] : f32 from vector<1xf32>
        %mul3A_761 = arith.constant 16 : i32
        %mul3A_762 = arith.muli %add3A_362, %mul3A_761 : i32
        %add3A_763 = arith.constant 10 : i32
        %add3A_764 = arith.addi %mul3A_762, %add3A_763 : i32
        %get3A_765 = arith.constant 3 : i32
        %get3A_766 = arith.index_cast %get3A_765 : i32 to index
        %get3A_767 = arith.index_cast %add3A_764 : i32 to index
        %get3A_768 = arith.constant 0 : index
        %get3A_769 = tpu.vector_load %arg9[%get3A_766, %get3A_767, %get3A_768] {strides = array<i32>} : memref<4x64x64xf32, #tpu.memory_space<vmem>>, vector<16xf32>,
        %mul3A_770 = vector.broadcast %squeeze3A_760 : f32 to vector<16xf32>
        %mul3A_771 = arith.mulf %mul3A_770, %get3A_769 : vector<16xf32>
        %add3A_772 = arith.addf %add3A_696, %mul3A_771 : vector<16xf32>
        %get3A_773 = arith.constant 3 : i32
        %get3A_774 = arith.index_cast %get3A_773 : i32 to index
        %get3A_775 = arith.index_cast %add3A_764 : i32 to index
        %get3A_776 = arith.constant 16 : index
        %get3A_777 = tpu.vector_load %arg9[%get3A_774, %get3A_775, %get3A_776] {strides = array<i32>} : memref<4x64x64xf32, #tpu.memory_space<vmem>>, vector<16xf32>,
        %mul3A_778 = vector.broadcast %squeeze3A_760 : f32 to vector<16xf32>
        %mul3A_779 = arith.mulf %mul3A_778, %get3A_777 : vector<16xf32>
        %add3A_780 = arith.addf %add3A_704, %mul3A_779 : vector<16xf32>
        %get3A_781 = arith.constant 3 : i32
        %get3A_782 = arith.index_cast %get3A_781 : i32 to index
        %get3A_783 = arith.index_cast %add3A_764 : i32 to index
        %get3A_784 = arith.constant 32 : index
        %get3A_785 = tpu.vector_load %arg9[%get3A_782, %get3A_783, %get3A_784] {strides = array<i32>} : memref<4x64x64xf32, #tpu.memory_space<vmem>>, vector<16xf32>,
        %mul3A_786 = vector.broadcast %squeeze3A_760 : f32 to vector<16xf32>
        %mul3A_787 = arith.mulf %mul3A_786, %get3A_785 : vector<16xf32>
        %add3A_788 = arith.addf %add3A_712, %mul3A_787 : vector<16xf32>
        %get3A_789 = arith.constant 3 : i32
        %get3A_790 = arith.index_cast %get3A_789 : i32 to index
        %get3A_791 = arith.index_cast %add3A_764 : i32 to index
        %get3A_792 = arith.constant 48 : index
        %get3A_793 = tpu.vector_load %arg9[%get3A_790, %get3A_791, %get3A_792] {strides = array<i32>} : memref<4x64x64xf32, #tpu.memory_space<vmem>>, vector<16xf32>,
        %mul3A_794 = vector.broadcast %squeeze3A_760 : f32 to vector<16xf32>
        %mul3A_795 = arith.mulf %mul3A_794, %get3A_793 : vector<16xf32>
        %add3A_796 = arith.addf %add3A_720, %mul3A_795 : vector<16xf32>
        %slice3A_797 = vector.extract_strided_slice %gather3A {offsets = [11], sizes = [1], strides = [1]} : vector<16xf32> to vector<1xf32>
        %squeeze3A_798 = vector.extract %slice3A_797[0] : f32 from vector<1xf32>
        %mul3A_799 = arith.constant 16 : i32
        %mul3A_800 = arith.muli %add3A_362, %mul3A_799 : i32
        %add3A_801 = arith.constant 11 : i32
        %add3A_802 = arith.addi %mul3A_800, %add3A_801 : i32
        %get3A_803 = arith.constant 3 : i32
        %get3A_804 = arith.index_cast %get3A_803 : i32 to index
        %get3A_805 = arith.index_cast %add3A_802 : i32 to index
        %get3A_806 = arith.constant 0 : index
        %get3A_807 = tpu.vector_load %arg9[%get3A_804, %get3A_805, %get3A_806] {strides = array<i32>} : memref<4x64x64xf32, #tpu.memory_space<vmem>>, vector<16xf32>,
        %mul3A_808 = vector.broadcast %squeeze3A_798 : f32 to vector<16xf32>
        %mul3A_809 = arith.mulf %mul3A_808, %get3A_807 : vector<16xf32>
        %add3A_810 = arith.addf %add3A_734, %mul3A_809 : vector<16xf32>
        %get3A_811 = arith.constant 3 : i32
        %get3A_812 = arith.index_cast %get3A_811 : i32 to index
        %get3A_813 = arith.index_cast %add3A_802 : i32 to index
        %get3A_814 = arith.constant 16 : index
        %get3A_815 = tpu.vector_load %arg9[%get3A_812, %get3A_813, %get3A_814] {strides = array<i32>} : memref<4x64x64xf32, #tpu.memory_space<vmem>>, vector<16xf32>,
        %mul3A_816 = vector.broadcast %squeeze3A_798 : f32 to vector<16xf32>
        %mul3A_817 = arith.mulf %mul3A_816, %get3A_815 : vector<16xf32>
        %add3A_818 = arith.addf %add3A_742, %mul3A_817 : vector<16xf32>
        %get3A_819 = arith.constant 3 : i32
        %get3A_820 = arith.index_cast %get3A_819 : i32 to index
        %get3A_821 = arith.index_cast %add3A_802 : i32 to index
        %get3A_822 = arith.constant 32 : index
        %get3A_823 = tpu.vector_load %arg9[%get3A_820, %get3A_821, %get3A_822] {strides = array<i32>} : memref<4x64x64xf32, #tpu.memory_space<vmem>>, vector<16xf32>,
        %mul3A_824 = vector.broadcast %squeeze3A_798 : f32 to vector<16xf32>
        %mul3A_825 = arith.mulf %mul3A_824, %get3A_823 : vector<16xf32>
        %add3A_826 = arith.addf %add3A_750, %mul3A_825 : vector<16xf32>
        %get3A_827 = arith.constant 3 : i32
        %get3A_828 = arith.index_cast %get3A_827 : i32 to index
        %get3A_829 = arith.index_cast %add3A_802 : i32 to index
        %get3A_830 = arith.constant 48 : index
        %get3A_831 = tpu.vector_load %arg9[%get3A_828, %get3A_829, %get3A_830] {strides = array<i32>} : memref<4x64x64xf32, #tpu.memory_space<vmem>>, vector<16xf32>,
        %mul3A_832 = vector.broadcast %squeeze3A_798 : f32 to vector<16xf32>
        %mul3A_833 = arith.mulf %mul3A_832, %get3A_831 : vector<16xf32>
        %add3A_834 = arith.addf %add3A_758, %mul3A_833 : vector<16xf32>
        %slice3A_835 = vector.extract_strided_slice %gather3A {offsets = [12], sizes = [1], strides = [1]} : vector<16xf32> to vector<1xf32>
        %squeeze3A_836 = vector.extract %slice3A_835[0] : f32 from vector<1xf32>
        %mul3A_837 = arith.constant 16 : i32
        %mul3A_838 = arith.muli %add3A_362, %mul3A_837 : i32
        %add3A_839 = arith.constant 12 : i32
        %add3A_840 = arith.addi %mul3A_838, %add3A_839 : i32
        %get3A_841 = arith.constant 3 : i32
        %get3A_842 = arith.index_cast %get3A_841 : i32 to index
        %get3A_843 = arith.index_cast %add3A_840 : i32 to index
        %get3A_844 = arith.constant 0 : index
        %get3A_845 = tpu.vector_load %arg9[%get3A_842, %get3A_843, %get3A_844] {strides = array<i32>} : memref<4x64x64xf32, #tpu.memory_space<vmem>>, vector<16xf32>,
        %mul3A_846 = vector.broadcast %squeeze3A_836 : f32 to vector<16xf32>
        %mul3A_847 = arith.mulf %mul3A_846, %get3A_845 : vector<16xf32>
        %add3A_848 = arith.addf %add3A_772, %mul3A_847 : vector<16xf32>
        %get3A_849 = arith.constant 3 : i32
        %get3A_850 = arith.index_cast %get3A_849 : i32 to index
        %get3A_851 = arith.index_cast %add3A_840 : i32 to index
        %get3A_852 = arith.constant 16 : index
        %get3A_853 = tpu.vector_load %arg9[%get3A_850, %get3A_851, %get3A_852] {strides = array<i32>} : memref<4x64x64xf32, #tpu.memory_space<vmem>>, vector<16xf32>,
        %mul3A_854 = vector.broadcast %squeeze3A_836 : f32 to vector<16xf32>
        %mul3A_855 = arith.mulf %mul3A_854, %get3A_853 : vector<16xf32>
        %add3A_856 = arith.addf %add3A_780, %mul3A_855 : vector<16xf32>
        %get3A_857 = arith.constant 3 : i32
        %get3A_858 = arith.index_cast %get3A_857 : i32 to index
        %get3A_859 = arith.index_cast %add3A_840 : i32 to index
        %get3A_860 = arith.constant 32 : index
        %get3A_861 = tpu.vector_load %arg9[%get3A_858, %get3A_859, %get3A_860] {strides = array<i32>} : memref<4x64x64xf32, #tpu.memory_space<vmem>>, vector<16xf32>,
        %mul3A_862 = vector.broadcast %squeeze3A_836 : f32 to vector<16xf32>
        %mul3A_863 = arith.mulf %mul3A_862, %get3A_861 : vector<16xf32>
        %add3A_864 = arith.addf %add3A_788, %mul3A_863 : vector<16xf32>
        %get3A_865 = arith.constant 3 : i32
        %get3A_866 = arith.index_cast %get3A_865 : i32 to index
        %get3A_867 = arith.index_cast %add3A_840 : i32 to index
        %get3A_868 = arith.constant 48 : index
        %get3A_869 = tpu.vector_load %arg9[%get3A_866, %get3A_867, %get3A_868] {strides = array<i32>} : memref<4x64x64xf32, #tpu.memory_space<vmem>>, vector<16xf32>,
        %mul3A_870 = vector.broadcast %squeeze3A_836 : f32 to vector<16xf32>
        %mul3A_871 = arith.mulf %mul3A_870, %get3A_869 : vector<16xf32>
        %add3A_872 = arith.addf %add3A_796, %mul3A_871 : vector<16xf32>
        %slice3A_873 = vector.extract_strided_slice %gather3A {offsets = [13], sizes = [1], strides = [1]} : vector<16xf32> to vector<1xf32>
        %squeeze3A_874 = vector.extract %slice3A_873[0] : f32 from vector<1xf32>
        %mul3A_875 = arith.constant 16 : i32
        %mul3A_876 = arith.muli %add3A_362, %mul3A_875 : i32
        %add3A_877 = arith.constant 13 : i32
        %add3A_878 = arith.addi %mul3A_876, %add3A_877 : i32
        %get3A_879 = arith.constant 3 : i32
        %get3A_880 = arith.index_cast %get3A_879 : i32 to index
        %get3A_881 = arith.index_cast %add3A_878 : i32 to index
        %get3A_882 = arith.constant 0 : index
        %get3A_883 = tpu.vector_load %arg9[%get3A_880, %get3A_881, %get3A_882] {strides = array<i32>} : memref<4x64x64xf32, #tpu.memory_space<vmem>>, vector<16xf32>,
        %mul3A_884 = vector.broadcast %squeeze3A_874 : f32 to vector<16xf32>
        %mul3A_885 = arith.mulf %mul3A_884, %get3A_883 : vector<16xf32>
        %add3A_886 = arith.addf %add3A_810, %mul3A_885 : vector<16xf32>
        %get3A_887 = arith.constant 3 : i32
        %get3A_888 = arith.index_cast %get3A_887 : i32 to index
        %get3A_889 = arith.index_cast %add3A_878 : i32 to index
        %get3A_890 = arith.constant 16 : index
        %get3A_891 = tpu.vector_load %arg9[%get3A_888, %get3A_889, %get3A_890] {strides = array<i32>} : memref<4x64x64xf32, #tpu.memory_space<vmem>>, vector<16xf32>,
        %mul3A_892 = vector.broadcast %squeeze3A_874 : f32 to vector<16xf32>
        %mul3A_893 = arith.mulf %mul3A_892, %get3A_891 : vector<16xf32>
        %add3A_894 = arith.addf %add3A_818, %mul3A_893 : vector<16xf32>
        %get3A_895 = arith.constant 3 : i32
        %get3A_896 = arith.index_cast %get3A_895 : i32 to index
        %get3A_897 = arith.index_cast %add3A_878 : i32 to index
        %get3A_898 = arith.constant 32 : index
        %get3A_899 = tpu.vector_load %arg9[%get3A_896, %get3A_897, %get3A_898] {strides = array<i32>} : memref<4x64x64xf32, #tpu.memory_space<vmem>>, vector<16xf32>,
        %mul3A_900 = vector.broadcast %squeeze3A_874 : f32 to vector<16xf32>
        %mul3A_901 = arith.mulf %mul3A_900, %get3A_899 : vector<16xf32>
        %add3A_902 = arith.addf %add3A_826, %mul3A_901 : vector<16xf32>
        %get3A_903 = arith.constant 3 : i32
        %get3A_904 = arith.index_cast %get3A_903 : i32 to index
        %get3A_905 = arith.index_cast %add3A_878 : i32 to index
        %get3A_906 = arith.constant 48 : index
        %get3A_907 = tpu.vector_load %arg9[%get3A_904, %get3A_905, %get3A_906] {strides = array<i32>} : memref<4x64x64xf32, #tpu.memory_space<vmem>>, vector<16xf32>,
        %mul3A_908 = vector.broadcast %squeeze3A_874 : f32 to vector<16xf32>
        %mul3A_909 = arith.mulf %mul3A_908, %get3A_907 : vector<16xf32>
        %add3A_910 = arith.addf %add3A_834, %mul3A_909 : vector<16xf32>
        %slice3A_911 = vector.extract_strided_slice %gather3A {offsets = [14], sizes = [1], strides = [1]} : vector<16xf32> to vector<1xf32>
        %squeeze3A_912 = vector.extract %slice3A_911[0] : f32 from vector<1xf32>
        %mul3A_913 = arith.constant 16 : i32
        %mul3A_914 = arith.muli %add3A_362, %mul3A_913 : i32
        %add3A_915 = arith.constant 14 : i32
        %add3A_916 = arith.addi %mul3A_914, %add3A_915 : i32
        %get3A_917 = arith.constant 3 : i32
        %get3A_918 = arith.index_cast %get3A_917 : i32 to index
        %get3A_919 = arith.index_cast %add3A_916 : i32 to index
        %get3A_920 = arith.constant 0 : index
        %get3A_921 = tpu.vector_load %arg9[%get3A_918, %get3A_919, %get3A_920] {strides = array<i32>} : memref<4x64x64xf32, #tpu.memory_space<vmem>>, vector<16xf32>,
        %mul3A_922 = vector.broadcast %squeeze3A_912 : f32 to vector<16xf32>
        %mul3A_923 = arith.mulf %mul3A_922, %get3A_921 : vector<16xf32>
        %add3A_924 = arith.addf %add3A_848, %mul3A_923 : vector<16xf32>
        %get3A_925 = arith.constant 3 : i32
        %get3A_926 = arith.index_cast %get3A_925 : i32 to index
        %get3A_927 = arith.index_cast %add3A_916 : i32 to index
        %get3A_928 = arith.constant 16 : index
        %get3A_929 = tpu.vector_load %arg9[%get3A_926, %get3A_927, %get3A_928] {strides = array<i32>} : memref<4x64x64xf32, #tpu.memory_space<vmem>>, vector<16xf32>,
        %mul3A_930 = vector.broadcast %squeeze3A_912 : f32 to vector<16xf32>
        %mul3A_931 = arith.mulf %mul3A_930, %get3A_929 : vector<16xf32>
        %add3A_932 = arith.addf %add3A_856, %mul3A_931 : vector<16xf32>
        %get3A_933 = arith.constant 3 : i32
        %get3A_934 = arith.index_cast %get3A_933 : i32 to index
        %get3A_935 = arith.index_cast %add3A_916 : i32 to index
        %get3A_936 = arith.constant 32 : index
        %get3A_937 = tpu.vector_load %arg9[%get3A_934, %get3A_935, %get3A_936] {strides = array<i32>} : memref<4x64x64xf32, #tpu.memory_space<vmem>>, vector<16xf32>,
        %mul3A_938 = vector.broadcast %squeeze3A_912 : f32 to vector<16xf32>
        %mul3A_939 = arith.mulf %mul3A_938, %get3A_937 : vector<16xf32>
        %add3A_940 = arith.addf %add3A_864, %mul3A_939 : vector<16xf32>
        %get3A_941 = arith.constant 3 : i32
        %get3A_942 = arith.index_cast %get3A_941 : i32 to index
        %get3A_943 = arith.index_cast %add3A_916 : i32 to index
        %get3A_944 = arith.constant 48 : index
        %get3A_945 = tpu.vector_load %arg9[%get3A_942, %get3A_943, %get3A_944] {strides = array<i32>} : memref<4x64x64xf32, #tpu.memory_space<vmem>>, vector<16xf32>,
        %mul3A_946 = vector.broadcast %squeeze3A_912 : f32 to vector<16xf32>
        %mul3A_947 = arith.mulf %mul3A_946, %get3A_945 : vector<16xf32>
        %add3A_948 = arith.addf %add3A_872, %mul3A_947 : vector<16xf32>
        %slice3A_949 = vector.extract_strided_slice %gather3A {offsets = [15], sizes = [1], strides = [1]} : vector<16xf32> to vector<1xf32>
        %squeeze3A_950 = vector.extract %slice3A_949[0] : f32 from vector<1xf32>
        %mul3A_951 = arith.constant 16 : i32
        %mul3A_952 = arith.muli %add3A_362, %mul3A_951 : i32
        %add3A_953 = arith.constant 15 : i32
        %add3A_954 = arith.addi %mul3A_952, %add3A_953 : i32
        %get3A_955 = arith.constant 3 : i32
        %get3A_956 = arith.index_cast %get3A_955 : i32 to index
        %get3A_957 = arith.index_cast %add3A_954 : i32 to index
        %get3A_958 = arith.constant 0 : index
        %get3A_959 = tpu.vector_load %arg9[%get3A_956, %get3A_957, %get3A_958] {strides = array<i32>} : memref<4x64x64xf32, #tpu.memory_space<vmem>>, vector<16xf32>,
        %mul3A_960 = vector.broadcast %squeeze3A_950 : f32 to vector<16xf32>
        %mul3A_961 = arith.mulf %mul3A_960, %get3A_959 : vector<16xf32>
        %add3A_962 = arith.addf %add3A_886, %mul3A_961 : vector<16xf32>
        %get3A_963 = arith.constant 3 : i32
        %get3A_964 = arith.index_cast %get3A_963 : i32 to index
        %get3A_965 = arith.index_cast %add3A_954 : i32 to index
        %get3A_966 = arith.constant 16 : index
        %get3A_967 = tpu.vector_load %arg9[%get3A_964, %get3A_965, %get3A_966] {strides = array<i32>} : memref<4x64x64xf32, #tpu.memory_space<vmem>>, vector<16xf32>,
        %mul3A_968 = vector.broadcast %squeeze3A_950 : f32 to vector<16xf32>
        %mul3A_969 = arith.mulf %mul3A_968, %get3A_967 : vector<16xf32>
        %add3A_970 = arith.addf %add3A_894, %mul3A_969 : vector<16xf32>
        %get3A_971 = arith.constant 3 : i32
        %get3A_972 = arith.index_cast %get3A_971 : i32 to index
        %get3A_973 = arith.index_cast %add3A_954 : i32 to index
        %get3A_974 = arith.constant 32 : index
        %get3A_975 = tpu.vector_load %arg9[%get3A_972, %get3A_973, %get3A_974] {strides = array<i32>} : memref<4x64x64xf32, #tpu.memory_space<vmem>>, vector<16xf32>,
        %mul3A_976 = vector.broadcast %squeeze3A_950 : f32 to vector<16xf32>
        %mul3A_977 = arith.mulf %mul3A_976, %get3A_975 : vector<16xf32>
        %add3A_978 = arith.addf %add3A_902, %mul3A_977 : vector<16xf32>
        %get3A_979 = arith.constant 3 : i32
        %get3A_980 = arith.index_cast %get3A_979 : i32 to index
        %get3A_981 = arith.index_cast %add3A_954 : i32 to index
        %get3A_982 = arith.constant 48 : index
        %get3A_983 = tpu.vector_load %arg9[%get3A_980, %get3A_981, %get3A_982] {strides = array<i32>} : memref<4x64x64xf32, #tpu.memory_space<vmem>>, vector<16xf32>,
        %mul3A_984 = vector.broadcast %squeeze3A_950 : f32 to vector<16xf32>
        %mul3A_985 = arith.mulf %mul3A_984, %get3A_983 : vector<16xf32>
        %add3A_986 = arith.addf %add3A_910, %mul3A_985 : vector<16xf32>
        %broadcast_in_dim3A_987 = vector.broadcast %add3A_365 : i32 to vector<16xi32>
        %add3A_988 = arith.addf %add3A_924, %add3A_962 : vector<16xf32>
        tpu.vector_store_idx %arg10[%add3A_43, %broadcast_in_dim3A_987], %add3A_988 : memref<64x1025xf32, #tpu.memory_space<vmem>>[vector<16xi32>, vector<16xi32>], vector<16xf32>,
        %add3A_989 = arith.addf %add3A_932, %add3A_970 : vector<16xf32>
        tpu.vector_store_idx %arg10[%add3A_46, %broadcast_in_dim3A_987], %add3A_989 : memref<64x1025xf32, #tpu.memory_space<vmem>>[vector<16xi32>, vector<16xi32>], vector<16xf32>,
        %add3A_990 = arith.addf %add3A_940, %add3A_978 : vector<16xf32>
        tpu.vector_store_idx %arg10[%add3A_49, %broadcast_in_dim3A_987], %add3A_990 : memref<64x1025xf32, #tpu.memory_space<vmem>>[vector<16xi32>, vector<16xi32>], vector<16xf32>,
        %add3A_991 = arith.addf %add3A_948, %add3A_986 : vector<16xf32>
        tpu.vector_store_idx %arg10[%add3A_52, %broadcast_in_dim3A_987], %add3A_991 : memref<64x1025xf32, #tpu.memory_space<vmem>>[vector<16xi32>, vector<16xi32>], vector<16xf32>,
      }
      %scan3A_350 = arith.constant 4 : i32
      %add3A_351 = arith.constant 4 : i32
      %add3A_352 = arith.addi %add3A_333, %add3A_351 : i32
      %lt3A_353 = arith.constant 256 : i32
      %lt3A_354 = arith.cmpi slt, %add3A_352, %lt3A_353 : i32
      %convert_element_type3A_355 = arith.extui %lt3A_354 : i1 to i32
      %cond3A_356 = arith.constant 0 : i32
      %cond3A_357 = arith.cmpi ne, %convert_element_type3A_355, %cond3A_356 : i32
      scf.if %cond3A_357 {
        %scan3A_358 = arith.constant 0 : i32
        %scan3A_359 = arith.constant 4 : i32
        %scan3A_360 = arith.addi %scan3A_358, %scan3A_359 : i32
        %scan3A_361 = arith.constant 1 : i32
        scf.for %scan3A_375 = %scan3A_358 to %scan3A_360 step %scan3A_361  : i32 {
          %mul3A_376 = arith.constant 1 : i32
          %mul3A_377 = arith.muli %scan3A_375, %mul3A_376 : i32
          %add3A_378 = arith.constant 0 : i32
          %add3A_379 = arith.addi %add3A_378, %mul3A_377 : i32
          %mul3A_380 = arith.constant 4 : i32
          %mul3A_381 = arith.muli %add3A_352, %mul3A_380 : i32
          %add3A_382 = arith.addi %mul3A_381, %add3A_379 : i32
          %broadcast_in_dim3A = vector.broadcast %add3A_382 : i32 to vector<16xi32>
          %gather3A = tpu.vector_load_idx %arg7[%broadcast_in_dim3A, %mul3A_35] : memref<1024x32xf32, #tpu.memory_space<vmem>>[vector<16xi32>, vector<16xi32>], vector<16xf32>,
          %convert_element_type3A_383 = arith.fptosi %gather3A : vector<16xf32> to vector<16xi32>
          %add3A_384 = vector.broadcast %mul3A_40 : i32 to vector<16xi32>
          %add3A_385 = arith.addi %convert_element_type3A_383, %add3A_384 : vector<16xi32>
          %mul3A_386 = arith.constant 16 : i32
          %mul3A_387 = arith.muli %add3A_379, %mul3A_386 : i32
          %swap3A = arith.constant 3 : i32
          %swap3A_388 = arith.index_cast %swap3A : i32 to index
          %swap3A_389 = arith.index_cast %mul3A_387 : i32 to index
          %swap3A_390 = tpu.vector_load %arg8[%swap3A_388, %swap3A_389] {strides = array<i32>} : memref<4x64xi32, #tpu.memory_space<vmem>>, vector<16xi32>,
          tpu.vector_store %arg8[%swap3A_388, %swap3A_389], %add3A_385 {strides = array<i32>} : memref<4x64xi32, #tpu.memory_space<vmem>>, vector<16xi32>,
        }
        %scan3A_362 = arith.constant 4 : i32
        %dma_start3A_363 = arith.constant 3 : i32
        %dma_start3A_364 = arith.constant 3 : i32
        %dma_start3A_365 = arith.constant 0 : i32
        %dma_start3A_366 = arith.constant 0 : i32
        %dma_start3A_367 = tpu.memref_slice %arg9[%dma_start3A_364, %dma_start3A_365, %dma_start3A_366] : memref<4x64x64xf32, #tpu.memory_space<vmem>> -> memref<1x64x64xf32, #tpu.memory_space<vmem>>
        %dma_start3A_368 = tpu.memref_squeeze %dma_start3A_367 : memref<1x64x64xf32, #tpu.memory_space<vmem>> -> memref<64x64xf32, #tpu.memory_space<vmem>>
        %dma_start3A_369 = arith.constant 0 : i32
        %dma_start3A_370 = tpu.memref_slice %arg8[%dma_start3A_363, %dma_start3A_369] : memref<4x64xi32, #tpu.memory_space<vmem>> -> memref<1x64xi32, #tpu.memory_space<vmem>>
        %dma_start3A_371 = tpu.memref_squeeze %dma_start3A_370 : memref<1x64xi32, #tpu.memory_space<vmem>> -> memref<64xi32, #tpu.memory_space<vmem>>
        %dma_start3A_372 = arith.constant 0 : i32
        %dma_start3A_373 = arith.constant 0 : i32
        %dma_start3A_374 = tpu.memref_slice %arg2[%dma_start3A_372, %dma_start3A_373] : memref<65536x64xf32, #tpu.memory_space<hbm>> -> memref<65536x64xf32, #tpu.memory_space<hbm>>
        tpu.enqueue_indirect_dma source(%dma_start3A_374 : memref<65536x64xf32, #tpu.memory_space<hbm>>) target(%dma_start3A_368 : memref<64x64xf32, #tpu.memory_space<vmem>>) offsets(%dma_start3A_371 : memref<64xi32, #tpu.memory_space<vmem>>) semaphore(%arg15 : memref<!tpu.dma_semaphore, #tpu.memory_space<semaphore_mem>>)
      } else {
      }
    }
    %scan3A_250 = arith.constant 64 : i32
    "tpu.region"() ({
      %run_scoped3A = tpu.sem_alloc : memref<!tpu.dma_semaphore, #tpu.memory_space<semaphore_mem>>
      %dma_start3A_251 = arith.constant 0 : i32
      %dma_start3A_252 = arith.constant 0 : i32
      %dma_start3A_253 = tpu.memref_slice %arg10[%dma_start3A_251, %dma_start3A_252] : memref<64x1025xf32, #tpu.memory_space<vmem>> -> memref<64x1024xf32, #tpu.memory_space<vmem>>
      %dma_start3A_254 = arith.constant 0 : i32
      %dma_start3A_255 = tpu.memref_slice %arg5[%select_n3A, %dma_start3A_254, %mul3A_32] : memref<4x64x8192xf32, #tpu.memory_space<hbm>> -> memref<1x64x1024xf32, #tpu.memory_space<hbm>>
      %dma_start3A_256 = tpu.memref_squeeze %dma_start3A_255 : memref<1x64x1024xf32, #tpu.memory_space<hbm>> -> memref<64x1024xf32, #tpu.memory_space<hbm>>
      %dma_start3A_257 = arith.constant 0 : i32
      %dma_start3A_258 = tpu.memref_slice %arg5[%select_n3A, %dma_start3A_257, %mul3A_32] : memref<4x64x8192xf32, #tpu.memory_space<hbm>> -> memref<1x64x1024xf32, #tpu.memory_space<hbm>>
      %dma_start3A_259 = tpu.memref_squeeze %dma_start3A_258 : memref<1x64x1024xf32, #tpu.memory_space<hbm>> -> memref<64x1024xf32, #tpu.memory_space<hbm>>
      %dma_start3A_260 = arith.constant 0 : i32
      %dma_start3A_261 = arith.constant 0 : i32
      %dma_start3A_262 = tpu.memref_slice %arg10[%dma_start3A_260, %dma_start3A_261] : memref<64x1025xf32, #tpu.memory_space<vmem>> -> memref<64x1024xf32, #tpu.memory_space<vmem>>
      tpu.enqueue_dma source(%dma_start3A_262 : memref<64x1024xf32, #tpu.memory_space<vmem>>) target(%dma_start3A_259 : memref<64x1024xf32, #tpu.memory_space<hbm>>) target_semaphore(%run_scoped3A : memref<!tpu.dma_semaphore, #tpu.memory_space<semaphore_mem>>)
      %dma_wait3A_263 = arith.constant 0 : i32
      %dma_wait3A_264 = arith.constant 0 : i32
      %dma_wait3A_265 = tpu.memref_slice %arg10[%dma_wait3A_263, %dma_wait3A_264] : memref<64x1025xf32, #tpu.memory_space<vmem>> -> memref<64x1024xf32, #tpu.memory_space<vmem>>
      %dma_wait3A_266 = arith.constant 0 : i32
      %dma_wait3A_267 = tpu.memref_slice %arg5[%select_n3A, %dma_wait3A_266, %mul3A_32] : memref<4x64x8192xf32, #tpu.memory_space<hbm>> -> memref<1x64x1024xf32, #tpu.memory_space<hbm>>
      %dma_wait3A_268 = tpu.memref_squeeze %dma_wait3A_267 : memref<1x64x1024xf32, #tpu.memory_space<hbm>> -> memref<64x1024xf32, #tpu.memory_space<hbm>>
      %dma_wait3A_269 = arith.constant 0 : i32
      %dma_wait3A_270 = tpu.memref_slice %arg5[%select_n3A, %dma_wait3A_269, %mul3A_32] : memref<4x64x8192xf32, #tpu.memory_space<hbm>> -> memref<1x64x1024xf32, #tpu.memory_space<hbm>>
      %dma_wait3A_271 = tpu.memref_squeeze %dma_wait3A_270 : memref<1x64x1024xf32, #tpu.memory_space<hbm>> -> memref<64x1024xf32, #tpu.memory_space<hbm>>
      %dma_wait3A_272 = arith.constant 0 : i32
      %dma_wait3A_273 = arith.constant 0 : i32
      %dma_wait3A_274 = tpu.memref_slice %arg10[%dma_wait3A_272, %dma_wait3A_273] : memref<64x1025xf32, #tpu.memory_space<vmem>> -> memref<64x1024xf32, #tpu.memory_space<vmem>>
      tpu.wait_dma2 semaphore(%run_scoped3A : memref<!tpu.dma_semaphore, #tpu.memory_space<semaphore_mem>>) src(%dma_wait3A_274 : memref<64x1024xf32, #tpu.memory_space<vmem>>) dst(%dma_wait3A_271 : memref<64x1024xf32, #tpu.memory_space<hbm>>)
      tpu.yield
    }) : () -> ()
    return
  }
}

</mosaic_0001>

<sc_bundles>
// kernel: kernel.3.cloned.1.call-start
scs
__scs_entry_jumppad:
0x0: {  	(pc) =	sbr.rel $0x88, $3  }
0x1: {  	(tag) =	ssettag $0x0;
	lr =	simm.s32 $0x1  }
0x2: {  	[smem:$0x3F9E] =	sst lr;
	_ =	strace $0xD0000000  }
0x3: {  	_ = 	snop  }
0x4: {  	_ = 	snop  }
0x5: {  	_ = 	snop  }
0x6: {  	_ = 	snop  }
0x7: {  	_ = 	snop  }
__scs_overlays_trampoline_lowered:
0x8: {  	[smem:$0x3FAD] =	sst s0  }
0x9: {  	[smem:$0x3FAE] =	sst s1  }
0xa: {  	[smem:$0x3FAF] =	sst s2  }
0xb: {  	[smem:$0x3FB0] =	sst s3  }
0xc: {  	[smem:$0x3FB1] =	sst s4  }
0xd: {  	[smem:$0x3FB2] =	sst s5  }
0xe: {  	[smem:$0x3FB3] =	sst s6  }
0xf: {  	[smem:$0x3FB4] =	sst s7  }
0x10: {  	[smem:$0x3FB5] =	sst s8  }
0x11: {  	[smem:$0x3FB6] =	sst s9;
	s0 =	simm.s32 @!p0 $0x0  }
0x12: {  	s1 =	sld [smem:$0x3F9C];
	s0 =	simm.s32 @p0 $0x1  }
0x13: {  	[smem:$0x3FB7] =	sst s0;
	s0 =	simm.s32 @!p1 $0x0  }
0x14: {  	s2 =	sld [smem:$0x3F9B];
	s0 =	simm.s32 @p1 $0x1  }
0x15: {  	[smem:$0x3FB8] =	sst s0;
	s0 =	simm.s32 @!p2 $0x0  }
0x16: {  	s3 =	sld [smem:$0x3FDB];
	s0 =	simm.s32 @p2 $0x1  }
0x17: {  	s4 =	simm.s32 $0x1BF5;
	[smem:$0x3FBA] =	sst s0  }
0x18: {  	s0 =	sld [smem:$0x3F9D];
	_ =	swait.ge [sflag:s4], $0x0  }
0x19: {  	s7 =	sld [smem:$0x3F9E]  }
0x1a: {  	s8 =	sadd.s32 $0xFFFFE003, lr  }
0x1b: {  	s9 =	sadd.s32 $0xFFFFFEF7, lr;
	s5 =	simm.s32 $0xFFFFFFFF;
	p2 =	slt.u32 s8, $0xFFFFF086  }
0x1c: {  	p1 =	slt.u32 s9, $0xF7A;
	s5 =	simm.s32 @!p2 $0x0  }
0x1d: {  	s5 =	simm.s32 @p1 $0x1;
	p0 =	seq.s32 s7, s2  }
0x1e: {  	s7 =	smul.u32 @!p0 $0xF7A, s2;
	p2 =	seq.s32 @!p0 s5, $0x0  }
0x1f: {  	s9 =	smul.u32 $0xF7A, s1;
	s8 =	simm.s32 @!p0 $0x1BF5;
	p2 =	por !p2, p0  }
0x20: {  	[sflag:s8] =	ssyncset.s32 @!p0 $0xFFFFF086;
	s6 =	sadd.s32 @!p0 s3, s7;
	s7 =	simm.s32 @!p0 $0x108  }
0x21: {  	s3 =	sadd.s32 s3, s9;
	s6 =	sadd.s32 @!p0 $0x88, s6;
	s7 =	simm.s32 @p2 $0x1082  }
0x22: {  	[simem:s7], [sflag:s8] =	dma.local @!p0 [hbm:s6], $0xF7A  }
0x23: {  	s9 =	sor.u32 $0xD0000000, s2;
	s6 =	simm.s32 $0x108;
	_ =	swait.ge @!p0 [sflag:s8], $0x0  }
0x24: {  	s3 =	sadd.s32 $0x88, s3;
	s6 =	simm.s32 @!p1 $0x1082;
	[sflag:s4] =	ssyncset.s32 $0xFFFFF086  }
0x25: {  	[simem:s6], [sflag:s4] =	dma.local [hbm:s3], $0xF7A  }
0x26: {  	[smem:$0x3F9E] =	sst s1;
	(tag) =	ssettag s2;
	_ =	strace s9  }
0x27: {  	s1 =	sld [smem:$0x3FAE]  }
0x28: {  	s2 =	sld [smem:$0x3FAF]  }
0x29: {  	s4 =	sld [smem:$0x3FB1]  }
0x2a: {  	p0 =	seq.s32 s5, $0x0;
	s5 =	sld [smem:$0x3FB2]  }
0x2b: {  	s6 =	sld [smem:$0x3FB3]  }
0x2c: {  	s7 =	sld [smem:$0x3FB4]  }
0x2d: {  	s3 =	simm.s32 $0x108;
	s8 =	sld [smem:$0x3FB5]  }
0x2e: {  	s3 =	simm.s32 @!p0 $0x1082;
	s9 =	sld [smem:$0x3FB6]  }
0x2f: {  	lr =	sadd.s32 s0, s3;
	s0 =	sld [smem:$0x3FAD]  }
0x30: {  	s3 =	sld [smem:$0x3FB0]  }
0x31: {  	[smem:$0x3FB9] =	sst s10  }
0x32: {  	s10 =	sld [smem:$0x3FB7];
	_ =	sdelay $0x3  }
0x33: {  	p0 =	seq.s32 s10, $0x1;
	s10 =	sld [smem:$0x3FB9];
	_ =	sdelay $0x3  }
0x34: {  	[smem:$0x3FB9] =	sst s10  }
0x35: {  	s10 =	sld [smem:$0x3FB8];
	_ =	sdelay $0x3  }
0x36: {  	p1 =	seq.s32 s10, $0x1;
	s10 =	sld [smem:$0x3FB9];
	_ =	sdelay $0x3  }
0x37: {  	[smem:$0x3FB9] =	sst s10  }
0x38: {  	s10 =	sld [smem:$0x3FBA]  }
0x39: {  	_ = 	snop;
	(pc) =	sbr.ind lr, $3  }
0x3a: {  	_ = 	snop  }
0x3b: {  	_ = 	snop  }
0x3c: {  	p2 =	seq.s32 s10, $0x1;
	s10 =	sld [smem:$0x3FB9]  }
0x3d: {  	_ =	shalt  }
0x3e: {  	_ =	shalt  }
0x3f: {  	_ =	shalt  }
0x40: {  	_ =	shalt  }
0x41: {  	_ =	shalt  }
0x42: {  	_ =	shalt  }
0x43: {  	_ =	shalt  }
0x44: {  	_ =	shalt  }
0x45: {  	_ =	shalt  }
0x46: {  	_ =	shalt  }
0x47: {  	_ =	shalt  }
0x48: {  	_ =	shalt  }
0x49: {  	_ =	shalt  }
0x4a: {  	_ =	shalt  }
0x4b: {  	_ =	shalt  }
0x4c: {  	_ =	shalt  }
0x4d: {  	_ =	shalt  }
0x4e: {  	_ =	shalt  }
0x4f: {  	_ =	shalt  }
0x50: {  	_ =	shalt  }
0x51: {  	_ =	shalt  }
0x52: {  	_ =	shalt  }
0x53: {  	_ =	shalt  }
0x54: {  	_ =	shalt  }
0x55: {  	_ =	shalt  }
0x56: {  	_ =	shalt  }
0x57: {  	_ =	shalt  }
0x58: {  	_ =	shalt  }
0x59: {  	_ =	shalt  }
0x5a: {  	_ =	shalt  }
0x5b: {  	_ =	shalt  }
0x5c: {  	_ =	shalt  }
0x5d: {  	_ =	shalt  }
0x5e: {  	_ =	shalt  }
0x5f: {  	_ =	shalt  }
0x60: {  	_ =	shalt  }
0x61: {  	_ =	shalt  }
0x62: {  	_ =	shalt  }
0x63: {  	_ =	shalt  }
0x64: {  	_ =	shalt  }
0x65: {  	_ =	shalt  }
0x66: {  	_ =	shalt  }
0x67: {  	_ =	shalt  }
0x68: {  	_ =	shalt  }
0x69: {  	_ =	shalt  }
0x6a: {  	_ =	shalt  }
0x6b: {  	_ =	shalt  }
0x6c: {  	_ =	shalt  }
0x6d: {  	_ =	shalt  }
0x6e: {  	_ =	shalt  }
0x6f: {  	_ =	shalt  }
0x70: {  	_ =	shalt  }
0x71: {  	_ =	shalt  }
0x72: {  	_ =	shalt  }
0x73: {  	_ =	shalt  }
0x74: {  	_ =	shalt  }
0x75: {  	_ =	shalt  }
0x76: {  	_ =	shalt  }
0x77: {  	_ =	shalt  }
0x78: {  	_ =	shalt  }
0x79: {  	_ =	shalt  }
0x7a: {  	_ =	shalt  }
0x7b: {  	_ =	shalt  }
0x7c: {  	_ =	shalt  }
0x7d: {  	_ =	shalt  }
0x7e: {  	_ =	shalt  }
0x7f: {  	_ =	shalt  }
0x80: {  	_ =	shalt  }
0x81: {  	_ =	shalt  }
0x82: {  	_ =	shalt  }
0x83: {  	_ =	shalt  }
0x84: {  	_ =	shalt  }
0x85: {  	_ =	shalt  }
0x86: {  	_ =	shalt  }
0x87: {  	_ =	shalt  }
.Lfunc_end0:
.L_simem_size_0:
called_computation_lowered:
.L_overlay_start_0:
0x88: {  	s2 =	sld [smem:$0x3FD9]  }
0x89: {  	s3 =	sld [smem:$0x3FFE];
	_ =	sdelay $0x1  }
0x8a: {  	s1 =	srdreg.scid  }
0x8b: {  	s0 =	sand.u32 $0x1, s1  }
0x8c: {  	s17 =	sshll.u32 s0, $0xA;
	s2 =	sadd.s32 s3, s2  }
0x8d: {  	s2 =	sadd.s32 s2, s17  }
0x8e: {  	[smem:$0x3FC5] =	sst s2  }
0x8f: {  	_ = 	snop  }
0x90: {  	s2 =	sld [smem:$0x3FD0];
	(tm) =	ssettm $0x1  }
0x91: {  	s18 =	sld [smem:$0x3FFB];
	_ =	sdelay $0x3  }
0x92: {  	_ =	strace s18  }
0x93: {  	s3 =	sld [smem:$0x3FFC];
	_ =	sdelay $0x3  }
0x94: {  	_ =	strace s3  }
0x95: {  	s3 =	sld [smem:$0x3FFD];
	_ =	sdelay $0x3  }
0x96: {  	_ =	strace s3  }
0x97: {  	_ =	strace $0x8FFFFFFF  }
0x98: {  	s19 =	sld [smem:$0x3FDB];
	_ =	sdelay $0x1  }
0x99: {  	s4 =	simm.s32 $_scs_section_size  }
0x9a: {  	s5 =	simm.s32 $_size__tile_overlayer_lowered;
	s6 =	simm.s32 $_tile_overlayer_lowered  }
0x9b: {  	s22 =	simm.s32 $0x1BFF;
	s21 =	sshll.u32 s6, $0x1;
	s3 =	sadd.s32 s4, s19  }
0x9c: {  	s7 =	simm.s32 $0x0;
	s20 =	sshll.u32 s5, $0x1;
	s5 =	sadd.s32 s21, s3  }
0x9d: {  	[timem:s7], [sflag:s22] =	dma.local [hbm:s5], s20  }
0x9e: {  	_ =	swait.ge [sflag:s22], s20  }
0x9f: {  	s4 =	ssub.s32 $0x0, s20;
	[sflag:s22] =	ssyncset.done $0x0  }
0xa0: {  	[sflag:s22] =	ssyncadd.s32 s4;
	_ =	sdelay $0x1  }
0xa1: {  	s23 =	simm.s32 $0x1B8B  }
0xa2: {  	_ =	swait.ge [sflag:s23], $0x1  }
0xa3: {  	[sflag:s23] =	ssyncset.done $0x0  }
0xa4: {  	s25 =	simm.s32 $0x1B8E;
	s24 =	sld [smem:$0x3FFE];
	[sflag:s23] =	ssyncadd.s32 $0xFFFFFFFF  }
0xa5: {  	s26 =	simm.s32 $execute0_lowered;
	[smem:$0x3FD2] =	sst s25  }
0xa6: {  	s5 =	sshll.u32 s26, $0x1;
	_ =	strace $0x80000046;
	[dreg:$0x1] =	wrdreg $0xFFFFFFFF  }
0xa7: {  	s28 =	simm.s32 $_size_execute0_lowered;
	s3 =	sadd.s32 s3, s5;
	[dreg:$0x0] =	wrdreg $0x0  }
0xa8: {  	s5 =	sshll.u32 s28, $0x1;
	[dreg:$0x2] =	wrdreg s3  }
0xa9: {  	[dreg:$0x3] =	wrdreg s5  }
0xaa: {  	[dreg:$0x4] =	wrdreg $0xC0  }
0xab: {  	_ =	task [dreg:s7], $0x5FFFF  }
0xac: {  	[dreg:$0x1] =	wrdreg $0xFFFFFFFF  }
0xad: {  	[dreg:$0x0] =	wrdreg $0x60  }
0xae: {  	[dreg:$0x2] =	wrdreg s24  }
0xaf: {  	[dreg:$0x3] =	wrdreg s2  }
0xb0: {  	[dreg:$0x4] =	wrdreg $0x9  }
0xb1: {  	_ =	task.clear_ibuf [dreg:s7], $0x5FFFF;
	_ =	strace $0x90000046  }
0xb2: {  	s29 =	simm.s32 $0x9;
	_ =	strace $0x80000048  }
0xb3: {  	_ =	swait.ge [sflag:s29], $0x1  }
0xb4: {  	[sflag:s29] =	ssyncadd.s32 $0xFFFFFFFF  }
0xb5: {  	_ =	strace $0x90000048  }
0xb6: {  	_ =	sfence  }
0xb7: {  	s30 =	sld [smem:$0x0];
	_ =	sdelay $0x2  }
0xb8: {  	s31 =	sshll.u32 s1, $0xD;
	s1 =	sshrl.u32 s1, $0x2  }
0xb9: {  	s3 =	sand.u32 $0x4000, s31;
	s1 =	sadd.s32 s1, s30  }
0xba: {  	s0 =	sor.u32 s3, s0;
	s1 =	sshll.u32 s1, $0x11  }
0xbb: {  	s0 =	sor.u32 s1, s0  }
0xbc: {  	s0 =	sadd.s32 $0x8F2B, s0  }
0xbd: {  	[sflag:s0] =	ssyncadd.remote.s32 $0x1  }
0xbe: {  	_ =	sfence.sel $0xFFFF  }
0xbf: {  	[dreg:$0x0] =	wrdreg $0xFFFFFFFF;
	(pc) =	sbr.abs _section_cstart, $3  }
0xc0: {  	[dreg:$0x1] =	wrdreg $0xFFFFFFFF  }
0xc1: {  	_ =	task.clear_ibuf [dreg:s7], $0x2FFFF;
	_ =	strace $0x9FFFFFFF  }
0xc2: {  	(tm) =	ssettm $0x7FFFFFFF  }
0xc3: {  	_ =	shalt  }
tec
execute0_lowered:
.L_overlay_start_1:
0x0: {  	(tag) =	ssettag $0x1  }
0x1: {  	v2 =	vlaneseq.u32  }
0x2: {  	s0 =	rddreg [dreg:$0x0];
	s3 =	simm.s32 $0x0;
	v0 =	vmul.u32 $0x2, v2  }
0x3: {  	[smem:$0x7FF] =	sst s3  }
0x4: {  	s2 =	rddreg [dreg:$0x1];
	_ =	strace $0x80000047;
	v1 =	vor.u32 $0x20, v0;
	[tilespmem:$0x1FFC0] =	vst v0  }
0x5: {  	v50 =	vor.u32 $0x40, v0;
	[tilespmem:$0x1FED0] =	vst v1  }
0x6: {  	v51 =	vor.u32 $0x60, v0;
	[tilespmem:$0x1FEE0] =	vst v50  }
0x7: {  	v52 =	vor.u32 $0x80, v0;
	[tilespmem:$0x1FEF0] =	vst v51  }
0x8: {  	v53 =	vor.u32 $0xA0, v0;
	[tilespmem:$0x1FF00] =	vst v52  }
0x9: {  	v54 =	vor.u32 $0xC0, v0;
	[tilespmem:$0x1FF10] =	vst v53  }
0xa: {  	s6 =	stileid.u32;
	s1 =	srdreg.scid;
	v55 =	vor.u32 $0xE0, v0;
	[tilespmem:$0x1FF20] =	vst v54  }
0xb: {  	s9 =	simm.s32 $0x80;
	s10 =	simm.s32 $0x400;
	s24 =	simm.s32 $0x1;
	v56 =	vor.u32 $0x100, v0;
	[tilespmem:$0x1FF30] =	vst v55  }
0xc: {  	s25 =	simm.s32 $0x40;
	s12 =	simm.s32 $0x2;
	s13 =	simm.s32 $0xC500;
	v57 =	vor.u32 $0x120, v0;
	[tilespmem:$0x1FF40] =	vst v56  }
0xd: {  	s14 =	simm.s32 $0x3;
	s15 =	simm.s32 $0x4;
	s16 =	simm.s32 $0x5;
	v58 =	vor.u32 $0x140, v0;
	[tilespmem:$0x1FF50] =	vst v57  }
0xe: {  	s17 =	simm.s32 $0x0;
	s4 =	sshll.u32 s6, $0x1;
	s1 =	sand.u32 $0x1, s1;
	v59 =	vor.u32 $0x160, v0;
	[tilespmem:$0x1FF60] =	vst v58  }
0xf: {  	s6 =	sshrl.u32 s6, $0x2;
	s5 =	sand.u32 $0x6, s4;
	s4 =	sadd.s32 $0x100800, s0;
	v60 =	vor.u32 $0x180, v0;
	[tilespmem:$0x1FF70] =	vst v59  }
0x10: {  	s7 =	sshll.u32 s6, $0xD;
	s8 =	sshll.u32 s6, $0x13;
	s5 =	sor.u32 s1, s5;
	v61 =	vor.u32 $0x1A0, v0;
	[tilespmem:$0x1FF80] =	vst v60  }
0x11: {  	s11 =	sshll.u32 s6, $0xE;
	s1 =	ssub.s32 $0x2, s1;
	v62 =	vor.u32 $0x1C0, v0;
	s5 =	sshll.u32 s5, $0xA;
	[tilespmem:$0x1FF90] =	vst v61  }
0x12: {  	v19 =	vmul.u32 $0x408, v2;
	v18 =	vmov s11;
	s11 =	simm.s32 $0xB500;
	v63 =	vor.u32 $0x1E0, v0;
	[tilespmem:$0x1FFA0] =	vst v62;
	s7 =	sor.u32 s7, s5;
	s5 =	sor.u32 s8, s5  }
0x13: {  	s31 =	sshrl.u32 s1, $0x1;
	[tilespmem:$0x1FFB0] =	vst v63;
	s7 =	sshrl.u32 s7, $0x3;
	s5 =	sshrl.u32 s5, $0x3  }
0x14: {  	v17 =	vadd.s32 $0xC180, v19;
	[tilespmem:$0x1FFD0] =	vst v18;
	s1 =	ssub.s32 s1, s31;
	s7 =	sadd.s32 s7, s0;
	s0 =	sadd.s32 s5, s0  }
0x15: {  	v15 =	vadd.s32 $0x8100, v19;
	[tilespmem:$0x1FFE0] =	vst v17;
	s8 =	simm.s32 $0x6;
	s5 =	sadd.s32 $0x800, s7;
	s6 =	sadd.s32 $0x1800, s0  }
0x16: {  	v20 =	vor.u32 $0x1, v0;
	v21 =	vadd.s32 $0x4080, v19;
	[tilespmem:$0x1FFF0] =	vst v15;
	s7 =	smax.u32 s1, $0x1;
	s0 =	simm.s32 $0xA500;
	s1 =	simm.s32 $0x84C0  }
.LBB2_1:
0x17: {  	[tilespmem:s3], [sflag:$0x6] =	stream.linear.gather [hbm4b:s5+s3], $0x400, $0x38;
	[tilespmem:$0x1C700] =	vst v63  }
0x18: {  	_ =	swait.ge [sflag:s8], $0x400  }
0x19: {  	[sflag:s8] =	ssyncset.done $0x0  }
0x1a: {  	[sflag:s8] =	ssyncadd.s32 $0xFFFFFC00  }
0x1b: {  	[tilespmem:s10], [sflag:$0x1] =	stream.indirect.gather [hbm4b:s2+s9], $0x20, s3, s9, $0xb8;
	[tilespmem:$0x1C700] =	vst v63  }
0x1c: {  	s18 =	simm.s32 $0x1400  }
0x1d: {  	[tilespmem:s18], [sflag:$0x1] =	stream.indirect.gather [hbm4b:s2+s9], $0x20, s9, s9, $0xb8;
	[tilespmem:$0x1C700] =	vst v63  }
0x1e: {  	s22 =	simm.s32 $0x100;
	s19 =	simm.s32 $0x2400  }
0x1f: {  	[tilespmem:s19], [sflag:$0x1] =	stream.indirect.gather [hbm4b:s2+s9], $0x20, s22, s9, $0xb8;
	[tilespmem:$0x1C700] =	vst v63  }
0x20: {  	s23 =	simm.s32 $0x180;
	s26 =	simm.s32 $0x3400  }
0x21: {  	[tilespmem:s26], [sflag:$0x1] =	stream.indirect.gather [hbm4b:s2+s9], $0x20, s23, s9, $0xb8;
	[tilespmem:$0x1C700] =	vst v63  }
0x22: {  	s28 =	simm.s32 $0x200;
	s29 =	simm.s32 $0x4400  }
0x23: {  	[tilespmem:s29], [sflag:$0x1] =	stream.indirect.gather [hbm4b:s2+s9], $0x20, s28, s9, $0xb8;
	[tilespmem:$0x1C700] =	vst v63  }
0x24: {  	s30 =	simm.s32 $0x280;
	s31 =	simm.s32 $0x5400  }
0x25: {  	[tilespmem:s31], [sflag:$0x1] =	stream.indirect.gather [hbm4b:s2+s9], $0x20, s30, s9, $0xb8;
	[tilespmem:$0x1C700] =	vst v63  }
0x26: {  	s20 =	simm.s32 $0x300;
	s21 =	simm.s32 $0x6400  }
0x27: {  	[tilespmem:s21], [sflag:$0x1] =	stream.indirect.gather [hbm4b:s2+s9], $0x20, s20, s9, $0xb8;
	[tilespmem:$0x1C700] =	vst v63  }
0x28: {  	s22 =	simm.s32 $0x380;
	s23 =	simm.s32 $0x7400  }
0x29: {  	[tilespmem:s23], [sflag:$0x1] =	stream.indirect.gather [hbm4b:s2+s9], $0x20, s22, s9, $0xb8;
	[tilespmem:$0x1C700] =	vst v63  }
0x2a: {  	_ =	swait.ge [sflag:s24], $0x1000  }
0x2b: {  	[sflag:s24] =	ssyncset.done $0x0  }
0x2c: {  	[sflag:s24] =	ssyncadd.s32 $0xFFFFF000  }
0x2d: {  	_ =	swait.ge [sflag:s24], $0x1000  }
0x2e: {  	[sflag:s24] =	ssyncset.done $0x0  }
0x2f: {  	[sflag:s24] =	ssyncadd.s32 $0xFFFFF000  }
0x30: {  	_ =	swait.ge [sflag:s24], $0x1000  }
0x31: {  	[sflag:s24] =	ssyncset.done $0x0  }
0x32: {  	[sflag:s24] =	ssyncadd.s32 $0xFFFFF000  }
0x33: {  	_ =	swait.ge [sflag:s24], $0x1000  }
0x34: {  	[sflag:s24] =	ssyncset.done $0x0  }
0x35: {  	[sflag:s24] =	ssyncadd.s32 $0xFFFFF000  }
0x36: {  	_ =	swait.ge [sflag:s24], $0x1000  }
0x37: {  	[sflag:s24] =	ssyncset.done $0x0  }
0x38: {  	[sflag:s24] =	ssyncadd.s32 $0xFFFFF000  }
0x39: {  	_ =	swait.ge [sflag:s24], $0x1000  }
0x3a: {  	[sflag:s24] =	ssyncset.done $0x0  }
0x3b: {  	[sflag:s24] =	ssyncadd.s32 $0xFFFFF000  }
0x3c: {  	_ =	swait.ge [sflag:s24], $0x1000  }
0x3d: {  	[sflag:s24] =	ssyncset.done $0x0  }
0x3e: {  	[sflag:s24] =	ssyncadd.s32 $0xFFFFF000  }
0x3f: {  	_ =	swait.ge [sflag:s24], $0x1000  }
0x40: {  	v0 =	vld [tilespmem:$0x1FFC0];
	_ =	sdelay $0x5  }
0x41: {  	[sflag:s24] =	ssyncset.done $0x0  }
0x42: {  	[sflag:s24] =	ssyncadd.s32 $0xFFFFF000  }
0x43: {  	v2 =	vld.idx.msk [tilespmem:v0+s10+$0x0], $0xffff;
	_ =	sdelay $0x1  }
0x44: {  	v49 =	vld [tilespmem:$0x1FED0];
	_ =	sdelay $0x2  }
0x45: {  	v2 =	vtrunc.f32 v2  }
0x46: {  	v2 =	vcvt.f32.s32 v2;
	_ =	sdelay $0x1  }
0x47: {  	v2 =	vadd.s32 v2, v18  }
0x48: {  	[tilespmem:$0x8400] =	vst v2  }
0x49: {  	v2 =	vld.idx.msk [tilespmem:v49+s10+$0x0], $0xffff;
	_ =	sdelay $0x1  }
0x4a: {  	v50 =	vld [tilespmem:$0x1FEE0];
	_ =	sdelay $0x2  }
0x4b: {  	v2 =	vtrunc.f32 v2  }
0x4c: {  	v2 =	vcvt.f32.s32 v2;
	_ =	sdelay $0x1  }
0x4d: {  	v2 =	vadd.s32 v2, v18  }
0x4e: {  	[tilespmem:$0x8410] =	vst v2  }
0x4f: {  	v2 =	vld.idx.msk [tilespmem:v50+s10+$0x0], $0xffff;
	_ =	sdelay $0x1  }
0x50: {  	v51 =	vld [tilespmem:$0x1FEF0];
	_ =	sdelay $0x2  }
0x51: {  	v2 =	vtrunc.f32 v2  }
0x52: {  	v2 =	vcvt.f32.s32 v2;
	_ =	sdelay $0x1  }
0x53: {  	v2 =	vadd.s32 v2, v18  }
0x54: {  	[tilespmem:$0x8420] =	vst v2  }
0x55: {  	v2 =	vld.idx.msk [tilespmem:v51+s10+$0x0], $0xffff;
	_ =	sdelay $0x2  }
0x56: {  	v52 =	vld [tilespmem:$0x1FF00];
	_ =	sdelay $0x1  }
0x57: {  	v2 =	vtrunc.f32 v2  }
0x58: {  	v2 =	vcvt.f32.s32 v2;
	_ =	sdelay $0x1  }
0x59: {  	v2 =	vadd.s32 v2, v18  }
0x5a: {  	s26 =	simm.s32 $0x8400;
	s28 =	simm.s32 $0x8500;
	[tilespmem:$0x8430] =	vst v2  }
0x5b: {  	[tilespmem:s28], [sflag:$0x2] =	stream.indirect.gather [hbm4b:s4+s25], $0x40, s26, s25, $0xb8;
	[tilespmem:$0x1C700] =	vst v63  }
0x5c: {  	v2 =	vld.idx.msk [tilespmem:v52+s10+$0x0], $0xffff;
	_ =	sdelay $0x1  }
0x5d: {  	v53 =	vld [tilespmem:$0x1FF10];
	_ =	sdelay $0x2  }
0x5e: {  	v2 =	vtrunc.f32 v2  }
0x5f: {  	v2 =	vcvt.f32.s32 v2;
	_ =	sdelay $0x1  }
0x60: {  	v2 =	vadd.s32 v2, v18  }
0x61: {  	[tilespmem:$0x8440] =	vst v2  }
0x62: {  	v2 =	vld.idx.msk [tilespmem:v53+s10+$0x0], $0xffff;
	_ =	sdelay $0x1  }
0x63: {  	v54 =	vld [tilespmem:$0x1FF20];
	_ =	sdelay $0x2  }
0x64: {  	v2 =	vtrunc.f32 v2  }
0x65: {  	v2 =	vcvt.f32.s32 v2;
	_ =	sdelay $0x1  }
0x66: {  	v2 =	vadd.s32 v2, v18  }
0x67: {  	[tilespmem:$0x8450] =	vst v2  }
0x68: {  	v2 =	vld.idx.msk [tilespmem:v54+s10+$0x0], $0xffff;
	_ =	sdelay $0x1  }
0x69: {  	v55 =	vld [tilespmem:$0x1FF30];
	_ =	sdelay $0x2  }
0x6a: {  	v2 =	vtrunc.f32 v2  }
0x6b: {  	v2 =	vcvt.f32.s32 v2;
	_ =	sdelay $0x1  }
0x6c: {  	v2 =	vadd.s32 v2, v18  }
0x6d: {  	[tilespmem:$0x8460] =	vst v2  }
0x6e: {  	v2 =	vld.idx.msk [tilespmem:v55+s10+$0x0], $0xffff;
	_ =	sdelay $0x2  }
0x6f: {  	v56 =	vld [tilespmem:$0x1FF40];
	_ =	sdelay $0x1  }
0x70: {  	v2 =	vtrunc.f32 v2  }
0x71: {  	v2 =	vcvt.f32.s32 v2;
	_ =	sdelay $0x1  }
0x72: {  	v2 =	vadd.s32 v2, v18  }
0x73: {  	s29 =	simm.s32 $0x8440;
	s30 =	simm.s32 $0x9500;
	[tilespmem:$0x8470] =	vst v2  }
0x74: {  	[tilespmem:s30], [sflag:$0x3] =	stream.indirect.gather [hbm4b:s4+s25], $0x40, s29, s25, $0xb8;
	[tilespmem:$0x1C700] =	vst v63  }
0x75: {  	v2 =	vld.idx.msk [tilespmem:v56+s10+$0x0], $0xffff;
	_ =	sdelay $0x1  }
0x76: {  	v57 =	vld [tilespmem:$0x1FF50];
	_ =	sdelay $0x2  }
0x77: {  	v2 =	vtrunc.f32 v2  }
0x78: {  	v2 =	vcvt.f32.s32 v2;
	_ =	sdelay $0x1  }
0x79: {  	v2 =	vadd.s32 v2, v18  }
0x7a: {  	[tilespmem:$0x8480] =	vst v2  }
0x7b: {  	v2 =	vld.idx.msk [tilespmem:v57+s10+$0x0], $0xffff;
	_ =	sdelay $0x1  }
0x7c: {  	v58 =	vld [tilespmem:$0x1FF60];
	_ =	sdelay $0x2  }
0x7d: {  	v2 =	vtrunc.f32 v2  }
0x7e: {  	v2 =	vcvt.f32.s32 v2;
	_ =	sdelay $0x1  }
0x7f: {  	v2 =	vadd.s32 v2, v18  }
0x80: {  	[tilespmem:$0x8490] =	vst v2  }
0x81: {  	v2 =	vld.idx.msk [tilespmem:v58+s10+$0x0], $0xffff;
	_ =	sdelay $0x1  }
0x82: {  	v59 =	vld [tilespmem:$0x1FF70];
	_ =	sdelay $0x2  }
0x83: {  	v2 =	vtrunc.f32 v2  }
0x84: {  	v2 =	vcvt.f32.s32 v2;
	_ =	sdelay $0x1  }
0x85: {  	v2 =	vadd.s32 v2, v18  }
0x86: {  	[tilespmem:$0x84A0] =	vst v2  }
0x87: {  	v2 =	vld.idx.msk [tilespmem:v59+s10+$0x0], $0xffff;
	_ =	sdelay $0x2  }
0x88: {  	v60 =	vld [tilespmem:$0x1FF80];
	_ =	sdelay $0x1  }
0x89: {  	v2 =	vtrunc.f32 v2  }
0x8a: {  	v2 =	vcvt.f32.s32 v2;
	_ =	sdelay $0x1  }
0x8b: {  	v2 =	vadd.s32 v2, v18  }
0x8c: {  	s31 =	simm.s32 $0x8480;
	[tilespmem:$0x84B0] =	vst v2  }
0x8d: {  	[tilespmem:s0], [sflag:$0x4] =	stream.indirect.gather [hbm4b:s4+s25], $0x40, s31, s25, $0xb8;
	[tilespmem:$0x1C700] =	vst v63  }
0x8e: {  	v2 =	vld.idx.msk [tilespmem:v60+s10+$0x0], $0xffff;
	_ =	sdelay $0x1  }
0x8f: {  	v61 =	vld [tilespmem:$0x1FF90];
	_ =	sdelay $0x2  }
0x90: {  	v2 =	vtrunc.f32 v2  }
0x91: {  	v2 =	vcvt.f32.s32 v2;
	_ =	sdelay $0x1  }
0x92: {  	v2 =	vadd.s32 v2, v18  }
0x93: {  	[tilespmem:$0x84C0] =	vst v2  }
0x94: {  	v2 =	vld.idx.msk [tilespmem:v61+s10+$0x0], $0xffff;
	_ =	sdelay $0x1  }
0x95: {  	v62 =	vld [tilespmem:$0x1FFA0];
	_ =	sdelay $0x2  }
0x96: {  	v2 =	vtrunc.f32 v2  }
0x97: {  	v2 =	vcvt.f32.s32 v2;
	_ =	sdelay $0x1  }
0x98: {  	v2 =	vadd.s32 v2, v18  }
0x99: {  	[tilespmem:$0x84D0] =	vst v2  }
0x9a: {  	v2 =	vld.idx.msk [tilespmem:v62+s10+$0x0], $0xffff;
	_ =	sdelay $0x1  }
0x9b: {  	v63 =	vld [tilespmem:$0x1FFB0];
	_ =	sdelay $0x2  }
0x9c: {  	v2 =	vtrunc.f32 v2  }
0x9d: {  	v2 =	vcvt.f32.s32 v2;
	_ =	sdelay $0x1  }
0x9e: {  	v2 =	vadd.s32 v2, v18  }
0x9f: {  	[tilespmem:$0x84E0] =	vst v2  }
0xa0: {  	v2 =	vld.idx.msk [tilespmem:v63+s10+$0x0], $0xffff;
	_ =	sdelay $0x4  }
0xa1: {  	v2 =	vtrunc.f32 v2  }
0xa2: {  	v2 =	vcvt.f32.s32 v2;
	_ =	sdelay $0x1  }
0xa3: {  	s18 =	simm.s32 $0x8;
	s19 =	simm.s32 $0xC;
	v2 =	vadd.s32 v2, v18  }
0xa4: {  	s20 =	simm.s32 $0x4;
	s21 =	simm.s32 $0x0;
	s22 =	simm.s32 $0x0;
	[tilespmem:$0x84F0] =	vst v2  }
0xa5: {  	[tilespmem:s11], [sflag:$0x5] =	stream.indirect.gather [hbm4b:s4+s25], $0x40, s1, s25, $0xb8;
	[tilespmem:$0x1C700] =	vst v63  }
.LBB2_2:
0xa6: {  	_ =	swait.ge [sflag:s12], $0x1000  }
0xa7: {  	[sflag:s12] =	ssyncset.done $0x0  }
0xa8: {  	s26 =	simm.s32 $0x8700;
	[sflag:s12] =	ssyncadd.s32 $0xFFFFF000  }
0xa9: {  	v2 =	vld [tilespmem:s26+$0xFFFFFFC0]  }
0xaa: {  	v3 =	vld [tilespmem:s26+$0xC0]  }
0xab: {  	v4 =	vld [tilespmem:s26+$0x80]  }
0xac: {  	v5 =	vld [tilespmem:s26+$0xFFFFFFF0]  }
0xad: {  	v6 =	vld [tilespmem:s26+$0xFFFFFFA0]  }
0xae: {  	v8 =	vld [tilespmem:s26+$0x20]  }
0xaf: {  	s23 =	sadd.s32 $0x0, s21;
	v9 =	vld [tilespmem:s26+$0xFFFFFF90]  }
0xb0: {  	v7 =	vmov s23;
	v43 =	vld [tilespmem:s26+$0xB0]  }
0xb1: {  	v22 =	vshll.u32 v7, $0x5;
	v26 =	vld [tilespmem:s26+$0xD0]  }
0xb2: {  	v22 =	vor.u32 v20, v22;
	v31 =	vld [tilespmem:s26+$0x10]  }
0xb3: {  	v32 =	vld [tilespmem:s26+$0xFFFFFFD0]  }
0xb4: {  	v34 =	vld [tilespmem:s26+$0x0]  }
0xb5: {  	v35 =	vld [tilespmem:s26+$0xFFFFFEB0]  }
0xb6: {  	v36 =	vld [tilespmem:s26+$0xFFFFFFE0]  }
0xb7: {  	v24 =	vld.idx.msk [tilespmem:v22+s10+$0x0], $0xffff  }
0xb8: {  	v27 =	vld [tilespmem:s26+$0xFFFFFE00]  }
0xb9: {  	v28 =	vld [tilespmem:s26+$0xFFFFFE10]  }
0xba: {  	v30 =	vld [tilespmem:s26+$0xFFFFFE80]  }
0xbb: {  	v45 =	vld [tilespmem:s26+$0xFFFFFF60]  }
0xbc: {  	v47 =	vld [tilespmem:s26+$0xFFFFFF40];
	v37 =	vbroadcast v24, $0x0;
	v23 =	vbroadcast v24, $0xE  }
0xbd: {  	v49 =	vld [tilespmem:s26+$0xFFFFFF70];
	v39 =	vbroadcast v24, $0x2;
	v25 =	vbroadcast v24, $0xB  }
0xbe: {  	v38 =	vld [tilespmem:s26+$0xFFFFFE90];
	v44 =	vbroadcast v24, $0x7;
	v46 =	vbroadcast v24, $0x1  }
0xbf: {  	v40 =	vld [tilespmem:s26+$0xFFFFFEE0];
	v10 =	vbroadcast v24, $0x3;
	v57 =	vbroadcast v24, $0x5  }
0xc0: {  	v22 =	vld [tilespmem:s26+$0xFFFFFE30];
	v48 =	vmul.f32 v27, v37;
	v27 =	vbroadcast v24, $0x9  }
0xc1: {  	v53 =	vld [tilespmem:s26+$0xFFFFFF50];
	v50 =	vmul.f32 v28, v37;
	v29 =	vmul.f32 v26, v25  }
0xc2: {  	v51 =	vld [tilespmem:s26+$0xFFFFFEF0];
	v26 =	vmul.f32 v30, v39;
	v30 =	vmul.f32 v3, v25  }
0xc3: {  	v62 =	vld [tilespmem:s26+$0xFFFFFED0];
	v33 =	vmul.f32 v2, v44;
	v2 =	vbroadcast v24, $0x8  }
0xc4: {  	v11 =	vld [tilespmem:s26+$0xFFFFFE70];
	v28 =	vmul.f32 v5, v44;
	v55 =	vmul.f32 v38, v39  }
0xc5: {  	v59 =	vld [tilespmem:s26+$0xA0];
	v38 =	vmul.f32 v32, v44;
	v56 =	vmul.f32 v22, v37  }
0xc6: {  	v60 =	vld [tilespmem:s26+$0xFFFFFF20];
	v58 =	vmul.f32 v40, v10;
	v42 =	vmul.f32 v35, v39  }
0xc7: {  	v3 =	vld [tilespmem:s26+$0xFFFFFEA0];
	v61 =	vmul.f32 v45, v57;
	v53 =	vmul.f32 v53, v57  }
0xc8: {  	v5 =	vld [tilespmem:s26+$0xFFFFFE60];
	v22 =	vand.u32 $0x3F3, v7;
	v40 =	vmul.f32 v34, v2;
	v34 =	vmul.f32 v49, v57  }
0xc9: {  	v7 =	vld [tilespmem:s26+$0xFFFFFE50];
	v63 =	vadd.f32 $0.0e+00, v48;
	v48 =	vmul.f32 v47, v57;
	v57 =	vbroadcast v24, $0xA  }
0xca: {  	v52 =	vmul.f32 v51, v10;
	v41 =	vmul.f32 v31, v2;
	v31 =	vld [tilespmem:s26+$0x30];
	v49 =	vadd.f32 $0.0e+00, v50  }
0xcb: {  	v32 =	vld [tilespmem:s26+$0xFFFFFE20];
	v54 =	vmul.f32 v62, v10;
	v47 =	vadd.f32 $0.0e+00, v56;
	v45 =	vmul.f32 v4, v57  }
0xcc: {  	v12 =	vld [tilespmem:s26+$0xFFFFFF00];
	v51 =	vadd.f32 v55, v49;
	v55 =	vbroadcast v24, $0x4;
	v3 =	vmul.f32 v3, v39  }
0xcd: {  	v13 =	vld [tilespmem:s26+$0xFFFFFF80];
	v50 =	vadd.f32 v26, v63;
	v5 =	vmul.f32 v5, v46;
	v39 =	vbroadcast v24, $0x6  }
0xce: {  	v63 =	vld [tilespmem:s26+$0xFFFFFF10];
	v26 =	vadd.s32 v21, v22;
	v43 =	vmul.f32 v43, v57;
	v4 =	vmul.f32 v7, v46  }
0xcf: {  	v49 =	vmul.f32 v6, v39;
	v35 =	vmul.f32 v31, v2;
	v5 =	vadd.f32 $0.0e+00, v5;
	v31 =	vld [tilespmem:s26+$0xFFFFFEC0]  }
0xd0: {  	v7 =	vld [tilespmem:s26+$0xFFFFFE40];
	v6 =	vmul.f32 v32, v37;
	v32 =	vmul.f32 v59, v57;
	v62 =	vadd.f32 $0.0e+00, v4  }
0xd1: {  	v56 =	vmul.f32 v9, v39;
	v59 =	vmul.f32 v60, v55;
	v60 =	vld [tilespmem:s26+$0x70];
	v58 =	vadd.f32 v58, v5  }
0xd2: {  	v37 =	vmul.f32 v8, v2;
	v8 =	vmul.f32 v11, v46;
	v6 =	vadd.f32 $0.0e+00, v6;
	v5 =	vld [tilespmem:s26+$0x90]  }
0xd3: {  	v4 =	vld [tilespmem:s26+$0x50];
	v9 =	vmul.f32 v12, v55;
	v58 =	vadd.f32 v61, v58;
	v61 =	vmul.f32 v13, v39  }
0xd4: {  	s29 =	simm.s32 $0x1;
	s28 =	simm.s32 $0x8700;
	s23 =	sshll.u32 s22, $0x4;
	v3 =	vadd.f32 v3, v6;
	v6 =	vld [tilespmem:s26+$0x100];
	v2 =	vmul.f32 v31, v10;
	v31 =	vadd.s32 v19, v22  }
.LBB2_3:
0xd5: {  	p0 =	sne.s32 s29, $0x3  }
0xd6: {  	v7 =	vmul.f32 v7, v46;
	v8 =	vadd.f32 $0.0e+00, v8;
	v10 =	vmul.f32 v63, v55;
	s26 =	sadd.s32 $0x400, s26;
	s30 =	smov.u32 s29;
	s29 =	sadd.s32 $0x1, s29  }
0xd7: {  	v11 =	vmul.f32 v36, v44;
	v9 =	vadd.f32 v9, v50;
	v5 =	vmul.f32 v5, v57;
	v12 =	vld [tilespmem:s28+$0x110]  }
0xd8: {  	v13 =	vadd.f32 v54, v62;
	v44 =	vbroadcast v24, $0xC;
	v7 =	vadd.f32 $0.0e+00, v7;
	v36 =	vld [tilespmem:s28+$0xFFFFFF30]  }
0xd9: {  	v8 =	vadd.f32 v52, v8;
	v10 =	vadd.f32 v10, v51;
	v46 =	vld [tilespmem:s28+$0x40];
	v4 =	vmul.f32 v4, v27  }
0xda: {  	v2 =	vadd.f32 v2, v7;
	v7 =	vadd.f32 v61, v9;
	v9 =	vld [tilespmem:s28+$0xF0];
	v6 =	vmul.f32 v6, v44  }
0xdb: {  	v3 =	vadd.f32 v59, v3;
	v13 =	vadd.f32 v53, v13;
	v50 =	vmul.f32 v60, v27;
	v51 =	vld [tilespmem:s28+$0x170]  }
0xdc: {  	v11 =	vadd.f32 v11, v58;
	v2 =	vadd.f32 v48, v2;
	v12 =	vmul.f32 v12, v44;
	v48 =	vld [tilespmem:s28+$0x120]  }
0xdd: {  	v42 =	vadd.f32 v42, v47;
	v10 =	vadd.f32 v56, v10;
	v36 =	vmul.f32 v36, v55;
	v47 =	vld [tilespmem:s28+$0x140]  }
0xde: {  	v52 =	vbroadcast v24, $0xD;
	v3 =	vadd.f32 v49, v3;
	v46 =	vmul.f32 v46, v27;
	v49 =	vld [tilespmem:s28+$0x60]  }
0xdf: {  	v13 =	vadd.f32 v38, v13;
	v10 =	vadd.f32 v41, v10;
	v53 =	vld [tilespmem:s28+$0xFFFFFFB0];
	v9 =	vmul.f32 v9, v25  }
0xe0: {  	v7 =	vadd.f32 v40, v7;
	v2 =	vadd.f32 v33, v2;
	v33 =	vmul.f32 v51, v52;
	v38 =	vld [tilespmem:s28+$0x1E0]  }
0xe1: {  	v4 =	vadd.f32 v4, v13;
	v5 =	vadd.f32 v5, v10;
	v10 =	vld [tilespmem:s28+$0xE0];
	v13 =	vmul.f32 v48, v44  }
0xe2: {  	v7 =	vadd.f32 v45, v7;
	v2 =	vadd.f32 v46, v2;
	v40 =	vmul.f32 v47, v52;
	v41 =	vld [tilespmem:s28+$0x1C0]  }
0xe3: {  	v4 =	vadd.f32 v29, v4;
	v5 =	vadd.f32 v12, v5;
	v27 =	vmul.f32 v49, v27;
	v12 =	vld [tilespmem:s28+$0x160]  }
0xe4: {  	v29 =	vadd.f32 v36, v42;
	v2 =	vadd.f32 v30, v2;
	v36 =	vmul.f32 v53, v39;
	v30 =	vld [tilespmem:s28+$0x150]  }
0xe5: {  	v24 =	vbroadcast v24, $0xF;
	v8 =	vadd.f32 v34, v8;
	v6 =	vadd.f32 v6, v7;
	v7 =	vld [tilespmem:s28+$0x130]  }
0xe6: {  	v11 =	vadd.f32 v27, v11;
	v29 =	vadd.f32 v36, v29;
	v10 =	vmul.f32 v10, v25;
	v25 =	vld [tilespmem:s28+$0x180]  }
0xe7: {  	v8 =	vadd.f32 v28, v8;
	v2 =	vadd.f32 v40, v2;
	v27 =	vld [tilespmem:s28+$0x190];
	v28 =	vmul.f32 v41, v24  }
0xe8: {  	v29 =	vadd.f32 v35, v29;
	v10 =	vadd.f32 v10, v11;
	v11 =	vmul.f32 v12, v52;
	v12 =	vld [tilespmem:s28+$0x1D0]  }
0xe9: {  	v8 =	vadd.f32 v50, v8;
	v30 =	vmul.f32 v30, v52;
	v34 =	vld [tilespmem:s28+$0x1B0];
	v2 =	vadd.f32 v28, v2  }
0xea: {  	v28 =	vadd.f32 v43, v29;
	v7 =	vmul.f32 v7, v44;
	v10 =	vadd.f32 v11, v10;
	v11 =	vld [tilespmem:s28+$0x1F0]  }
0xeb: {  	v3 =	vadd.f32 v37, v3;
	v8 =	vadd.f32 v9, v8;
	v9 =	vmul.f32 v25, v23;
	v25 =	vld [tilespmem:s28+$0x1A0];
	s28 =	smov.u32 s26  }
0xec: {  	v7 =	vadd.f32 v7, v28;
	v27 =	vmul.f32 v27, v23;
	v28 =	vmul.f32 v38, v24  }
0xed: {  	v3 =	vadd.f32 v32, v3;
	v4 =	vadd.f32 v30, v4;
	v12 =	vmul.f32 v12, v24  }
0xee: {  	v5 =	vadd.f32 v27, v5;
	v27 =	vmul.f32 v34, v23;
	v10 =	vadd.f32 v28, v10  }
0xef: {  	v6 =	vadd.f32 v9, v6;
	v4 =	vadd.f32 v12, v4;
	v9 =	vmul.f32 v11, v24  }
0xf0: {  	v3 =	vadd.f32 v13, v3;
	v8 =	vadd.f32 v33, v8;
	v11 =	vmul.f32 v25, v23  }
0xf1: {  	v7 =	vadd.f32 v27, v7;
	v4 =	vadd.f32 v4, v5;
	v5 =	vadd.s32 v15, v22  }
0xf2: {  	v8 =	vadd.f32 v9, v8;
	v9 =	vadd.s32 v17, v22;
	v3 =	vadd.f32 v11, v3  }
0xf3: {  	v2 =	vadd.f32 v2, v6  }
0xf4: {  	v6 =	vadd.f32 v8, v7;
	v3 =	vadd.f32 v10, v3  }
0xf5: {  	[tilespmem:v31+s13+$0x0] =	vst.idx.msk $0xffff, v2  }
0xf6: {  	[tilespmem:v26+s13+$0x0] =	vst.idx.msk $0xffff, v4  }
0xf7: {  	[tilespmem:v5+s13+$0x0] =	vst.idx.msk $0xffff, v3  }
0xf8: {  	[tilespmem:v9+s13+$0x0] =	vst.idx.msk $0xffff, v6  }
0xf9: {  	v2 =	vld [tilespmem:s26+$0xFFFFFFC0]  }
0xfa: {  	v3 =	vld [tilespmem:s26+$0xC0]  }
0xfb: {  	v4 =	vld [tilespmem:s26+$0x80]  }
0xfc: {  	v5 =	vld [tilespmem:s26+$0xFFFFFFF0]  }
0xfd: {  	v6 =	vld [tilespmem:s26+$0xFFFFFFA0]  }
0xfe: {  	s30 =	sadd.s32 s30, s21;
	v8 =	vld [tilespmem:s26+$0x20]  }
0xff: {  	v7 =	vmov s30;
	v9 =	vld [tilespmem:s26+$0xFFFFFF90]  }
0x100: {  	v10 =	vshll.u32 v7, $0x5;
	v22 =	vand.u32 $0x3F3, v7;
	v43 =	vld [tilespmem:s26+$0xB0]  }
0x101: {  	v7 =	vor.u32 v20, v10;
	v10 =	vld [tilespmem:s26+$0xD0]  }
0x102: {  	v11 =	vld [tilespmem:s26+$0x10]  }
0x103: {  	v12 =	vld [tilespmem:s26+$0xFFFFFFD0]  }
0x104: {  	v13 =	vld [tilespmem:s26+$0x0]  }
0x105: {  	v26 =	vld [tilespmem:s26+$0xFFFFFEB0]  }
0x106: {  	v24 =	vld.idx.msk [tilespmem:v7+s10+$0x0], $0xffff  }
0x107: {  	v36 =	vld [tilespmem:s26+$0xFFFFFFE0]  }
0x108: {  	v7 =	vld [tilespmem:s26+$0xFFFFFE30]  }
0x109: {  	v27 =	vld [tilespmem:s26+$0xFFFFFE00]  }
0x10a: {  	v28 =	vld [tilespmem:s26+$0xFFFFFE10]  }
0x10b: {  	v30 =	vld [tilespmem:s26+$0xFFFFFE80]  }
0x10c: {  	v31 =	vbroadcast v24, $0x0;
	v23 =	vbroadcast v24, $0xE;
	v32 =	vld [tilespmem:s26+$0xFFFFFF60]  }
0x10d: {  	v34 =	vbroadcast v24, $0x2;
	v25 =	vbroadcast v24, $0xB;
	v35 =	vld [tilespmem:s26+$0xFFFFFF40]  }
0x10e: {  	v33 =	vmul.f32 v27, v31;
	v37 =	vld [tilespmem:s26+$0xFFFFFF70];
	v27 =	vbroadcast v24, $0x9  }
0x10f: {  	v29 =	vmul.f32 v10, v25;
	v28 =	vmul.f32 v28, v31;
	v38 =	vld [tilespmem:s26+$0xFFFFFE90]  }
0x110: {  	v44 =	vbroadcast v24, $0x7;
	v10 =	vadd.f32 $0.0e+00, v33;
	v33 =	vmul.f32 v30, v34;
	v39 =	vld [tilespmem:s26+$0xFFFFFEE0]  }
0x111: {  	v46 =	vbroadcast v24, $0x1;
	v30 =	vmul.f32 v3, v25;
	v40 =	vadd.f32 $0.0e+00, v28;
	v45 =	vld [tilespmem:s26+$0xFFFFFF50]  }
0x112: {  	v50 =	vadd.f32 v33, v10;
	v3 =	vld [tilespmem:s26+$0xFFFFFEA0];
	v33 =	vmul.f32 v2, v44;
	v2 =	vbroadcast v24, $0x8  }
0x113: {  	v28 =	vmul.f32 v5, v44;
	v10 =	vbroadcast v24, $0x3;
	v48 =	vld [tilespmem:s26+$0xFFFFFEF0]  }
0x114: {  	v5 =	vld [tilespmem:s26+$0xFFFFFE60];
	v41 =	vmul.f32 v38, v34;
	v38 =	vmul.f32 v12, v44  }
0x115: {  	v7 =	vmul.f32 v7, v31;
	v12 =	vld [tilespmem:s26+$0xFFFFFE20];
	v55 =	vmul.f32 v39, v10  }
0x116: {  	v42 =	vmul.f32 v26, v34;
	v51 =	vadd.f32 v41, v40;
	v26 =	vld [tilespmem:s26+$0xFFFFFED0];
	v40 =	vmul.f32 v13, v2  }
0x117: {  	v47 =	vadd.f32 $0.0e+00, v7;
	v7 =	vbroadcast v24, $0x5;
	v41 =	vmul.f32 v11, v2;
	v11 =	vld [tilespmem:s26+$0x30]  }
0x118: {  	v3 =	vmul.f32 v3, v34;
	v13 =	vld [tilespmem:s26+$0xFFFFFE50];
	v52 =	vmul.f32 v48, v10  }
0x119: {  	v34 =	vmul.f32 v37, v7;
	v5 =	vmul.f32 v5, v46;
	v14 =	vld [tilespmem:s26+$0xFFFFFE70]  }
0x11a: {  	v39 =	vbroadcast v24, $0x6;
	v48 =	vmul.f32 v35, v7;
	v37 =	vld [tilespmem:s26+$0xA0]  }
0x11b: {  	v60 =	vmul.f32 v32, v7;
	v54 =	vmul.f32 v26, v10;
	v58 =	vld [tilespmem:s26+$0xFFFFFF20]  }
0x11c: {  	v57 =	vbroadcast v24, $0xA;
	v53 =	vmul.f32 v45, v7;
	v16 =	vld [tilespmem:s26+$0xFFFFFF00]  }
0x11d: {  	v49 =	vmul.f32 v6, v39;
	v35 =	vmul.f32 v11, v2;
	v61 =	vld [tilespmem:s26+$0xFFFFFF80]  }
0x11e: {  	v45 =	vmul.f32 v4, v57;
	v6 =	vmul.f32 v12, v31;
	v5 =	vadd.f32 $0.0e+00, v5;
	v11 =	vld [tilespmem:s26+$0xFFFFFEC0]  }
0x11f: {  	v26 =	vadd.s32 v21, v22;
	v4 =	vmul.f32 v13, v46;
	v63 =	vld [tilespmem:s26+$0xFFFFFF10];
	v32 =	vmul.f32 v37, v57  }
.Ltmp0:
0x120: {  	v6 =	vadd.f32 $0.0e+00, v6;
	v12 =	vadd.f32 v55, v5;
	v55 =	vbroadcast v24, $0x4;
	v7 =	vld [tilespmem:s26+$0xFFFFFE40];
	(pc) =	sbr.rel @p0 .LBB2_3-.Ltmp0, $4  }
0x121: {  	v56 =	vmul.f32 v9, v39;
	v62 =	vadd.f32 $0.0e+00, v4;
	v37 =	vmul.f32 v8, v2;
	v5 =	vld [tilespmem:s26+$0x90]  }
0x122: {  	v59 =	vmul.f32 v58, v55;
	v58 =	vadd.f32 v60, v12;
	v61 =	vmul.f32 v61, v39;
	v60 =	vld [tilespmem:s26+$0x70]  }
0x123: {  	v31 =	vadd.s32 v19, v22;
	v8 =	vmul.f32 v14, v46;
	v2 =	vmul.f32 v11, v10;
	v4 =	vld [tilespmem:s26+$0x50]  }
0x124: {  	v43 =	vmul.f32 v43, v57;
	v3 =	vadd.f32 v3, v6;
	v9 =	vmul.f32 v16, v55;
	v6 =	vld [tilespmem:s26+$0x100]  }
0x125: {  	v7 =	vmul.f32 v7, v46  }
0x126: {  	v8 =	vadd.f32 $0.0e+00, v8;
	v10 =	vmul.f32 v63, v55;
	v13 =	vadd.f32 v54, v62  }
0x127: {  	v11 =	vmul.f32 v36, v44;
	v42 =	vadd.f32 v42, v47;
	v9 =	vadd.f32 v9, v50  }
0x128: {  	v12 =	vld [tilespmem:s28+$0x110];
	v16 =	vbroadcast v24, $0xC;
	v3 =	vadd.f32 v59, v3;
	v7 =	vadd.f32 $0.0e+00, v7  }
0x129: {  	v14 =	vld [tilespmem:s28+$0xFFFFFF30];
	v5 =	vmul.f32 v5, v57;
	v8 =	vadd.f32 v52, v8;
	v10 =	vadd.f32 v10, v51  }
0x12a: {  	v54 =	vld [tilespmem:s28+$0x40];
	v13 =	vadd.f32 v53, v13;
	v44 =	vmul.f32 v60, v27;
	v11 =	vadd.f32 v11, v58  }
0x12b: {  	v62 =	vld [tilespmem:s28+$0x60];
	v60 =	vbroadcast v24, $0xD;
	v3 =	vadd.f32 v49, v3;
	v2 =	vadd.f32 v2, v7  }
0x12c: {  	v57 =	vld [tilespmem:s28+$0x170];
	v4 =	vmul.f32 v4, v27;
	v7 =	vadd.f32 v61, v9;
	v10 =	vadd.f32 v56, v10  }
0x12d: {  	v59 =	vld [tilespmem:s28+$0x140];
	v6 =	vmul.f32 v6, v16;
	v13 =	vadd.f32 v38, v13;
	v8 =	vadd.f32 v34, v8  }
0x12e: {  	v46 =	vld [tilespmem:s28+$0xE0];
	v12 =	vmul.f32 v12, v16;
	v14 =	vmul.f32 v14, v55;
	v3 =	vadd.f32 v37, v3  }
0x12f: {  	v58 =	vld [tilespmem:s28+$0x120];
	v36 =	vmul.f32 v54, v27;
	v2 =	vadd.f32 v48, v2;
	v10 =	vadd.f32 v41, v10  }
0x130: {  	v61 =	vld [tilespmem:s28+$0xFFFFFFB0];
	v27 =	vmul.f32 v62, v27;
	v7 =	vadd.f32 v40, v7;
	v4 =	vadd.f32 v4, v13  }
0x131: {  	v9 =	vld [tilespmem:s28+$0xF0];
	v63 =	vmul.f32 v57, v60;
	v8 =	vadd.f32 v28, v8;
	v53 =	vadd.f32 v14, v42  }
0x132: {  	v56 =	vld [tilespmem:s28+$0x180];
	v52 =	vmul.f32 v59, v60;
	v11 =	vadd.f32 v27, v11;
	v3 =	vadd.f32 v32, v3  }
0x133: {  	v55 =	vld [tilespmem:s28+$0x150];
	v13 =	vmul.f32 v46, v25;
	v2 =	vadd.f32 v33, v2;
	v5 =	vadd.f32 v5, v10  }
0x134: {  	v10 =	vmul.f32 v58, v16;
	v7 =	vadd.f32 v45, v7;
	v4 =	vadd.f32 v29, v4;
	v29 =	vld [tilespmem:s28+$0x160]  }
0x135: {  	v51 =	vld [tilespmem:s28+$0x1C0];
	v8 =	vadd.f32 v44, v8;
	v54 =	vmul.f32 v61, v39;
	v11 =	vadd.f32 v13, v11  }
0x136: {  	v28 =	vld [tilespmem:s28+$0x1D0];
	v9 =	vmul.f32 v9, v25;
	v2 =	vadd.f32 v36, v2;
	v5 =	vadd.f32 v12, v5  }
0x137: {  	v6 =	vadd.f32 v6, v7;
	v7 =	vbroadcast v24, $0xF;
	v24 =	vld [tilespmem:s28+$0x190];
	v12 =	vadd.f32 v54, v53  }
0x138: {  	v8 =	vadd.f32 v9, v8;
	v9 =	vmul.f32 v56, v23;
	v2 =	vadd.f32 v30, v2;
	v30 =	vld [tilespmem:s28+$0x130]  }
0x139: {  	p0 =	seq.s32 s22, $0x3F;
	v61 =	vadd.s32 v15, v22;
	v57 =	vmul.f32 v29, v60;
	v29 =	vmul.f32 v55, v60;
	v60 =	vld [tilespmem:s28+$0x1A0]  }
0x13a: {  	v25 =	vld [tilespmem:s28+$0x1E0];
	v3 =	vadd.f32 v10, v3;
	v10 =	vlaneseq.u32 @!p0;
	v12 =	vadd.f32 v35, v12  }
0x13b: {  	v58 =	vld [tilespmem:s28+$0x1B0];
	v10 =	vmul.u32 @!p0 $0x2, v10;
	v6 =	vadd.f32 v9, v6;
	v8 =	vadd.f32 v63, v8  }
0x13c: {  	v59 =	vld [tilespmem:s28+$0x1F0];
	v27 =	vmul.f32 v51, v7;
	v2 =	vadd.f32 v52, v2;
	v12 =	vadd.f32 v43, v12  }
0x13d: {  	v11 =	vadd.f32 v57, v11;
	v24 =	vmul.f32 v24, v23;
	v16 =	vmul.f32 v30, v16  }
0x13e: {  	v4 =	vadd.f32 v29, v4;
	v2 =	vadd.f32 v27, v2;
	v9 =	vmul.f32 v60, v23  }
0x13f: {  	v12 =	vadd.f32 v16, v12;
	v16 =	vmul.f32 v25, v7;
	v25 =	vmul.f32 v28, v7  }
0x140: {  	v5 =	vadd.f32 v24, v5;
	v24 =	vmul.f32 v58, v23;
	v2 =	vadd.f32 v2, v6  }
0x141: {  	s26 =	sshll.u32 @!p0 s23, $0x5;
	v7 =	vmul.f32 v59, v7;
	v3 =	vadd.f32 v9, v3;
	v4 =	vadd.f32 v25, v4  }
0x142: {  	s28 =	sadd.s32 @!p0 $0x200, s26;
	v9 =	vadd.s32 v17, v22;
	v11 =	vadd.f32 v16, v11;
	v12 =	vadd.f32 v24, v12  }
0x143: {  	v6 =	vor.u32 @!p0 s28, v10;
	v4 =	vadd.f32 v4, v5;
	v5 =	vadd.f32 v7, v8  }
0x144: {  	[tilespmem:v31+s13+$0x0] =	vst.idx.msk $0xffff, v2;
	v3 =	vadd.f32 v11, v3  }
0x145: {  	v2 =	vadd.f32 v5, v12;
	[tilespmem:v26+s13+$0x0] =	vst.idx.msk $0xffff, v4  }
0x146: {  	[tilespmem:v61+s13+$0x0] =	vst.idx.msk $0xffff, v3  }
0x147: {  	s28 =	simm.s32 @!p0 $0x400;
	[tilespmem:v9+s13+$0x0] =	vst.idx.msk $0xffff, v2  }
0x148: {  	v2 =	vld.idx.msk @!p0 [tilespmem:v6+s28+$0x0], $0xffff;
	_ =	sdelay $0x3  }
0x149: {  	s29 =	sadd.s32 @!p0 $0x220, s26  }
0x14a: {  	v3 =	vor.u32 @!p0 s29, v10;
	v2 =	vtrunc.f32 @!p0 v2  }
0x14b: {  	v2 =	vcvt.f32.s32 @!p0 v2;
	_ =	sdelay $0x1  }
0x14c: {  	v2 =	vadd.s32 @!p0 v2, v18  }
0x14d: {  	[tilespmem:$0x8400] =	vst @!p0 v2  }
0x14e: {  	v2 =	vld.idx.msk @!p0 [tilespmem:v3+s28+$0x0], $0xffff;
	_ =	sdelay $0x3  }
0x14f: {  	s29 =	sadd.s32 @!p0 $0x240, s26  }
0x150: {  	v3 =	vor.u32 @!p0 s29, v10;
	v2 =	vtrunc.f32 @!p0 v2  }
0x151: {  	v2 =	vcvt.f32.s32 @!p0 v2;
	_ =	sdelay $0x1  }
0x152: {  	v2 =	vadd.s32 @!p0 v2, v18  }
0x153: {  	[tilespmem:$0x8410] =	vst @!p0 v2  }
0x154: {  	v2 =	vld.idx.msk @!p0 [tilespmem:v3+s28+$0x0], $0xffff;
	_ =	sdelay $0x3  }
0x155: {  	s29 =	sadd.s32 @!p0 $0x260, s26  }
0x156: {  	v3 =	vor.u32 @!p0 s29, v10;
	v2 =	vtrunc.f32 @!p0 v2  }
0x157: {  	v2 =	vcvt.f32.s32 @!p0 v2;
	_ =	sdelay $0x1  }
0x158: {  	v2 =	vadd.s32 @!p0 v2, v18  }
0x159: {  	[tilespmem:$0x8420] =	vst @!p0 v2  }
0x15a: {  	v2 =	vld.idx.msk @!p0 [tilespmem:v3+s28+$0x0], $0xffff;
	_ =	sdelay $0x4  }
0x15b: {  	v2 =	vtrunc.f32 @!p0 v2  }
0x15c: {  	v2 =	vcvt.f32.s32 @!p0 v2;
	_ =	sdelay $0x1  }
0x15d: {  	v2 =	vadd.s32 @!p0 v2, v18  }
0x15e: {  	s30 =	simm.s32 @!p0 $0x8500;
	s29 =	simm.s32 @!p0 $0x8400;
	s28 =	simm.s32 @!p0 $0x40;
	[tilespmem:$0x8430] =	vst @!p0 v2  }
0x15f: {  	[tilespmem:s30], [sflag:$0x2] =	stream.indirect.gather @!p0 [hbm4b:s4+s28], $0x40, s29, s28, $0xb8;
	[tilespmem:$0x1C700] =	vst v63  }
0x160: {  	_ =	swait.ge [sflag:s14], $0x1000  }
0x161: {  	[sflag:s14] =	ssyncset.done $0x0  }
0x162: {  	s28 =	simm.s32 $0x98F0;
	[sflag:s14] =	ssyncadd.s32 $0xFFFFF000  }
0x163: {  	v2 =	vld [tilespmem:s28+$0xFFFFFDD0]  }
0x164: {  	v3 =	vld [tilespmem:s28+$0xFFFFFED0]  }
0x165: {  	v4 =	vld [tilespmem:s28+$0xFFFFFE90]  }
0x166: {  	v5 =	vld [tilespmem:s28+$0xFFFFFE00]  }
0x167: {  	v6 =	vld [tilespmem:s28+$0xFFFFFDB0]  }
0x168: {  	s29 =	sadd.s32 $0x0, s20;
	v8 =	vld [tilespmem:s28+$0xFFFFFE30]  }
0x169: {  	v7 =	vmov s29;
	v56 =	vld [tilespmem:s28+$0xFFFFFDA0]  }
0x16a: {  	v10 =	vshll.u32 v7, $0x5;
	v11 =	vld [tilespmem:s28+$0xFFFFFEC0]  }
0x16b: {  	v10 =	vor.u32 v20, v10;
	v62 =	vld [tilespmem:s28+$0xFFFFFEE0]  }
0x16c: {  	v63 =	vld [tilespmem:s28+$0xFFFFFE20]  }
0x16d: {  	v54 =	vld [tilespmem:s28+$0xFFFFFDE0]  }
0x16e: {  	v16 =	vld [tilespmem:s28+$0xFFFFFE10]  }
0x16f: {  	v22 =	vld [tilespmem:s28+$0xFFFFFCC0]  }
0x170: {  	v24 =	vld.idx.msk [tilespmem:v10+s10+$0x0], $0xffff  }
0x171: {  	v36 =	vld [tilespmem:s28+$0xFFFFFDF0]  }
0x172: {  	v26 =	vld [tilespmem:s28+$0xFFFFFC10]  }
0x173: {  	v28 =	vld [tilespmem:s28+$0xFFFFFC20]  }
0x174: {  	v30 =	vld [tilespmem:s28+$0xFFFFFC90]  }
0x175: {  	v32 =	vld [tilespmem:s28+$0xFFFFFD70];
	v31 =	vbroadcast v24, $0x0  }
0x176: {  	v35 =	vld [tilespmem:s28+$0xFFFFFD50];
	v23 =	vbroadcast v24, $0xE;
	v34 =	vbroadcast v24, $0x2  }
0x177: {  	v37 =	vld [tilespmem:s28+$0xFFFFFD80];
	v25 =	vbroadcast v24, $0xB;
	v27 =	vbroadcast v24, $0x9  }
0x178: {  	v55 =	vld [tilespmem:s28+$0xFFFFFCA0];
	v44 =	vbroadcast v24, $0x7;
	v46 =	vbroadcast v24, $0x1  }
0x179: {  	v10 =	vld [tilespmem:s28+$0xFFFFFC40];
	v17 =	vbroadcast v24, $0x3;
	v26 =	vmul.f32 v26, v31  }
0x17a: {  	v57 =	vld [tilespmem:s28+$0xFFFFFCF0];
	v39 =	vmul.f32 v28, v31;
	v29 =	vmul.f32 v62, v25  }
0x17b: {  	v59 =	vld [tilespmem:s28+$0xFFFFFD00];
	v12 =	vmul.f32 v30, v34;
	v30 =	vmul.f32 v3, v25  }
0x17c: {  	v58 =	vld [tilespmem:s28+$0xFFFFFD60];
	v33 =	vmul.f32 v2, v44;
	v2 =	vbroadcast v24, $0x8  }
0x17d: {  	v61 =	vld [tilespmem:s28+$0xFFFFFC30];
	v28 =	vmul.f32 v5, v44;
	v60 =	vmul.f32 v55, v34  }
0x17e: {  	v3 =	vld [tilespmem:s28+$0xFFFFFCB0];
	v38 =	vmul.f32 v54, v44;
	v10 =	vmul.f32 v10, v31  }
0x17f: {  	v5 =	vld [tilespmem:s28+$0xFFFFFC70];
	v55 =	vmul.f32 v57, v17;
	v42 =	vmul.f32 v22, v34  }
0x180: {  	v62 =	vld [tilespmem:s28+$0xFFFFFCE0];
	v52 =	vmul.f32 v59, v17;
	v57 =	vbroadcast v24, $0xA  }
0x181: {  	v22 =	vand.u32 $0x3F7, v7;
	v7 =	vld [tilespmem:s28+$0xFFFFFC60];
	v40 =	vmul.f32 v16, v2;
	v16 =	vbroadcast v24, $0x5  }
0x182: {  	v1 =	vld [tilespmem:s28+$0xFFFFFC80];
	v41 =	vmul.f32 v63, v2;
	v45 =	vmul.f32 v4, v57  }
0x183: {  	v63 =	vld [tilespmem:s28+$0xFFFFFE40];
	v47 =	vadd.f32 $0.0e+00, v10;
	v48 =	vmul.f32 v35, v16;
	v53 =	vmul.f32 v58, v16  }
0x184: {  	v9 =	vld [tilespmem:s28+$0xFFFFFD10];
	v0 =	vmul.f32 v3, v34;
	v3 =	vadd.f32 $0.0e+00, v26;
	v5 =	vmul.f32 v5, v46  }
0x185: {  	v10 =	vld [tilespmem:s28+$0xFFFFFD90];
	v34 =	vmul.f32 v37, v16;
	v26 =	vadd.f32 $0.0e+00, v39;
	v39 =	vbroadcast v24, $0x6  }
0x186: {  	v37 =	vld [tilespmem:s28+$0xFFFFFEB0];
	v54 =	vmul.f32 v62, v17;
	v4 =	vmul.f32 v7, v46  }
0x187: {  	v43 =	vld [tilespmem:s28+$0xFFFFFCD0];
	v50 =	vadd.f32 v12, v3;
	v12 =	vmul.f32 v32, v16;
	v49 =	vmul.f32 v6, v39  }
0x188: {  	v3 =	vld [tilespmem:s28+$0xFFFFFD30];
	v51 =	vadd.f32 v60, v26;
	v35 =	vmul.f32 v63, v2;
	v6 =	vmul.f32 v61, v31  }
0x189: {  	v7 =	vld [tilespmem:s28+$0xFFFFFC50];
	v5 =	vadd.f32 $0.0e+00, v5;
	v26 =	vadd.s32 v21, v22;
	v62 =	vadd.f32 $0.0e+00, v4  }
0x18a: {  	v63 =	vld [tilespmem:s28+$0xFFFFFD20];
	v56 =	vmul.f32 v56, v39;
	v61 =	vmul.f32 v10, v39;
	v31 =	vadd.s32 v19, v22  }
0x18b: {  	v60 =	vld [tilespmem:s28+$0xFFFFFE80];
	v5 =	vadd.f32 v55, v5;
	v55 =	vbroadcast v24, $0x4;
	v32 =	vmul.f32 v37, v57  }
0x18c: {  	v4 =	vld [tilespmem:s28+$0xFFFFFE60];
	v14 =	vadd.f32 $0.0e+00, v6;
	v37 =	vmul.f32 v8, v2;
	v8 =	vmul.f32 v1, v46  }
0x18d: {  	v6 =	vld [tilespmem:s28+$0xFFFFFEA0];
	v58 =	vadd.f32 v12, v5;
	v9 =	vmul.f32 v9, v55;
	v59 =	vmul.f32 v3, v55  }
0x18e: {  	s30 =	simm.s32 $0x1;
	s29 =	simm.s32 $0x98F0;
	v2 =	vadd.f32 v0, v14;
	v5 =	vld [tilespmem:s28+$0xFFFFFF10];
	v3 =	vmul.f32 v43, v17;
	v43 =	vmul.f32 v11, v57  }
.LBB2_5:
0x18f: {  	_ =	sdelay $0x3  }
0x190: {  	v0 =	vmul.f32 v7, v46;
	v7 =	vmul.f32 v63, v55  }
0x191: {  	v42 =	vadd.f32 v42, v47  }
0x192: {  	v1 =	vadd.f32 $0.0e+00, v8;
	v7 =	vadd.f32 v7, v51  }
0x193: {  	v10 =	vld [tilespmem:s29+$0xFFFFFF20];
	v8 =	vadd.f32 v9, v50;
	v0 =	vadd.f32 $0.0e+00, v0  }
0x194: {  	v13 =	vbroadcast v24, $0xC;
	v14 =	vld [tilespmem:s29+$0xFFFFFE50];
	v11 =	vadd.f32 v54, v62;
	v7 =	vadd.f32 v56, v7  }
0x195: {  	v12 =	vld [tilespmem:s29+$0xFFFFFD40];
	v2 =	vadd.f32 v59, v2;
	v62 =	vbroadcast v24, $0xD;
	v0 =	vadd.f32 v3, v0  }
0x196: {  	v6 =	vmul.f32 v6, v57;
	v3 =	vadd.f32 v61, v8;
	v61 =	vld [tilespmem:s29+$0xFFFFFE70];
	v7 =	vadd.f32 v41, v7  }
0x197: {  	v17 =	vld [tilespmem:s29+$0xFFFFFF80];
	v24 =	vbroadcast v24, $0xF;
	v1 =	vadd.f32 v52, v1;
	v0 =	vadd.f32 v48, v0  }
0x198: {  	v11 =	vadd.f32 v53, v11;
	v10 =	vmul.f32 v10, v13;
	v6 =	vadd.f32 v6, v7;
	v7 =	vld [tilespmem:s29+$0xFFFFFEF0]  }
0x199: {  	v59 =	vld [tilespmem:s29+$0xFFFFFF30];
	v9 =	vmul.f32 v36, v44;
	v14 =	vmul.f32 v14, v27;
	v0 =	vadd.f32 v33, v0  }
0x19a: {  	v4 =	vmul.f32 v4, v27;
	v16 =	vmul.f32 v60, v27;
	v6 =	vadd.f32 v10, v6;
	v10 =	vld [tilespmem:s29+$0xFFFFFF70]  }
0x19b: {  	v9 =	vadd.f32 v9, v58;
	v8 =	vld [tilespmem:s29+$0xFFFFFF00];
	v27 =	vmul.f32 v61, v27;
	v0 =	vadd.f32 v14, v0  }
0x19c: {  	v2 =	vadd.f32 v49, v2;
	v5 =	vmul.f32 v5, v13;
	v63 =	vld [tilespmem:s29+$0xFFFFFDC0];
	v11 =	vadd.f32 v38, v11  }
0x19d: {  	v9 =	vadd.f32 v27, v9;
	v0 =	vadd.f32 v30, v0;
	v30 =	vld [tilespmem:s29+$0xFFFFFF60];
	v7 =	vmul.f32 v7, v25  }
0x19e: {  	v50 =	vld [tilespmem:s29+$0xFFFFFFA0];
	v12 =	vmul.f32 v12, v55;
	v17 =	vmul.f32 v17, v62;
	v1 =	vadd.f32 v34, v1  }
0x19f: {  	v4 =	vadd.f32 v4, v11;
	v7 =	vadd.f32 v7, v9;
	v9 =	vmul.f32 v10, v62;
	v10 =	vld [tilespmem:s29+$0xFFFFFFE0]  }
0x1a0: {  	v12 =	vadd.f32 v12, v42;
	v1 =	vadd.f32 v28, v1;
	v8 =	vmul.f32 v8, v25;
	v25 =	vld [tilespmem:s29+$0xFFFFFF90]  }
0x1a1: {  	v49 =	vld [tilespmem:s29+$0xFFFFFFD0];
	v4 =	vadd.f32 v29, v4;
	v29 =	vmul.f32 v63, v39;
	v3 =	vadd.f32 v40, v3  }
0x1a2: {  	v1 =	vadd.f32 v16, v1;
	v16 =	vmul.f32 v30, v62;
	v7 =	vadd.f32 v9, v7;
	v9 =	vld [tilespmem:s29+$0x0]  }
0x1a3: {  	v60 =	vld [tilespmem:s29+$0xFFFFFF50];
	v2 =	vadd.f32 v37, v2;
	v52 =	vmul.f32 v50, v23;
	v3 =	vadd.f32 v45, v3  }
0x1a4: {  	v51 =	vld [tilespmem:s29+$0xFFFFFFB0];
	v12 =	vadd.f32 v29, v12;
	v4 =	vadd.f32 v16, v4;
	v10 =	vmul.f32 v10, v24  }
0x1a5: {  	v41 =	vld [tilespmem:s29+$0xFFFFFFF0];
	v3 =	vadd.f32 v5, v3;
	v1 =	vadd.f32 v8, v1;
	v8 =	vmul.f32 v25, v23  }
0x1a6: {  	v11 =	vmul.f32 v59, v13;
	v5 =	vld [tilespmem:s29+$0xFFFFFF40];
	v6 =	vadd.f32 v52, v6;
	v4 =	vadd.f32 v10, v4  }
0x1a7: {  	v28 =	vld [tilespmem:s29+$0xFFFFFFC0];
	v1 =	vadd.f32 v17, v1;
	v3 =	vadd.f32 v8, v3;
	v8 =	vmul.f32 v9, v24  }
0x1a8: {  	v2 =	vadd.f32 v32, v2;
	v45 =	vmul.f32 v60, v62;
	v4 =	vadd.f32 v4, v6;
	v6 =	vld [tilespmem:$0x1FFF0]  }
0x1a9: {  	v12 =	vadd.f32 v35, v12;
	v1 =	vadd.f32 v8, v1;
	v8 =	vld [tilespmem:$0x1FFE0]  }
0x1aa: {  	v2 =	vadd.f32 v11, v2;
	v27 =	vmul.f32 v49, v24;
	v0 =	vadd.f32 v45, v0  }
0x1ab: {  	v12 =	vadd.f32 v43, v12;
	v53 =	vmul.f32 v41, v24;
	v5 =	vmul.f32 v5, v13  }
0x1ac: {  	v54 =	vmul.f32 v28, v23;
	v0 =	vadd.f32 v27, v0;
	v9 =	vmul.f32 v51, v23  }
0x1ad: {  	v5 =	vadd.f32 v5, v12;
	v7 =	vadd.f32 v53, v7;
	v6 =	vadd.s32 v6, v22  }
0x1ae: {  	v0 =	vadd.f32 v0, v3;
	v2 =	vadd.f32 v9, v2;
	v8 =	vadd.s32 v8, v22  }
0x1af: {  	v5 =	vadd.f32 v54, v5  }
0x1b0: {  	[tilespmem:v31+s13+$0x0] =	vst.idx.msk $0xffff, v0;
	v2 =	vadd.f32 v7, v2  }
0x1b1: {  	v1 =	vadd.f32 v1, v5;
	[tilespmem:v26+s13+$0x0] =	vst.idx.msk $0xffff, v4  }
0x1b2: {  	[tilespmem:v6+s13+$0x0] =	vst.idx.msk $0xffff, v2  }
0x1b3: {  	s28 =	sadd.s32 $0x400, s28;
	[tilespmem:v8+s13+$0x0] =	vst.idx.msk $0xffff, v1  }
0x1b4: {  	v0 =	vld [tilespmem:s28+$0xFFFFFDD0]  }
0x1b5: {  	v1 =	vld [tilespmem:s28+$0xFFFFFED0]  }
0x1b6: {  	v2 =	vld [tilespmem:s28+$0xFFFFFE90]  }
0x1b7: {  	v3 =	vld [tilespmem:s28+$0xFFFFFE00]  }
0x1b8: {  	s31 =	smov.u32 s30;
	v4 =	vld [tilespmem:s28+$0xFFFFFDB0]  }
0x1b9: {  	s31 =	sadd.s32 s31, s20;
	v5 =	vld [tilespmem:s28+$0xFFFFFE30]  }
0x1ba: {  	v6 =	vmov s31;
	v8 =	vld [tilespmem:s28+$0xFFFFFDA0]  }
0x1bb: {  	v7 =	vshll.u32 v6, $0x5;
	v43 =	vld [tilespmem:s28+$0xFFFFFEC0]  }
0x1bc: {  	v22 =	vand.u32 $0x3F7, v6;
	v6 =	vor.u32 v20, v7;
	v7 =	vld [tilespmem:s28+$0xFFFFFEE0]  }
0x1bd: {  	v9 =	vld [tilespmem:s28+$0xFFFFFE20]  }
0x1be: {  	v10 =	vld [tilespmem:s28+$0xFFFFFDE0]  }
0x1bf: {  	v11 =	vld [tilespmem:s28+$0xFFFFFE10]  }
0x1c0: {  	v55 =	vld [tilespmem:s28+$0xFFFFFCC0]  }
0x1c1: {  	v24 =	vld.idx.msk [tilespmem:v6+s10+$0x0], $0xffff  }
0x1c2: {  	v36 =	vld [tilespmem:s28+$0xFFFFFDF0]  }
0x1c3: {  	v56 =	vld [tilespmem:s28+$0xFFFFFC10]  }
0x1c4: {  	v57 =	vld [tilespmem:s28+$0xFFFFFC20]  }
0x1c5: {  	v16 =	vld [tilespmem:s28+$0xFFFFFC90]  }
0x1c6: {  	v26 =	vld [tilespmem:s28+$0xFFFFFD70];
	v17 =	vbroadcast v24, $0x0;
	v23 =	vbroadcast v24, $0xE  }
0x1c7: {  	v58 =	vld [tilespmem:s28+$0xFFFFFD50];
	v31 =	vbroadcast v24, $0x2;
	v25 =	vbroadcast v24, $0xB  }
0x1c8: {  	v59 =	vld [tilespmem:s28+$0xFFFFFD80];
	v27 =	vbroadcast v24, $0x9;
	v44 =	vbroadcast v24, $0x7  }
0x1c9: {  	v60 =	vld [tilespmem:s28+$0xFFFFFCA0];
	v46 =	vbroadcast v24, $0x1;
	v39 =	vbroadcast v24, $0x6  }
0x1ca: {  	v6 =	vld [tilespmem:s28+$0xFFFFFC40];
	v13 =	vmul.f32 v56, v17;
	v14 =	vmul.f32 v57, v17  }
0x1cb: {  	v62 =	vld [tilespmem:s28+$0xFFFFFD60];
	v29 =	vmul.f32 v7, v25;
	v61 =	vmul.f32 v16, v31  }
0x1cc: {  	v63 =	vld [tilespmem:s28+$0xFFFFFCE0];
	v30 =	vmul.f32 v1, v25;
	v33 =	vmul.f32 v0, v44  }
0x1cd: {  	v12 =	vld [tilespmem:s28+$0xFFFFFD30];
	v0 =	vbroadcast v24, $0x8;
	v28 =	vmul.f32 v3, v44  }
0x1ce: {  	v15 =	vld [tilespmem:s28+$0xFFFFFD10];
	v35 =	vmul.f32 v60, v31;
	v38 =	vmul.f32 v10, v44  }
0x1cf: {  	v16 =	vld [tilespmem:s28+$0xFFFFFCF0];
	v6 =	vmul.f32 v6, v17;
	v42 =	vmul.f32 v55, v31  }
0x1d0: {  	v1 =	vld [tilespmem:s28+$0xFFFFFCB0];
	v57 =	vbroadcast v24, $0xA;
	v49 =	vmul.f32 v4, v39  }
0x1d1: {  	v3 =	vld [tilespmem:s28+$0xFFFFFC70];
	v55 =	vbroadcast v24, $0x4;
	v56 =	vmul.f32 v8, v39  }
0x1d2: {  	v10 =	vld [tilespmem:s28+$0xFFFFFC30];
	v7 =	vadd.f32 $0.0e+00, v13;
	v13 =	vbroadcast v24, $0x3;
	v40 =	vmul.f32 v11, v0  }
0x1d3: {  	v60 =	vld [tilespmem:s28+$0xFFFFFD90];
	v47 =	vadd.f32 $0.0e+00, v6;
	v6 =	vbroadcast v24, $0x5;
	v41 =	vmul.f32 v9, v0  }
0x1d4: {  	v9 =	vld [tilespmem:s28+$0xFFFFFE40];
	v45 =	vmul.f32 v2, v57;
	v37 =	vmul.f32 v5, v0  }
0x1d5: {  	v43 =	vmul.f32 v43, v57;
	v50 =	vadd.f32 v61, v7;
	v7 =	vld [tilespmem:s28+$0xFFFFFD00];
	v34 =	vmul.f32 v59, v6  }
0x1d6: {  	v14 =	vadd.f32 $0.0e+00, v14;
	v11 =	vld [tilespmem:s28+$0xFFFFFC60];
	v48 =	vmul.f32 v58, v6;
	v54 =	vmul.f32 v63, v13  }
0x1d7: {  	v5 =	vld [tilespmem:s28+$0xFFFFFF10];
	v53 =	vmul.f32 v62, v6;
	v59 =	vmul.f32 v12, v55  }
0x1d8: {  	v51 =	vadd.f32 v35, v14;
	v14 =	vld [tilespmem:s28+$0xFFFFFC80];
	v16 =	vmul.f32 v16, v13;
	v3 =	vmul.f32 v3, v46  }
0x1d9: {  	v1 =	vmul.f32 v1, v31;
	v35 =	vmul.f32 v9, v0;
	v9 =	vld [tilespmem:s28+$0xFFFFFCD0]  }
0x1da: {  	p1 =	sne.s32 s30, $0x3;
	v4 =	vmul.f32 v10, v17;
	v3 =	vadd.f32 $0.0e+00, v3;
	v52 =	vmul.f32 v7, v13;
	v7 =	vld [tilespmem:s28+$0xFFFFFEB0]  }
.Ltmp1:
0x1db: {  	v63 =	vld [tilespmem:s28+$0xFFFFFD20];
	v31 =	vmul.f32 v26, v6;
	v2 =	vmul.f32 v11, v46;
	(pc) =	sbr.rel @p1 .LBB2_5-.Ltmp1, $4  }
0x1dc: {  	v26 =	vadd.s32 v21, v22;
	v6 =	vld [tilespmem:s28+$0xFFFFFEA0];
	v10 =	vadd.f32 $0.0e+00, v4;
	v3 =	vadd.f32 v16, v3  }
0x1dd: {  	v61 =	vmul.f32 v60, v39;
	v60 =	vld [tilespmem:s28+$0xFFFFFE80];
	v62 =	vadd.f32 $0.0e+00, v2;
	v8 =	vmul.f32 v14, v46  }
0x1de: {  	v4 =	vld [tilespmem:s28+$0xFFFFFE60];
	v2 =	vadd.f32 v1, v10;
	v58 =	vadd.f32 v31, v3;
	v3 =	vmul.f32 v9, v13  }
0x1df: {  	s30 =	sadd.s32 $0x1, s30;
	s29 =	smov.u32 s28;
	v31 =	vadd.s32 v19, v22;
	v9 =	vmul.f32 v15, v55;
	v32 =	vmul.f32 v7, v57;
	v7 =	vld [tilespmem:s28+$0xFFFFFC50]  }
0x1e0: {  	v1 =	vadd.f32 $0.0e+00, v8;
	v11 =	vadd.f32 v54, v62  }
0x1e1: {  	v10 =	vld [tilespmem:s29+$0xFFFFFF20];
	v2 =	vadd.f32 v59, v2;
	v59 =	vadd.f32 v42, v47  }
0x1e2: {  	v12 =	vld [tilespmem:s29+$0xFFFFFD40];
	v8 =	vadd.f32 v9, v50;
	v9 =	vmul.f32 v36, v44;
	v1 =	vadd.f32 v52, v1  }
0x1e3: {  	v13 =	vbroadcast v24, $0xC;
	v14 =	vld [tilespmem:s29+$0xFFFFFE50];
	v11 =	vadd.f32 v53, v11;
	v2 =	vadd.f32 v49, v2  }
0x1e4: {  	v16 =	vld [tilespmem:s29+$0xFFFFFF80];
	v4 =	vmul.f32 v4, v27;
	v9 =	vadd.f32 v9, v58;
	v0 =	vmul.f32 v7, v46  }
0x1e5: {  	v17 =	vld [tilespmem:s29+$0xFFFFFF30];
	v7 =	vmul.f32 v63, v55;
	v11 =	vadd.f32 v38, v11;
	v1 =	vadd.f32 v34, v1  }
0x1e6: {  	v6 =	vmul.f32 v6, v57;
	v63 =	vld [tilespmem:s29+$0xFFFFFE70];
	v2 =	vadd.f32 v37, v2;
	v0 =	vadd.f32 $0.0e+00, v0  }
0x1e7: {  	v62 =	vld [tilespmem:s29+$0xFFFFFDC0];
	v5 =	vmul.f32 v5, v13;
	v7 =	vadd.f32 v7, v51;
	v4 =	vadd.f32 v4, v11  }
0x1e8: {  	v15 =	vmul.f32 v60, v27;
	v11 =	vld [tilespmem:s29+$0xFFFFFEF0];
	v1 =	vadd.f32 v28, v1;
	v0 =	vadd.f32 v3, v0  }
0x1e9: {  	v60 =	vld [tilespmem:s29+$0xFFFFFF50];
	v10 =	vmul.f32 v10, v13;
	v2 =	vadd.f32 v32, v2;
	v7 =	vadd.f32 v56, v7  }
0x1ea: {  	v14 =	vmul.f32 v14, v27;
	v4 =	vadd.f32 v29, v4;
	v29 =	vld [tilespmem:s29+$0xFFFFFF70];
	v0 =	vadd.f32 v48, v0  }
0x1eb: {  	v3 =	vadd.f32 v61, v8;
	v8 =	vld [tilespmem:s29+$0xFFFFFF00];
	v1 =	vadd.f32 v15, v1;
	v27 =	vmul.f32 v63, v27  }
0x1ec: {  	v47 =	vld [tilespmem:s29+$0xFFFFFF90];
	v61 =	vbroadcast v24, $0xD;
	v7 =	vadd.f32 v41, v7;
	v0 =	vadd.f32 v33, v0  }
0x1ed: {  	v46 =	vld [tilespmem:s29+$0xFFFFFF60];
	v3 =	vadd.f32 v40, v3;
	v9 =	vadd.f32 v27, v9;
	v11 =	vmul.f32 v11, v25  }
0x1ee: {  	v49 =	vld [tilespmem:s29+$0xFFFFFFB0];
	v12 =	vmul.f32 v12, v55;
	v6 =	vadd.f32 v6, v7;
	v0 =	vadd.f32 v14, v0  }
0x1ef: {  	v41 =	vld [tilespmem:s29+$0xFFFFFFD0];
	v7 =	vmul.f32 v17, v13;
	v9 =	vadd.f32 v11, v9;
	v11 =	vmul.f32 v29, v61  }
0x1f0: {  	v17 =	vmul.f32 v60, v61;
	v8 =	vmul.f32 v8, v25;
	v25 =	vld [tilespmem:s29+$0xFFFFFFF0];
	v0 =	vadd.f32 v30, v0  }
0x1f1: {  	v16 =	vmul.f32 v16, v61;
	v3 =	vadd.f32 v45, v3;
	v9 =	vadd.f32 v11, v9;
	v11 =	vld [tilespmem:s29+$0x0]  }
0x1f2: {  	v48 =	vmul.f32 v46, v61;
	v6 =	vadd.f32 v10, v6;
	v0 =	vadd.f32 v17, v0;
	v17 =	vld [tilespmem:s29+$0xFFFFFFE0]  }
0x1f3: {  	v27 =	vld [tilespmem:s29+$0xFFFFFFC0];
	v45 =	vmul.f32 v62, v39;
	v10 =	vadd.f32 v12, v59;
	v3 =	vadd.f32 v5, v3  }
0x1f4: {  	v5 =	vbroadcast v24, $0xF;
	v2 =	vadd.f32 v7, v2;
	v7 =	vmul.f32 v49, v23;
	v30 =	vld [tilespmem:s29+$0xFFFFFF40]  }
0x1f5: {  	v24 =	vld [tilespmem:s29+$0xFFFFFFA0];
	v1 =	vadd.f32 v8, v1;
	v8 =	vmul.f32 v47, v23;
	v10 =	vadd.f32 v45, v10  }
0x1f6: {  	v4 =	vadd.f32 v48, v4;
	v14 =	vmul.f32 v41, v5;
	v51 =	vmul.f32 v25, v5  }
0x1f7: {  	v10 =	vadd.f32 v35, v10;
	v52 =	vmul.f32 v17, v5;
	v5 =	vmul.f32 v11, v5;
	v11 =	vld [tilespmem:$0x1FFF0]  }
0x1f8: {  	v53 =	vmul.f32 v27, v23;
	v2 =	vadd.f32 v7, v2;
	v7 =	vld [tilespmem:$0x1FFE0];
	v3 =	vadd.f32 v8, v3  }
0x1f9: {  	v1 =	vadd.f32 v16, v1;
	v10 =	vadd.f32 v43, v10;
	v13 =	vmul.f32 v30, v13  }
0x1fa: {  	v8 =	vlaneseq.u32 @!p0;
	v50 =	vmul.f32 v24, v23;
	v0 =	vadd.f32 v14, v0  }
0x1fb: {  	v8 =	vmul.u32 @!p0 $0x2, v8;
	v9 =	vadd.f32 v51, v9;
	v10 =	vadd.f32 v13, v10  }
0x1fc: {  	v6 =	vadd.f32 v50, v6;
	v4 =	vadd.f32 v52, v4;
	v11 =	vadd.s32 v11, v22  }
0x1fd: {  	s28 =	sadd.s32 @!p0 $0x280, s26;
	v7 =	vadd.s32 v7, v22;
	v0 =	vadd.f32 v0, v3;
	v10 =	vadd.f32 v53, v10  }
0x1fe: {  	v1 =	vadd.f32 v5, v1;
	v3 =	vadd.f32 v4, v6;
	v4 =	vor.u32 @!p0 s28, v8  }
0x1ff: {  	v2 =	vadd.f32 v9, v2;
	[tilespmem:v31+s13+$0x0] =	vst.idx.msk $0xffff, v0  }
0x200: {  	v0 =	vadd.f32 v1, v10;
	[tilespmem:v26+s13+$0x0] =	vst.idx.msk $0xffff, v3  }
0x201: {  	[tilespmem:v11+s13+$0x0] =	vst.idx.msk $0xffff, v2  }
0x202: {  	s28 =	simm.s32 @!p0 $0x400;
	[tilespmem:v7+s13+$0x0] =	vst.idx.msk $0xffff, v0  }
0x203: {  	v0 =	vld.idx.msk @!p0 [tilespmem:v4+s28+$0x0], $0xffff;
	_ =	sdelay $0x3  }
0x204: {  	s29 =	sadd.s32 @!p0 $0x2A0, s26  }
0x205: {  	v1 =	vor.u32 @!p0 s29, v8;
	v0 =	vtrunc.f32 @!p0 v0  }
0x206: {  	v0 =	vcvt.f32.s32 @!p0 v0;
	_ =	sdelay $0x1  }
0x207: {  	v0 =	vadd.s32 @!p0 v0, v18  }
0x208: {  	[tilespmem:$0x8440] =	vst @!p0 v0  }
0x209: {  	v0 =	vld.idx.msk @!p0 [tilespmem:v1+s28+$0x0], $0xffff;
	_ =	sdelay $0x3  }
0x20a: {  	s29 =	sadd.s32 @!p0 $0x2C0, s26  }
0x20b: {  	v1 =	vor.u32 @!p0 s29, v8;
	v0 =	vtrunc.f32 @!p0 v0  }
0x20c: {  	v0 =	vcvt.f32.s32 @!p0 v0;
	_ =	sdelay $0x1  }
0x20d: {  	v0 =	vadd.s32 @!p0 v0, v18  }
0x20e: {  	[tilespmem:$0x8450] =	vst @!p0 v0  }
0x20f: {  	v0 =	vld.idx.msk @!p0 [tilespmem:v1+s28+$0x0], $0xffff;
	_ =	sdelay $0x3  }
0x210: {  	s29 =	sadd.s32 @!p0 $0x2E0, s26  }
0x211: {  	v1 =	vor.u32 @!p0 s29, v8;
	v0 =	vtrunc.f32 @!p0 v0  }
0x212: {  	v0 =	vcvt.f32.s32 @!p0 v0;
	_ =	sdelay $0x1  }
0x213: {  	v0 =	vadd.s32 @!p0 v0, v18  }
0x214: {  	[tilespmem:$0x8460] =	vst @!p0 v0  }
0x215: {  	v0 =	vld.idx.msk @!p0 [tilespmem:v1+s28+$0x0], $0xffff;
	_ =	sdelay $0x4  }
0x216: {  	v0 =	vtrunc.f32 @!p0 v0  }
0x217: {  	v0 =	vcvt.f32.s32 @!p0 v0;
	_ =	sdelay $0x1  }
0x218: {  	v0 =	vadd.s32 @!p0 v0, v18  }
0x219: {  	s30 =	simm.s32 @!p0 $0x9500;
	s29 =	simm.s32 @!p0 $0x8440;
	s28 =	simm.s32 @!p0 $0x40;
	[tilespmem:$0x8470] =	vst @!p0 v0  }
0x21a: {  	[tilespmem:s30], [sflag:$0x3] =	stream.indirect.gather @!p0 [hbm4b:s4+s28], $0x40, s29, s28, $0xb8;
	[tilespmem:$0x1C700] =	vst v63  }
0x21b: {  	_ =	swait.ge [sflag:s15], $0x1000  }
0x21c: {  	[sflag:s15] =	ssyncset.done $0x0  }
0x21d: {  	s28 =	simm.s32 $0xA8F0;
	[sflag:s15] =	ssyncadd.s32 $0xFFFFF000  }
0x21e: {  	v0 =	vld [tilespmem:s28+$0xFFFFFDD0]  }
0x21f: {  	v1 =	vld [tilespmem:s28+$0xFFFFFED0]  }
0x220: {  	v2 =	vld [tilespmem:s28+$0xFFFFFE90]  }
0x221: {  	v3 =	vld [tilespmem:s28+$0xFFFFFE00]  }
0x222: {  	v4 =	vld [tilespmem:s28+$0xFFFFFDB0]  }
0x223: {  	s29 =	sadd.s32 $0x0, s18;
	v58 =	vld [tilespmem:s28+$0xFFFFFE30]  }
0x224: {  	v6 =	vmov s29;
	v8 =	vld [tilespmem:s28+$0xFFFFFDA0]  }
0x225: {  	v7 =	vshll.u32 v6, $0x5;
	v10 =	vld [tilespmem:s28+$0xFFFFFEC0]  }
0x226: {  	v7 =	vor.u32 v20, v7;
	v9 =	vld [tilespmem:s28+$0xFFFFFEE0]  }
0x227: {  	v11 =	vld [tilespmem:s28+$0xFFFFFE20]  }
0x228: {  	v54 =	vld [tilespmem:s28+$0xFFFFFDE0]  }
0x229: {  	v55 =	vld [tilespmem:s28+$0xFFFFFE10]  }
0x22a: {  	v63 =	vld [tilespmem:s28+$0xFFFFFCC0]  }
0x22b: {  	v24 =	vld.idx.msk [tilespmem:v7+s10+$0x0], $0xffff  }
0x22c: {  	v36 =	vld [tilespmem:s28+$0xFFFFFDF0]  }
0x22d: {  	v48 =	vld [tilespmem:s28+$0xFFFFFC10]  }
0x22e: {  	v16 =	vld [tilespmem:s28+$0xFFFFFC20]  }
0x22f: {  	v17 =	vld [tilespmem:s28+$0xFFFFFC90]  }
0x230: {  	v31 =	vld [tilespmem:s28+$0xFFFFFD70];
	v26 =	vbroadcast v24, $0x0  }
0x231: {  	v50 =	vld [tilespmem:s28+$0xFFFFFD50];
	v23 =	vbroadcast v24, $0xE;
	v49 =	vbroadcast v24, $0x2  }
0x232: {  	v56 =	vld [tilespmem:s28+$0xFFFFFD80];
	v25 =	vbroadcast v24, $0xB;
	v27 =	vbroadcast v24, $0x9  }
0x233: {  	v22 =	vld [tilespmem:s28+$0xFFFFFCA0];
	v44 =	vbroadcast v24, $0x7;
	v46 =	vbroadcast v24, $0x1  }
0x234: {  	v57 =	vld [tilespmem:s28+$0xFFFFFD60];
	v43 =	vbroadcast v24, $0x3;
	v39 =	vbroadcast v24, $0x6  }
0x235: {  	v7 =	vld [tilespmem:s28+$0xFFFFFC40];
	v15 =	vmul.f32 v48, v26;
	v16 =	vmul.f32 v16, v26  }
0x236: {  	v59 =	vld [tilespmem:s28+$0xFFFFFD00];
	v29 =	vmul.f32 v9, v25;
	v9 =	vmul.f32 v17, v49  }
0x237: {  	v62 =	vld [tilespmem:s28+$0xFFFFFCE0];
	v30 =	vmul.f32 v1, v25;
	v33 =	vmul.f32 v0, v44  }
0x238: {  	v61 =	vld [tilespmem:s28+$0xFFFFFC30];
	v0 =	vbroadcast v24, $0x8;
	v28 =	vmul.f32 v3, v44  }
0x239: {  	v5 =	vld [tilespmem:s28+$0xFFFFFC80];
	v60 =	vmul.f32 v22, v49;
	v38 =	vmul.f32 v54, v44  }
0x23a: {  	v32 =	vld [tilespmem:s28+$0xFFFFFEB0];
	v7 =	vmul.f32 v7, v26;
	v42 =	vmul.f32 v63, v49  }
0x23b: {  	v13 =	vld [tilespmem:s28+$0xFFFFFD90];
	v63 =	vbroadcast v24, $0x5;
	v52 =	vmul.f32 v59, v43  }
0x23c: {  	v17 =	vld [tilespmem:s28+$0xFFFFFCF0];
	v54 =	vmul.f32 v62, v43;
	v40 =	vmul.f32 v55, v0  }
0x23d: {  	v1 =	vld [tilespmem:s28+$0xFFFFFCB0];
	v41 =	vmul.f32 v11, v0;
	v34 =	vmul.f32 v56, v63  }
0x23e: {  	v3 =	vld [tilespmem:s28+$0xFFFFFC70];
	v22 =	vand.u32 $0x3FB, v6;
	v48 =	vmul.f32 v50, v63;
	v14 =	vmul.f32 v31, v63  }
0x23f: {  	v11 =	vld [tilespmem:s28+$0xFFFFFE40];
	v15 =	vadd.f32 $0.0e+00, v15;
	v53 =	vmul.f32 v57, v63;
	v57 =	vbroadcast v24, $0xA  }
0x240: {  	v6 =	vld [tilespmem:s28+$0xFFFFFC60];
	v16 =	vadd.f32 $0.0e+00, v16;
	v55 =	vbroadcast v24, $0x4;
	v56 =	vmul.f32 v8, v39  }
0x241: {  	v47 =	vadd.f32 $0.0e+00, v7;
	v63 =	vld [tilespmem:s28+$0xFFFFFD20];
	v37 =	vmul.f32 v58, v0;
	v8 =	vmul.f32 v5, v46  }
0x242: {  	v50 =	vadd.f32 v9, v15;
	v9 =	vld [tilespmem:s28+$0xFFFFFD30];
	v45 =	vmul.f32 v2, v57;
	v1 =	vmul.f32 v1, v49  }
0x243: {  	v31 =	vadd.s32 v19, v22;
	v15 =	vld [tilespmem:s28+$0xFFFFFD10];
	v3 =	vmul.f32 v3, v46;
	v49 =	vmul.f32 v4, v39  }
0x244: {  	v51 =	vadd.f32 v60, v16;
	v4 =	vmul.f32 v61, v26;
	v35 =	vmul.f32 v11, v0;
	v11 =	vld [tilespmem:s28+$0xFFFFFCD0]  }
0x245: {  	v7 =	vld [tilespmem:s28+$0xFFFFFC50];
	v17 =	vmul.f32 v17, v43;
	v2 =	vmul.f32 v6, v46;
	v3 =	vadd.f32 $0.0e+00, v3  }
0x246: {  	v5 =	vld [tilespmem:s28+$0xFFFFFF10];
	v32 =	vmul.f32 v32, v57;
	v26 =	vadd.s32 v21, v22;
	v12 =	vadd.f32 $0.0e+00, v4  }
0x247: {  	v60 =	vld [tilespmem:s28+$0xFFFFFE80];
	v61 =	vmul.f32 v13, v39;
	v62 =	vadd.f32 $0.0e+00, v2;
	v3 =	vadd.f32 v17, v3  }
0x248: {  	v6 =	vld [tilespmem:s28+$0xFFFFFEA0];
	v59 =	vmul.f32 v9, v55;
	v2 =	vadd.f32 v1, v12;
	v9 =	vmul.f32 v15, v55  }
0x249: {  	s30 =	simm.s32 $0x1;
	s29 =	simm.s32 $0xA8F0;
	v4 =	vld [tilespmem:s28+$0xFFFFFE60];
	v58 =	vadd.f32 v14, v3;
	v3 =	vmul.f32 v11, v43;
	v43 =	vmul.f32 v10, v57  }
.LBB2_7:
0x24a: {  	_ =	sdelay $0x3  }
0x24b: {  	v0 =	vmul.f32 v7, v46;
	v7 =	vmul.f32 v63, v55  }
0x24c: {  	v1 =	vadd.f32 $0.0e+00, v8;
	v8 =	vadd.f32 v9, v50  }
0x24d: {  	v11 =	vadd.f32 v54, v62;
	v7 =	vadd.f32 v7, v51  }
0x24e: {  	v10 =	vld [tilespmem:s29+$0xFFFFFF20];
	v2 =	vadd.f32 v59, v2;
	v0 =	vadd.f32 $0.0e+00, v0  }
0x24f: {  	v13 =	vbroadcast v24, $0xC;
	v14 =	vld [tilespmem:s29+$0xFFFFFE50];
	v59 =	vadd.f32 v42, v47;
	v7 =	vadd.f32 v56, v7  }
0x250: {  	v12 =	vld [tilespmem:s29+$0xFFFFFD40];
	v62 =	vbroadcast v24, $0xD;
	v1 =	vadd.f32 v52, v1;
	v0 =	vadd.f32 v3, v0  }
0x251: {  	v6 =	vmul.f32 v6, v57;
	v3 =	vadd.f32 v61, v8;
	v61 =	vld [tilespmem:s29+$0xFFFFFE70];
	v7 =	vadd.f32 v41, v7  }
0x252: {  	v16 =	vld [tilespmem:s29+$0xFFFFFF80];
	v24 =	vbroadcast v24, $0xF;
	v11 =	vadd.f32 v53, v11;
	v0 =	vadd.f32 v48, v0  }
0x253: {  	v2 =	vadd.f32 v49, v2;
	v10 =	vmul.f32 v10, v13;
	v6 =	vadd.f32 v6, v7;
	v7 =	vld [tilespmem:s29+$0xFFFFFEF0]  }
0x254: {  	v17 =	vld [tilespmem:s29+$0xFFFFFF30];
	v9 =	vmul.f32 v36, v44;
	v14 =	vmul.f32 v14, v27;
	v0 =	vadd.f32 v33, v0  }
0x255: {  	v4 =	vmul.f32 v4, v27;
	v15 =	vmul.f32 v60, v27;
	v6 =	vadd.f32 v10, v6;
	v10 =	vld [tilespmem:s29+$0xFFFFFF70]  }
0x256: {  	v9 =	vadd.f32 v9, v58;
	v8 =	vld [tilespmem:s29+$0xFFFFFF00];
	v27 =	vmul.f32 v61, v27;
	v0 =	vadd.f32 v14, v0  }
0x257: {  	v5 =	vmul.f32 v5, v13;
	v63 =	vld [tilespmem:s29+$0xFFFFFDC0];
	v12 =	vmul.f32 v12, v55;
	v11 =	vadd.f32 v38, v11  }
0x258: {  	v9 =	vadd.f32 v27, v9;
	v0 =	vadd.f32 v30, v0;
	v30 =	vld [tilespmem:s29+$0xFFFFFF60];
	v7 =	vmul.f32 v7, v25  }
0x259: {  	v16 =	vmul.f32 v16, v62;
	v1 =	vadd.f32 v34, v1;
	v2 =	vadd.f32 v37, v2;
	v48 =	vld [tilespmem:s29+$0xFFFFFFA0]  }
0x25a: {  	v4 =	vadd.f32 v4, v11;
	v7 =	vadd.f32 v7, v9;
	v9 =	vmul.f32 v10, v62;
	v10 =	vld [tilespmem:s29+$0xFFFFFFE0]  }
0x25b: {  	v12 =	vadd.f32 v12, v59;
	v1 =	vadd.f32 v28, v1;
	v8 =	vmul.f32 v8, v25;
	v25 =	vld [tilespmem:s29+$0xFFFFFF90]  }
0x25c: {  	v50 =	vld [tilespmem:s29+$0xFFFFFFB0];
	v4 =	vadd.f32 v29, v4;
	v29 =	vmul.f32 v63, v39;
	v3 =	vadd.f32 v40, v3  }
0x25d: {  	v1 =	vadd.f32 v15, v1;
	v49 =	vmul.f32 v30, v62;
	v7 =	vadd.f32 v9, v7;
	v9 =	vld [tilespmem:s29+$0x0]  }
0x25e: {  	v60 =	vld [tilespmem:s29+$0xFFFFFF50];
	v11 =	vmul.f32 v17, v13;
	v12 =	vadd.f32 v29, v12;
	v3 =	vadd.f32 v45, v3  }
0x25f: {  	v17 =	vld [tilespmem:s29+$0xFFFFFFD0];
	v51 =	vmul.f32 v48, v23;
	v4 =	vadd.f32 v49, v4;
	v10 =	vmul.f32 v10, v24  }
0x260: {  	v41 =	vld [tilespmem:s29+$0xFFFFFFF0];
	v3 =	vadd.f32 v5, v3;
	v1 =	vadd.f32 v8, v1;
	v8 =	vmul.f32 v25, v23  }
0x261: {  	v5 =	vld [tilespmem:s29+$0xFFFFFF40];
	v6 =	vadd.f32 v51, v6;
	v4 =	vadd.f32 v10, v4  }
0x262: {  	v27 =	vld [tilespmem:s29+$0xFFFFFFC0];
	v1 =	vadd.f32 v16, v1;
	v3 =	vadd.f32 v8, v3;
	v8 =	vmul.f32 v9, v24  }
0x263: {  	v2 =	vadd.f32 v32, v2;
	v45 =	vmul.f32 v60, v62;
	v4 =	vadd.f32 v4, v6;
	v6 =	vld [tilespmem:$0x1FFF0]  }
0x264: {  	v12 =	vadd.f32 v35, v12;
	v1 =	vadd.f32 v8, v1;
	v8 =	vld [tilespmem:$0x1FFE0]  }
0x265: {  	v2 =	vadd.f32 v11, v2;
	v17 =	vmul.f32 v17, v24;
	v0 =	vadd.f32 v45, v0  }
0x266: {  	v12 =	vadd.f32 v43, v12;
	v52 =	vmul.f32 v41, v24;
	v5 =	vmul.f32 v5, v13  }
0x267: {  	v0 =	vadd.f32 v17, v0;
	v53 =	vmul.f32 v27, v23;
	v9 =	vmul.f32 v50, v23  }
0x268: {  	v5 =	vadd.f32 v5, v12;
	v7 =	vadd.f32 v52, v7;
	v6 =	vadd.s32 v6, v22  }
0x269: {  	v0 =	vadd.f32 v0, v3;
	v2 =	vadd.f32 v9, v2;
	v8 =	vadd.s32 v8, v22  }
0x26a: {  	v5 =	vadd.f32 v53, v5  }
0x26b: {  	[tilespmem:v31+s13+$0x0] =	vst.idx.msk $0xffff, v0;
	v2 =	vadd.f32 v7, v2  }
0x26c: {  	v1 =	vadd.f32 v1, v5;
	[tilespmem:v26+s13+$0x0] =	vst.idx.msk $0xffff, v4  }
0x26d: {  	[tilespmem:v6+s13+$0x0] =	vst.idx.msk $0xffff, v2  }
0x26e: {  	s28 =	sadd.s32 $0x400, s28;
	[tilespmem:v8+s13+$0x0] =	vst.idx.msk $0xffff, v1  }
0x26f: {  	v0 =	vld [tilespmem:s28+$0xFFFFFDD0]  }
0x270: {  	v1 =	vld [tilespmem:s28+$0xFFFFFED0]  }
0x271: {  	v2 =	vld [tilespmem:s28+$0xFFFFFE90]  }
0x272: {  	v3 =	vld [tilespmem:s28+$0xFFFFFE00]  }
0x273: {  	s31 =	smov.u32 s30;
	v4 =	vld [tilespmem:s28+$0xFFFFFDB0]  }
0x274: {  	s31 =	sadd.s32 s31, s18;
	v5 =	vld [tilespmem:s28+$0xFFFFFE30]  }
0x275: {  	v6 =	vmov s31;
	v8 =	vld [tilespmem:s28+$0xFFFFFDA0]  }
0x276: {  	v7 =	vshll.u32 v6, $0x5;
	v43 =	vld [tilespmem:s28+$0xFFFFFEC0]  }
0x277: {  	v22 =	vand.u32 $0x3FB, v6;
	v6 =	vor.u32 v20, v7;
	v7 =	vld [tilespmem:s28+$0xFFFFFEE0]  }
0x278: {  	v9 =	vld [tilespmem:s28+$0xFFFFFE20]  }
0x279: {  	v10 =	vld [tilespmem:s28+$0xFFFFFDE0]  }
0x27a: {  	v11 =	vld [tilespmem:s28+$0xFFFFFE10]  }
0x27b: {  	v54 =	vld [tilespmem:s28+$0xFFFFFCC0]  }
0x27c: {  	v24 =	vld.idx.msk [tilespmem:v6+s10+$0x0], $0xffff  }
0x27d: {  	v36 =	vld [tilespmem:s28+$0xFFFFFDF0]  }
0x27e: {  	v55 =	vld [tilespmem:s28+$0xFFFFFC10]  }
0x27f: {  	v56 =	vld [tilespmem:s28+$0xFFFFFC20]  }
0x280: {  	v57 =	vld [tilespmem:s28+$0xFFFFFC90]  }
0x281: {  	v17 =	vld [tilespmem:s28+$0xFFFFFD70];
	v16 =	vbroadcast v24, $0x0;
	v23 =	vbroadcast v24, $0xE  }
0x282: {  	v31 =	vld [tilespmem:s28+$0xFFFFFD50];
	v26 =	vbroadcast v24, $0x2;
	v25 =	vbroadcast v24, $0xB  }
0x283: {  	v58 =	vld [tilespmem:s28+$0xFFFFFD80];
	v27 =	vbroadcast v24, $0x9;
	v44 =	vbroadcast v24, $0x7  }
0x284: {  	v59 =	vld [tilespmem:s28+$0xFFFFFCA0];
	v46 =	vbroadcast v24, $0x1;
	v39 =	vbroadcast v24, $0x6  }
0x285: {  	v6 =	vld [tilespmem:s28+$0xFFFFFC40];
	v13 =	vmul.f32 v55, v16;
	v14 =	vmul.f32 v56, v16  }
0x286: {  	v61 =	vld [tilespmem:s28+$0xFFFFFCF0];
	v29 =	vmul.f32 v7, v25;
	v60 =	vmul.f32 v57, v26  }
0x287: {  	v62 =	vld [tilespmem:s28+$0xFFFFFD60];
	v30 =	vmul.f32 v1, v25;
	v33 =	vmul.f32 v0, v44  }
0x288: {  	v63 =	vld [tilespmem:s28+$0xFFFFFCE0];
	v0 =	vbroadcast v24, $0x8;
	v28 =	vmul.f32 v3, v44  }
0x289: {  	v12 =	vld [tilespmem:s28+$0xFFFFFD30];
	v34 =	vmul.f32 v59, v26;
	v38 =	vmul.f32 v10, v44  }
0x28a: {  	v18 =	vld [tilespmem:s28+$0xFFFFFD10];
	v6 =	vmul.f32 v6, v16;
	v42 =	vmul.f32 v54, v26  }
0x28b: {  	v1 =	vld [tilespmem:s28+$0xFFFFFCB0];
	v57 =	vbroadcast v24, $0xA;
	v49 =	vmul.f32 v4, v39  }
0x28c: {  	v3 =	vld [tilespmem:s28+$0xFFFFFC70];
	v55 =	vbroadcast v24, $0x4;
	v56 =	vmul.f32 v8, v39  }
0x28d: {  	v10 =	vld [tilespmem:s28+$0xFFFFFC30];
	v7 =	vadd.f32 $0.0e+00, v13;
	v13 =	vbroadcast v24, $0x3;
	v40 =	vmul.f32 v11, v0  }
0x28e: {  	v47 =	vadd.f32 $0.0e+00, v6;
	v6 =	vbroadcast v24, $0x5;
	v41 =	vmul.f32 v9, v0;
	v9 =	vld [tilespmem:s28+$0xFFFFFE40]  }
0x28f: {  	v14 =	vadd.f32 $0.0e+00, v14;
	v11 =	vld [tilespmem:s28+$0xFFFFFC60];
	v45 =	vmul.f32 v2, v57;
	v37 =	vmul.f32 v5, v0  }
0x290: {  	v59 =	vmul.f32 v12, v55;
	v43 =	vmul.f32 v43, v57;
	v50 =	vadd.f32 v60, v7;
	v7 =	vld [tilespmem:s28+$0xFFFFFD00]  }
0x291: {  	v5 =	vld [tilespmem:s28+$0xFFFFFF10];
	v15 =	vmul.f32 v61, v13;
	v51 =	vadd.f32 v34, v14;
	v34 =	vmul.f32 v58, v6  }
0x292: {  	v14 =	vld [tilespmem:s28+$0xFFFFFC80];
	v48 =	vmul.f32 v31, v6;
	v54 =	vmul.f32 v63, v13  }
0x293: {  	v17 =	vmul.f32 v17, v6;
	v31 =	vld [tilespmem:s28+$0xFFFFFD90];
	v3 =	vmul.f32 v3, v46  }
0x294: {  	v53 =	vmul.f32 v62, v6;
	v35 =	vmul.f32 v9, v0;
	v9 =	vld [tilespmem:s28+$0xFFFFFCD0]  }
0x295: {  	p1 =	sne.s32 s30, $0x3;
	v4 =	vmul.f32 v10, v16;
	v3 =	vadd.f32 $0.0e+00, v3;
	v52 =	vmul.f32 v7, v13;
	v7 =	vld [tilespmem:s28+$0xFFFFFEB0]  }
.Ltmp2:
0x296: {  	v63 =	vld [tilespmem:s28+$0xFFFFFD20];
	v1 =	vmul.f32 v1, v26;
	v2 =	vmul.f32 v11, v46;
	(pc) =	sbr.rel @p1 .LBB2_7-.Ltmp2, $4  }
0x297: {  	v6 =	vld [tilespmem:s28+$0xFFFFFEA0];
	v26 =	vadd.s32 v21, v22;
	v10 =	vadd.f32 $0.0e+00, v4;
	v3 =	vadd.f32 v15, v3  }
0x298: {  	v60 =	vld [tilespmem:s28+$0xFFFFFE80];
	v62 =	vadd.f32 $0.0e+00, v2;
	v61 =	vmul.f32 v31, v39;
	v8 =	vmul.f32 v14, v46  }
0x299: {  	v4 =	vld [tilespmem:s28+$0xFFFFFE60];
	v31 =	vadd.s32 v19, v22;
	v58 =	vadd.f32 v17, v3;
	v3 =	vmul.f32 v9, v13  }
0x29a: {  	s30 =	sadd.s32 $0x1, s30;
	s29 =	smov.u32 s28;
	v2 =	vadd.f32 v1, v10;
	v9 =	vmul.f32 v18, v55;
	v32 =	vmul.f32 v7, v57;
	v7 =	vld [tilespmem:s28+$0xFFFFFC50]  }
0x29b: {  	v1 =	vadd.f32 $0.0e+00, v8  }
0x29c: {  	v10 =	vld [tilespmem:s29+$0xFFFFFF20];
	v11 =	vadd.f32 v54, v62;
	v13 =	vbroadcast v24, $0xC;
	v18 =	vadd.f32 v42, v47  }
0x29d: {  	v12 =	vld [tilespmem:s29+$0xFFFFFD40];
	v8 =	vadd.f32 v9, v50;
	v9 =	vmul.f32 v36, v44;
	v2 =	vadd.f32 v59, v2  }
0x29e: {  	v14 =	vld [tilespmem:s29+$0xFFFFFE50];
	v1 =	vadd.f32 v52, v1;
	v11 =	vadd.f32 v53, v11;
	v4 =	vmul.f32 v4, v27  }
0x29f: {  	v16 =	vld [tilespmem:s29+$0xFFFFFF80];
	v9 =	vadd.f32 v9, v58;
	v2 =	vadd.f32 v49, v2;
	v0 =	vmul.f32 v7, v46  }
0x2a0: {  	v7 =	vmul.f32 v63, v55;
	v11 =	vadd.f32 v38, v11;
	v63 =	vld [tilespmem:s29+$0xFFFFFE70];
	v1 =	vadd.f32 v34, v1  }
0x2a1: {  	v17 =	vld [tilespmem:s29+$0xFFFFFF30];
	v6 =	vmul.f32 v6, v57;
	v2 =	vadd.f32 v37, v2;
	v0 =	vadd.f32 $0.0e+00, v0  }
0x2a2: {  	v62 =	vld [tilespmem:s29+$0xFFFFFDC0];
	v15 =	vmul.f32 v60, v27;
	v7 =	vadd.f32 v7, v51;
	v4 =	vadd.f32 v4, v11  }
0x2a3: {  	v10 =	vmul.f32 v10, v13;
	v11 =	vld [tilespmem:s29+$0xFFFFFEF0];
	v1 =	vadd.f32 v28, v1;
	v0 =	vadd.f32 v3, v0  }
0x2a4: {  	v14 =	vmul.f32 v14, v27;
	v3 =	vadd.f32 v61, v8;
	v8 =	vld [tilespmem:s29+$0xFFFFFF00];
	v7 =	vadd.f32 v56, v7  }
0x2a5: {  	v4 =	vadd.f32 v29, v4;
	v29 =	vld [tilespmem:s29+$0xFFFFFF70];
	v27 =	vmul.f32 v63, v27;
	v0 =	vadd.f32 v48, v0  }
0x2a6: {  	v60 =	vld [tilespmem:s29+$0xFFFFFF50];
	v12 =	vmul.f32 v12, v55;
	v7 =	vadd.f32 v41, v7;
	v3 =	vadd.f32 v40, v3  }
0x2a7: {  	v47 =	vld [tilespmem:s29+$0xFFFFFFB0];
	v61 =	vbroadcast v24, $0xD;
	v9 =	vadd.f32 v27, v9;
	v0 =	vadd.f32 v33, v0  }
0x2a8: {  	v41 =	vld [tilespmem:s29+$0xFFFFFFD0];
	v11 =	vmul.f32 v11, v25;
	v6 =	vadd.f32 v6, v7;
	v7 =	vmul.f32 v17, v13  }
0x2a9: {  	v3 =	vadd.f32 v45, v3;
	v45 =	vld [tilespmem:s29+$0xFFFFFF90];
	v8 =	vmul.f32 v8, v25;
	v0 =	vadd.f32 v14, v0  }
0x2aa: {  	v25 =	vld [tilespmem:s29+$0xFFFFFFF0];
	v9 =	vadd.f32 v11, v9;
	v11 =	vmul.f32 v29, v61;
	v6 =	vadd.f32 v10, v6  }
0x2ab: {  	v17 =	vmul.f32 v60, v61;
	v10 =	vadd.f32 v12, v18;
	v18 =	vld [tilespmem:s29+$0xFFFFFF60];
	v0 =	vadd.f32 v30, v0  }
0x2ac: {  	v5 =	vmul.f32 v5, v13;
	v2 =	vadd.f32 v32, v2;
	v9 =	vadd.f32 v11, v9;
	v11 =	vld [tilespmem:s29+$0x0]  }
0x2ad: {  	v44 =	vmul.f32 v62, v39;
	v1 =	vadd.f32 v15, v1;
	v0 =	vadd.f32 v17, v0;
	v17 =	vld [tilespmem:s29+$0xFFFFFFE0]  }
0x2ae: {  	v16 =	vmul.f32 v16, v61;
	v3 =	vadd.f32 v5, v3;
	v5 =	vbroadcast v24, $0xF;
	v24 =	vld [tilespmem:s29+$0xFFFFFFA0]  }
0x2af: {  	v2 =	vadd.f32 v7, v2;
	v7 =	vmul.f32 v47, v23;
	v1 =	vadd.f32 v8, v1;
	v30 =	vld [tilespmem:s29+$0xFFFFFF40]  }
0x2b0: {  	v10 =	vadd.f32 v44, v10;
	v14 =	vmul.f32 v41, v5;
	v8 =	vmul.f32 v45, v23  }
0x2b1: {  	v2 =	vadd.f32 v7, v2;
	v49 =	vmul.f32 v25, v5;
	v46 =	vmul.f32 v18, v61;
	v18 =	vld [tilespmem:s29+$0xFFFFFFC0]  }
0x2b2: {  	v10 =	vadd.f32 v35, v10;
	v50 =	vmul.f32 v17, v5;
	v5 =	vmul.f32 v11, v5;
	v11 =	vld [tilespmem:$0x1FFF0]  }
0x2b3: {  	v7 =	vld [tilespmem:$0x1FFE0];
	v1 =	vadd.f32 v16, v1;
	v48 =	vmul.f32 v24, v23;
	v3 =	vadd.f32 v8, v3  }
0x2b4: {  	v0 =	vadd.f32 v14, v0;
	v10 =	vadd.f32 v43, v10;
	v13 =	vmul.f32 v30, v13  }
0x2b5: {  	v8 =	vlaneseq.u32 @!p0;
	v9 =	vadd.f32 v49, v9;
	v4 =	vadd.f32 v46, v4  }
0x2b6: {  	v8 =	vmul.u32 @!p0 $0x2, v8;
	v6 =	vadd.f32 v48, v6;
	v10 =	vadd.f32 v13, v10  }
0x2b7: {  	v51 =	vmul.f32 v18, v23;
	v4 =	vadd.f32 v50, v4;
	v11 =	vadd.s32 v11, v22  }
0x2b8: {  	s28 =	sadd.s32 @!p0 $0x300, s26;
	v7 =	vadd.s32 v7, v22;
	v0 =	vadd.f32 v0, v3;
	v1 =	vadd.f32 v5, v1  }
0x2b9: {  	v10 =	vadd.f32 v51, v10;
	v3 =	vadd.f32 v4, v6;
	v4 =	vor.u32 @!p0 s28, v8  }
0x2ba: {  	v2 =	vadd.f32 v9, v2;
	[tilespmem:v31+s13+$0x0] =	vst.idx.msk $0xffff, v0  }
0x2bb: {  	v0 =	vadd.f32 v1, v10;
	[tilespmem:v26+s13+$0x0] =	vst.idx.msk $0xffff, v3  }
0x2bc: {  	[tilespmem:v11+s13+$0x0] =	vst.idx.msk $0xffff, v2  }
0x2bd: {  	s28 =	simm.s32 @!p0 $0x400;
	[tilespmem:v7+s13+$0x0] =	vst.idx.msk $0xffff, v0  }
0x2be: {  	v0 =	vld.idx.msk @!p0 [tilespmem:v4+s28+$0x0], $0xffff;
	_ =	sdelay $0x2  }
0x2bf: {  	v2 =	vld [tilespmem:$0x1FFD0]  }
0x2c0: {  	s29 =	sadd.s32 @!p0 $0x320, s26  }
0x2c1: {  	v1 =	vor.u32 @!p0 s29, v8;
	v0 =	vtrunc.f32 @!p0 v0  }
0x2c2: {  	v0 =	vcvt.f32.s32 @!p0 v0;
	_ =	sdelay $0x1  }
0x2c3: {  	v0 =	vadd.s32 @!p0 v0, v2  }
0x2c4: {  	[tilespmem:$0x8480] =	vst @!p0 v0  }
0x2c5: {  	v0 =	vld.idx.msk @!p0 [tilespmem:v1+s28+$0x0], $0xffff;
	_ =	sdelay $0x3  }
0x2c6: {  	s29 =	sadd.s32 @!p0 $0x340, s26  }
0x2c7: {  	v1 =	vor.u32 @!p0 s29, v8;
	v0 =	vtrunc.f32 @!p0 v0  }
0x2c8: {  	v0 =	vcvt.f32.s32 @!p0 v0;
	_ =	sdelay $0x1  }
0x2c9: {  	v0 =	vadd.s32 @!p0 v0, v2  }
0x2ca: {  	[tilespmem:$0x8490] =	vst @!p0 v0  }
0x2cb: {  	v0 =	vld.idx.msk @!p0 [tilespmem:v1+s28+$0x0], $0xffff;
	_ =	sdelay $0x3  }
0x2cc: {  	s26 =	sadd.s32 @!p0 $0x360, s26  }
0x2cd: {  	v1 =	vor.u32 @!p0 s26, v8;
	v0 =	vtrunc.f32 @!p0 v0  }
0x2ce: {  	v0 =	vcvt.f32.s32 @!p0 v0;
	_ =	sdelay $0x1  }
0x2cf: {  	v0 =	vadd.s32 @!p0 v0, v2  }
0x2d0: {  	[tilespmem:$0x84A0] =	vst @!p0 v0  }
0x2d1: {  	v0 =	vld.idx.msk @!p0 [tilespmem:v1+s28+$0x0], $0xffff;
	_ =	sdelay $0x4  }
0x2d2: {  	v0 =	vtrunc.f32 @!p0 v0  }
0x2d3: {  	v0 =	vcvt.f32.s32 @!p0 v0;
	_ =	sdelay $0x1  }
0x2d4: {  	v0 =	vadd.s32 @!p0 v0, v2  }
0x2d5: {  	s29 =	simm.s32 @!p0 $0xA500;
	s26 =	simm.s32 @!p0 $0x40;
	s28 =	simm.s32 @!p0 $0x8480;
	[tilespmem:$0x84B0] =	vst @!p0 v0  }
0x2d6: {  	[tilespmem:s29], [sflag:$0x4] =	stream.indirect.gather @!p0 [hbm4b:s4+s26], $0x40, s28, s26, $0xb8;
	[tilespmem:$0x1C700] =	vst v63  }
0x2d7: {  	_ =	swait.ge [sflag:s16], $0x1000  }
0x2d8: {  	[sflag:s16] =	ssyncset.done $0x0  }
0x2d9: {  	s26 =	simm.s32 $0xB8F0;
	[sflag:s16] =	ssyncadd.s32 $0xFFFFF000  }
0x2da: {  	v0 =	vld [tilespmem:s26+$0xFFFFFDD0]  }
0x2db: {  	v1 =	vld [tilespmem:s26+$0xFFFFFED0]  }
0x2dc: {  	v2 =	vld [tilespmem:s26+$0xFFFFFE90]  }
0x2dd: {  	v3 =	vld [tilespmem:s26+$0xFFFFFE00]  }
0x2de: {  	v4 =	vld [tilespmem:s26+$0xFFFFFDB0]  }
0x2df: {  	s28 =	sadd.s32 $0x0, s19;
	v5 =	vld [tilespmem:s26+$0xFFFFFE30]  }
0x2e0: {  	v6 =	vmov s28;
	v8 =	vld [tilespmem:s26+$0xFFFFFDA0]  }
0x2e1: {  	v7 =	vshll.u32 v6, $0x5;
	v10 =	vld [tilespmem:s26+$0xFFFFFEC0]  }
0x2e2: {  	v7 =	vor.u32 v20, v7;
	v9 =	vld [tilespmem:s26+$0xFFFFFEE0]  }
0x2e3: {  	v11 =	vld [tilespmem:s26+$0xFFFFFE20]  }
0x2e4: {  	v52 =	vld [tilespmem:s26+$0xFFFFFDE0]  }
0x2e5: {  	v53 =	vld [tilespmem:s26+$0xFFFFFE10]  }
0x2e6: {  	v54 =	vld [tilespmem:s26+$0xFFFFFCC0]  }
0x2e7: {  	v24 =	vld.idx.msk [tilespmem:v7+s10+$0x0], $0xffff  }
0x2e8: {  	v36 =	vld [tilespmem:s26+$0xFFFFFDF0]  }
0x2e9: {  	v55 =	vld [tilespmem:s26+$0xFFFFFC10]  }
0x2ea: {  	v16 =	vld [tilespmem:s26+$0xFFFFFC20]  }
0x2eb: {  	v17 =	vld [tilespmem:s26+$0xFFFFFC90]  }
0x2ec: {  	v26 =	vld [tilespmem:s26+$0xFFFFFD70];
	v18 =	vbroadcast v24, $0x0;
	v23 =	vbroadcast v24, $0xE  }
0x2ed: {  	v56 =	vld [tilespmem:s26+$0xFFFFFD50];
	v31 =	vbroadcast v24, $0x2;
	v25 =	vbroadcast v24, $0xB  }
0x2ee: {  	v57 =	vld [tilespmem:s26+$0xFFFFFD80];
	v27 =	vbroadcast v24, $0x9;
	v44 =	vbroadcast v24, $0x7  }
0x2ef: {  	v22 =	vld [tilespmem:s26+$0xFFFFFCA0];
	v46 =	vbroadcast v24, $0x1;
	v43 =	vbroadcast v24, $0x3  }
0x2f0: {  	v58 =	vld [tilespmem:s26+$0xFFFFFD60];
	v63 =	vbroadcast v24, $0x5;
	v39 =	vbroadcast v24, $0x6  }
0x2f1: {  	v7 =	vld [tilespmem:s26+$0xFFFFFC40];
	v15 =	vmul.f32 v55, v18;
	v16 =	vmul.f32 v16, v18  }
0x2f2: {  	v59 =	vld [tilespmem:s26+$0xFFFFFD00];
	v29 =	vmul.f32 v9, v25;
	v9 =	vmul.f32 v17, v31  }
0x2f3: {  	v62 =	vld [tilespmem:s26+$0xFFFFFCE0];
	v30 =	vmul.f32 v1, v25;
	v33 =	vmul.f32 v0, v44  }
0x2f4: {  	v61 =	vld [tilespmem:s26+$0xFFFFFC30];
	v0 =	vbroadcast v24, $0x8;
	v28 =	vmul.f32 v3, v44  }
0x2f5: {  	v38 =	vld [tilespmem:s26+$0xFFFFFEB0];
	v60 =	vmul.f32 v22, v31;
	v37 =	vmul.f32 v52, v44  }
0x2f6: {  	v13 =	vld [tilespmem:s26+$0xFFFFFD90];
	v7 =	vmul.f32 v7, v18;
	v42 =	vmul.f32 v54, v31  }
0x2f7: {  	v17 =	vld [tilespmem:s26+$0xFFFFFCF0];
	v52 =	vmul.f32 v59, v43;
	v34 =	vmul.f32 v57, v63  }
0x2f8: {  	v1 =	vld [tilespmem:s26+$0xFFFFFCB0];
	v48 =	vmul.f32 v56, v63;
	v55 =	vmul.f32 v62, v43  }
0x2f9: {  	v3 =	vld [tilespmem:s26+$0xFFFFFC70];
	v14 =	vmul.f32 v26, v63;
	v57 =	vbroadcast v24, $0xA  }
0x2fa: {  	v22 =	vand.u32 $0x3FF, v6;
	v6 =	vld [tilespmem:s26+$0xFFFFFC60];
	v49 =	vmul.f32 v4, v39;
	v4 =	vmul.f32 v61, v18  }
0x2fb: {  	v54 =	vbroadcast v24, $0x4;
	v41 =	vmul.f32 v11, v0;
	v11 =	vld [tilespmem:s26+$0xFFFFFE40];
	v15 =	vadd.f32 $0.0e+00, v15  }
0x2fc: {  	v40 =	vmul.f32 v53, v0;
	v53 =	vmul.f32 v58, v63;
	v63 =	vld [tilespmem:s26+$0xFFFFFD20]  }
0x2fd: {  	v56 =	vmul.f32 v8, v39;
	v61 =	vmul.f32 v13, v39;
	v50 =	vadd.f32 v9, v15;
	v9 =	vld [tilespmem:s26+$0xFFFFFD30]  }
0x2fe: {  	v26 =	vadd.s32 v21, v22;
	v45 =	vmul.f32 v2, v57;
	v32 =	vmul.f32 v38, v57;
	v15 =	vld [tilespmem:s26+$0xFFFFFD10]  }
0x2ff: {  	v16 =	vadd.f32 $0.0e+00, v16;
	v1 =	vmul.f32 v1, v31;
	v3 =	vmul.f32 v3, v46;
	v31 =	vld [tilespmem:s26+$0xFFFFFC80]  }
0x300: {  	v47 =	vadd.f32 $0.0e+00, v7;
	v2 =	vmul.f32 v6, v46;
	v35 =	vmul.f32 v11, v0;
	v11 =	vld [tilespmem:s26+$0xFFFFFCD0]  }
0x301: {  	v7 =	vld [tilespmem:s26+$0xFFFFFC50];
	v17 =	vmul.f32 v17, v43;
	v6 =	vadd.f32 $0.0e+00, v4;
	v3 =	vadd.f32 $0.0e+00, v3  }
0x302: {  	v38 =	vmul.f32 v5, v0;
	v5 =	vld [tilespmem:s26+$0xFFFFFEA0];
	v51 =	vadd.f32 v60, v16;
	v62 =	vadd.f32 $0.0e+00, v2  }
0x303: {  	v60 =	vld [tilespmem:s26+$0xFFFFFE80];
	v2 =	vadd.f32 v1, v6;
	v3 =	vadd.f32 v17, v3;
	v59 =	vmul.f32 v9, v54  }
0x304: {  	v4 =	vld [tilespmem:s26+$0xFFFFFE60];
	v9 =	vmul.f32 v15, v54;
	v8 =	vmul.f32 v31, v46;
	v31 =	vadd.s32 v19, v22  }
0x305: {  	s29 =	simm.s32 $0x1;
	s28 =	simm.s32 $0xB8F0;
	v6 =	vld [tilespmem:s26+$0xFFFFFF10];
	v58 =	vadd.f32 v14, v3;
	v3 =	vmul.f32 v11, v43;
	v43 =	vmul.f32 v10, v57  }
.LBB2_9:
0x306: {  	_ =	sdelay $0x3  }
0x307: {  	v0 =	vmul.f32 v7, v46;
	v7 =	vmul.f32 v63, v54  }
0x308: {  	v18 =	vadd.f32 v42, v47;
	v1 =	vadd.f32 $0.0e+00, v8  }
0x309: {  	v8 =	vadd.f32 v9, v50;
	v7 =	vadd.f32 v7, v51  }
0x30a: {  	v10 =	vld [tilespmem:s28+$0xFFFFFF20];
	v11 =	vadd.f32 v55, v62;
	v0 =	vadd.f32 $0.0e+00, v0  }
0x30b: {  	v12 =	vld [tilespmem:s28+$0xFFFFFD40];
	v13 =	vbroadcast v24, $0xC;
	v2 =	vadd.f32 v59, v2;
	v7 =	vadd.f32 v56, v7  }
0x30c: {  	v14 =	vld [tilespmem:s28+$0xFFFFFE50];
	v62 =	vbroadcast v24, $0xD;
	v1 =	vadd.f32 v52, v1;
	v0 =	vadd.f32 v3, v0  }
0x30d: {  	v5 =	vmul.f32 v5, v57;
	v3 =	vadd.f32 v61, v8;
	v61 =	vld [tilespmem:s28+$0xFFFFFE70];
	v7 =	vadd.f32 v41, v7  }
0x30e: {  	v16 =	vld [tilespmem:s28+$0xFFFFFF80];
	v24 =	vbroadcast v24, $0xF;
	v11 =	vadd.f32 v53, v11;
	v2 =	vadd.f32 v49, v2  }
0x30f: {  	v9 =	vmul.f32 v36, v44;
	v10 =	vmul.f32 v10, v13;
	v5 =	vadd.f32 v5, v7;
	v7 =	vld [tilespmem:s28+$0xFFFFFEF0]  }
0x310: {  	v4 =	vmul.f32 v4, v27;
	v6 =	vmul.f32 v6, v13;
	v63 =	vld [tilespmem:s28+$0xFFFFFDC0];
	v11 =	vadd.f32 v37, v11  }
0x311: {  	v15 =	vmul.f32 v60, v27;
	v14 =	vmul.f32 v14, v27;
	v5 =	vadd.f32 v10, v5;
	v10 =	vld [tilespmem:s28+$0xFFFFFF70]  }
0x312: {  	v17 =	vld [tilespmem:s28+$0xFFFFFF30];
	v9 =	vadd.f32 v9, v58;
	v4 =	vadd.f32 v4, v11;
	v27 =	vmul.f32 v61, v27  }
0x313: {  	v49 =	vld [tilespmem:s28+$0xFFFFFFA0];
	v12 =	vmul.f32 v12, v54;
	v16 =	vmul.f32 v16, v62;
	v1 =	vadd.f32 v34, v1  }
0x314: {  	v4 =	vadd.f32 v29, v4;
	v29 =	vld [tilespmem:s28+$0xFFFFFF60];
	v9 =	vadd.f32 v27, v9;
	v7 =	vmul.f32 v7, v25  }
0x315: {  	v2 =	vadd.f32 v38, v2;
	v12 =	vadd.f32 v12, v18;
	v8 =	vld [tilespmem:s28+$0xFFFFFF00];
	v18 =	vmul.f32 v63, v39  }
0x316: {  	v0 =	vadd.f32 v48, v0;
	v7 =	vadd.f32 v7, v9;
	v9 =	vmul.f32 v10, v62;
	v10 =	vld [tilespmem:s28+$0xFFFFFFE0]  }
0x317: {  	v11 =	vmul.f32 v17, v13;
	v3 =	vadd.f32 v40, v3;
	v12 =	vadd.f32 v18, v12;
	v18 =	vld [tilespmem:s28+$0xFFFFFF90]  }
0x318: {  	v60 =	vld [tilespmem:s28+$0xFFFFFF50];
	v1 =	vadd.f32 v28, v1;
	v52 =	vmul.f32 v49, v23;
	v0 =	vadd.f32 v33, v0  }
0x319: {  	v3 =	vadd.f32 v45, v3;
	v50 =	vmul.f32 v29, v62;
	v7 =	vadd.f32 v9, v7;
	v9 =	vld [tilespmem:s28+$0x0]  }
0x31a: {  	v47 =	vld [tilespmem:s28+$0xFFFFFFF0];
	v1 =	vadd.f32 v15, v1;
	v8 =	vmul.f32 v8, v25;
	v0 =	vadd.f32 v14, v0  }
0x31b: {  	v17 =	vld [tilespmem:s28+$0xFFFFFFD0];
	v3 =	vadd.f32 v6, v3;
	v4 =	vadd.f32 v50, v4;
	v10 =	vmul.f32 v10, v24  }
0x31c: {  	v6 =	vld [tilespmem:s28+$0xFFFFFF40];
	v1 =	vadd.f32 v8, v1;
	v0 =	vadd.f32 v30, v0;
	v8 =	vmul.f32 v18, v23  }
0x31d: {  	v51 =	vld [tilespmem:s28+$0xFFFFFFB0];
	v48 =	vmul.f32 v60, v62;
	v5 =	vadd.f32 v52, v5;
	v4 =	vadd.f32 v10, v4  }
0x31e: {  	v25 =	vld [tilespmem:s28+$0xFFFFFFC0];
	v1 =	vadd.f32 v16, v1;
	v3 =	vadd.f32 v8, v3;
	v8 =	vmul.f32 v9, v24  }
0x31f: {  	v12 =	vadd.f32 v35, v12;
	v4 =	vadd.f32 v4, v5;
	v5 =	vld [tilespmem:$0x1FFF0]  }
0x320: {  	v17 =	vmul.f32 v17, v24;
	v0 =	vadd.f32 v48, v0;
	v1 =	vadd.f32 v8, v1;
	v8 =	vld [tilespmem:$0x1FFE0]  }
0x321: {  	v2 =	vadd.f32 v32, v2;
	v12 =	vadd.f32 v43, v12;
	v6 =	vmul.f32 v6, v13  }
0x322: {  	v53 =	vmul.f32 v47, v24;
	v0 =	vadd.f32 v17, v0  }
0x323: {  	v2 =	vadd.f32 v11, v2;
	v6 =	vadd.f32 v6, v12;
	v9 =	vmul.f32 v51, v23  }
0x324: {  	v54 =	vmul.f32 v25, v23;
	v0 =	vadd.f32 v0, v3;
	v5 =	vadd.s32 v5, v22  }
0x325: {  	v7 =	vadd.f32 v53, v7;
	v2 =	vadd.f32 v9, v2;
	v8 =	vadd.s32 v8, v22  }
0x326: {  	v6 =	vadd.f32 v54, v6  }
0x327: {  	[tilespmem:v31+s13+$0x0] =	vst.idx.msk $0xffff, v0;
	v2 =	vadd.f32 v7, v2  }
0x328: {  	v1 =	vadd.f32 v1, v6;
	[tilespmem:v26+s13+$0x0] =	vst.idx.msk $0xffff, v4  }
0x329: {  	[tilespmem:v5+s13+$0x0] =	vst.idx.msk $0xffff, v2  }
0x32a: {  	s26 =	sadd.s32 $0x400, s26;
	[tilespmem:v8+s13+$0x0] =	vst.idx.msk $0xffff, v1  }
0x32b: {  	v0 =	vld [tilespmem:s26+$0xFFFFFDD0]  }
0x32c: {  	v1 =	vld [tilespmem:s26+$0xFFFFFED0]  }
0x32d: {  	v2 =	vld [tilespmem:s26+$0xFFFFFE90]  }
0x32e: {  	v3 =	vld [tilespmem:s26+$0xFFFFFE00]  }
0x32f: {  	s30 =	smov.u32 s29;
	v4 =	vld [tilespmem:s26+$0xFFFFFDB0]  }
0x330: {  	s30 =	sadd.s32 s30, s19;
	v5 =	vld [tilespmem:s26+$0xFFFFFE30]  }
0x331: {  	v6 =	vmov s30;
	v8 =	vld [tilespmem:s26+$0xFFFFFDA0]  }
0x332: {  	v7 =	vshll.u32 v6, $0x5;
	v43 =	vld [tilespmem:s26+$0xFFFFFEC0]  }
0x333: {  	v22 =	vand.u32 $0x3FF, v6;
	v6 =	vor.u32 v20, v7;
	v7 =	vld [tilespmem:s26+$0xFFFFFEE0]  }
0x334: {  	v9 =	vld [tilespmem:s26+$0xFFFFFE20]  }
0x335: {  	v10 =	vld [tilespmem:s26+$0xFFFFFDE0]  }
0x336: {  	v11 =	vld [tilespmem:s26+$0xFFFFFE10]  }
0x337: {  	v55 =	vld [tilespmem:s26+$0xFFFFFCC0]  }
0x338: {  	v24 =	vld.idx.msk [tilespmem:v6+s10+$0x0], $0xffff  }
0x339: {  	v36 =	vld [tilespmem:s26+$0xFFFFFDF0]  }
0x33a: {  	v6 =	vld [tilespmem:s26+$0xFFFFFC40]  }
0x33b: {  	v56 =	vld [tilespmem:s26+$0xFFFFFC10]  }
0x33c: {  	v57 =	vld [tilespmem:s26+$0xFFFFFC20]  }
0x33d: {  	v58 =	vld [tilespmem:s26+$0xFFFFFC90];
	v16 =	vbroadcast v24, $0x0;
	v23 =	vbroadcast v24, $0xE  }
0x33e: {  	v17 =	vld [tilespmem:s26+$0xFFFFFD70];
	v18 =	vbroadcast v24, $0x2;
	v25 =	vbroadcast v24, $0xB  }
0x33f: {  	v26 =	vld [tilespmem:s26+$0xFFFFFD50];
	v27 =	vbroadcast v24, $0x9;
	v44 =	vbroadcast v24, $0x7  }
0x340: {  	v59 =	vld [tilespmem:s26+$0xFFFFFCA0];
	v46 =	vbroadcast v24, $0x1;
	v39 =	vbroadcast v24, $0x6  }
0x341: {  	v31 =	vld [tilespmem:s26+$0xFFFFFD80];
	v54 =	vbroadcast v24, $0x4;
	v13 =	vmul.f32 v56, v16  }
0x342: {  	v61 =	vld [tilespmem:s26+$0xFFFFFCF0];
	v14 =	vmul.f32 v57, v16;
	v29 =	vmul.f32 v7, v25  }
0x343: {  	v62 =	vld [tilespmem:s26+$0xFFFFFD60];
	v60 =	vmul.f32 v58, v18;
	v30 =	vmul.f32 v1, v25  }
0x344: {  	v12 =	vld [tilespmem:s26+$0xFFFFFD30];
	v33 =	vmul.f32 v0, v44;
	v0 =	vbroadcast v24, $0x8  }
0x345: {  	v63 =	vld [tilespmem:s26+$0xFFFFFCE0];
	v28 =	vmul.f32 v3, v44;
	v32 =	vmul.f32 v59, v18  }
0x346: {  	v1 =	vld [tilespmem:s26+$0xFFFFFCB0];
	v37 =	vmul.f32 v10, v44;
	v6 =	vmul.f32 v6, v16  }
0x347: {  	v3 =	vld [tilespmem:s26+$0xFFFFFC70];
	v42 =	vmul.f32 v55, v18;
	v57 =	vbroadcast v24, $0xA  }
0x348: {  	v10 =	vld [tilespmem:s26+$0xFFFFFC30];
	v49 =	vmul.f32 v4, v39;
	v56 =	vmul.f32 v8, v39  }
0x349: {  	v59 =	vmul.f32 v12, v54;
	v7 =	vadd.f32 $0.0e+00, v13;
	v41 =	vmul.f32 v9, v0;
	v9 =	vld [tilespmem:s26+$0xFFFFFE40]  }
0x34a: {  	v14 =	vadd.f32 $0.0e+00, v14;
	v13 =	vbroadcast v24, $0x3;
	v40 =	vmul.f32 v11, v0;
	v11 =	vld [tilespmem:s26+$0xFFFFFC60]  }
0x34b: {  	v47 =	vadd.f32 $0.0e+00, v6;
	v6 =	vbroadcast v24, $0x5;
	v38 =	vmul.f32 v5, v0;
	v5 =	vld [tilespmem:s26+$0xFFFFFEA0]  }
0x34c: {  	v45 =	vmul.f32 v2, v57;
	v43 =	vmul.f32 v43, v57;
	v50 =	vadd.f32 v60, v7;
	v7 =	vld [tilespmem:s26+$0xFFFFFD00]  }
0x34d: {  	v51 =	vadd.f32 v32, v14;
	v14 =	vld [tilespmem:s26+$0xFFFFFC80];
	v34 =	vmul.f32 v31, v6;
	v48 =	vmul.f32 v26, v6  }
0x34e: {  	v17 =	vmul.f32 v17, v6;
	v53 =	vmul.f32 v62, v6;
	v6 =	vld [tilespmem:s26+$0xFFFFFD90]  }
0x34f: {  	v1 =	vmul.f32 v1, v18;
	v3 =	vmul.f32 v3, v46;
	v18 =	vld [tilespmem:s26+$0xFFFFFD10]  }
0x350: {  	v15 =	vmul.f32 v61, v13;
	v35 =	vmul.f32 v9, v0;
	v9 =	vld [tilespmem:s26+$0xFFFFFCD0]  }
0x351: {  	p1 =	sne.s32 s29, $0x3;
	v55 =	vmul.f32 v63, v13;
	v3 =	vadd.f32 $0.0e+00, v3;
	v52 =	vmul.f32 v7, v13;
	v7 =	vld [tilespmem:s26+$0xFFFFFEB0]  }
.Ltmp3:
0x352: {  	v63 =	vld [tilespmem:s26+$0xFFFFFD20];
	v4 =	vmul.f32 v10, v16;
	v2 =	vmul.f32 v11, v46;
	(pc) =	sbr.rel @p1 .LBB2_9-.Ltmp3, $4  }
0x353: {  	v26 =	vadd.s32 v21, v22;
	v60 =	vld [tilespmem:s26+$0xFFFFFE80];
	v31 =	vadd.s32 v19, v22;
	v3 =	vadd.f32 v15, v3  }
0x354: {  	v10 =	vadd.f32 $0.0e+00, v4;
	v4 =	vld [tilespmem:s26+$0xFFFFFE60];
	v62 =	vadd.f32 $0.0e+00, v2;
	v61 =	vmul.f32 v6, v39  }
0x355: {  	v8 =	vmul.f32 v14, v46;
	v6 =	vld [tilespmem:s26+$0xFFFFFF10];
	v58 =	vadd.f32 v17, v3;
	v3 =	vmul.f32 v9, v13  }
0x356: {  	s29 =	sadd.s32 $0x1, s29;
	s28 =	smov.u32 s26;
	v2 =	vadd.f32 v1, v10;
	v9 =	vmul.f32 v18, v54;
	v32 =	vmul.f32 v7, v57;
	v7 =	vld [tilespmem:s26+$0xFFFFFC50]  }
0x357: {  	v1 =	vadd.f32 $0.0e+00, v8;
	v63 =	vmul.f32 v63, v54  }
0x358: {  	v10 =	vld [tilespmem:s28+$0xFFFFFF20];
	v5 =	vmul.f32 v5, v57;
	v11 =	vadd.f32 v55, v62;
	v13 =	vbroadcast v24, $0xC  }
0x359: {  	v12 =	vld [tilespmem:s28+$0xFFFFFD40];
	v18 =	vadd.f32 v42, v47;
	v62 =	vbroadcast v24, $0xD;
	v2 =	vadd.f32 v59, v2  }
0x35a: {  	v14 =	vld [tilespmem:s28+$0xFFFFFE50];
	v16 =	vmul.f32 v60, v27;
	v1 =	vadd.f32 v52, v1;
	v4 =	vmul.f32 v4, v27  }
0x35b: {  	v57 =	vld [tilespmem:s28+$0xFFFFFF00];
	v11 =	vadd.f32 v53, v11;
	v2 =	vadd.f32 v49, v2;
	v0 =	vmul.f32 v7, v46  }
0x35c: {  	v15 =	vld [tilespmem:s28+$0xFFFFFF80];
	v6 =	vmul.f32 v6, v13;
	v46 =	vadd.f32 v9, v50;
	v7 =	vadd.f32 v63, v51  }
0x35d: {  	v47 =	vld [tilespmem:s28+$0xFFFFFF70];
	v50 =	vmul.f32 v36, v44;
	v11 =	vadd.f32 v37, v11;
	v0 =	vadd.f32 $0.0e+00, v0  }
0x35e: {  	v60 =	vld [tilespmem:s28+$0xFFFFFF50];
	v1 =	vadd.f32 v34, v1;
	v10 =	vmul.f32 v10, v13;
	v2 =	vadd.f32 v38, v2  }
0x35f: {  	v53 =	vld [tilespmem:s28+$0xFFFFFFE0];
	v12 =	vmul.f32 v12, v54;
	v55 =	vadd.f32 v61, v46;
	v0 =	vadd.f32 v3, v0  }
0x360: {  	v49 =	vld [tilespmem:s28+$0xFFFFFF40];
	v14 =	vmul.f32 v14, v27;
	v9 =	vadd.f32 v50, v58;
	v7 =	vadd.f32 v56, v7  }
0x361: {  	v63 =	vld [tilespmem:s28+$0xFFFFFDC0];
	v8 =	vmul.f32 v57, v25;
	v4 =	vadd.f32 v4, v11;
	v0 =	vadd.f32 v48, v0  }
0x362: {  	v51 =	vld [tilespmem:s28+$0xFFFFFFA0];
	v15 =	vmul.f32 v15, v62;
	v1 =	vadd.f32 v28, v1;
	v12 =	vadd.f32 v12, v18  }
0x363: {  	v52 =	vmul.f32 v47, v62;
	v54 =	vld [tilespmem:s28+$0xFFFFFFC0];
	v2 =	vadd.f32 v32, v2;
	v0 =	vadd.f32 v33, v0  }
0x364: {  	v61 =	vld [tilespmem:s28+$0xFFFFFE70];
	v50 =	vbroadcast v24, $0xF;
	v7 =	vadd.f32 v41, v7;
	v3 =	vadd.f32 v40, v55  }
0x365: {  	v41 =	vmul.f32 v60, v62;
	v1 =	vadd.f32 v16, v1;
	v0 =	vadd.f32 v14, v0;
	v14 =	vld [tilespmem:s28+$0xFFFFFFD0]  }
0x366: {  	v40 =	vld [tilespmem:s28+$0xFFFFFEF0];
	v4 =	vadd.f32 v29, v4;
	v18 =	vmul.f32 v63, v39;
	v5 =	vadd.f32 v5, v7  }
0x367: {  	v17 =	vld [tilespmem:s28+$0xFFFFFF30];
	v11 =	vmul.f32 v51, v23;
	v3 =	vadd.f32 v45, v3;
	v1 =	vadd.f32 v8, v1  }
0x368: {  	v55 =	vld [tilespmem:s28+$0x0];
	v57 =	vmul.f32 v54, v23;
	v12 =	vadd.f32 v18, v12;
	v0 =	vadd.f32 v30, v0  }
0x369: {  	v48 =	vld [tilespmem:s28+$0xFFFFFF60];
	v45 =	vmul.f32 v61, v27;
	v5 =	vadd.f32 v10, v5;
	v3 =	vadd.f32 v6, v3  }
0x36a: {  	v18 =	vld [tilespmem:s28+$0xFFFFFF90];
	v6 =	vmul.f32 v49, v13;
	v0 =	vadd.f32 v41, v0;
	v14 =	vmul.f32 v14, v50  }
0x36b: {  	v37 =	vld [tilespmem:s28+$0xFFFFFFF0];
	v10 =	vmul.f32 v53, v50;
	v9 =	vadd.f32 v45, v9;
	v7 =	vmul.f32 v40, v25  }
0x36c: {  	v13 =	vmul.f32 v17, v13;
	v12 =	vadd.f32 v35, v12;
	v0 =	vadd.f32 v14, v0;
	v14 =	vld [tilespmem:s28+$0xFFFFFFB0]  }
0x36d: {  	v1 =	vadd.f32 v15, v1;
	v15 =	vld [tilespmem:$0x1FFF0];
	v58 =	vmul.f32 v55, v50;
	v7 =	vadd.f32 v7, v9  }
0x36e: {  	v17 =	vld [tilespmem:$0x1FFE0];
	v5 =	vadd.f32 v11, v5;
	v16 =	vmul.f32 v48, v62;
	v12 =	vadd.f32 v43, v12  }
0x36f: {  	v2 =	vadd.f32 v13, v2;
	v56 =	vmul.f32 v18, v23;
	v7 =	vadd.f32 v52, v7  }
0x370: {  	v6 =	vadd.f32 v6, v12;
	v12 =	vmul.f32 v37, v50;
	v4 =	vadd.f32 v16, v4  }
0x371: {  	v1 =	vadd.f32 v58, v1;
	v3 =	vadd.f32 v56, v3;
	v59 =	vmul.f32 v14, v23  }
0x372: {  	v60 =	vadd.s32 v15, v22;
	v7 =	vadd.f32 v12, v7;
	v4 =	vadd.f32 v10, v4  }
0x373: {  	v61 =	vadd.s32 v17, v22;
	v0 =	vadd.f32 v0, v3;
	v2 =	vadd.f32 v59, v2  }
.Ltmp4:
0x374: {  	v6 =	vadd.f32 v57, v6;
	v62 =	vadd.f32 v4, v5;
	(pc) =	sbr.rel @p0 .LBB2_12-.Ltmp4, $4  }
0x375: {  	[tilespmem:v31+s13+$0x0] =	vst.idx.msk $0xffff, v0;
	v2 =	vadd.f32 v7, v2  }
0x376: {  	v63 =	vadd.f32 v1, v6;
	[tilespmem:v26+s13+$0x0] =	vst.idx.msk $0xffff, v62  }
0x377: {  	[tilespmem:v60+s13+$0x0] =	vst.idx.msk $0xffff, v2  }
0x378: {  	[tilespmem:v61+s13+$0x0] =	vst.idx.msk $0xffff, v63  }
0x379: {  	v2 =	vld [tilespmem:$0x1FFC0];
	_ =	sdelay $0x2  }
0x37a: {  	s23 =	sshll.u32 s23, $0x5  }
0x37b: {  	s26 =	sadd.s32 $0x380, s23  }
0x37c: {  	v0 =	vor.u32 s26, v2;
	_ =	sdelay $0x4  }
0x37d: {  	v0 =	vld.idx.msk [tilespmem:v0+s10+$0x0], $0xffff;
	_ =	sdelay $0x2  }
0x37e: {  	v18 =	vld [tilespmem:$0x1FFD0]  }
0x37f: {  	s30 =	sadd.s32 $0x3A0, s23  }
0x380: {  	v1 =	vor.u32 s30, v2;
	v0 =	vtrunc.f32 v0  }
0x381: {  	v0 =	vcvt.f32.s32 v0;
	_ =	sdelay $0x1  }
0x382: {  	v0 =	vadd.s32 v0, v18  }
0x383: {  	[tilespmem:$0x84C0] =	vst v0  }
0x384: {  	v0 =	vld.idx.msk [tilespmem:v1+s10+$0x0], $0xffff;
	_ =	sdelay $0x3  }
0x385: {  	s31 =	sadd.s32 $0x3C0, s23  }
0x386: {  	v62 =	vor.u32 s31, v2;
	v0 =	vtrunc.f32 v0  }
0x387: {  	v0 =	vcvt.f32.s32 v0;
	_ =	sdelay $0x1  }
0x388: {  	v0 =	vadd.s32 v0, v18  }
0x389: {  	[tilespmem:$0x84D0] =	vst v0  }
0x38a: {  	v0 =	vld.idx.msk [tilespmem:v62+s10+$0x0], $0xffff;
	_ =	sdelay $0x3  }
0x38b: {  	s23 =	sadd.s32 $0x3E0, s23  }
0x38c: {  	v63 =	vor.u32 s23, v2;
	v0 =	vtrunc.f32 v0  }
0x38d: {  	v0 =	vcvt.f32.s32 v0;
	_ =	sdelay $0x1  }
0x38e: {  	v0 =	vadd.s32 v0, v18  }
0x38f: {  	[tilespmem:$0x84E0] =	vst v0  }
0x390: {  	v0 =	vld.idx.msk [tilespmem:v63+s10+$0x0], $0xffff;
	_ =	sdelay $0x4  }
0x391: {  	v0 =	vtrunc.f32 v0  }
.Ltmp5:
0x392: {  	v0 =	vcvt.f32.s32 v0;
	(pc) =	sbr.rel .LBB2_2-.Ltmp5, $4  }
0x393: {  	_ = 	snop  }
0x394: {  	s22 =	sadd.s32 $0x1, s22;
	s21 =	sadd.s32 $0x10, s21;
	v0 =	vadd.s32 v0, v18  }
0x395: {  	s20 =	sadd.s32 $0x10, s20;
	s18 =	sadd.s32 $0x10, s18;
	s19 =	sadd.s32 $0x10, s19;
	[tilespmem:$0x84F0] =	vst v0  }
0x396: {  	[tilespmem:s11], [sflag:$0x5] =	stream.indirect.gather [hbm4b:s4+s25], $0x40, s1, s25, $0xb8;
	[tilespmem:$0x1C700] =	vst v63  }
.LBB2_12:
0x397: {  	s18 =	simm.s32 $0xC500  }
0x398: {  	s19 =	simm.s32 $0x400;
	s21 =	sadd.s32 $0x0, s6;
	s20 =	simm.s32 $0xC908;
	v18 =	vld [tilespmem:$0x1FFD0]  }
.LBB2_13:
0x399: {  	[hbm4b:s21+s3] =	stream.linear.scatter [tilespmem:s18], [sflag:$0x6], $0x400, $0x38;
	[tilespmem:$0x1C700] =	vst v63  }
0x39a: {  	s21 =	smov.u32 s19;
	s18 =	smov.u32 s20;
	p0 =	sne.s32 s19, $0xFC00  }
.Ltmp6:
0x39b: {  	s19 =	sadd.s32 $0x400, s19;
	(pc) =	sbr.rel @p0 .LBB2_13-.Ltmp6, $2  }
0x39c: {  	_ =	sdelay $0x2  }
0x39d: {  	s20 =	sadd.s32 $0x408, s20;
	s21 =	sadd.s32 s21, s6  }
0x39e: {  	s17 =	sadd.s32 $0x1, s17  }
0x39f: {  	p0 =	sne.s32 s17, s7  }
.Ltmp7:
0x3a0: {  	_ = 	snop;
	(pc) =	sbr.rel @p0 .LBB2_1-.Ltmp7, $4  }
0x3a1: {  	[hbm4b:s21+s3] =	stream.linear.scatter [tilespmem:s18], [sflag:$0x6], $0x400, $0x38;
	[tilespmem:$0x1C700] =	vst v63  }
0x3a2: {  	_ =	swait.ge [sflag:s8], $0x10000  }
0x3a3: {  	[sflag:s8] =	ssyncset.done $0x0  }
0x3a4: {  	[sflag:s8] =	ssyncadd.s32 $0xFFFF0000  }
0x3a5: {  	_ =	sfence.sel $0x180000  }
0x3a6: {  	[bflag:$0x0] =	sbarrier.arrive $0xFFFF  }
0x3a7: {  	_ =	strace $0x90000047  }
0x3a8: {  	s0 =	stileid.u32;
	[bflag:$0x2] =	sbarrier.arrive $0xFFFF  }
0x3a9: {  	p0 =	sne.s32 s0, $0x0;
	s0 =	rddreg [dreg:$0x2]  }
0x3aa: {  	s0 =	sadd.s32 @!p0 $0x100000, s0  }
0x3ab: {  	[sflag:s0] =	ssyncadd.tile.s32 @!p0 $0x1;
	_ =	shalt  }
.Lfunc_end2:
_tile_overlayer_lowered:
.L_overlay_start_2:
0x3ac: {  	(tag) =	ssettag $0x2  }
0x3ad: {  	s0 =	rddreg [dreg:$0x0];
	s2 =	stileid.u32  }
0x3ae: {  	s1 =	rddreg [dreg:$0x1];
	p0 =	sne.s32 s2, $0x0  }
0x3af: {  	s3 =	rddreg [dreg:$0x2];
	[bflag:$0x3] =	sbarrier.arrive $0xFFFF;
	s2 =	simm.s32 @!p0 $0x1C06  }
0x3b0: {  	[timem:s3], [sflag:s2] =	dma.local @!p0 [hbm:s0], s1  }
0x3b1: {  	s0 =	simm.s32 @!p0 $0x6  }
0x3b2: {  	_ =	swait.ge @!p0 [sflag:s0], s1  }
0x3b3: {  	s1 =	ssub.s32 @!p0 $0x0, s1;
	[sflag:s0] =	ssyncset.done @!p0 $0x0  }
0x3b4: {  	[sflag:s0] =	ssyncadd.s32 @!p0 s1  }
0x3b5: {  	[bflag:$0x3] =	sbarrier.arrive $0xFFFF  }
0x3b6: {  	_ =	shalt  }

</sc_bundles>
